<compile_context>
chip_gen: v7x
topology: tpu7x:2x2x1
jax: 0.10.2.dev20260603
libtpu: 0.0.44.dev20260713+nightly
codegen_flags: <defaults>
</compile_context>

<pallas_src>
import functools

import jax
import jax.numpy as jnp
from jax import lax
from jax.experimental import pallas as pl
from jax.experimental.pallas import tpu as pltpu
from jax.experimental.pallas import tpu_sc as plsc

E = 8
D = 2048
F = 4096
T = 8192
P = 2 * T
BT = 256
NT = P // BT
NI = NT + E - 1
NW = 32
GT = 1024



def _gate_body(x_ref, wg_ref, bg_ref, e_ref, w_ref, xi_ref):
    x = x_ref[...].astype(jnp.bfloat16)
    wg = wg_ref[...].astype(jnp.bfloat16)
    logits = lax.dot_general(x, wg, (((1,), (0,)), ((), ())),
                             preferred_element_type=jnp.float32)
    logits = logits + bg_ref[...]
    bits = lax.bitcast_convert_type(x.astype(jnp.float32), jnp.int32)
    lo = lax.shift_right_logical(bits[:, :D // 2], 16)
    hi = jnp.bitwise_and(bits[:, D // 2:], jnp.int32(-65536))
    xi_ref[...] = jnp.bitwise_or(lo, hi)
    idx = lax.broadcasted_iota(jnp.int32, logits.shape, 1)
    m0 = jnp.max(logits, axis=1, keepdims=True)
    e0 = jnp.min(jnp.where(logits == m0, idx, 128), axis=1, keepdims=True)
    l2 = jnp.where(idx == e0, jnp.finfo(jnp.float32).min, logits)
    m1 = jnp.max(l2, axis=1, keepdims=True)
    e1 = jnp.min(jnp.where(l2 == m1, idx, 128), axis=1, keepdims=True)
    d = jnp.exp(m1 - m0)
    s = 1.0 + d
    e_ref[...] = jnp.concatenate([e0, e1], axis=1)
    w_ref[...] = jnp.concatenate([1.0 / s, d / s], axis=1)


def _gate(x, wg_pad, bg_pad):
    return pl.pallas_call(
        _gate_body,
        grid=(T // GT,),
        in_specs=[
            pl.BlockSpec((GT, D), lambda i: (i, 0)),
            pl.BlockSpec((D, 128), lambda i: (0, 0)),
            pl.BlockSpec((1, 128), lambda i: (0, 0)),
        ],
        out_specs=[
            pl.BlockSpec((GT, 2), lambda i: (i, 0)),
            pl.BlockSpec((GT, 2), lambda i: (i, 0)),
            pl.BlockSpec((GT, D // 2), lambda i: (i, 0)),
        ],
        out_shape=[
            jax.ShapeDtypeStruct((T, 2), jnp.int32),
            jax.ShapeDtypeStruct((T, 2), jnp.float32),
            jax.ShapeDtypeStruct((T, D // 2), jnp.int32),
        ],
    )(x, wg_pad, bg_pad)



def _cumsum0(x):
    n = x.shape[0]
    d = 1
    while d < n:
        pad = jnp.zeros((d,) + x.shape[1:], x.dtype)
        x = x + jnp.concatenate([pad, x[:-d]], axis=0)
        d *= 2
    return x


def _cumsum1(x):
    n = x.shape[1]
    d = 1
    while d < n:
        pad = jnp.zeros(x.shape[:1] + (d,), x.dtype)
        x = x + jnp.concatenate([pad, x[:, :-d]], axis=1)
        d *= 2
    return x


def _meta_body(e_ref, w_ref, pos_ref, wb_ref, itile_ref, ie_ref,
               offs_ref, tot_ref):
    lane8 = lax.broadcasted_iota(jnp.int32, (T, E), 1)
    e0 = e_ref[:, 0:1]
    e1 = e_ref[:, 1:2]
    oh_a = (e0 == lane8).astype(jnp.int32)
    oh_b = (e1 == lane8).astype(jnp.int32)
    c_a = _cumsum0(oh_a)
    c_b = _cumsum0(oh_b)
    rank_a = jnp.sum(oh_a * (c_a + c_b - oh_b), axis=1, keepdims=True) - 1
    rank_b = jnp.sum(oh_b * (c_a + c_b), axis=1, keepdims=True) - 1
    counts = c_a[T - 1:T, :] + c_b[T - 1:T, :]
    offs_ex = _cumsum1(counts) - counts
    off_a = jnp.sum(oh_a * offs_ex, axis=1, keepdims=True)
    off_b = jnp.sum(oh_b * offs_ex, axis=1, keepdims=True)
    pos_ref[...] = jnp.concatenate([off_a + rank_a, off_b + rank_b], axis=1)
    w = w_ref[...]
    wb_ref[...] = jnp.concatenate(
        [jnp.broadcast_to(w[:, 0:1], (T, 16)),
         jnp.broadcast_to(w[:, 1:2], (T, 16))], axis=1)

    ends = offs_ex + counts
    start_tile = offs_ex // BT
    last_tile = jnp.maximum(ends - 1, 0) // BT
    n_items = jnp.where(counts > 0, last_tile - start_tile + 1, 0)
    cum_it = _cumsum1(n_items)
    cum_ex = cum_it - n_items
    total = cum_it[0:1, E - 1:E]
    ii = lax.broadcasted_iota(jnp.int32, (1, 128), 1)
    ge = (lax.broadcasted_iota(jnp.int32, (E, 128), 1) >=
          jnp.broadcast_to(cum_it.reshape(E, 1), (E, 128))).astype(jnp.int32)
    eid = jnp.sum(ge, axis=0, keepdims=True)
    sel = (lax.broadcasted_iota(jnp.int32, (E, 128), 0) ==
           jnp.broadcast_to(eid, (E, 128))).astype(jnp.int32)
    st = jnp.sum(sel * start_tile.reshape(E, 1), axis=0, keepdims=True)
    cx = jnp.sum(sel * cum_ex.reshape(E, 1), axis=0, keepdims=True)
    tile_i = st + (ii - cx)
    real = ii < total
    lane8r = lax.broadcasted_iota(jnp.int32, (1, E), 1)
    e_last = jnp.max(jnp.where(counts > 0, lane8r, 0))
    itile_ref[...] = jnp.where(real, tile_i, NT - 1)
    ie_ref[...] = jnp.where(real, jnp.minimum(eid, E - 1), e_last)
    offs_ref[...] = jnp.concatenate(
        [offs_ex, jnp.full((1, 16 - E), P, jnp.int32)], axis=1)
    tot_ref[...] = jnp.broadcast_to(total, (1, 8))


def _meta(e01, w01):
    return pl.pallas_call(
        _meta_body,
        grid=(1,),
        in_specs=[
            pl.BlockSpec((T, 2), lambda i: (0, 0)),
            pl.BlockSpec((T, 2), lambda i: (0, 0)),
        ],
        out_specs=[
            pl.BlockSpec((T, 2), lambda i: (0, 0)),
            pl.BlockSpec((T, 32), lambda i: (0, 0)),
            pl.BlockSpec((1, 128), lambda i: (0, 0)),
            pl.BlockSpec((1, 128), lambda i: (0, 0)),
            pl.BlockSpec((1, 16), lambda i: (0, 0)),
            pl.BlockSpec((1, 8), lambda i: (0, 0)),
        ],
        out_shape=[
            jax.ShapeDtypeStruct((T, 2), jnp.int32),
            jax.ShapeDtypeStruct((T, 32), jnp.float32),
            jax.ShapeDtypeStruct((1, 128), jnp.int32),
            jax.ShapeDtypeStruct((1, 128), jnp.int32),
            jax.ShapeDtypeStruct((1, 16), jnp.int32),
            jax.ShapeDtypeStruct((1, 8), jnp.int32),
        ],
    )(e01, w01)



_CHUNK = 32
_SC_MESH = dict(core_axis_name="c", subcore_axis_name="s")


_NB = (P // NW) // _CHUNK


def _permute_body(x_hbm, pos3_hbm, xs_hbm, tokv0, tokv1, posv2,
                  buf0, buf1, sg0, sg1, ss0, ss1):
    wid = lax.axis_index("s") * 2 + lax.axis_index("c")
    base = wid * (P // NW)
    iot = lax.iota(jnp.int32, 16)
    pltpu.sync_copy(pos3_hbm.at[wid], posv2)
    tokv = (tokv0, tokv1)
    buf = (buf0, buf1)
    sg = (sg0, sg1)
    ss = (ss0, ss1)

    def issue_gather(b):
        j0 = base + b * _CHUNK
        tv = tokv[b % 2]
        tv[pl.ds(0, 16)] = lax.shift_right_logical(j0 + iot, 1)
        tv[pl.ds(16, 16)] = lax.shift_right_logical(j0 + 16 + iot, 1)
        return pltpu.async_copy(x_hbm.at[tv], buf[b % 2], sg[b % 2])

    g = issue_gather(0)
    scat = [None, None]
    for b in range(_NB):
        if b + 1 < _NB:
            if scat[(b + 1) % 2] is not None:
                scat[(b + 1) % 2].wait()
            g_next = issue_gather(b + 1)
        g.wait()
        scat[b % 2] = pltpu.async_copy(
            buf[b % 2], xs_hbm.at[posv2.at[b]], ss[b % 2])
        if b + 1 < _NB:
            g = g_next
    scat[(_NB - 1) % 2].wait()
    scat[_NB % 2].wait()


def _permute(x, pos3):
    k = functools.partial(
        pl.kernel,
        mesh=plsc.VectorSubcoreMesh(**_SC_MESH),
        out_type=jax.ShapeDtypeStruct((P, D // 2), jnp.int32),
        scratch_types=[
            pltpu.VMEM((_CHUNK,), jnp.int32),
            pltpu.VMEM((_CHUNK,), jnp.int32),
            pltpu.VMEM((_NB, _CHUNK), jnp.int32),
            pltpu.VMEM((_CHUNK, D // 2), jnp.int32),
            pltpu.VMEM((_CHUNK, D // 2), jnp.int32),
            pltpu.SemaphoreType.DMA,
            pltpu.SemaphoreType.DMA,
            pltpu.SemaphoreType.DMA,
            pltpu.SemaphoreType.DMA,
        ],
    )(_permute_body)
    return k(x, pos3)



def _row_mask(itile_s, ie_s, offs_s, i):
    tile = itile_s[i]
    e = ie_s[i]
    lo = offs_s[e]
    hi = offs_s[e + 1]
    r = tile * BT + lax.broadcasted_iota(jnp.int32, (BT, 1), 0)
    return jnp.logical_and(r >= lo, r < hi)


def _init_cond(itile_s, i):
    prev = itile_s[jnp.maximum(i - 1, 0)]
    return jnp.logical_or(i == 0, itile_s[i] != prev)


def _mlp_a_body(itile_s, ie_s, offs_s, tot_s, xs_ref, w1_ref, b1_ref, h_ref):
    i = pl.program_id(0)

    @pl.when(_init_cond(itile_s, i))
    def _():
        h_ref[...] = jnp.zeros_like(h_ref)

    @pl.when(i < tot_s[0])
    def _():
        xi = xs_ref[...]
        lo = lax.bitcast_convert_type(
            lax.shift_left(xi, 16), jnp.float32).astype(jnp.bfloat16)
        hi = lax.bitcast_convert_type(
            jnp.bitwise_and(xi, jnp.int32(-65536)),
            jnp.float32).astype(jnp.bfloat16)
        x = jnp.concatenate([lo, hi], axis=1)
        h = lax.dot_general(x, w1_ref[0], (((1,), (0,)), ((), ())),
                            preferred_element_type=jnp.float32)
        h = h + b1_ref[0]
        h = h / (1.0 + jnp.exp(-h))
        mask = _row_mask(itile_s, ie_s, offs_s, i)
        h_ref[...] += jnp.where(mask, h, 0.0).astype(jnp.bfloat16)


def _mlp_b_body(itile_s, ie_s, offs_s, tot_s, h_ref, w2_ref, b2_ref, out_ref):
    i = pl.program_id(0)

    @pl.when(_init_cond(itile_s, i))
    def _():
        out_ref[...] = jnp.zeros_like(out_ref)

    @pl.when(i < tot_s[0])
    def _():
        y = lax.dot_general(h_ref[...], w2_ref[0], (((1,), (0,)), ((), ())),
                            preferred_element_type=jnp.float32)
        y = y + b2_ref[0]
        bits = lax.bitcast_convert_type(
            y.astype(jnp.bfloat16).astype(jnp.float32), jnp.int32)
        lo = lax.shift_right_logical(bits[:, :D // 2], 16)
        hi = jnp.bitwise_and(bits[:, D // 2:], jnp.int32(-65536))
        packed = jnp.bitwise_or(lo, hi)
        mask = _row_mask(itile_s, ie_s, offs_s, i)
        out_ref[...] += jnp.where(mask, packed, 0)


def _mlp(itile, ie, offs16, tot, xs, w1bf, b1, w2bf, b2):
    def spec(i_map_shapes):
        return pltpu.PrefetchScalarGridSpec(
            num_scalar_prefetch=4,
            grid=(NI,),
            in_specs=[
                pl.BlockSpec(i_map_shapes[0],
                             lambda i, it, ie_, of, tt: (it[i], 0)),
                pl.BlockSpec(i_map_shapes[1],
                             lambda i, it, ie_, of, tt: (ie_[i], 0, 0)),
                pl.BlockSpec(i_map_shapes[2],
                             lambda i, it, ie_, of, tt: (ie_[i], 0, 0)),
            ],
            out_specs=pl.BlockSpec(i_map_shapes[3],
                                   lambda i, it, ie_, of, tt: (it[i], 0)),
        )

    h = pl.pallas_call(
        _mlp_a_body,
        grid_spec=spec([(BT, D // 2), (1, D, F), (1, 1, F), (BT, F)]),
        out_shape=jax.ShapeDtypeStruct((P, F), jnp.bfloat16),
        compiler_params=pltpu.CompilerParams(
            vmem_limit_bytes=60 * 1024 * 1024),
    )(itile, ie, offs16, tot, xs, w1bf, b1.reshape(E, 1, F))
    return pl.pallas_call(
        _mlp_b_body,
        grid_spec=spec([(BT, F), (1, F, D), (1, 1, D), (BT, D // 2)]),
        out_shape=jax.ShapeDtypeStruct((P, D // 2), jnp.int32),
        compiler_params=pltpu.CompilerParams(
            vmem_limit_bytes=60 * 1024 * 1024),
    )(itile, ie, offs16, tot, h, w2bf, b2.reshape(E, 1, D))



def _gatherj_body(ys_hbm, pos3_hbm, yg_hbm, posv2,
                  buf0, buf1, sg0, sg1, ss0, ss1):
    wid = lax.axis_index("s") * 2 + lax.axis_index("c")
    base = wid * (P // NW)
    pltpu.sync_copy(pos3_hbm.at[wid], posv2)
    buf = (buf0, buf1)
    sg = (sg0, sg1)
    ss = (ss0, ss1)

    def issue_gather(b):
        return pltpu.async_copy(
            ys_hbm.at[posv2.at[b]], buf[b % 2], sg[b % 2])

    g = issue_gather(0)
    st = [None, None]
    for b in range(_NB):
        if b + 1 < _NB:
            if st[(b + 1) % 2] is not None:
                st[(b + 1) % 2].wait()
            g_next = issue_gather(b + 1)
        g.wait()
        st[b % 2] = pltpu.async_copy(
            buf[b % 2], yg_hbm.at[pl.ds(base + b * _CHUNK, _CHUNK)],
            ss[b % 2])
        if b + 1 < _NB:
            g = g_next
    st[(_NB - 1) % 2].wait()
    st[_NB % 2].wait()


def _gatherj(ys_packed, pos3):
    k = functools.partial(
        pl.kernel,
        mesh=plsc.VectorSubcoreMesh(**_SC_MESH),
        out_type=jax.ShapeDtypeStruct((P, D // 2), jnp.int32),
        scratch_types=[
            pltpu.VMEM((_NB, _CHUNK), jnp.int32),
            pltpu.VMEM((_CHUNK, D // 2), jnp.int32),
            pltpu.VMEM((_CHUNK, D // 2), jnp.int32),
            pltpu.SemaphoreType.DMA,
            pltpu.SemaphoreType.DMA,
            pltpu.SemaphoreType.DMA,
            pltpu.SemaphoreType.DMA,
        ],
    )(_gatherj_body)
    return k(ys_packed, pos3)



BTC = 512


def _combine_body(yg_ref, wb_ref, out_ref):
    yi = yg_ref[...]
    lo = lax.bitcast_convert_type(lax.shift_left(yi, 16), jnp.float32)
    hi = lax.bitcast_convert_type(
        jnp.bitwise_and(yi, jnp.int32(-65536)), jnp.float32)
    y = jnp.concatenate([lo, hi], axis=1)
    s = y * wb_ref[:, 0:1]
    s3 = s.reshape(BTC, 2, D)
    out_ref[...] = s3[:, 0, :] + s3[:, 1, :]


def _combine(yg, wb):
    return pl.pallas_call(
        _combine_body,
        grid=(T // BTC,),
        in_specs=[
            pl.BlockSpec((2 * BTC, D // 2), lambda i: (i, 0)),
            pl.BlockSpec((2 * BTC, 16), lambda i: (i, 0)),
        ],
        out_specs=pl.BlockSpec((BTC, D), lambda i: (i, 0)),
        out_shape=jax.ShapeDtypeStruct((T, D), jnp.float32),
    )(yg, wb)



def kernel(inputs, Wg, bg, W1, b1, W2, b2):
    x = inputs
    wg_pad = jnp.zeros((D, 128), jnp.float32).at[:, :E].set(Wg)
    bg_pad = jnp.full((1, 128), -1e30, jnp.float32).at[0, :E].set(bg)
    e01, w01, xi = _gate(x, wg_pad, bg_pad)
    pos2, wb32, itile, ie, offs16, tot = _meta(e01, w01)
    pos3 = pos2.reshape(NW, _NB, _CHUNK)
    wb = wb32.reshape(P, 16)
    xs = _permute(xi, pos3)
    ys = _mlp(itile.reshape(128), ie.reshape(128), offs16.reshape(16),
              tot.reshape(8), xs, W1.astype(jnp.bfloat16), b1,
              W2.astype(jnp.bfloat16), b2)
    yg = _gatherj(ys, pos3)
    return _combine(yg, wb)

# --- scband reference (transcript-rebuilt; emitter-appended) ---
"""Pipeline reference for scband-mo-elayer-13219909337401 (READ-ONLY COPY).

The authoritative reference and input builder live on the scoring server;
editing this copy changes nothing except your own understanding.
"""

import jax, jax.numpy as jnp
import numpy as np

E = 8
TOP_K = 2
D_MODEL = 2048
D_FF = 4096
T = 8192


def setup_inputs(seed: int = 0) -> dict:
    key = jax.random.key(seed)
    ks = jax.random.split(key, 6)
    inputs = jax.random.normal(ks[0], (T, D_MODEL), dtype=jnp.float32)
    Wg = jax.random.normal(ks[1], (D_MODEL, E), dtype=jnp.float32) * (1.0 / np.sqrt(D_MODEL))
    bg = jnp.zeros((E,), dtype=jnp.float32)
    W1 = jax.random.normal(ks[2], (E, D_MODEL, D_FF), dtype=jnp.float32) * (1.0 / np.sqrt(D_MODEL))
    b1 = jnp.zeros((E, D_FF), dtype=jnp.float32)
    W2 = jax.random.normal(ks[3], (E, D_FF, D_MODEL), dtype=jnp.float32) * (1.0 / np.sqrt(D_FF))
    b2 = jnp.zeros((E, D_MODEL), dtype=jnp.float32)
    return {"inputs": inputs, "Wg": Wg, "bg": bg, "W1": W1, "b1": b1, "W2": W2, "b2": b2}


def reference(inputs, Wg, bg, W1, b1, W2, b2):
    # gate: Linear(d_model -> E)
    gate_logits = inputs @ Wg + bg
    # topk over experts
    weights, selected_experts = jax.lax.top_k(gate_logits, TOP_K)  # [T, K]
    weights = jax.nn.softmax(weights.astype(jnp.float32), axis=1).astype(inputs.dtype)
    results = jnp.zeros_like(inputs)
    for i in range(E):
        # mask-based dispatch: mathematically identical to
        # batch_idx, nth = where(selected == i); results[batch_idx] += w * expert(inputs[batch_idx])
        # since top_k selects each expert at most once per token.
        mask_i = (selected_experts == i)  # [T, K] bool
        w_i = jnp.sum(jnp.where(mask_i, weights, jnp.zeros_like(weights)), axis=1)  # [T]
        # expert i: Linear -> SiLU -> Linear
        h = jax.nn.silu(inputs @ W1[i] + b1[i])
        expert_out = h @ W2[i] + b2[i]
        results = results + w_i[:, None] * expert_out
    return results

if __name__ == "__main__":
    import jax
    _d = setup_inputs()
    print(jax.jit(kernel)(*tuple(_d.values())))

</pallas_src>

<mosaic_0001>
#map = affine_map<(d0, d1) -> (0, 0)>
#map1 = affine_map<(d0, d1) -> (0, 0, 0)>
module attributes {stable_mosaic.version = 14 : i64} {
  func.func @_permute_body(%arg0: i32, %arg1: i32, %arg2: memref<8192x1024xi32, #tpu.memory_space<hbm>>, %arg3: memref<32x16x32xi32, #tpu.memory_space<hbm>>, %arg4: memref<16384x1024xi32, #tpu.memory_space<hbm>>, %arg5: memref<32xi32, #tpu.memory_space<vmem>>, %arg6: memref<32xi32, #tpu.memory_space<vmem>>, %arg7: memref<16x32xi32, #tpu.memory_space<vmem>>, %arg8: memref<32x1024xi32, #tpu.memory_space<vmem>>, %arg9: memref<32x1024xi32, #tpu.memory_space<vmem>>, %arg10: memref<!tpu.dma_semaphore, #tpu.memory_space<semaphore_mem>>, %arg11: memref<!tpu.dma_semaphore, #tpu.memory_space<semaphore_mem>>, %arg12: memref<!tpu.dma_semaphore, #tpu.memory_space<semaphore_mem>>, %arg13: memref<!tpu.dma_semaphore, #tpu.memory_space<semaphore_mem>>) attributes {dimension_semantics = [#tpu.dimension_semantics<core_parallel>, #tpu.dimension_semantics<subcore_parallel>], iteration_bounds = array<i64: 2, 16>, scalar_prefetch = 0 : i64, scratch_operands = 9 : i64, tpu.core_type = #tpu.core_type<sc_vector_subcore>, window_params = [{transform_indices = #map}, {transform_indices = #map1}, {transform_indices = #map}]} {
    %mul3A = arith.constant 2 : i32
    %mul3A_0 = arith.muli %arg1, %mul3A : i32
    %add3A = arith.addi %mul3A_0, %arg0 : i32
    %mul3A_1 = arith.constant 512 : i32
    %mul3A_2 = arith.muli %add3A, %mul3A_1 : i32
    %iota3A = tpu.iota {dimensions = array<i32: 0>} : vector<16xi32>
    "tpu.region"() ({
      %run_scoped3A = tpu.sem_alloc : memref<!tpu.dma_semaphore, #tpu.memory_space<semaphore_mem>>
      %dma_start3A_671 = arith.constant 0 : i32
      %dma_start3A_672 = arith.constant 0 : i32
      %dma_start3A_673 = tpu.memref_slice %arg3[%add3A, %dma_start3A_671, %dma_start3A_672] : memref<32x16x32xi32, #tpu.memory_space<hbm>> -> memref<1x16x32xi32, #tpu.memory_space<hbm>>
      %dma_start3A_674 = tpu.memref_squeeze %dma_start3A_673 : memref<1x16x32xi32, #tpu.memory_space<hbm>> -> memref<16x32xi32, #tpu.memory_space<hbm>>
      %dma_start3A_675 = arith.constant 0 : i32
      %dma_start3A_676 = arith.constant 0 : i32
      %dma_start3A_677 = tpu.memref_slice %arg3[%add3A, %dma_start3A_675, %dma_start3A_676] : memref<32x16x32xi32, #tpu.memory_space<hbm>> -> memref<1x16x32xi32, #tpu.memory_space<hbm>>
      %dma_start3A_678 = tpu.memref_squeeze %dma_start3A_677 : memref<1x16x32xi32, #tpu.memory_space<hbm>> -> memref<16x32xi32, #tpu.memory_space<hbm>>
      tpu.enqueue_dma source(%dma_start3A_678 : memref<16x32xi32, #tpu.memory_space<hbm>>) target(%arg7 : memref<16x32xi32, #tpu.memory_space<vmem>>) target_semaphore(%run_scoped3A : memref<!tpu.dma_semaphore, #tpu.memory_space<semaphore_mem>>)
      %dma_wait3A_679 = arith.constant 0 : i32
      %dma_wait3A_680 = arith.constant 0 : i32
      %dma_wait3A_681 = tpu.memref_slice %arg3[%add3A, %dma_wait3A_679, %dma_wait3A_680] : memref<32x16x32xi32, #tpu.memory_space<hbm>> -> memref<1x16x32xi32, #tpu.memory_space<hbm>>
      %dma_wait3A_682 = tpu.memref_squeeze %dma_wait3A_681 : memref<1x16x32xi32, #tpu.memory_space<hbm>> -> memref<16x32xi32, #tpu.memory_space<hbm>>
      %dma_wait3A_683 = arith.constant 0 : i32
      %dma_wait3A_684 = arith.constant 0 : i32
      %dma_wait3A_685 = tpu.memref_slice %arg3[%add3A, %dma_wait3A_683, %dma_wait3A_684] : memref<32x16x32xi32, #tpu.memory_space<hbm>> -> memref<1x16x32xi32, #tpu.memory_space<hbm>>
      %dma_wait3A_686 = tpu.memref_squeeze %dma_wait3A_685 : memref<1x16x32xi32, #tpu.memory_space<hbm>> -> memref<16x32xi32, #tpu.memory_space<hbm>>
      tpu.wait_dma2 semaphore(%run_scoped3A : memref<!tpu.dma_semaphore, #tpu.memory_space<semaphore_mem>>) src(%dma_wait3A_686 : memref<16x32xi32, #tpu.memory_space<hbm>>) dst(%arg7 : memref<16x32xi32, #tpu.memory_space<vmem>>)
      tpu.yield
    }) : () -> ()
    %add3A_3 = arith.constant 0 : i32
    %add3A_4 = arith.addi %mul3A_2, %add3A_3 : i32
    %add3A_5 = vector.broadcast %add3A_4 : i32 to vector<16xi32>
    %add3A_6 = arith.addi %add3A_5, %iota3A : vector<16xi32>
    %shift_right_logical3A = arith.constant 1 : i32
    %shift_right_logical3A_7 = vector.broadcast %shift_right_logical3A : i32 to vector<16xi32>
    %shift_right_logical3A_8 = arith.shrui %add3A_6, %shift_right_logical3A_7 : vector<16xi32>
    %swap3A = arith.constant 0 : index
    %swap3A_9 = tpu.vector_load %arg5[%swap3A] {strides = array<i32>} : memref<32xi32, #tpu.memory_space<vmem>>, vector<16xi32>,
    %swap3A_10 = vector.shape_cast %swap3A_9 : vector<16xi32> to vector<16xi32>
    %swap3A_11 = vector.shape_cast %shift_right_logical3A_8 : vector<16xi32> to vector<16xi32>
    tpu.vector_store %arg5[%swap3A], %swap3A_11 {strides = array<i32>} : memref<32xi32, #tpu.memory_space<vmem>>, vector<16xi32>,
    %add3A_12 = arith.constant 16 : i32
    %add3A_13 = arith.addi %add3A_4, %add3A_12 : i32
    %add3A_14 = vector.broadcast %add3A_13 : i32 to vector<16xi32>
    %add3A_15 = arith.addi %add3A_14, %iota3A : vector<16xi32>
    %shift_right_logical3A_16 = arith.constant 1 : i32
    %shift_right_logical3A_17 = vector.broadcast %shift_right_logical3A_16 : i32 to vector<16xi32>
    %shift_right_logical3A_18 = arith.shrui %add3A_15, %shift_right_logical3A_17 : vector<16xi32>
    %swap3A_19 = arith.constant 16 : index
    %swap3A_20 = tpu.vector_load %arg5[%swap3A_19] {strides = array<i32>} : memref<32xi32, #tpu.memory_space<vmem>>, vector<16xi32>,
    %swap3A_21 = vector.shape_cast %swap3A_20 : vector<16xi32> to vector<16xi32>
    %swap3A_22 = vector.shape_cast %shift_right_logical3A_18 : vector<16xi32> to vector<16xi32>
    tpu.vector_store %arg5[%swap3A_19], %swap3A_22 {strides = array<i32>} : memref<32xi32, #tpu.memory_space<vmem>>, vector<16xi32>,
    %dma_start3A = arith.constant 0 : i32
    %dma_start3A_23 = arith.constant 0 : i32
    %dma_start3A_24 = tpu.memref_slice %arg2[%dma_start3A, %dma_start3A_23] : memref<8192x1024xi32, #tpu.memory_space<hbm>> -> memref<8192x1024xi32, #tpu.memory_space<hbm>>
    tpu.enqueue_indirect_dma source(%dma_start3A_24 : memref<8192x1024xi32, #tpu.memory_space<hbm>>) target(%arg8 : memref<32x1024xi32, #tpu.memory_space<vmem>>) offsets(%arg5 : memref<32xi32, #tpu.memory_space<vmem>>) semaphore(%arg10 : memref<!tpu.dma_semaphore, #tpu.memory_space<semaphore_mem>>)
    %add3A_25 = arith.constant 32 : i32
    %add3A_26 = arith.addi %mul3A_2, %add3A_25 : i32
    %add3A_27 = vector.broadcast %add3A_26 : i32 to vector<16xi32>
    %add3A_28 = arith.addi %add3A_27, %iota3A : vector<16xi32>
    %shift_right_logical3A_29 = arith.constant 1 : i32
    %shift_right_logical3A_30 = vector.broadcast %shift_right_logical3A_29 : i32 to vector<16xi32>
    %shift_right_logical3A_31 = arith.shrui %add3A_28, %shift_right_logical3A_30 : vector<16xi32>
    %swap3A_32 = arith.constant 0 : index
    %swap3A_33 = tpu.vector_load %arg6[%swap3A_32] {strides = array<i32>} : memref<32xi32, #tpu.memory_space<vmem>>, vector<16xi32>,
    %swap3A_34 = vector.shape_cast %swap3A_33 : vector<16xi32> to vector<16xi32>
    %swap3A_35 = vector.shape_cast %shift_right_logical3A_31 : vector<16xi32> to vector<16xi32>
    tpu.vector_store %arg6[%swap3A_32], %swap3A_35 {strides = array<i32>} : memref<32xi32, #tpu.memory_space<vmem>>, vector<16xi32>,
    %add3A_36 = arith.constant 16 : i32
    %add3A_37 = arith.addi %add3A_26, %add3A_36 : i32
    %add3A_38 = vector.broadcast %add3A_37 : i32 to vector<16xi32>
    %add3A_39 = arith.addi %add3A_38, %iota3A : vector<16xi32>
    %shift_right_logical3A_40 = arith.constant 1 : i32
    %shift_right_logical3A_41 = vector.broadcast %shift_right_logical3A_40 : i32 to vector<16xi32>
    %shift_right_logical3A_42 = arith.shrui %add3A_39, %shift_right_logical3A_41 : vector<16xi32>
    %swap3A_43 = arith.constant 16 : index
    %swap3A_44 = tpu.vector_load %arg6[%swap3A_43] {strides = array<i32>} : memref<32xi32, #tpu.memory_space<vmem>>, vector<16xi32>,
    %swap3A_45 = vector.shape_cast %swap3A_44 : vector<16xi32> to vector<16xi32>
    %swap3A_46 = vector.shape_cast %shift_right_logical3A_42 : vector<16xi32> to vector<16xi32>
    tpu.vector_store %arg6[%swap3A_43], %swap3A_46 {strides = array<i32>} : memref<32xi32, #tpu.memory_space<vmem>>, vector<16xi32>,
    %dma_start3A_47 = arith.constant 0 : i32
    %dma_start3A_48 = arith.constant 0 : i32
    %dma_start3A_49 = tpu.memref_slice %arg2[%dma_start3A_47, %dma_start3A_48] : memref<8192x1024xi32, #tpu.memory_space<hbm>> -> memref<8192x1024xi32, #tpu.memory_space<hbm>>
    tpu.enqueue_indirect_dma source(%dma_start3A_49 : memref<8192x1024xi32, #tpu.memory_space<hbm>>) target(%arg9 : memref<32x1024xi32, #tpu.memory_space<vmem>>) offsets(%arg6 : memref<32xi32, #tpu.memory_space<vmem>>) semaphore(%arg11 : memref<!tpu.dma_semaphore, #tpu.memory_space<semaphore_mem>>)
    %dma_wait3A = arith.constant 0 : i32
    %dma_wait3A_50 = arith.constant 0 : i32
    %dma_wait3A_51 = tpu.memref_slice %arg2[%dma_wait3A, %dma_wait3A_50] : memref<8192x1024xi32, #tpu.memory_space<hbm>> -> memref<8192x1024xi32, #tpu.memory_space<hbm>>
    tpu.wait_indirect_dma semaphore(%arg10 : memref<!tpu.dma_semaphore, #tpu.memory_space<semaphore_mem>>) src(%dma_wait3A_51 : memref<8192x1024xi32, #tpu.memory_space<hbm>>) dst(%arg8 : memref<32x1024xi32, #tpu.memory_space<vmem>>)
    %dma_start3A_52 = arith.constant 0 : i32
    %dma_start3A_53 = arith.constant 0 : i32
    %dma_start3A_54 = tpu.memref_slice %arg7[%dma_start3A_52, %dma_start3A_53] : memref<16x32xi32, #tpu.memory_space<vmem>> -> memref<1x32xi32, #tpu.memory_space<vmem>>
    %dma_start3A_55 = tpu.memref_squeeze %dma_start3A_54 : memref<1x32xi32, #tpu.memory_space<vmem>> -> memref<32xi32, #tpu.memory_space<vmem>>
    %dma_start3A_56 = arith.constant 0 : i32
    %dma_start3A_57 = arith.constant 0 : i32
    %dma_start3A_58 = tpu.memref_slice %arg4[%dma_start3A_56, %dma_start3A_57] : memref<16384x1024xi32, #tpu.memory_space<hbm>> -> memref<16384x1024xi32, #tpu.memory_space<hbm>>
    tpu.enqueue_indirect_dma source(%arg8 : memref<32x1024xi32, #tpu.memory_space<vmem>>) target(%dma_start3A_58 : memref<16384x1024xi32, #tpu.memory_space<hbm>>) offsets(%dma_start3A_55 : memref<32xi32, #tpu.memory_space<vmem>>) semaphore(%arg12 : memref<!tpu.dma_semaphore, #tpu.memory_space<semaphore_mem>>)
    %dma_wait3A_59 = arith.constant 0 : i32
    %dma_wait3A_60 = arith.constant 0 : i32
    %dma_wait3A_61 = tpu.memref_slice %arg7[%dma_wait3A_59, %dma_wait3A_60] : memref<16x32xi32, #tpu.memory_space<vmem>> -> memref<1x32xi32, #tpu.memory_space<vmem>>
    %dma_wait3A_62 = tpu.memref_squeeze %dma_wait3A_61 : memref<1x32xi32, #tpu.memory_space<vmem>> -> memref<32xi32, #tpu.memory_space<vmem>>
    %dma_wait3A_63 = arith.constant 0 : i32
    %dma_wait3A_64 = arith.constant 0 : i32
    %dma_wait3A_65 = tpu.memref_slice %arg4[%dma_wait3A_63, %dma_wait3A_64] : memref<16384x1024xi32, #tpu.memory_space<hbm>> -> memref<16384x1024xi32, #tpu.memory_space<hbm>>
    tpu.wait_indirect_dma semaphore(%arg12 : memref<!tpu.dma_semaphore, #tpu.memory_space<semaphore_mem>>) src(%arg8 : memref<32x1024xi32, #tpu.memory_space<vmem>>) dst(%dma_wait3A_65 : memref<16384x1024xi32, #tpu.memory_space<hbm>>)
    %add3A_66 = arith.constant 64 : i32
    %add3A_67 = arith.addi %mul3A_2, %add3A_66 : i32
    %add3A_68 = vector.broadcast %add3A_67 : i32 to vector<16xi32>
    %add3A_69 = arith.addi %add3A_68, %iota3A : vector<16xi32>
    %shift_right_logical3A_70 = arith.constant 1 : i32
    %shift_right_logical3A_71 = vector.broadcast %shift_right_logical3A_70 : i32 to vector<16xi32>
    %shift_right_logical3A_72 = arith.shrui %add3A_69, %shift_right_logical3A_71 : vector<16xi32>
    %swap3A_73 = arith.constant 0 : index
    %swap3A_74 = tpu.vector_load %arg5[%swap3A_73] {strides = array<i32>} : memref<32xi32, #tpu.memory_space<vmem>>, vector<16xi32>,
    %swap3A_75 = vector.shape_cast %swap3A_74 : vector<16xi32> to vector<16xi32>
    %swap3A_76 = vector.shape_cast %shift_right_logical3A_72 : vector<16xi32> to vector<16xi32>
    tpu.vector_store %arg5[%swap3A_73], %swap3A_76 {strides = array<i32>} : memref<32xi32, #tpu.memory_space<vmem>>, vector<16xi32>,
    %add3A_77 = arith.constant 16 : i32
    %add3A_78 = arith.addi %add3A_67, %add3A_77 : i32
    %add3A_79 = vector.broadcast %add3A_78 : i32 to vector<16xi32>
    %add3A_80 = arith.addi %add3A_79, %iota3A : vector<16xi32>
    %shift_right_logical3A_81 = arith.constant 1 : i32
    %shift_right_logical3A_82 = vector.broadcast %shift_right_logical3A_81 : i32 to vector<16xi32>
    %shift_right_logical3A_83 = arith.shrui %add3A_80, %shift_right_logical3A_82 : vector<16xi32>
    %swap3A_84 = arith.constant 16 : index
    %swap3A_85 = tpu.vector_load %arg5[%swap3A_84] {strides = array<i32>} : memref<32xi32, #tpu.memory_space<vmem>>, vector<16xi32>,
    %swap3A_86 = vector.shape_cast %swap3A_85 : vector<16xi32> to vector<16xi32>
    %swap3A_87 = vector.shape_cast %shift_right_logical3A_83 : vector<16xi32> to vector<16xi32>
    tpu.vector_store %arg5[%swap3A_84], %swap3A_87 {strides = array<i32>} : memref<32xi32, #tpu.memory_space<vmem>>, vector<16xi32>,
    %dma_start3A_88 = arith.constant 0 : i32
    %dma_start3A_89 = arith.constant 0 : i32
    %dma_start3A_90 = tpu.memref_slice %arg2[%dma_start3A_88, %dma_start3A_89] : memref<8192x1024xi32, #tpu.memory_space<hbm>> -> memref<8192x1024xi32, #tpu.memory_space<hbm>>
    tpu.enqueue_indirect_dma source(%dma_start3A_90 : memref<8192x1024xi32, #tpu.memory_space<hbm>>) target(%arg8 : memref<32x1024xi32, #tpu.memory_space<vmem>>) offsets(%arg5 : memref<32xi32, #tpu.memory_space<vmem>>) semaphore(%arg10 : memref<!tpu.dma_semaphore, #tpu.memory_space<semaphore_mem>>)
    %dma_wait3A_91 = arith.constant 0 : i32
    %dma_wait3A_92 = arith.constant 0 : i32
    %dma_wait3A_93 = tpu.memref_slice %arg2[%dma_wait3A_91, %dma_wait3A_92] : memref<8192x1024xi32, #tpu.memory_space<hbm>> -> memref<8192x1024xi32, #tpu.memory_space<hbm>>
    tpu.wait_indirect_dma semaphore(%arg11 : memref<!tpu.dma_semaphore, #tpu.memory_space<semaphore_mem>>) src(%dma_wait3A_93 : memref<8192x1024xi32, #tpu.memory_space<hbm>>) dst(%arg9 : memref<32x1024xi32, #tpu.memory_space<vmem>>)
    %dma_start3A_94 = arith.constant 1 : i32
    %dma_start3A_95 = arith.constant 0 : i32
    %dma_start3A_96 = tpu.memref_slice %arg7[%dma_start3A_94, %dma_start3A_95] : memref<16x32xi32, #tpu.memory_space<vmem>> -> memref<1x32xi32, #tpu.memory_space<vmem>>
    %dma_start3A_97 = tpu.memref_squeeze %dma_start3A_96 : memref<1x32xi32, #tpu.memory_space<vmem>> -> memref<32xi32, #tpu.memory_space<vmem>>
    %dma_start3A_98 = arith.constant 0 : i32
    %dma_start3A_99 = arith.constant 0 : i32
    %dma_start3A_100 = tpu.memref_slice %arg4[%dma_start3A_98, %dma_start3A_99] : memref<16384x1024xi32, #tpu.memory_space<hbm>> -> memref<16384x1024xi32, #tpu.memory_space<hbm>>
    tpu.enqueue_indirect_dma source(%arg9 : memref<32x1024xi32, #tpu.memory_space<vmem>>) target(%dma_start3A_100 : memref<16384x1024xi32, #tpu.memory_space<hbm>>) offsets(%dma_start3A_97 : memref<32xi32, #tpu.memory_space<vmem>>) semaphore(%arg13 : memref<!tpu.dma_semaphore, #tpu.memory_space<semaphore_mem>>)
    %dma_wait3A_101 = arith.constant 1 : i32
    %dma_wait3A_102 = arith.constant 0 : i32
    %dma_wait3A_103 = tpu.memref_slice %arg7[%dma_wait3A_101, %dma_wait3A_102] : memref<16x32xi32, #tpu.memory_space<vmem>> -> memref<1x32xi32, #tpu.memory_space<vmem>>
    %dma_wait3A_104 = tpu.memref_squeeze %dma_wait3A_103 : memref<1x32xi32, #tpu.memory_space<vmem>> -> memref<32xi32, #tpu.memory_space<vmem>>
    %dma_wait3A_105 = arith.constant 0 : i32
    %dma_wait3A_106 = arith.constant 0 : i32
    %dma_wait3A_107 = tpu.memref_slice %arg4[%dma_wait3A_105, %dma_wait3A_106] : memref<16384x1024xi32, #tpu.memory_space<hbm>> -> memref<16384x1024xi32, #tpu.memory_space<hbm>>
    tpu.wait_indirect_dma semaphore(%arg13 : memref<!tpu.dma_semaphore, #tpu.memory_space<semaphore_mem>>) src(%arg9 : memref<32x1024xi32, #tpu.memory_space<vmem>>) dst(%dma_wait3A_107 : memref<16384x1024xi32, #tpu.memory_space<hbm>>)
    %add3A_108 = arith.constant 96 : i32
    %add3A_109 = arith.addi %mul3A_2, %add3A_108 : i32
    %add3A_110 = vector.broadcast %add3A_109 : i32 to vector<16xi32>
    %add3A_111 = arith.addi %add3A_110, %iota3A : vector<16xi32>
    %shift_right_logical3A_112 = arith.constant 1 : i32
    %shift_right_logical3A_113 = vector.broadcast %shift_right_logical3A_112 : i32 to vector<16xi32>
    %shift_right_logical3A_114 = arith.shrui %add3A_111, %shift_right_logical3A_113 : vector<16xi32>
    %swap3A_115 = arith.constant 0 : index
    %swap3A_116 = tpu.vector_load %arg6[%swap3A_115] {strides = array<i32>} : memref<32xi32, #tpu.memory_space<vmem>>, vector<16xi32>,
    %swap3A_117 = vector.shape_cast %swap3A_116 : vector<16xi32> to vector<16xi32>
    %swap3A_118 = vector.shape_cast %shift_right_logical3A_114 : vector<16xi32> to vector<16xi32>
    tpu.vector_store %arg6[%swap3A_115], %swap3A_118 {strides = array<i32>} : memref<32xi32, #tpu.memory_space<vmem>>, vector<16xi32>,
    %add3A_119 = arith.constant 16 : i32
    %add3A_120 = arith.addi %add3A_109, %add3A_119 : i32
    %add3A_121 = vector.broadcast %add3A_120 : i32 to vector<16xi32>
    %add3A_122 = arith.addi %add3A_121, %iota3A : vector<16xi32>
    %shift_right_logical3A_123 = arith.constant 1 : i32
    %shift_right_logical3A_124 = vector.broadcast %shift_right_logical3A_123 : i32 to vector<16xi32>
    %shift_right_logical3A_125 = arith.shrui %add3A_122, %shift_right_logical3A_124 : vector<16xi32>
    %swap3A_126 = arith.constant 16 : index
    %swap3A_127 = tpu.vector_load %arg6[%swap3A_126] {strides = array<i32>} : memref<32xi32, #tpu.memory_space<vmem>>, vector<16xi32>,
    %swap3A_128 = vector.shape_cast %swap3A_127 : vector<16xi32> to vector<16xi32>
    %swap3A_129 = vector.shape_cast %shift_right_logical3A_125 : vector<16xi32> to vector<16xi32>
    tpu.vector_store %arg6[%swap3A_126], %swap3A_129 {strides = array<i32>} : memref<32xi32, #tpu.memory_space<vmem>>, vector<16xi32>,
    %dma_start3A_130 = arith.constant 0 : i32
    %dma_start3A_131 = arith.constant 0 : i32
    %dma_start3A_132 = tpu.memref_slice %arg2[%dma_start3A_130, %dma_start3A_131] : memref<8192x1024xi32, #tpu.memory_space<hbm>> -> memref<8192x1024xi32, #tpu.memory_space<hbm>>
    tpu.enqueue_indirect_dma source(%dma_start3A_132 : memref<8192x1024xi32, #tpu.memory_space<hbm>>) target(%arg9 : memref<32x1024xi32, #tpu.memory_space<vmem>>) offsets(%arg6 : memref<32xi32, #tpu.memory_space<vmem>>) semaphore(%arg11 : memref<!tpu.dma_semaphore, #tpu.memory_space<semaphore_mem>>)
    %dma_wait3A_133 = arith.constant 0 : i32
    %dma_wait3A_134 = arith.constant 0 : i32
    %dma_wait3A_135 = tpu.memref_slice %arg2[%dma_wait3A_133, %dma_wait3A_134] : memref<8192x1024xi32, #tpu.memory_space<hbm>> -> memref<8192x1024xi32, #tpu.memory_space<hbm>>
    tpu.wait_indirect_dma semaphore(%arg10 : memref<!tpu.dma_semaphore, #tpu.memory_space<semaphore_mem>>) src(%dma_wait3A_135 : memref<8192x1024xi32, #tpu.memory_space<hbm>>) dst(%arg8 : memref<32x1024xi32, #tpu.memory_space<vmem>>)
    %dma_start3A_136 = arith.constant 2 : i32
    %dma_start3A_137 = arith.constant 0 : i32
    %dma_start3A_138 = tpu.memref_slice %arg7[%dma_start3A_136, %dma_start3A_137] : memref<16x32xi32, #tpu.memory_space<vmem>> -> memref<1x32xi32, #tpu.memory_space<vmem>>
    %dma_start3A_139 = tpu.memref_squeeze %dma_start3A_138 : memref<1x32xi32, #tpu.memory_space<vmem>> -> memref<32xi32, #tpu.memory_space<vmem>>
    %dma_start3A_140 = arith.constant 0 : i32
    %dma_start3A_141 = arith.constant 0 : i32
    %dma_start3A_142 = tpu.memref_slice %arg4[%dma_start3A_140, %dma_start3A_141] : memref<16384x1024xi32, #tpu.memory_space<hbm>> -> memref<16384x1024xi32, #tpu.memory_space<hbm>>
    tpu.enqueue_indirect_dma source(%arg8 : memref<32x1024xi32, #tpu.memory_space<vmem>>) target(%dma_start3A_142 : memref<16384x1024xi32, #tpu.memory_space<hbm>>) offsets(%dma_start3A_139 : memref<32xi32, #tpu.memory_space<vmem>>) semaphore(%arg12 : memref<!tpu.dma_semaphore, #tpu.memory_space<semaphore_mem>>)
    %dma_wait3A_143 = arith.constant 2 : i32
    %dma_wait3A_144 = arith.constant 0 : i32
    %dma_wait3A_145 = tpu.memref_slice %arg7[%dma_wait3A_143, %dma_wait3A_144] : memref<16x32xi32, #tpu.memory_space<vmem>> -> memref<1x32xi32, #tpu.memory_space<vmem>>
    %dma_wait3A_146 = tpu.memref_squeeze %dma_wait3A_145 : memref<1x32xi32, #tpu.memory_space<vmem>> -> memref<32xi32, #tpu.memory_space<vmem>>
    %dma_wait3A_147 = arith.constant 0 : i32
    %dma_wait3A_148 = arith.constant 0 : i32
    %dma_wait3A_149 = tpu.memref_slice %arg4[%dma_wait3A_147, %dma_wait3A_148] : memref<16384x1024xi32, #tpu.memory_space<hbm>> -> memref<16384x1024xi32, #tpu.memory_space<hbm>>
    tpu.wait_indirect_dma semaphore(%arg12 : memref<!tpu.dma_semaphore, #tpu.memory_space<semaphore_mem>>) src(%arg8 : memref<32x1024xi32, #tpu.memory_space<vmem>>) dst(%dma_wait3A_149 : memref<16384x1024xi32, #tpu.memory_space<hbm>>)
    %add3A_150 = arith.constant 128 : i32
    %add3A_151 = arith.addi %mul3A_2, %add3A_150 : i32
    %add3A_152 = vector.broadcast %add3A_151 : i32 to vector<16xi32>
    %add3A_153 = arith.addi %add3A_152, %iota3A : vector<16xi32>
    %shift_right_logical3A_154 = arith.constant 1 : i32
    %shift_right_logical3A_155 = vector.broadcast %shift_right_logical3A_154 : i32 to vector<16xi32>
    %shift_right_logical3A_156 = arith.shrui %add3A_153, %shift_right_logical3A_155 : vector<16xi32>
    %swap3A_157 = arith.constant 0 : index
    %swap3A_158 = tpu.vector_load %arg5[%swap3A_157] {strides = array<i32>} : memref<32xi32, #tpu.memory_space<vmem>>, vector<16xi32>,
    %swap3A_159 = vector.shape_cast %swap3A_158 : vector<16xi32> to vector<16xi32>
    %swap3A_160 = vector.shape_cast %shift_right_logical3A_156 : vector<16xi32> to vector<16xi32>
    tpu.vector_store %arg5[%swap3A_157], %swap3A_160 {strides = array<i32>} : memref<32xi32, #tpu.memory_space<vmem>>, vector<16xi32>,
    %add3A_161 = arith.constant 16 : i32
    %add3A_162 = arith.addi %add3A_151, %add3A_161 : i32
    %add3A_163 = vector.broadcast %add3A_162 : i32 to vector<16xi32>
    %add3A_164 = arith.addi %add3A_163, %iota3A : vector<16xi32>
    %shift_right_logical3A_165 = arith.constant 1 : i32
    %shift_right_logical3A_166 = vector.broadcast %shift_right_logical3A_165 : i32 to vector<16xi32>
    %shift_right_logical3A_167 = arith.shrui %add3A_164, %shift_right_logical3A_166 : vector<16xi32>
    %swap3A_168 = arith.constant 16 : index
    %swap3A_169 = tpu.vector_load %arg5[%swap3A_168] {strides = array<i32>} : memref<32xi32, #tpu.memory_space<vmem>>, vector<16xi32>,
    %swap3A_170 = vector.shape_cast %swap3A_169 : vector<16xi32> to vector<16xi32>
    %swap3A_171 = vector.shape_cast %shift_right_logical3A_167 : vector<16xi32> to vector<16xi32>
    tpu.vector_store %arg5[%swap3A_168], %swap3A_171 {strides = array<i32>} : memref<32xi32, #tpu.memory_space<vmem>>, vector<16xi32>,
    %dma_start3A_172 = arith.constant 0 : i32
    %dma_start3A_173 = arith.constant 0 : i32
    %dma_start3A_174 = tpu.memref_slice %arg2[%dma_start3A_172, %dma_start3A_173] : memref<8192x1024xi32, #tpu.memory_space<hbm>> -> memref<8192x1024xi32, #tpu.memory_space<hbm>>
    tpu.enqueue_indirect_dma source(%dma_start3A_174 : memref<8192x1024xi32, #tpu.memory_space<hbm>>) target(%arg8 : memref<32x1024xi32, #tpu.memory_space<vmem>>) offsets(%arg5 : memref<32xi32, #tpu.memory_space<vmem>>) semaphore(%arg10 : memref<!tpu.dma_semaphore, #tpu.memory_space<semaphore_mem>>)
    %dma_wait3A_175 = arith.constant 0 : i32
    %dma_wait3A_176 = arith.constant 0 : i32
    %dma_wait3A_177 = tpu.memref_slice %arg2[%dma_wait3A_175, %dma_wait3A_176] : memref<8192x1024xi32, #tpu.memory_space<hbm>> -> memref<8192x1024xi32, #tpu.memory_space<hbm>>
    tpu.wait_indirect_dma semaphore(%arg11 : memref<!tpu.dma_semaphore, #tpu.memory_space<semaphore_mem>>) src(%dma_wait3A_177 : memref<8192x1024xi32, #tpu.memory_space<hbm>>) dst(%arg9 : memref<32x1024xi32, #tpu.memory_space<vmem>>)
    %dma_start3A_178 = arith.constant 3 : i32
    %dma_start3A_179 = arith.constant 0 : i32
    %dma_start3A_180 = tpu.memref_slice %arg7[%dma_start3A_178, %dma_start3A_179] : memref<16x32xi32, #tpu.memory_space<vmem>> -> memref<1x32xi32, #tpu.memory_space<vmem>>
    %dma_start3A_181 = tpu.memref_squeeze %dma_start3A_180 : memref<1x32xi32, #tpu.memory_space<vmem>> -> memref<32xi32, #tpu.memory_space<vmem>>
    %dma_start3A_182 = arith.constant 0 : i32
    %dma_start3A_183 = arith.constant 0 : i32
    %dma_start3A_184 = tpu.memref_slice %arg4[%dma_start3A_182, %dma_start3A_183] : memref<16384x1024xi32, #tpu.memory_space<hbm>> -> memref<16384x1024xi32, #tpu.memory_space<hbm>>
    tpu.enqueue_indirect_dma source(%arg9 : memref<32x1024xi32, #tpu.memory_space<vmem>>) target(%dma_start3A_184 : memref<16384x1024xi32, #tpu.memory_space<hbm>>) offsets(%dma_start3A_181 : memref<32xi32, #tpu.memory_space<vmem>>) semaphore(%arg13 : memref<!tpu.dma_semaphore, #tpu.memory_space<semaphore_mem>>)
    %dma_wait3A_185 = arith.constant 3 : i32
    %dma_wait3A_186 = arith.constant 0 : i32
    %dma_wait3A_187 = tpu.memref_slice %arg7[%dma_wait3A_185, %dma_wait3A_186] : memref<16x32xi32, #tpu.memory_space<vmem>> -> memref<1x32xi32, #tpu.memory_space<vmem>>
    %dma_wait3A_188 = tpu.memref_squeeze %dma_wait3A_187 : memref<1x32xi32, #tpu.memory_space<vmem>> -> memref<32xi32, #tpu.memory_space<vmem>>
    %dma_wait3A_189 = arith.constant 0 : i32
    %dma_wait3A_190 = arith.constant 0 : i32
    %dma_wait3A_191 = tpu.memref_slice %arg4[%dma_wait3A_189, %dma_wait3A_190] : memref<16384x1024xi32, #tpu.memory_space<hbm>> -> memref<16384x1024xi32, #tpu.memory_space<hbm>>
    tpu.wait_indirect_dma semaphore(%arg13 : memref<!tpu.dma_semaphore, #tpu.memory_space<semaphore_mem>>) src(%arg9 : memref<32x1024xi32, #tpu.memory_space<vmem>>) dst(%dma_wait3A_191 : memref<16384x1024xi32, #tpu.memory_space<hbm>>)
    %add3A_192 = arith.constant 160 : i32
    %add3A_193 = arith.addi %mul3A_2, %add3A_192 : i32
    %add3A_194 = vector.broadcast %add3A_193 : i32 to vector<16xi32>
    %add3A_195 = arith.addi %add3A_194, %iota3A : vector<16xi32>
    %shift_right_logical3A_196 = arith.constant 1 : i32
    %shift_right_logical3A_197 = vector.broadcast %shift_right_logical3A_196 : i32 to vector<16xi32>
    %shift_right_logical3A_198 = arith.shrui %add3A_195, %shift_right_logical3A_197 : vector<16xi32>
    %swap3A_199 = arith.constant 0 : index
    %swap3A_200 = tpu.vector_load %arg6[%swap3A_199] {strides = array<i32>} : memref<32xi32, #tpu.memory_space<vmem>>, vector<16xi32>,
    %swap3A_201 = vector.shape_cast %swap3A_200 : vector<16xi32> to vector<16xi32>
    %swap3A_202 = vector.shape_cast %shift_right_logical3A_198 : vector<16xi32> to vector<16xi32>
    tpu.vector_store %arg6[%swap3A_199], %swap3A_202 {strides = array<i32>} : memref<32xi32, #tpu.memory_space<vmem>>, vector<16xi32>,
    %add3A_203 = arith.constant 16 : i32
    %add3A_204 = arith.addi %add3A_193, %add3A_203 : i32
    %add3A_205 = vector.broadcast %add3A_204 : i32 to vector<16xi32>
    %add3A_206 = arith.addi %add3A_205, %iota3A : vector<16xi32>
    %shift_right_logical3A_207 = arith.constant 1 : i32
    %shift_right_logical3A_208 = vector.broadcast %shift_right_logical3A_207 : i32 to vector<16xi32>
    %shift_right_logical3A_209 = arith.shrui %add3A_206, %shift_right_logical3A_208 : vector<16xi32>
    %swap3A_210 = arith.constant 16 : index
    %swap3A_211 = tpu.vector_load %arg6[%swap3A_210] {strides = array<i32>} : memref<32xi32, #tpu.memory_space<vmem>>, vector<16xi32>,
    %swap3A_212 = vector.shape_cast %swap3A_211 : vector<16xi32> to vector<16xi32>
    %swap3A_213 = vector.shape_cast %shift_right_logical3A_209 : vector<16xi32> to vector<16xi32>
    tpu.vector_store %arg6[%swap3A_210], %swap3A_213 {strides = array<i32>} : memref<32xi32, #tpu.memory_space<vmem>>, vector<16xi32>,
    %dma_start3A_214 = arith.constant 0 : i32
    %dma_start3A_215 = arith.constant 0 : i32
    %dma_start3A_216 = tpu.memref_slice %arg2[%dma_start3A_214, %dma_start3A_215] : memref<8192x1024xi32, #tpu.memory_space<hbm>> -> memref<8192x1024xi32, #tpu.memory_space<hbm>>
    tpu.enqueue_indirect_dma source(%dma_start3A_216 : memref<8192x1024xi32, #tpu.memory_space<hbm>>) target(%arg9 : memref<32x1024xi32, #tpu.memory_space<vmem>>) offsets(%arg6 : memref<32xi32, #tpu.memory_space<vmem>>) semaphore(%arg11 : memref<!tpu.dma_semaphore, #tpu.memory_space<semaphore_mem>>)
    %dma_wait3A_217 = arith.constant 0 : i32
    %dma_wait3A_218 = arith.constant 0 : i32
    %dma_wait3A_219 = tpu.memref_slice %arg2[%dma_wait3A_217, %dma_wait3A_218] : memref<8192x1024xi32, #tpu.memory_space<hbm>> -> memref<8192x1024xi32, #tpu.memory_space<hbm>>
    tpu.wait_indirect_dma semaphore(%arg10 : memref<!tpu.dma_semaphore, #tpu.memory_space<semaphore_mem>>) src(%dma_wait3A_219 : memref<8192x1024xi32, #tpu.memory_space<hbm>>) dst(%arg8 : memref<32x1024xi32, #tpu.memory_space<vmem>>)
    %dma_start3A_220 = arith.constant 4 : i32
    %dma_start3A_221 = arith.constant 0 : i32
    %dma_start3A_222 = tpu.memref_slice %arg7[%dma_start3A_220, %dma_start3A_221] : memref<16x32xi32, #tpu.memory_space<vmem>> -> memref<1x32xi32, #tpu.memory_space<vmem>>
    %dma_start3A_223 = tpu.memref_squeeze %dma_start3A_222 : memref<1x32xi32, #tpu.memory_space<vmem>> -> memref<32xi32, #tpu.memory_space<vmem>>
    %dma_start3A_224 = arith.constant 0 : i32
    %dma_start3A_225 = arith.constant 0 : i32
    %dma_start3A_226 = tpu.memref_slice %arg4[%dma_start3A_224, %dma_start3A_225] : memref<16384x1024xi32, #tpu.memory_space<hbm>> -> memref<16384x1024xi32, #tpu.memory_space<hbm>>
    tpu.enqueue_indirect_dma source(%arg8 : memref<32x1024xi32, #tpu.memory_space<vmem>>) target(%dma_start3A_226 : memref<16384x1024xi32, #tpu.memory_space<hbm>>) offsets(%dma_start3A_223 : memref<32xi32, #tpu.memory_space<vmem>>) semaphore(%arg12 : memref<!tpu.dma_semaphore, #tpu.memory_space<semaphore_mem>>)
    %dma_wait3A_227 = arith.constant 4 : i32
    %dma_wait3A_228 = arith.constant 0 : i32
    %dma_wait3A_229 = tpu.memref_slice %arg7[%dma_wait3A_227, %dma_wait3A_228] : memref<16x32xi32, #tpu.memory_space<vmem>> -> memref<1x32xi32, #tpu.memory_space<vmem>>
    %dma_wait3A_230 = tpu.memref_squeeze %dma_wait3A_229 : memref<1x32xi32, #tpu.memory_space<vmem>> -> memref<32xi32, #tpu.memory_space<vmem>>
    %dma_wait3A_231 = arith.constant 0 : i32
    %dma_wait3A_232 = arith.constant 0 : i32
    %dma_wait3A_233 = tpu.memref_slice %arg4[%dma_wait3A_231, %dma_wait3A_232] : memref<16384x1024xi32, #tpu.memory_space<hbm>> -> memref<16384x1024xi32, #tpu.memory_space<hbm>>
    tpu.wait_indirect_dma semaphore(%arg12 : memref<!tpu.dma_semaphore, #tpu.memory_space<semaphore_mem>>) src(%arg8 : memref<32x1024xi32, #tpu.memory_space<vmem>>) dst(%dma_wait3A_233 : memref<16384x1024xi32, #tpu.memory_space<hbm>>)
    %add3A_234 = arith.constant 192 : i32
    %add3A_235 = arith.addi %mul3A_2, %add3A_234 : i32
    %add3A_236 = vector.broadcast %add3A_235 : i32 to vector<16xi32>
    %add3A_237 = arith.addi %add3A_236, %iota3A : vector<16xi32>
    %shift_right_logical3A_238 = arith.constant 1 : i32
    %shift_right_logical3A_239 = vector.broadcast %shift_right_logical3A_238 : i32 to vector<16xi32>
    %shift_right_logical3A_240 = arith.shrui %add3A_237, %shift_right_logical3A_239 : vector<16xi32>
    %swap3A_241 = arith.constant 0 : index
    %swap3A_242 = tpu.vector_load %arg5[%swap3A_241] {strides = array<i32>} : memref<32xi32, #tpu.memory_space<vmem>>, vector<16xi32>,
    %swap3A_243 = vector.shape_cast %swap3A_242 : vector<16xi32> to vector<16xi32>
    %swap3A_244 = vector.shape_cast %shift_right_logical3A_240 : vector<16xi32> to vector<16xi32>
    tpu.vector_store %arg5[%swap3A_241], %swap3A_244 {strides = array<i32>} : memref<32xi32, #tpu.memory_space<vmem>>, vector<16xi32>,
    %add3A_245 = arith.constant 16 : i32
    %add3A_246 = arith.addi %add3A_235, %add3A_245 : i32
    %add3A_247 = vector.broadcast %add3A_246 : i32 to vector<16xi32>
    %add3A_248 = arith.addi %add3A_247, %iota3A : vector<16xi32>
    %shift_right_logical3A_249 = arith.constant 1 : i32
    %shift_right_logical3A_250 = vector.broadcast %shift_right_logical3A_249 : i32 to vector<16xi32>
    %shift_right_logical3A_251 = arith.shrui %add3A_248, %shift_right_logical3A_250 : vector<16xi32>
    %swap3A_252 = arith.constant 16 : index
    %swap3A_253 = tpu.vector_load %arg5[%swap3A_252] {strides = array<i32>} : memref<32xi32, #tpu.memory_space<vmem>>, vector<16xi32>,
    %swap3A_254 = vector.shape_cast %swap3A_253 : vector<16xi32> to vector<16xi32>
    %swap3A_255 = vector.shape_cast %shift_right_logical3A_251 : vector<16xi32> to vector<16xi32>
    tpu.vector_store %arg5[%swap3A_252], %swap3A_255 {strides = array<i32>} : memref<32xi32, #tpu.memory_space<vmem>>, vector<16xi32>,
    %dma_start3A_256 = arith.constant 0 : i32
    %dma_start3A_257 = arith.constant 0 : i32
    %dma_start3A_258 = tpu.memref_slice %arg2[%dma_start3A_256, %dma_start3A_257] : memref<8192x1024xi32, #tpu.memory_space<hbm>> -> memref<8192x1024xi32, #tpu.memory_space<hbm>>
    tpu.enqueue_indirect_dma source(%dma_start3A_258 : memref<8192x1024xi32, #tpu.memory_space<hbm>>) target(%arg8 : memref<32x1024xi32, #tpu.memory_space<vmem>>) offsets(%arg5 : memref<32xi32, #tpu.memory_space<vmem>>) semaphore(%arg10 : memref<!tpu.dma_semaphore, #tpu.memory_space<semaphore_mem>>)
    %dma_wait3A_259 = arith.constant 0 : i32
    %dma_wait3A_260 = arith.constant 0 : i32
    %dma_wait3A_261 = tpu.memref_slice %arg2[%dma_wait3A_259, %dma_wait3A_260] : memref<8192x1024xi32, #tpu.memory_space<hbm>> -> memref<8192x1024xi32, #tpu.memory_space<hbm>>
    tpu.wait_indirect_dma semaphore(%arg11 : memref<!tpu.dma_semaphore, #tpu.memory_space<semaphore_mem>>) src(%dma_wait3A_261 : memref<8192x1024xi32, #tpu.memory_space<hbm>>) dst(%arg9 : memref<32x1024xi32, #tpu.memory_space<vmem>>)
    %dma_start3A_262 = arith.constant 5 : i32
    %dma_start3A_263 = arith.constant 0 : i32
    %dma_start3A_264 = tpu.memref_slice %arg7[%dma_start3A_262, %dma_start3A_263] : memref<16x32xi32, #tpu.memory_space<vmem>> -> memref<1x32xi32, #tpu.memory_space<vmem>>
    %dma_start3A_265 = tpu.memref_squeeze %dma_start3A_264 : memref<1x32xi32, #tpu.memory_space<vmem>> -> memref<32xi32, #tpu.memory_space<vmem>>
    %dma_start3A_266 = arith.constant 0 : i32
    %dma_start3A_267 = arith.constant 0 : i32
    %dma_start3A_268 = tpu.memref_slice %arg4[%dma_start3A_266, %dma_start3A_267] : memref<16384x1024xi32, #tpu.memory_space<hbm>> -> memref<16384x1024xi32, #tpu.memory_space<hbm>>
    tpu.enqueue_indirect_dma source(%arg9 : memref<32x1024xi32, #tpu.memory_space<vmem>>) target(%dma_start3A_268 : memref<16384x1024xi32, #tpu.memory_space<hbm>>) offsets(%dma_start3A_265 : memref<32xi32, #tpu.memory_space<vmem>>) semaphore(%arg13 : memref<!tpu.dma_semaphore, #tpu.memory_space<semaphore_mem>>)
    %dma_wait3A_269 = arith.constant 5 : i32
    %dma_wait3A_270 = arith.constant 0 : i32
    %dma_wait3A_271 = tpu.memref_slice %arg7[%dma_wait3A_269, %dma_wait3A_270] : memref<16x32xi32, #tpu.memory_space<vmem>> -> memref<1x32xi32, #tpu.memory_space<vmem>>
    %dma_wait3A_272 = tpu.memref_squeeze %dma_wait3A_271 : memref<1x32xi32, #tpu.memory_space<vmem>> -> memref<32xi32, #tpu.memory_space<vmem>>
    %dma_wait3A_273 = arith.constant 0 : i32
    %dma_wait3A_274 = arith.constant 0 : i32
    %dma_wait3A_275 = tpu.memref_slice %arg4[%dma_wait3A_273, %dma_wait3A_274] : memref<16384x1024xi32, #tpu.memory_space<hbm>> -> memref<16384x1024xi32, #tpu.memory_space<hbm>>
    tpu.wait_indirect_dma semaphore(%arg13 : memref<!tpu.dma_semaphore, #tpu.memory_space<semaphore_mem>>) src(%arg9 : memref<32x1024xi32, #tpu.memory_space<vmem>>) dst(%dma_wait3A_275 : memref<16384x1024xi32, #tpu.memory_space<hbm>>)
    %add3A_276 = arith.constant 224 : i32
    %add3A_277 = arith.addi %mul3A_2, %add3A_276 : i32
    %add3A_278 = vector.broadcast %add3A_277 : i32 to vector<16xi32>
    %add3A_279 = arith.addi %add3A_278, %iota3A : vector<16xi32>
    %shift_right_logical3A_280 = arith.constant 1 : i32
    %shift_right_logical3A_281 = vector.broadcast %shift_right_logical3A_280 : i32 to vector<16xi32>
    %shift_right_logical3A_282 = arith.shrui %add3A_279, %shift_right_logical3A_281 : vector<16xi32>
    %swap3A_283 = arith.constant 0 : index
    %swap3A_284 = tpu.vector_load %arg6[%swap3A_283] {strides = array<i32>} : memref<32xi32, #tpu.memory_space<vmem>>, vector<16xi32>,
    %swap3A_285 = vector.shape_cast %swap3A_284 : vector<16xi32> to vector<16xi32>
    %swap3A_286 = vector.shape_cast %shift_right_logical3A_282 : vector<16xi32> to vector<16xi32>
    tpu.vector_store %arg6[%swap3A_283], %swap3A_286 {strides = array<i32>} : memref<32xi32, #tpu.memory_space<vmem>>, vector<16xi32>,
    %add3A_287 = arith.constant 16 : i32
    %add3A_288 = arith.addi %add3A_277, %add3A_287 : i32
    %add3A_289 = vector.broadcast %add3A_288 : i32 to vector<16xi32>
    %add3A_290 = arith.addi %add3A_289, %iota3A : vector<16xi32>
    %shift_right_logical3A_291 = arith.constant 1 : i32
    %shift_right_logical3A_292 = vector.broadcast %shift_right_logical3A_291 : i32 to vector<16xi32>
    %shift_right_logical3A_293 = arith.shrui %add3A_290, %shift_right_logical3A_292 : vector<16xi32>
    %swap3A_294 = arith.constant 16 : index
    %swap3A_295 = tpu.vector_load %arg6[%swap3A_294] {strides = array<i32>} : memref<32xi32, #tpu.memory_space<vmem>>, vector<16xi32>,
    %swap3A_296 = vector.shape_cast %swap3A_295 : vector<16xi32> to vector<16xi32>
    %swap3A_297 = vector.shape_cast %shift_right_logical3A_293 : vector<16xi32> to vector<16xi32>
    tpu.vector_store %arg6[%swap3A_294], %swap3A_297 {strides = array<i32>} : memref<32xi32, #tpu.memory_space<vmem>>, vector<16xi32>,
    %dma_start3A_298 = arith.constant 0 : i32
    %dma_start3A_299 = arith.constant 0 : i32
    %dma_start3A_300 = tpu.memref_slice %arg2[%dma_start3A_298, %dma_start3A_299] : memref<8192x1024xi32, #tpu.memory_space<hbm>> -> memref<8192x1024xi32, #tpu.memory_space<hbm>>
    tpu.enqueue_indirect_dma source(%dma_start3A_300 : memref<8192x1024xi32, #tpu.memory_space<hbm>>) target(%arg9 : memref<32x1024xi32, #tpu.memory_space<vmem>>) offsets(%arg6 : memref<32xi32, #tpu.memory_space<vmem>>) semaphore(%arg11 : memref<!tpu.dma_semaphore, #tpu.memory_space<semaphore_mem>>)
    %dma_wait3A_301 = arith.constant 0 : i32
    %dma_wait3A_302 = arith.constant 0 : i32
    %dma_wait3A_303 = tpu.memref_slice %arg2[%dma_wait3A_301, %dma_wait3A_302] : memref<8192x1024xi32, #tpu.memory_space<hbm>> -> memref<8192x1024xi32, #tpu.memory_space<hbm>>
    tpu.wait_indirect_dma semaphore(%arg10 : memref<!tpu.dma_semaphore, #tpu.memory_space<semaphore_mem>>) src(%dma_wait3A_303 : memref<8192x1024xi32, #tpu.memory_space<hbm>>) dst(%arg8 : memref<32x1024xi32, #tpu.memory_space<vmem>>)
    %dma_start3A_304 = arith.constant 6 : i32
    %dma_start3A_305 = arith.constant 0 : i32
    %dma_start3A_306 = tpu.memref_slice %arg7[%dma_start3A_304, %dma_start3A_305] : memref<16x32xi32, #tpu.memory_space<vmem>> -> memref<1x32xi32, #tpu.memory_space<vmem>>
    %dma_start3A_307 = tpu.memref_squeeze %dma_start3A_306 : memref<1x32xi32, #tpu.memory_space<vmem>> -> memref<32xi32, #tpu.memory_space<vmem>>
    %dma_start3A_308 = arith.constant 0 : i32
    %dma_start3A_309 = arith.constant 0 : i32
    %dma_start3A_310 = tpu.memref_slice %arg4[%dma_start3A_308, %dma_start3A_309] : memref<16384x1024xi32, #tpu.memory_space<hbm>> -> memref<16384x1024xi32, #tpu.memory_space<hbm>>
    tpu.enqueue_indirect_dma source(%arg8 : memref<32x1024xi32, #tpu.memory_space<vmem>>) target(%dma_start3A_310 : memref<16384x1024xi32, #tpu.memory_space<hbm>>) offsets(%dma_start3A_307 : memref<32xi32, #tpu.memory_space<vmem>>) semaphore(%arg12 : memref<!tpu.dma_semaphore, #tpu.memory_space<semaphore_mem>>)
    %dma_wait3A_311 = arith.constant 6 : i32
    %dma_wait3A_312 = arith.constant 0 : i32
    %dma_wait3A_313 = tpu.memref_slice %arg7[%dma_wait3A_311, %dma_wait3A_312] : memref<16x32xi32, #tpu.memory_space<vmem>> -> memref<1x32xi32, #tpu.memory_space<vmem>>
    %dma_wait3A_314 = tpu.memref_squeeze %dma_wait3A_313 : memref<1x32xi32, #tpu.memory_space<vmem>> -> memref<32xi32, #tpu.memory_space<vmem>>
    %dma_wait3A_315 = arith.constant 0 : i32
    %dma_wait3A_316 = arith.constant 0 : i32
    %dma_wait3A_317 = tpu.memref_slice %arg4[%dma_wait3A_315, %dma_wait3A_316] : memref<16384x1024xi32, #tpu.memory_space<hbm>> -> memref<16384x1024xi32, #tpu.memory_space<hbm>>
    tpu.wait_indirect_dma semaphore(%arg12 : memref<!tpu.dma_semaphore, #tpu.memory_space<semaphore_mem>>) src(%arg8 : memref<32x1024xi32, #tpu.memory_space<vmem>>) dst(%dma_wait3A_317 : memref<16384x1024xi32, #tpu.memory_space<hbm>>)
    %add3A_318 = arith.constant 256 : i32
    %add3A_319 = arith.addi %mul3A_2, %add3A_318 : i32
    %add3A_320 = vector.broadcast %add3A_319 : i32 to vector<16xi32>
    %add3A_321 = arith.addi %add3A_320, %iota3A : vector<16xi32>
    %shift_right_logical3A_322 = arith.constant 1 : i32
    %shift_right_logical3A_323 = vector.broadcast %shift_right_logical3A_322 : i32 to vector<16xi32>
    %shift_right_logical3A_324 = arith.shrui %add3A_321, %shift_right_logical3A_323 : vector<16xi32>
    %swap3A_325 = arith.constant 0 : index
    %swap3A_326 = tpu.vector_load %arg5[%swap3A_325] {strides = array<i32>} : memref<32xi32, #tpu.memory_space<vmem>>, vector<16xi32>,
    %swap3A_327 = vector.shape_cast %swap3A_326 : vector<16xi32> to vector<16xi32>
    %swap3A_328 = vector.shape_cast %shift_right_logical3A_324 : vector<16xi32> to vector<16xi32>
    tpu.vector_store %arg5[%swap3A_325], %swap3A_328 {strides = array<i32>} : memref<32xi32, #tpu.memory_space<vmem>>, vector<16xi32>,
    %add3A_329 = arith.constant 16 : i32
    %add3A_330 = arith.addi %add3A_319, %add3A_329 : i32
    %add3A_331 = vector.broadcast %add3A_330 : i32 to vector<16xi32>
    %add3A_332 = arith.addi %add3A_331, %iota3A : vector<16xi32>
    %shift_right_logical3A_333 = arith.constant 1 : i32
    %shift_right_logical3A_334 = vector.broadcast %shift_right_logical3A_333 : i32 to vector<16xi32>
    %shift_right_logical3A_335 = arith.shrui %add3A_332, %shift_right_logical3A_334 : vector<16xi32>
    %swap3A_336 = arith.constant 16 : index
    %swap3A_337 = tpu.vector_load %arg5[%swap3A_336] {strides = array<i32>} : memref<32xi32, #tpu.memory_space<vmem>>, vector<16xi32>,
    %swap3A_338 = vector.shape_cast %swap3A_337 : vector<16xi32> to vector<16xi32>
    %swap3A_339 = vector.shape_cast %shift_right_logical3A_335 : vector<16xi32> to vector<16xi32>
    tpu.vector_store %arg5[%swap3A_336], %swap3A_339 {strides = array<i32>} : memref<32xi32, #tpu.memory_space<vmem>>, vector<16xi32>,
    %dma_start3A_340 = arith.constant 0 : i32
    %dma_start3A_341 = arith.constant 0 : i32
    %dma_start3A_342 = tpu.memref_slice %arg2[%dma_start3A_340, %dma_start3A_341] : memref<8192x1024xi32, #tpu.memory_space<hbm>> -> memref<8192x1024xi32, #tpu.memory_space<hbm>>
    tpu.enqueue_indirect_dma source(%dma_start3A_342 : memref<8192x1024xi32, #tpu.memory_space<hbm>>) target(%arg8 : memref<32x1024xi32, #tpu.memory_space<vmem>>) offsets(%arg5 : memref<32xi32, #tpu.memory_space<vmem>>) semaphore(%arg10 : memref<!tpu.dma_semaphore, #tpu.memory_space<semaphore_mem>>)
    %dma_wait3A_343 = arith.constant 0 : i32
    %dma_wait3A_344 = arith.constant 0 : i32
    %dma_wait3A_345 = tpu.memref_slice %arg2[%dma_wait3A_343, %dma_wait3A_344] : memref<8192x1024xi32, #tpu.memory_space<hbm>> -> memref<8192x1024xi32, #tpu.memory_space<hbm>>
    tpu.wait_indirect_dma semaphore(%arg11 : memref<!tpu.dma_semaphore, #tpu.memory_space<semaphore_mem>>) src(%dma_wait3A_345 : memref<8192x1024xi32, #tpu.memory_space<hbm>>) dst(%arg9 : memref<32x1024xi32, #tpu.memory_space<vmem>>)
    %dma_start3A_346 = arith.constant 7 : i32
    %dma_start3A_347 = arith.constant 0 : i32
    %dma_start3A_348 = tpu.memref_slice %arg7[%dma_start3A_346, %dma_start3A_347] : memref<16x32xi32, #tpu.memory_space<vmem>> -> memref<1x32xi32, #tpu.memory_space<vmem>>
    %dma_start3A_349 = tpu.memref_squeeze %dma_start3A_348 : memref<1x32xi32, #tpu.memory_space<vmem>> -> memref<32xi32, #tpu.memory_space<vmem>>
    %dma_start3A_350 = arith.constant 0 : i32
    %dma_start3A_351 = arith.constant 0 : i32
    %dma_start3A_352 = tpu.memref_slice %arg4[%dma_start3A_350, %dma_start3A_351] : memref<16384x1024xi32, #tpu.memory_space<hbm>> -> memref<16384x1024xi32, #tpu.memory_space<hbm>>
    tpu.enqueue_indirect_dma source(%arg9 : memref<32x1024xi32, #tpu.memory_space<vmem>>) target(%dma_start3A_352 : memref<16384x1024xi32, #tpu.memory_space<hbm>>) offsets(%dma_start3A_349 : memref<32xi32, #tpu.memory_space<vmem>>) semaphore(%arg13 : memref<!tpu.dma_semaphore, #tpu.memory_space<semaphore_mem>>)
    %dma_wait3A_353 = arith.constant 7 : i32
    %dma_wait3A_354 = arith.constant 0 : i32
    %dma_wait3A_355 = tpu.memref_slice %arg7[%dma_wait3A_353, %dma_wait3A_354] : memref<16x32xi32, #tpu.memory_space<vmem>> -> memref<1x32xi32, #tpu.memory_space<vmem>>
    %dma_wait3A_356 = tpu.memref_squeeze %dma_wait3A_355 : memref<1x32xi32, #tpu.memory_space<vmem>> -> memref<32xi32, #tpu.memory_space<vmem>>
    %dma_wait3A_357 = arith.constant 0 : i32
    %dma_wait3A_358 = arith.constant 0 : i32
    %dma_wait3A_359 = tpu.memref_slice %arg4[%dma_wait3A_357, %dma_wait3A_358] : memref<16384x1024xi32, #tpu.memory_space<hbm>> -> memref<16384x1024xi32, #tpu.memory_space<hbm>>
    tpu.wait_indirect_dma semaphore(%arg13 : memref<!tpu.dma_semaphore, #tpu.memory_space<semaphore_mem>>) src(%arg9 : memref<32x1024xi32, #tpu.memory_space<vmem>>) dst(%dma_wait3A_359 : memref<16384x1024xi32, #tpu.memory_space<hbm>>)
    %add3A_360 = arith.constant 288 : i32
    %add3A_361 = arith.addi %mul3A_2, %add3A_360 : i32
    %add3A_362 = vector.broadcast %add3A_361 : i32 to vector<16xi32>
    %add3A_363 = arith.addi %add3A_362, %iota3A : vector<16xi32>
    %shift_right_logical3A_364 = arith.constant 1 : i32
    %shift_right_logical3A_365 = vector.broadcast %shift_right_logical3A_364 : i32 to vector<16xi32>
    %shift_right_logical3A_366 = arith.shrui %add3A_363, %shift_right_logical3A_365 : vector<16xi32>
    %swap3A_367 = arith.constant 0 : index
    %swap3A_368 = tpu.vector_load %arg6[%swap3A_367] {strides = array<i32>} : memref<32xi32, #tpu.memory_space<vmem>>, vector<16xi32>,
    %swap3A_369 = vector.shape_cast %swap3A_368 : vector<16xi32> to vector<16xi32>
    %swap3A_370 = vector.shape_cast %shift_right_logical3A_366 : vector<16xi32> to vector<16xi32>
    tpu.vector_store %arg6[%swap3A_367], %swap3A_370 {strides = array<i32>} : memref<32xi32, #tpu.memory_space<vmem>>, vector<16xi32>,
    %add3A_371 = arith.constant 16 : i32
    %add3A_372 = arith.addi %add3A_361, %add3A_371 : i32
    %add3A_373 = vector.broadcast %add3A_372 : i32 to vector<16xi32>
    %add3A_374 = arith.addi %add3A_373, %iota3A : vector<16xi32>
    %shift_right_logical3A_375 = arith.constant 1 : i32
    %shift_right_logical3A_376 = vector.broadcast %shift_right_logical3A_375 : i32 to vector<16xi32>
    %shift_right_logical3A_377 = arith.shrui %add3A_374, %shift_right_logical3A_376 : vector<16xi32>
    %swap3A_378 = arith.constant 16 : index
    %swap3A_379 = tpu.vector_load %arg6[%swap3A_378] {strides = array<i32>} : memref<32xi32, #tpu.memory_space<vmem>>, vector<16xi32>,
    %swap3A_380 = vector.shape_cast %swap3A_379 : vector<16xi32> to vector<16xi32>
    %swap3A_381 = vector.shape_cast %shift_right_logical3A_377 : vector<16xi32> to vector<16xi32>
    tpu.vector_store %arg6[%swap3A_378], %swap3A_381 {strides = array<i32>} : memref<32xi32, #tpu.memory_space<vmem>>, vector<16xi32>,
    %dma_start3A_382 = arith.constant 0 : i32
    %dma_start3A_383 = arith.constant 0 : i32
    %dma_start3A_384 = tpu.memref_slice %arg2[%dma_start3A_382, %dma_start3A_383] : memref<8192x1024xi32, #tpu.memory_space<hbm>> -> memref<8192x1024xi32, #tpu.memory_space<hbm>>
    tpu.enqueue_indirect_dma source(%dma_start3A_384 : memref<8192x1024xi32, #tpu.memory_space<hbm>>) target(%arg9 : memref<32x1024xi32, #tpu.memory_space<vmem>>) offsets(%arg6 : memref<32xi32, #tpu.memory_space<vmem>>) semaphore(%arg11 : memref<!tpu.dma_semaphore, #tpu.memory_space<semaphore_mem>>)
    %dma_wait3A_385 = arith.constant 0 : i32
    %dma_wait3A_386 = arith.constant 0 : i32
    %dma_wait3A_387 = tpu.memref_slice %arg2[%dma_wait3A_385, %dma_wait3A_386] : memref<8192x1024xi32, #tpu.memory_space<hbm>> -> memref<8192x1024xi32, #tpu.memory_space<hbm>>
    tpu.wait_indirect_dma semaphore(%arg10 : memref<!tpu.dma_semaphore, #tpu.memory_space<semaphore_mem>>) src(%dma_wait3A_387 : memref<8192x1024xi32, #tpu.memory_space<hbm>>) dst(%arg8 : memref<32x1024xi32, #tpu.memory_space<vmem>>)
    %dma_start3A_388 = arith.constant 8 : i32
    %dma_start3A_389 = arith.constant 0 : i32
    %dma_start3A_390 = tpu.memref_slice %arg7[%dma_start3A_388, %dma_start3A_389] : memref<16x32xi32, #tpu.memory_space<vmem>> -> memref<1x32xi32, #tpu.memory_space<vmem>>
    %dma_start3A_391 = tpu.memref_squeeze %dma_start3A_390 : memref<1x32xi32, #tpu.memory_space<vmem>> -> memref<32xi32, #tpu.memory_space<vmem>>
    %dma_start3A_392 = arith.constant 0 : i32
    %dma_start3A_393 = arith.constant 0 : i32
    %dma_start3A_394 = tpu.memref_slice %arg4[%dma_start3A_392, %dma_start3A_393] : memref<16384x1024xi32, #tpu.memory_space<hbm>> -> memref<16384x1024xi32, #tpu.memory_space<hbm>>
    tpu.enqueue_indirect_dma source(%arg8 : memref<32x1024xi32, #tpu.memory_space<vmem>>) target(%dma_start3A_394 : memref<16384x1024xi32, #tpu.memory_space<hbm>>) offsets(%dma_start3A_391 : memref<32xi32, #tpu.memory_space<vmem>>) semaphore(%arg12 : memref<!tpu.dma_semaphore, #tpu.memory_space<semaphore_mem>>)
    %dma_wait3A_395 = arith.constant 8 : i32
    %dma_wait3A_396 = arith.constant 0 : i32
    %dma_wait3A_397 = tpu.memref_slice %arg7[%dma_wait3A_395, %dma_wait3A_396] : memref<16x32xi32, #tpu.memory_space<vmem>> -> memref<1x32xi32, #tpu.memory_space<vmem>>
    %dma_wait3A_398 = tpu.memref_squeeze %dma_wait3A_397 : memref<1x32xi32, #tpu.memory_space<vmem>> -> memref<32xi32, #tpu.memory_space<vmem>>
    %dma_wait3A_399 = arith.constant 0 : i32
    %dma_wait3A_400 = arith.constant 0 : i32
    %dma_wait3A_401 = tpu.memref_slice %arg4[%dma_wait3A_399, %dma_wait3A_400] : memref<16384x1024xi32, #tpu.memory_space<hbm>> -> memref<16384x1024xi32, #tpu.memory_space<hbm>>
    tpu.wait_indirect_dma semaphore(%arg12 : memref<!tpu.dma_semaphore, #tpu.memory_space<semaphore_mem>>) src(%arg8 : memref<32x1024xi32, #tpu.memory_space<vmem>>) dst(%dma_wait3A_401 : memref<16384x1024xi32, #tpu.memory_space<hbm>>)
    %add3A_402 = arith.constant 320 : i32
    %add3A_403 = arith.addi %mul3A_2, %add3A_402 : i32
    %add3A_404 = vector.broadcast %add3A_403 : i32 to vector<16xi32>
    %add3A_405 = arith.addi %add3A_404, %iota3A : vector<16xi32>
    %shift_right_logical3A_406 = arith.constant 1 : i32
    %shift_right_logical3A_407 = vector.broadcast %shift_right_logical3A_406 : i32 to vector<16xi32>
    %shift_right_logical3A_408 = arith.shrui %add3A_405, %shift_right_logical3A_407 : vector<16xi32>
    %swap3A_409 = arith.constant 0 : index
    %swap3A_410 = tpu.vector_load %arg5[%swap3A_409] {strides = array<i32>} : memref<32xi32, #tpu.memory_space<vmem>>, vector<16xi32>,
    %swap3A_411 = vector.shape_cast %swap3A_410 : vector<16xi32> to vector<16xi32>
    %swap3A_412 = vector.shape_cast %shift_right_logical3A_408 : vector<16xi32> to vector<16xi32>
    tpu.vector_store %arg5[%swap3A_409], %swap3A_412 {strides = array<i32>} : memref<32xi32, #tpu.memory_space<vmem>>, vector<16xi32>,
    %add3A_413 = arith.constant 16 : i32
    %add3A_414 = arith.addi %add3A_403, %add3A_413 : i32
    %add3A_415 = vector.broadcast %add3A_414 : i32 to vector<16xi32>
    %add3A_416 = arith.addi %add3A_415, %iota3A : vector<16xi32>
    %shift_right_logical3A_417 = arith.constant 1 : i32
    %shift_right_logical3A_418 = vector.broadcast %shift_right_logical3A_417 : i32 to vector<16xi32>
    %shift_right_logical3A_419 = arith.shrui %add3A_416, %shift_right_logical3A_418 : vector<16xi32>
    %swap3A_420 = arith.constant 16 : index
    %swap3A_421 = tpu.vector_load %arg5[%swap3A_420] {strides = array<i32>} : memref<32xi32, #tpu.memory_space<vmem>>, vector<16xi32>,
    %swap3A_422 = vector.shape_cast %swap3A_421 : vector<16xi32> to vector<16xi32>
    %swap3A_423 = vector.shape_cast %shift_right_logical3A_419 : vector<16xi32> to vector<16xi32>
    tpu.vector_store %arg5[%swap3A_420], %swap3A_423 {strides = array<i32>} : memref<32xi32, #tpu.memory_space<vmem>>, vector<16xi32>,
    %dma_start3A_424 = arith.constant 0 : i32
    %dma_start3A_425 = arith.constant 0 : i32
    %dma_start3A_426 = tpu.memref_slice %arg2[%dma_start3A_424, %dma_start3A_425] : memref<8192x1024xi32, #tpu.memory_space<hbm>> -> memref<8192x1024xi32, #tpu.memory_space<hbm>>
    tpu.enqueue_indirect_dma source(%dma_start3A_426 : memref<8192x1024xi32, #tpu.memory_space<hbm>>) target(%arg8 : memref<32x1024xi32, #tpu.memory_space<vmem>>) offsets(%arg5 : memref<32xi32, #tpu.memory_space<vmem>>) semaphore(%arg10 : memref<!tpu.dma_semaphore, #tpu.memory_space<semaphore_mem>>)
    %dma_wait3A_427 = arith.constant 0 : i32
    %dma_wait3A_428 = arith.constant 0 : i32
    %dma_wait3A_429 = tpu.memref_slice %arg2[%dma_wait3A_427, %dma_wait3A_428] : memref<8192x1024xi32, #tpu.memory_space<hbm>> -> memref<8192x1024xi32, #tpu.memory_space<hbm>>
    tpu.wait_indirect_dma semaphore(%arg11 : memref<!tpu.dma_semaphore, #tpu.memory_space<semaphore_mem>>) src(%dma_wait3A_429 : memref<8192x1024xi32, #tpu.memory_space<hbm>>) dst(%arg9 : memref<32x1024xi32, #tpu.memory_space<vmem>>)
    %dma_start3A_430 = arith.constant 9 : i32
    %dma_start3A_431 = arith.constant 0 : i32
    %dma_start3A_432 = tpu.memref_slice %arg7[%dma_start3A_430, %dma_start3A_431] : memref<16x32xi32, #tpu.memory_space<vmem>> -> memref<1x32xi32, #tpu.memory_space<vmem>>
    %dma_start3A_433 = tpu.memref_squeeze %dma_start3A_432 : memref<1x32xi32, #tpu.memory_space<vmem>> -> memref<32xi32, #tpu.memory_space<vmem>>
    %dma_start3A_434 = arith.constant 0 : i32
    %dma_start3A_435 = arith.constant 0 : i32
    %dma_start3A_436 = tpu.memref_slice %arg4[%dma_start3A_434, %dma_start3A_435] : memref<16384x1024xi32, #tpu.memory_space<hbm>> -> memref<16384x1024xi32, #tpu.memory_space<hbm>>
    tpu.enqueue_indirect_dma source(%arg9 : memref<32x1024xi32, #tpu.memory_space<vmem>>) target(%dma_start3A_436 : memref<16384x1024xi32, #tpu.memory_space<hbm>>) offsets(%dma_start3A_433 : memref<32xi32, #tpu.memory_space<vmem>>) semaphore(%arg13 : memref<!tpu.dma_semaphore, #tpu.memory_space<semaphore_mem>>)
    %dma_wait3A_437 = arith.constant 9 : i32
    %dma_wait3A_438 = arith.constant 0 : i32
    %dma_wait3A_439 = tpu.memref_slice %arg7[%dma_wait3A_437, %dma_wait3A_438] : memref<16x32xi32, #tpu.memory_space<vmem>> -> memref<1x32xi32, #tpu.memory_space<vmem>>
    %dma_wait3A_440 = tpu.memref_squeeze %dma_wait3A_439 : memref<1x32xi32, #tpu.memory_space<vmem>> -> memref<32xi32, #tpu.memory_space<vmem>>
    %dma_wait3A_441 = arith.constant 0 : i32
    %dma_wait3A_442 = arith.constant 0 : i32
    %dma_wait3A_443 = tpu.memref_slice %arg4[%dma_wait3A_441, %dma_wait3A_442] : memref<16384x1024xi32, #tpu.memory_space<hbm>> -> memref<16384x1024xi32, #tpu.memory_space<hbm>>
    tpu.wait_indirect_dma semaphore(%arg13 : memref<!tpu.dma_semaphore, #tpu.memory_space<semaphore_mem>>) src(%arg9 : memref<32x1024xi32, #tpu.memory_space<vmem>>) dst(%dma_wait3A_443 : memref<16384x1024xi32, #tpu.memory_space<hbm>>)
    %add3A_444 = arith.constant 352 : i32
    %add3A_445 = arith.addi %mul3A_2, %add3A_444 : i32
    %add3A_446 = vector.broadcast %add3A_445 : i32 to vector<16xi32>
    %add3A_447 = arith.addi %add3A_446, %iota3A : vector<16xi32>
    %shift_right_logical3A_448 = arith.constant 1 : i32
    %shift_right_logical3A_449 = vector.broadcast %shift_right_logical3A_448 : i32 to vector<16xi32>
    %shift_right_logical3A_450 = arith.shrui %add3A_447, %shift_right_logical3A_449 : vector<16xi32>
    %swap3A_451 = arith.constant 0 : index
    %swap3A_452 = tpu.vector_load %arg6[%swap3A_451] {strides = array<i32>} : memref<32xi32, #tpu.memory_space<vmem>>, vector<16xi32>,
    %swap3A_453 = vector.shape_cast %swap3A_452 : vector<16xi32> to vector<16xi32>
    %swap3A_454 = vector.shape_cast %shift_right_logical3A_450 : vector<16xi32> to vector<16xi32>
    tpu.vector_store %arg6[%swap3A_451], %swap3A_454 {strides = array<i32>} : memref<32xi32, #tpu.memory_space<vmem>>, vector<16xi32>,
    %add3A_455 = arith.constant 16 : i32
    %add3A_456 = arith.addi %add3A_445, %add3A_455 : i32
    %add3A_457 = vector.broadcast %add3A_456 : i32 to vector<16xi32>
    %add3A_458 = arith.addi %add3A_457, %iota3A : vector<16xi32>
    %shift_right_logical3A_459 = arith.constant 1 : i32
    %shift_right_logical3A_460 = vector.broadcast %shift_right_logical3A_459 : i32 to vector<16xi32>
    %shift_right_logical3A_461 = arith.shrui %add3A_458, %shift_right_logical3A_460 : vector<16xi32>
    %swap3A_462 = arith.constant 16 : index
    %swap3A_463 = tpu.vector_load %arg6[%swap3A_462] {strides = array<i32>} : memref<32xi32, #tpu.memory_space<vmem>>, vector<16xi32>,
    %swap3A_464 = vector.shape_cast %swap3A_463 : vector<16xi32> to vector<16xi32>
    %swap3A_465 = vector.shape_cast %shift_right_logical3A_461 : vector<16xi32> to vector<16xi32>
    tpu.vector_store %arg6[%swap3A_462], %swap3A_465 {strides = array<i32>} : memref<32xi32, #tpu.memory_space<vmem>>, vector<16xi32>,
    %dma_start3A_466 = arith.constant 0 : i32
    %dma_start3A_467 = arith.constant 0 : i32
    %dma_start3A_468 = tpu.memref_slice %arg2[%dma_start3A_466, %dma_start3A_467] : memref<8192x1024xi32, #tpu.memory_space<hbm>> -> memref<8192x1024xi32, #tpu.memory_space<hbm>>
    tpu.enqueue_indirect_dma source(%dma_start3A_468 : memref<8192x1024xi32, #tpu.memory_space<hbm>>) target(%arg9 : memref<32x1024xi32, #tpu.memory_space<vmem>>) offsets(%arg6 : memref<32xi32, #tpu.memory_space<vmem>>) semaphore(%arg11 : memref<!tpu.dma_semaphore, #tpu.memory_space<semaphore_mem>>)
    %dma_wait3A_469 = arith.constant 0 : i32
    %dma_wait3A_470 = arith.constant 0 : i32
    %dma_wait3A_471 = tpu.memref_slice %arg2[%dma_wait3A_469, %dma_wait3A_470] : memref<8192x1024xi32, #tpu.memory_space<hbm>> -> memref<8192x1024xi32, #tpu.memory_space<hbm>>
    tpu.wait_indirect_dma semaphore(%arg10 : memref<!tpu.dma_semaphore, #tpu.memory_space<semaphore_mem>>) src(%dma_wait3A_471 : memref<8192x1024xi32, #tpu.memory_space<hbm>>) dst(%arg8 : memref<32x1024xi32, #tpu.memory_space<vmem>>)
    %dma_start3A_472 = arith.constant 10 : i32
    %dma_start3A_473 = arith.constant 0 : i32
    %dma_start3A_474 = tpu.memref_slice %arg7[%dma_start3A_472, %dma_start3A_473] : memref<16x32xi32, #tpu.memory_space<vmem>> -> memref<1x32xi32, #tpu.memory_space<vmem>>
    %dma_start3A_475 = tpu.memref_squeeze %dma_start3A_474 : memref<1x32xi32, #tpu.memory_space<vmem>> -> memref<32xi32, #tpu.memory_space<vmem>>
    %dma_start3A_476 = arith.constant 0 : i32
    %dma_start3A_477 = arith.constant 0 : i32
    %dma_start3A_478 = tpu.memref_slice %arg4[%dma_start3A_476, %dma_start3A_477] : memref<16384x1024xi32, #tpu.memory_space<hbm>> -> memref<16384x1024xi32, #tpu.memory_space<hbm>>
    tpu.enqueue_indirect_dma source(%arg8 : memref<32x1024xi32, #tpu.memory_space<vmem>>) target(%dma_start3A_478 : memref<16384x1024xi32, #tpu.memory_space<hbm>>) offsets(%dma_start3A_475 : memref<32xi32, #tpu.memory_space<vmem>>) semaphore(%arg12 : memref<!tpu.dma_semaphore, #tpu.memory_space<semaphore_mem>>)
    %dma_wait3A_479 = arith.constant 10 : i32
    %dma_wait3A_480 = arith.constant 0 : i32
    %dma_wait3A_481 = tpu.memref_slice %arg7[%dma_wait3A_479, %dma_wait3A_480] : memref<16x32xi32, #tpu.memory_space<vmem>> -> memref<1x32xi32, #tpu.memory_space<vmem>>
    %dma_wait3A_482 = tpu.memref_squeeze %dma_wait3A_481 : memref<1x32xi32, #tpu.memory_space<vmem>> -> memref<32xi32, #tpu.memory_space<vmem>>
    %dma_wait3A_483 = arith.constant 0 : i32
    %dma_wait3A_484 = arith.constant 0 : i32
    %dma_wait3A_485 = tpu.memref_slice %arg4[%dma_wait3A_483, %dma_wait3A_484] : memref<16384x1024xi32, #tpu.memory_space<hbm>> -> memref<16384x1024xi32, #tpu.memory_space<hbm>>
    tpu.wait_indirect_dma semaphore(%arg12 : memref<!tpu.dma_semaphore, #tpu.memory_space<semaphore_mem>>) src(%arg8 : memref<32x1024xi32, #tpu.memory_space<vmem>>) dst(%dma_wait3A_485 : memref<16384x1024xi32, #tpu.memory_space<hbm>>)
    %add3A_486 = arith.constant 384 : i32
    %add3A_487 = arith.addi %mul3A_2, %add3A_486 : i32
    %add3A_488 = vector.broadcast %add3A_487 : i32 to vector<16xi32>
    %add3A_489 = arith.addi %add3A_488, %iota3A : vector<16xi32>
    %shift_right_logical3A_490 = arith.constant 1 : i32
    %shift_right_logical3A_491 = vector.broadcast %shift_right_logical3A_490 : i32 to vector<16xi32>
    %shift_right_logical3A_492 = arith.shrui %add3A_489, %shift_right_logical3A_491 : vector<16xi32>
    %swap3A_493 = arith.constant 0 : index
    %swap3A_494 = tpu.vector_load %arg5[%swap3A_493] {strides = array<i32>} : memref<32xi32, #tpu.memory_space<vmem>>, vector<16xi32>,
    %swap3A_495 = vector.shape_cast %swap3A_494 : vector<16xi32> to vector<16xi32>
    %swap3A_496 = vector.shape_cast %shift_right_logical3A_492 : vector<16xi32> to vector<16xi32>
    tpu.vector_store %arg5[%swap3A_493], %swap3A_496 {strides = array<i32>} : memref<32xi32, #tpu.memory_space<vmem>>, vector<16xi32>,
    %add3A_497 = arith.constant 16 : i32
    %add3A_498 = arith.addi %add3A_487, %add3A_497 : i32
    %add3A_499 = vector.broadcast %add3A_498 : i32 to vector<16xi32>
    %add3A_500 = arith.addi %add3A_499, %iota3A : vector<16xi32>
    %shift_right_logical3A_501 = arith.constant 1 : i32
    %shift_right_logical3A_502 = vector.broadcast %shift_right_logical3A_501 : i32 to vector<16xi32>
    %shift_right_logical3A_503 = arith.shrui %add3A_500, %shift_right_logical3A_502 : vector<16xi32>
    %swap3A_504 = arith.constant 16 : index
    %swap3A_505 = tpu.vector_load %arg5[%swap3A_504] {strides = array<i32>} : memref<32xi32, #tpu.memory_space<vmem>>, vector<16xi32>,
    %swap3A_506 = vector.shape_cast %swap3A_505 : vector<16xi32> to vector<16xi32>
    %swap3A_507 = vector.shape_cast %shift_right_logical3A_503 : vector<16xi32> to vector<16xi32>
    tpu.vector_store %arg5[%swap3A_504], %swap3A_507 {strides = array<i32>} : memref<32xi32, #tpu.memory_space<vmem>>, vector<16xi32>,
    %dma_start3A_508 = arith.constant 0 : i32
    %dma_start3A_509 = arith.constant 0 : i32
    %dma_start3A_510 = tpu.memref_slice %arg2[%dma_start3A_508, %dma_start3A_509] : memref<8192x1024xi32, #tpu.memory_space<hbm>> -> memref<8192x1024xi32, #tpu.memory_space<hbm>>
    tpu.enqueue_indirect_dma source(%dma_start3A_510 : memref<8192x1024xi32, #tpu.memory_space<hbm>>) target(%arg8 : memref<32x1024xi32, #tpu.memory_space<vmem>>) offsets(%arg5 : memref<32xi32, #tpu.memory_space<vmem>>) semaphore(%arg10 : memref<!tpu.dma_semaphore, #tpu.memory_space<semaphore_mem>>)
    %dma_wait3A_511 = arith.constant 0 : i32
    %dma_wait3A_512 = arith.constant 0 : i32
    %dma_wait3A_513 = tpu.memref_slice %arg2[%dma_wait3A_511, %dma_wait3A_512] : memref<8192x1024xi32, #tpu.memory_space<hbm>> -> memref<8192x1024xi32, #tpu.memory_space<hbm>>
    tpu.wait_indirect_dma semaphore(%arg11 : memref<!tpu.dma_semaphore, #tpu.memory_space<semaphore_mem>>) src(%dma_wait3A_513 : memref<8192x1024xi32, #tpu.memory_space<hbm>>) dst(%arg9 : memref<32x1024xi32, #tpu.memory_space<vmem>>)
    %dma_start3A_514 = arith.constant 11 : i32
    %dma_start3A_515 = arith.constant 0 : i32
    %dma_start3A_516 = tpu.memref_slice %arg7[%dma_start3A_514, %dma_start3A_515] : memref<16x32xi32, #tpu.memory_space<vmem>> -> memref<1x32xi32, #tpu.memory_space<vmem>>
    %dma_start3A_517 = tpu.memref_squeeze %dma_start3A_516 : memref<1x32xi32, #tpu.memory_space<vmem>> -> memref<32xi32, #tpu.memory_space<vmem>>
    %dma_start3A_518 = arith.constant 0 : i32
    %dma_start3A_519 = arith.constant 0 : i32
    %dma_start3A_520 = tpu.memref_slice %arg4[%dma_start3A_518, %dma_start3A_519] : memref<16384x1024xi32, #tpu.memory_space<hbm>> -> memref<16384x1024xi32, #tpu.memory_space<hbm>>
    tpu.enqueue_indirect_dma source(%arg9 : memref<32x1024xi32, #tpu.memory_space<vmem>>) target(%dma_start3A_520 : memref<16384x1024xi32, #tpu.memory_space<hbm>>) offsets(%dma_start3A_517 : memref<32xi32, #tpu.memory_space<vmem>>) semaphore(%arg13 : memref<!tpu.dma_semaphore, #tpu.memory_space<semaphore_mem>>)
    %dma_wait3A_521 = arith.constant 11 : i32
    %dma_wait3A_522 = arith.constant 0 : i32
    %dma_wait3A_523 = tpu.memref_slice %arg7[%dma_wait3A_521, %dma_wait3A_522] : memref<16x32xi32, #tpu.memory_space<vmem>> -> memref<1x32xi32, #tpu.memory_space<vmem>>
    %dma_wait3A_524 = tpu.memref_squeeze %dma_wait3A_523 : memref<1x32xi32, #tpu.memory_space<vmem>> -> memref<32xi32, #tpu.memory_space<vmem>>
    %dma_wait3A_525 = arith.constant 0 : i32
    %dma_wait3A_526 = arith.constant 0 : i32
    %dma_wait3A_527 = tpu.memref_slice %arg4[%dma_wait3A_525, %dma_wait3A_526] : memref<16384x1024xi32, #tpu.memory_space<hbm>> -> memref<16384x1024xi32, #tpu.memory_space<hbm>>
    tpu.wait_indirect_dma semaphore(%arg13 : memref<!tpu.dma_semaphore, #tpu.memory_space<semaphore_mem>>) src(%arg9 : memref<32x1024xi32, #tpu.memory_space<vmem>>) dst(%dma_wait3A_527 : memref<16384x1024xi32, #tpu.memory_space<hbm>>)
    %add3A_528 = arith.constant 416 : i32
    %add3A_529 = arith.addi %mul3A_2, %add3A_528 : i32
    %add3A_530 = vector.broadcast %add3A_529 : i32 to vector<16xi32>
    %add3A_531 = arith.addi %add3A_530, %iota3A : vector<16xi32>
    %shift_right_logical3A_532 = arith.constant 1 : i32
    %shift_right_logical3A_533 = vector.broadcast %shift_right_logical3A_532 : i32 to vector<16xi32>
    %shift_right_logical3A_534 = arith.shrui %add3A_531, %shift_right_logical3A_533 : vector<16xi32>
    %swap3A_535 = arith.constant 0 : index
    %swap3A_536 = tpu.vector_load %arg6[%swap3A_535] {strides = array<i32>} : memref<32xi32, #tpu.memory_space<vmem>>, vector<16xi32>,
    %swap3A_537 = vector.shape_cast %swap3A_536 : vector<16xi32> to vector<16xi32>
    %swap3A_538 = vector.shape_cast %shift_right_logical3A_534 : vector<16xi32> to vector<16xi32>
    tpu.vector_store %arg6[%swap3A_535], %swap3A_538 {strides = array<i32>} : memref<32xi32, #tpu.memory_space<vmem>>, vector<16xi32>,
    %add3A_539 = arith.constant 16 : i32
    %add3A_540 = arith.addi %add3A_529, %add3A_539 : i32
    %add3A_541 = vector.broadcast %add3A_540 : i32 to vector<16xi32>
    %add3A_542 = arith.addi %add3A_541, %iota3A : vector<16xi32>
    %shift_right_logical3A_543 = arith.constant 1 : i32
    %shift_right_logical3A_544 = vector.broadcast %shift_right_logical3A_543 : i32 to vector<16xi32>
    %shift_right_logical3A_545 = arith.shrui %add3A_542, %shift_right_logical3A_544 : vector<16xi32>
    %swap3A_546 = arith.constant 16 : index
    %swap3A_547 = tpu.vector_load %arg6[%swap3A_546] {strides = array<i32>} : memref<32xi32, #tpu.memory_space<vmem>>, vector<16xi32>,
    %swap3A_548 = vector.shape_cast %swap3A_547 : vector<16xi32> to vector<16xi32>
    %swap3A_549 = vector.shape_cast %shift_right_logical3A_545 : vector<16xi32> to vector<16xi32>
    tpu.vector_store %arg6[%swap3A_546], %swap3A_549 {strides = array<i32>} : memref<32xi32, #tpu.memory_space<vmem>>, vector<16xi32>,
    %dma_start3A_550 = arith.constant 0 : i32
    %dma_start3A_551 = arith.constant 0 : i32
    %dma_start3A_552 = tpu.memref_slice %arg2[%dma_start3A_550, %dma_start3A_551] : memref<8192x1024xi32, #tpu.memory_space<hbm>> -> memref<8192x1024xi32, #tpu.memory_space<hbm>>
    tpu.enqueue_indirect_dma source(%dma_start3A_552 : memref<8192x1024xi32, #tpu.memory_space<hbm>>) target(%arg9 : memref<32x1024xi32, #tpu.memory_space<vmem>>) offsets(%arg6 : memref<32xi32, #tpu.memory_space<vmem>>) semaphore(%arg11 : memref<!tpu.dma_semaphore, #tpu.memory_space<semaphore_mem>>)
    %dma_wait3A_553 = arith.constant 0 : i32
    %dma_wait3A_554 = arith.constant 0 : i32
    %dma_wait3A_555 = tpu.memref_slice %arg2[%dma_wait3A_553, %dma_wait3A_554] : memref<8192x1024xi32, #tpu.memory_space<hbm>> -> memref<8192x1024xi32, #tpu.memory_space<hbm>>
    tpu.wait_indirect_dma semaphore(%arg10 : memref<!tpu.dma_semaphore, #tpu.memory_space<semaphore_mem>>) src(%dma_wait3A_555 : memref<8192x1024xi32, #tpu.memory_space<hbm>>) dst(%arg8 : memref<32x1024xi32, #tpu.memory_space<vmem>>)
    %dma_start3A_556 = arith.constant 12 : i32
    %dma_start3A_557 = arith.constant 0 : i32
    %dma_start3A_558 = tpu.memref_slice %arg7[%dma_start3A_556, %dma_start3A_557] : memref<16x32xi32, #tpu.memory_space<vmem>> -> memref<1x32xi32, #tpu.memory_space<vmem>>
    %dma_start3A_559 = tpu.memref_squeeze %dma_start3A_558 : memref<1x32xi32, #tpu.memory_space<vmem>> -> memref<32xi32, #tpu.memory_space<vmem>>
    %dma_start3A_560 = arith.constant 0 : i32
    %dma_start3A_561 = arith.constant 0 : i32
    %dma_start3A_562 = tpu.memref_slice %arg4[%dma_start3A_560, %dma_start3A_561] : memref<16384x1024xi32, #tpu.memory_space<hbm>> -> memref<16384x1024xi32, #tpu.memory_space<hbm>>
    tpu.enqueue_indirect_dma source(%arg8 : memref<32x1024xi32, #tpu.memory_space<vmem>>) target(%dma_start3A_562 : memref<16384x1024xi32, #tpu.memory_space<hbm>>) offsets(%dma_start3A_559 : memref<32xi32, #tpu.memory_space<vmem>>) semaphore(%arg12 : memref<!tpu.dma_semaphore, #tpu.memory_space<semaphore_mem>>)
    %dma_wait3A_563 = arith.constant 12 : i32
    %dma_wait3A_564 = arith.constant 0 : i32
    %dma_wait3A_565 = tpu.memref_slice %arg7[%dma_wait3A_563, %dma_wait3A_564] : memref<16x32xi32, #tpu.memory_space<vmem>> -> memref<1x32xi32, #tpu.memory_space<vmem>>
    %dma_wait3A_566 = tpu.memref_squeeze %dma_wait3A_565 : memref<1x32xi32, #tpu.memory_space<vmem>> -> memref<32xi32, #tpu.memory_space<vmem>>
    %dma_wait3A_567 = arith.constant 0 : i32
    %dma_wait3A_568 = arith.constant 0 : i32
    %dma_wait3A_569 = tpu.memref_slice %arg4[%dma_wait3A_567, %dma_wait3A_568] : memref<16384x1024xi32, #tpu.memory_space<hbm>> -> memref<16384x1024xi32, #tpu.memory_space<hbm>>
    tpu.wait_indirect_dma semaphore(%arg12 : memref<!tpu.dma_semaphore, #tpu.memory_space<semaphore_mem>>) src(%arg8 : memref<32x1024xi32, #tpu.memory_space<vmem>>) dst(%dma_wait3A_569 : memref<16384x1024xi32, #tpu.memory_space<hbm>>)
    %add3A_570 = arith.constant 448 : i32
    %add3A_571 = arith.addi %mul3A_2, %add3A_570 : i32
    %add3A_572 = vector.broadcast %add3A_571 : i32 to vector<16xi32>
    %add3A_573 = arith.addi %add3A_572, %iota3A : vector<16xi32>
    %shift_right_logical3A_574 = arith.constant 1 : i32
    %shift_right_logical3A_575 = vector.broadcast %shift_right_logical3A_574 : i32 to vector<16xi32>
    %shift_right_logical3A_576 = arith.shrui %add3A_573, %shift_right_logical3A_575 : vector<16xi32>
    %swap3A_577 = arith.constant 0 : index
    %swap3A_578 = tpu.vector_load %arg5[%swap3A_577] {strides = array<i32>} : memref<32xi32, #tpu.memory_space<vmem>>, vector<16xi32>,
    %swap3A_579 = vector.shape_cast %swap3A_578 : vector<16xi32> to vector<16xi32>
    %swap3A_580 = vector.shape_cast %shift_right_logical3A_576 : vector<16xi32> to vector<16xi32>
    tpu.vector_store %arg5[%swap3A_577], %swap3A_580 {strides = array<i32>} : memref<32xi32, #tpu.memory_space<vmem>>, vector<16xi32>,
    %add3A_581 = arith.constant 16 : i32
    %add3A_582 = arith.addi %add3A_571, %add3A_581 : i32
    %add3A_583 = vector.broadcast %add3A_582 : i32 to vector<16xi32>
    %add3A_584 = arith.addi %add3A_583, %iota3A : vector<16xi32>
    %shift_right_logical3A_585 = arith.constant 1 : i32
    %shift_right_logical3A_586 = vector.broadcast %shift_right_logical3A_585 : i32 to vector<16xi32>
    %shift_right_logical3A_587 = arith.shrui %add3A_584, %shift_right_logical3A_586 : vector<16xi32>
    %swap3A_588 = arith.constant 16 : index
    %swap3A_589 = tpu.vector_load %arg5[%swap3A_588] {strides = array<i32>} : memref<32xi32, #tpu.memory_space<vmem>>, vector<16xi32>,
    %swap3A_590 = vector.shape_cast %swap3A_589 : vector<16xi32> to vector<16xi32>
    %swap3A_591 = vector.shape_cast %shift_right_logical3A_587 : vector<16xi32> to vector<16xi32>
    tpu.vector_store %arg5[%swap3A_588], %swap3A_591 {strides = array<i32>} : memref<32xi32, #tpu.memory_space<vmem>>, vector<16xi32>,
    %dma_start3A_592 = arith.constant 0 : i32
    %dma_start3A_593 = arith.constant 0 : i32
    %dma_start3A_594 = tpu.memref_slice %arg2[%dma_start3A_592, %dma_start3A_593] : memref<8192x1024xi32, #tpu.memory_space<hbm>> -> memref<8192x1024xi32, #tpu.memory_space<hbm>>
    tpu.enqueue_indirect_dma source(%dma_start3A_594 : memref<8192x1024xi32, #tpu.memory_space<hbm>>) target(%arg8 : memref<32x1024xi32, #tpu.memory_space<vmem>>) offsets(%arg5 : memref<32xi32, #tpu.memory_space<vmem>>) semaphore(%arg10 : memref<!tpu.dma_semaphore, #tpu.memory_space<semaphore_mem>>)
    %dma_wait3A_595 = arith.constant 0 : i32
    %dma_wait3A_596 = arith.constant 0 : i32
    %dma_wait3A_597 = tpu.memref_slice %arg2[%dma_wait3A_595, %dma_wait3A_596] : memref<8192x1024xi32, #tpu.memory_space<hbm>> -> memref<8192x1024xi32, #tpu.memory_space<hbm>>
    tpu.wait_indirect_dma semaphore(%arg11 : memref<!tpu.dma_semaphore, #tpu.memory_space<semaphore_mem>>) src(%dma_wait3A_597 : memref<8192x1024xi32, #tpu.memory_space<hbm>>) dst(%arg9 : memref<32x1024xi32, #tpu.memory_space<vmem>>)
    %dma_start3A_598 = arith.constant 13 : i32
    %dma_start3A_599 = arith.constant 0 : i32
    %dma_start3A_600 = tpu.memref_slice %arg7[%dma_start3A_598, %dma_start3A_599] : memref<16x32xi32, #tpu.memory_space<vmem>> -> memref<1x32xi32, #tpu.memory_space<vmem>>
    %dma_start3A_601 = tpu.memref_squeeze %dma_start3A_600 : memref<1x32xi32, #tpu.memory_space<vmem>> -> memref<32xi32, #tpu.memory_space<vmem>>
    %dma_start3A_602 = arith.constant 0 : i32
    %dma_start3A_603 = arith.constant 0 : i32
    %dma_start3A_604 = tpu.memref_slice %arg4[%dma_start3A_602, %dma_start3A_603] : memref<16384x1024xi32, #tpu.memory_space<hbm>> -> memref<16384x1024xi32, #tpu.memory_space<hbm>>
    tpu.enqueue_indirect_dma source(%arg9 : memref<32x1024xi32, #tpu.memory_space<vmem>>) target(%dma_start3A_604 : memref<16384x1024xi32, #tpu.memory_space<hbm>>) offsets(%dma_start3A_601 : memref<32xi32, #tpu.memory_space<vmem>>) semaphore(%arg13 : memref<!tpu.dma_semaphore, #tpu.memory_space<semaphore_mem>>)
    %dma_wait3A_605 = arith.constant 13 : i32
    %dma_wait3A_606 = arith.constant 0 : i32
    %dma_wait3A_607 = tpu.memref_slice %arg7[%dma_wait3A_605, %dma_wait3A_606] : memref<16x32xi32, #tpu.memory_space<vmem>> -> memref<1x32xi32, #tpu.memory_space<vmem>>
    %dma_wait3A_608 = tpu.memref_squeeze %dma_wait3A_607 : memref<1x32xi32, #tpu.memory_space<vmem>> -> memref<32xi32, #tpu.memory_space<vmem>>
    %dma_wait3A_609 = arith.constant 0 : i32
    %dma_wait3A_610 = arith.constant 0 : i32
    %dma_wait3A_611 = tpu.memref_slice %arg4[%dma_wait3A_609, %dma_wait3A_610] : memref<16384x1024xi32, #tpu.memory_space<hbm>> -> memref<16384x1024xi32, #tpu.memory_space<hbm>>
    tpu.wait_indirect_dma semaphore(%arg13 : memref<!tpu.dma_semaphore, #tpu.memory_space<semaphore_mem>>) src(%arg9 : memref<32x1024xi32, #tpu.memory_space<vmem>>) dst(%dma_wait3A_611 : memref<16384x1024xi32, #tpu.memory_space<hbm>>)
    %add3A_612 = arith.constant 480 : i32
    %add3A_613 = arith.addi %mul3A_2, %add3A_612 : i32
    %add3A_614 = vector.broadcast %add3A_613 : i32 to vector<16xi32>
    %add3A_615 = arith.addi %add3A_614, %iota3A : vector<16xi32>
    %shift_right_logical3A_616 = arith.constant 1 : i32
    %shift_right_logical3A_617 = vector.broadcast %shift_right_logical3A_616 : i32 to vector<16xi32>
    %shift_right_logical3A_618 = arith.shrui %add3A_615, %shift_right_logical3A_617 : vector<16xi32>
    %swap3A_619 = arith.constant 0 : index
    %swap3A_620 = tpu.vector_load %arg6[%swap3A_619] {strides = array<i32>} : memref<32xi32, #tpu.memory_space<vmem>>, vector<16xi32>,
    %swap3A_621 = vector.shape_cast %swap3A_620 : vector<16xi32> to vector<16xi32>
    %swap3A_622 = vector.shape_cast %shift_right_logical3A_618 : vector<16xi32> to vector<16xi32>
    tpu.vector_store %arg6[%swap3A_619], %swap3A_622 {strides = array<i32>} : memref<32xi32, #tpu.memory_space<vmem>>, vector<16xi32>,
    %add3A_623 = arith.constant 16 : i32
    %add3A_624 = arith.addi %add3A_613, %add3A_623 : i32
    %add3A_625 = vector.broadcast %add3A_624 : i32 to vector<16xi32>
    %add3A_626 = arith.addi %add3A_625, %iota3A : vector<16xi32>
    %shift_right_logical3A_627 = arith.constant 1 : i32
    %shift_right_logical3A_628 = vector.broadcast %shift_right_logical3A_627 : i32 to vector<16xi32>
    %shift_right_logical3A_629 = arith.shrui %add3A_626, %shift_right_logical3A_628 : vector<16xi32>
    %swap3A_630 = arith.constant 16 : index
    %swap3A_631 = tpu.vector_load %arg6[%swap3A_630] {strides = array<i32>} : memref<32xi32, #tpu.memory_space<vmem>>, vector<16xi32>,
    %swap3A_632 = vector.shape_cast %swap3A_631 : vector<16xi32> to vector<16xi32>
    %swap3A_633 = vector.shape_cast %shift_right_logical3A_629 : vector<16xi32> to vector<16xi32>
    tpu.vector_store %arg6[%swap3A_630], %swap3A_633 {strides = array<i32>} : memref<32xi32, #tpu.memory_space<vmem>>, vector<16xi32>,
    %dma_start3A_634 = arith.constant 0 : i32
    %dma_start3A_635 = arith.constant 0 : i32
    %dma_start3A_636 = tpu.memref_slice %arg2[%dma_start3A_634, %dma_start3A_635] : memref<8192x1024xi32, #tpu.memory_space<hbm>> -> memref<8192x1024xi32, #tpu.memory_space<hbm>>
    tpu.enqueue_indirect_dma source(%dma_start3A_636 : memref<8192x1024xi32, #tpu.memory_space<hbm>>) target(%arg9 : memref<32x1024xi32, #tpu.memory_space<vmem>>) offsets(%arg6 : memref<32xi32, #tpu.memory_space<vmem>>) semaphore(%arg11 : memref<!tpu.dma_semaphore, #tpu.memory_space<semaphore_mem>>)
    %dma_wait3A_637 = arith.constant 0 : i32
    %dma_wait3A_638 = arith.constant 0 : i32
    %dma_wait3A_639 = tpu.memref_slice %arg2[%dma_wait3A_637, %dma_wait3A_638] : memref<8192x1024xi32, #tpu.memory_space<hbm>> -> memref<8192x1024xi32, #tpu.memory_space<hbm>>
    tpu.wait_indirect_dma semaphore(%arg10 : memref<!tpu.dma_semaphore, #tpu.memory_space<semaphore_mem>>) src(%dma_wait3A_639 : memref<8192x1024xi32, #tpu.memory_space<hbm>>) dst(%arg8 : memref<32x1024xi32, #tpu.memory_space<vmem>>)
    %dma_start3A_640 = arith.constant 14 : i32
    %dma_start3A_641 = arith.constant 0 : i32
    %dma_start3A_642 = tpu.memref_slice %arg7[%dma_start3A_640, %dma_start3A_641] : memref<16x32xi32, #tpu.memory_space<vmem>> -> memref<1x32xi32, #tpu.memory_space<vmem>>
    %dma_start3A_643 = tpu.memref_squeeze %dma_start3A_642 : memref<1x32xi32, #tpu.memory_space<vmem>> -> memref<32xi32, #tpu.memory_space<vmem>>
    %dma_start3A_644 = arith.constant 0 : i32
    %dma_start3A_645 = arith.constant 0 : i32
    %dma_start3A_646 = tpu.memref_slice %arg4[%dma_start3A_644, %dma_start3A_645] : memref<16384x1024xi32, #tpu.memory_space<hbm>> -> memref<16384x1024xi32, #tpu.memory_space<hbm>>
    tpu.enqueue_indirect_dma source(%arg8 : memref<32x1024xi32, #tpu.memory_space<vmem>>) target(%dma_start3A_646 : memref<16384x1024xi32, #tpu.memory_space<hbm>>) offsets(%dma_start3A_643 : memref<32xi32, #tpu.memory_space<vmem>>) semaphore(%arg12 : memref<!tpu.dma_semaphore, #tpu.memory_space<semaphore_mem>>)
    %dma_wait3A_647 = arith.constant 0 : i32
    %dma_wait3A_648 = arith.constant 0 : i32
    %dma_wait3A_649 = tpu.memref_slice %arg2[%dma_wait3A_647, %dma_wait3A_648] : memref<8192x1024xi32, #tpu.memory_space<hbm>> -> memref<8192x1024xi32, #tpu.memory_space<hbm>>
    tpu.wait_indirect_dma semaphore(%arg11 : memref<!tpu.dma_semaphore, #tpu.memory_space<semaphore_mem>>) src(%dma_wait3A_649 : memref<8192x1024xi32, #tpu.memory_space<hbm>>) dst(%arg9 : memref<32x1024xi32, #tpu.memory_space<vmem>>)
    %dma_start3A_650 = arith.constant 15 : i32
    %dma_start3A_651 = arith.constant 0 : i32
    %dma_start3A_652 = tpu.memref_slice %arg7[%dma_start3A_650, %dma_start3A_651] : memref<16x32xi32, #tpu.memory_space<vmem>> -> memref<1x32xi32, #tpu.memory_space<vmem>>
    %dma_start3A_653 = tpu.memref_squeeze %dma_start3A_652 : memref<1x32xi32, #tpu.memory_space<vmem>> -> memref<32xi32, #tpu.memory_space<vmem>>
    %dma_start3A_654 = arith.constant 0 : i32
    %dma_start3A_655 = arith.constant 0 : i32
    %dma_start3A_656 = tpu.memref_slice %arg4[%dma_start3A_654, %dma_start3A_655] : memref<16384x1024xi32, #tpu.memory_space<hbm>> -> memref<16384x1024xi32, #tpu.memory_space<hbm>>
    tpu.enqueue_indirect_dma source(%arg9 : memref<32x1024xi32, #tpu.memory_space<vmem>>) target(%dma_start3A_656 : memref<16384x1024xi32, #tpu.memory_space<hbm>>) offsets(%dma_start3A_653 : memref<32xi32, #tpu.memory_space<vmem>>) semaphore(%arg13 : memref<!tpu.dma_semaphore, #tpu.memory_space<semaphore_mem>>)
    %dma_wait3A_657 = arith.constant 15 : i32
    %dma_wait3A_658 = arith.constant 0 : i32
    %dma_wait3A_659 = tpu.memref_slice %arg7[%dma_wait3A_657, %dma_wait3A_658] : memref<16x32xi32, #tpu.memory_space<vmem>> -> memref<1x32xi32, #tpu.memory_space<vmem>>
    %dma_wait3A_660 = tpu.memref_squeeze %dma_wait3A_659 : memref<1x32xi32, #tpu.memory_space<vmem>> -> memref<32xi32, #tpu.memory_space<vmem>>
    %dma_wait3A_661 = arith.constant 0 : i32
    %dma_wait3A_662 = arith.constant 0 : i32
    %dma_wait3A_663 = tpu.memref_slice %arg4[%dma_wait3A_661, %dma_wait3A_662] : memref<16384x1024xi32, #tpu.memory_space<hbm>> -> memref<16384x1024xi32, #tpu.memory_space<hbm>>
    tpu.wait_indirect_dma semaphore(%arg13 : memref<!tpu.dma_semaphore, #tpu.memory_space<semaphore_mem>>) src(%arg9 : memref<32x1024xi32, #tpu.memory_space<vmem>>) dst(%dma_wait3A_663 : memref<16384x1024xi32, #tpu.memory_space<hbm>>)
    %dma_wait3A_664 = arith.constant 14 : i32
    %dma_wait3A_665 = arith.constant 0 : i32
    %dma_wait3A_666 = tpu.memref_slice %arg7[%dma_wait3A_664, %dma_wait3A_665] : memref<16x32xi32, #tpu.memory_space<vmem>> -> memref<1x32xi32, #tpu.memory_space<vmem>>
    %dma_wait3A_667 = tpu.memref_squeeze %dma_wait3A_666 : memref<1x32xi32, #tpu.memory_space<vmem>> -> memref<32xi32, #tpu.memory_space<vmem>>
    %dma_wait3A_668 = arith.constant 0 : i32
    %dma_wait3A_669 = arith.constant 0 : i32
    %dma_wait3A_670 = tpu.memref_slice %arg4[%dma_wait3A_668, %dma_wait3A_669] : memref<16384x1024xi32, #tpu.memory_space<hbm>> -> memref<16384x1024xi32, #tpu.memory_space<hbm>>
    tpu.wait_indirect_dma semaphore(%arg12 : memref<!tpu.dma_semaphore, #tpu.memory_space<semaphore_mem>>) src(%arg8 : memref<32x1024xi32, #tpu.memory_space<vmem>>) dst(%dma_wait3A_670 : memref<16384x1024xi32, #tpu.memory_space<hbm>>)
    return
  }
}

#map = affine_map<(d0, d1) -> (0, 0)>
#map1 = affine_map<(d0, d1) -> (0, 0, 0)>
module attributes {stable_mosaic.version = 14 : i64} {
  func.func @_gatherj_body(%arg0: i32, %arg1: i32, %arg2: memref<16384x1024xi32, #tpu.memory_space<hbm>>, %arg3: memref<32x16x32xi32, #tpu.memory_space<hbm>>, %arg4: memref<16384x1024xi32, #tpu.memory_space<hbm>>, %arg5: memref<16x32xi32, #tpu.memory_space<vmem>>, %arg6: memref<32x1024xi32, #tpu.memory_space<vmem>>, %arg7: memref<32x1024xi32, #tpu.memory_space<vmem>>, %arg8: memref<!tpu.dma_semaphore, #tpu.memory_space<semaphore_mem>>, %arg9: memref<!tpu.dma_semaphore, #tpu.memory_space<semaphore_mem>>, %arg10: memref<!tpu.dma_semaphore, #tpu.memory_space<semaphore_mem>>, %arg11: memref<!tpu.dma_semaphore, #tpu.memory_space<semaphore_mem>>) attributes {dimension_semantics = [#tpu.dimension_semantics<core_parallel>, #tpu.dimension_semantics<subcore_parallel>], iteration_bounds = array<i64: 2, 16>, scalar_prefetch = 0 : i64, scratch_operands = 7 : i64, tpu.core_type = #tpu.core_type<sc_vector_subcore>, window_params = [{transform_indices = #map}, {transform_indices = #map1}, {transform_indices = #map}]} {
    %mul3A = arith.constant 2 : i32
    %mul3A_0 = arith.muli %arg1, %mul3A : i32
    %add3A = arith.addi %mul3A_0, %arg0 : i32
    %mul3A_1 = arith.constant 512 : i32
    %mul3A_2 = arith.muli %add3A, %mul3A_1 : i32
    "tpu.region"() ({
      %run_scoped3A = tpu.sem_alloc : memref<!tpu.dma_semaphore, #tpu.memory_space<semaphore_mem>>
      %dma_start3A_385 = arith.constant 0 : i32
      %dma_start3A_386 = arith.constant 0 : i32
      %dma_start3A_387 = tpu.memref_slice %arg3[%add3A, %dma_start3A_385, %dma_start3A_386] : memref<32x16x32xi32, #tpu.memory_space<hbm>> -> memref<1x16x32xi32, #tpu.memory_space<hbm>>
      %dma_start3A_388 = tpu.memref_squeeze %dma_start3A_387 : memref<1x16x32xi32, #tpu.memory_space<hbm>> -> memref<16x32xi32, #tpu.memory_space<hbm>>
      %dma_start3A_389 = arith.constant 0 : i32
      %dma_start3A_390 = arith.constant 0 : i32
      %dma_start3A_391 = tpu.memref_slice %arg3[%add3A, %dma_start3A_389, %dma_start3A_390] : memref<32x16x32xi32, #tpu.memory_space<hbm>> -> memref<1x16x32xi32, #tpu.memory_space<hbm>>
      %dma_start3A_392 = tpu.memref_squeeze %dma_start3A_391 : memref<1x16x32xi32, #tpu.memory_space<hbm>> -> memref<16x32xi32, #tpu.memory_space<hbm>>
      tpu.enqueue_dma source(%dma_start3A_392 : memref<16x32xi32, #tpu.memory_space<hbm>>) target(%arg5 : memref<16x32xi32, #tpu.memory_space<vmem>>) target_semaphore(%run_scoped3A : memref<!tpu.dma_semaphore, #tpu.memory_space<semaphore_mem>>)
      %dma_wait3A_393 = arith.constant 0 : i32
      %dma_wait3A_394 = arith.constant 0 : i32
      %dma_wait3A_395 = tpu.memref_slice %arg3[%add3A, %dma_wait3A_393, %dma_wait3A_394] : memref<32x16x32xi32, #tpu.memory_space<hbm>> -> memref<1x16x32xi32, #tpu.memory_space<hbm>>
      %dma_wait3A_396 = tpu.memref_squeeze %dma_wait3A_395 : memref<1x16x32xi32, #tpu.memory_space<hbm>> -> memref<16x32xi32, #tpu.memory_space<hbm>>
      %dma_wait3A_397 = arith.constant 0 : i32
      %dma_wait3A_398 = arith.constant 0 : i32
      %dma_wait3A_399 = tpu.memref_slice %arg3[%add3A, %dma_wait3A_397, %dma_wait3A_398] : memref<32x16x32xi32, #tpu.memory_space<hbm>> -> memref<1x16x32xi32, #tpu.memory_space<hbm>>
      %dma_wait3A_400 = tpu.memref_squeeze %dma_wait3A_399 : memref<1x16x32xi32, #tpu.memory_space<hbm>> -> memref<16x32xi32, #tpu.memory_space<hbm>>
      tpu.wait_dma2 semaphore(%run_scoped3A : memref<!tpu.dma_semaphore, #tpu.memory_space<semaphore_mem>>) src(%dma_wait3A_400 : memref<16x32xi32, #tpu.memory_space<hbm>>) dst(%arg5 : memref<16x32xi32, #tpu.memory_space<vmem>>)
      tpu.yield
    }) : () -> ()
    %dma_start3A = arith.constant 0 : i32
    %dma_start3A_3 = arith.constant 0 : i32
    %dma_start3A_4 = tpu.memref_slice %arg5[%dma_start3A, %dma_start3A_3] : memref<16x32xi32, #tpu.memory_space<vmem>> -> memref<1x32xi32, #tpu.memory_space<vmem>>
    %dma_start3A_5 = tpu.memref_squeeze %dma_start3A_4 : memref<1x32xi32, #tpu.memory_space<vmem>> -> memref<32xi32, #tpu.memory_space<vmem>>
    %dma_start3A_6 = arith.constant 0 : i32
    %dma_start3A_7 = arith.constant 0 : i32
    %dma_start3A_8 = tpu.memref_slice %arg2[%dma_start3A_6, %dma_start3A_7] : memref<16384x1024xi32, #tpu.memory_space<hbm>> -> memref<16384x1024xi32, #tpu.memory_space<hbm>>
    tpu.enqueue_indirect_dma source(%dma_start3A_8 : memref<16384x1024xi32, #tpu.memory_space<hbm>>) target(%arg6 : memref<32x1024xi32, #tpu.memory_space<vmem>>) offsets(%dma_start3A_5 : memref<32xi32, #tpu.memory_space<vmem>>) semaphore(%arg8 : memref<!tpu.dma_semaphore, #tpu.memory_space<semaphore_mem>>)
    %dma_start3A_9 = arith.constant 1 : i32
    %dma_start3A_10 = arith.constant 0 : i32
    %dma_start3A_11 = tpu.memref_slice %arg5[%dma_start3A_9, %dma_start3A_10] : memref<16x32xi32, #tpu.memory_space<vmem>> -> memref<1x32xi32, #tpu.memory_space<vmem>>
    %dma_start3A_12 = tpu.memref_squeeze %dma_start3A_11 : memref<1x32xi32, #tpu.memory_space<vmem>> -> memref<32xi32, #tpu.memory_space<vmem>>
    %dma_start3A_13 = arith.constant 0 : i32
    %dma_start3A_14 = arith.constant 0 : i32
    %dma_start3A_15 = tpu.memref_slice %arg2[%dma_start3A_13, %dma_start3A_14] : memref<16384x1024xi32, #tpu.memory_space<hbm>> -> memref<16384x1024xi32, #tpu.memory_space<hbm>>
    tpu.enqueue_indirect_dma source(%dma_start3A_15 : memref<16384x1024xi32, #tpu.memory_space<hbm>>) target(%arg7 : memref<32x1024xi32, #tpu.memory_space<vmem>>) offsets(%dma_start3A_12 : memref<32xi32, #tpu.memory_space<vmem>>) semaphore(%arg9 : memref<!tpu.dma_semaphore, #tpu.memory_space<semaphore_mem>>)
    %dma_wait3A = arith.constant 0 : i32
    %dma_wait3A_16 = arith.constant 0 : i32
    %dma_wait3A_17 = tpu.memref_slice %arg5[%dma_wait3A, %dma_wait3A_16] : memref<16x32xi32, #tpu.memory_space<vmem>> -> memref<1x32xi32, #tpu.memory_space<vmem>>
    %dma_wait3A_18 = tpu.memref_squeeze %dma_wait3A_17 : memref<1x32xi32, #tpu.memory_space<vmem>> -> memref<32xi32, #tpu.memory_space<vmem>>
    %dma_wait3A_19 = arith.constant 0 : i32
    %dma_wait3A_20 = arith.constant 0 : i32
    %dma_wait3A_21 = tpu.memref_slice %arg2[%dma_wait3A_19, %dma_wait3A_20] : memref<16384x1024xi32, #tpu.memory_space<hbm>> -> memref<16384x1024xi32, #tpu.memory_space<hbm>>
    tpu.wait_indirect_dma semaphore(%arg8 : memref<!tpu.dma_semaphore, #tpu.memory_space<semaphore_mem>>) src(%dma_wait3A_21 : memref<16384x1024xi32, #tpu.memory_space<hbm>>) dst(%arg6 : memref<32x1024xi32, #tpu.memory_space<vmem>>)
    %add3A_22 = arith.constant 0 : i32
    %add3A_23 = arith.addi %mul3A_2, %add3A_22 : i32
    %dma_start3A_24 = arith.constant 0 : i32
    %dma_start3A_25 = tpu.memref_slice %arg4[%add3A_23, %dma_start3A_24] : memref<16384x1024xi32, #tpu.memory_space<hbm>> -> memref<32x1024xi32, #tpu.memory_space<hbm>>
    %dma_start3A_26 = arith.constant 0 : i32
    %dma_start3A_27 = tpu.memref_slice %arg4[%add3A_23, %dma_start3A_26] : memref<16384x1024xi32, #tpu.memory_space<hbm>> -> memref<32x1024xi32, #tpu.memory_space<hbm>>
    tpu.enqueue_dma source(%arg6 : memref<32x1024xi32, #tpu.memory_space<vmem>>) target(%dma_start3A_27 : memref<32x1024xi32, #tpu.memory_space<hbm>>) target_semaphore(%arg10 : memref<!tpu.dma_semaphore, #tpu.memory_space<semaphore_mem>>)
    %dma_wait3A_28 = arith.constant 0 : i32
    %dma_wait3A_29 = tpu.memref_slice %arg4[%add3A_23, %dma_wait3A_28] : memref<16384x1024xi32, #tpu.memory_space<hbm>> -> memref<32x1024xi32, #tpu.memory_space<hbm>>
    %dma_wait3A_30 = arith.constant 0 : i32
    %dma_wait3A_31 = tpu.memref_slice %arg4[%add3A_23, %dma_wait3A_30] : memref<16384x1024xi32, #tpu.memory_space<hbm>> -> memref<32x1024xi32, #tpu.memory_space<hbm>>
    tpu.wait_dma2 semaphore(%arg10 : memref<!tpu.dma_semaphore, #tpu.memory_space<semaphore_mem>>) src(%arg6 : memref<32x1024xi32, #tpu.memory_space<vmem>>) dst(%dma_wait3A_31 : memref<32x1024xi32, #tpu.memory_space<hbm>>)
    %dma_start3A_32 = arith.constant 2 : i32
    %dma_start3A_33 = arith.constant 0 : i32
    %dma_start3A_34 = tpu.memref_slice %arg5[%dma_start3A_32, %dma_start3A_33] : memref<16x32xi32, #tpu.memory_space<vmem>> -> memref<1x32xi32, #tpu.memory_space<vmem>>
    %dma_start3A_35 = tpu.memref_squeeze %dma_start3A_34 : memref<1x32xi32, #tpu.memory_space<vmem>> -> memref<32xi32, #tpu.memory_space<vmem>>
    %dma_start3A_36 = arith.constant 0 : i32
    %dma_start3A_37 = arith.constant 0 : i32
    %dma_start3A_38 = tpu.memref_slice %arg2[%dma_start3A_36, %dma_start3A_37] : memref<16384x1024xi32, #tpu.memory_space<hbm>> -> memref<16384x1024xi32, #tpu.memory_space<hbm>>
    tpu.enqueue_indirect_dma source(%dma_start3A_38 : memref<16384x1024xi32, #tpu.memory_space<hbm>>) target(%arg6 : memref<32x1024xi32, #tpu.memory_space<vmem>>) offsets(%dma_start3A_35 : memref<32xi32, #tpu.memory_space<vmem>>) semaphore(%arg8 : memref<!tpu.dma_semaphore, #tpu.memory_space<semaphore_mem>>)
    %dma_wait3A_39 = arith.constant 1 : i32
    %dma_wait3A_40 = arith.constant 0 : i32
    %dma_wait3A_41 = tpu.memref_slice %arg5[%dma_wait3A_39, %dma_wait3A_40] : memref<16x32xi32, #tpu.memory_space<vmem>> -> memref<1x32xi32, #tpu.memory_space<vmem>>
    %dma_wait3A_42 = tpu.memref_squeeze %dma_wait3A_41 : memref<1x32xi32, #tpu.memory_space<vmem>> -> memref<32xi32, #tpu.memory_space<vmem>>
    %dma_wait3A_43 = arith.constant 0 : i32
    %dma_wait3A_44 = arith.constant 0 : i32
    %dma_wait3A_45 = tpu.memref_slice %arg2[%dma_wait3A_43, %dma_wait3A_44] : memref<16384x1024xi32, #tpu.memory_space<hbm>> -> memref<16384x1024xi32, #tpu.memory_space<hbm>>
    tpu.wait_indirect_dma semaphore(%arg9 : memref<!tpu.dma_semaphore, #tpu.memory_space<semaphore_mem>>) src(%dma_wait3A_45 : memref<16384x1024xi32, #tpu.memory_space<hbm>>) dst(%arg7 : memref<32x1024xi32, #tpu.memory_space<vmem>>)
    %add3A_46 = arith.constant 32 : i32
    %add3A_47 = arith.addi %mul3A_2, %add3A_46 : i32
    %dma_start3A_48 = arith.constant 0 : i32
    %dma_start3A_49 = tpu.memref_slice %arg4[%add3A_47, %dma_start3A_48] : memref<16384x1024xi32, #tpu.memory_space<hbm>> -> memref<32x1024xi32, #tpu.memory_space<hbm>>
    %dma_start3A_50 = arith.constant 0 : i32
    %dma_start3A_51 = tpu.memref_slice %arg4[%add3A_47, %dma_start3A_50] : memref<16384x1024xi32, #tpu.memory_space<hbm>> -> memref<32x1024xi32, #tpu.memory_space<hbm>>
    tpu.enqueue_dma source(%arg7 : memref<32x1024xi32, #tpu.memory_space<vmem>>) target(%dma_start3A_51 : memref<32x1024xi32, #tpu.memory_space<hbm>>) target_semaphore(%arg11 : memref<!tpu.dma_semaphore, #tpu.memory_space<semaphore_mem>>)
    %dma_wait3A_52 = arith.constant 0 : i32
    %dma_wait3A_53 = tpu.memref_slice %arg4[%add3A_47, %dma_wait3A_52] : memref<16384x1024xi32, #tpu.memory_space<hbm>> -> memref<32x1024xi32, #tpu.memory_space<hbm>>
    %dma_wait3A_54 = arith.constant 0 : i32
    %dma_wait3A_55 = tpu.memref_slice %arg4[%add3A_47, %dma_wait3A_54] : memref<16384x1024xi32, #tpu.memory_space<hbm>> -> memref<32x1024xi32, #tpu.memory_space<hbm>>
    tpu.wait_dma2 semaphore(%arg11 : memref<!tpu.dma_semaphore, #tpu.memory_space<semaphore_mem>>) src(%arg7 : memref<32x1024xi32, #tpu.memory_space<vmem>>) dst(%dma_wait3A_55 : memref<32x1024xi32, #tpu.memory_space<hbm>>)
    %dma_start3A_56 = arith.constant 3 : i32
    %dma_start3A_57 = arith.constant 0 : i32
    %dma_start3A_58 = tpu.memref_slice %arg5[%dma_start3A_56, %dma_start3A_57] : memref<16x32xi32, #tpu.memory_space<vmem>> -> memref<1x32xi32, #tpu.memory_space<vmem>>
    %dma_start3A_59 = tpu.memref_squeeze %dma_start3A_58 : memref<1x32xi32, #tpu.memory_space<vmem>> -> memref<32xi32, #tpu.memory_space<vmem>>
    %dma_start3A_60 = arith.constant 0 : i32
    %dma_start3A_61 = arith.constant 0 : i32
    %dma_start3A_62 = tpu.memref_slice %arg2[%dma_start3A_60, %dma_start3A_61] : memref<16384x1024xi32, #tpu.memory_space<hbm>> -> memref<16384x1024xi32, #tpu.memory_space<hbm>>
    tpu.enqueue_indirect_dma source(%dma_start3A_62 : memref<16384x1024xi32, #tpu.memory_space<hbm>>) target(%arg7 : memref<32x1024xi32, #tpu.memory_space<vmem>>) offsets(%dma_start3A_59 : memref<32xi32, #tpu.memory_space<vmem>>) semaphore(%arg9 : memref<!tpu.dma_semaphore, #tpu.memory_space<semaphore_mem>>)
    %dma_wait3A_63 = arith.constant 2 : i32
    %dma_wait3A_64 = arith.constant 0 : i32
    %dma_wait3A_65 = tpu.memref_slice %arg5[%dma_wait3A_63, %dma_wait3A_64] : memref<16x32xi32, #tpu.memory_space<vmem>> -> memref<1x32xi32, #tpu.memory_space<vmem>>
    %dma_wait3A_66 = tpu.memref_squeeze %dma_wait3A_65 : memref<1x32xi32, #tpu.memory_space<vmem>> -> memref<32xi32, #tpu.memory_space<vmem>>
    %dma_wait3A_67 = arith.constant 0 : i32
    %dma_wait3A_68 = arith.constant 0 : i32
    %dma_wait3A_69 = tpu.memref_slice %arg2[%dma_wait3A_67, %dma_wait3A_68] : memref<16384x1024xi32, #tpu.memory_space<hbm>> -> memref<16384x1024xi32, #tpu.memory_space<hbm>>
    tpu.wait_indirect_dma semaphore(%arg8 : memref<!tpu.dma_semaphore, #tpu.memory_space<semaphore_mem>>) src(%dma_wait3A_69 : memref<16384x1024xi32, #tpu.memory_space<hbm>>) dst(%arg6 : memref<32x1024xi32, #tpu.memory_space<vmem>>)
    %add3A_70 = arith.constant 64 : i32
    %add3A_71 = arith.addi %mul3A_2, %add3A_70 : i32
    %dma_start3A_72 = arith.constant 0 : i32
    %dma_start3A_73 = tpu.memref_slice %arg4[%add3A_71, %dma_start3A_72] : memref<16384x1024xi32, #tpu.memory_space<hbm>> -> memref<32x1024xi32, #tpu.memory_space<hbm>>
    %dma_start3A_74 = arith.constant 0 : i32
    %dma_start3A_75 = tpu.memref_slice %arg4[%add3A_71, %dma_start3A_74] : memref<16384x1024xi32, #tpu.memory_space<hbm>> -> memref<32x1024xi32, #tpu.memory_space<hbm>>
    tpu.enqueue_dma source(%arg6 : memref<32x1024xi32, #tpu.memory_space<vmem>>) target(%dma_start3A_75 : memref<32x1024xi32, #tpu.memory_space<hbm>>) target_semaphore(%arg10 : memref<!tpu.dma_semaphore, #tpu.memory_space<semaphore_mem>>)
    %dma_wait3A_76 = arith.constant 0 : i32
    %dma_wait3A_77 = tpu.memref_slice %arg4[%add3A_71, %dma_wait3A_76] : memref<16384x1024xi32, #tpu.memory_space<hbm>> -> memref<32x1024xi32, #tpu.memory_space<hbm>>
    %dma_wait3A_78 = arith.constant 0 : i32
    %dma_wait3A_79 = tpu.memref_slice %arg4[%add3A_71, %dma_wait3A_78] : memref<16384x1024xi32, #tpu.memory_space<hbm>> -> memref<32x1024xi32, #tpu.memory_space<hbm>>
    tpu.wait_dma2 semaphore(%arg10 : memref<!tpu.dma_semaphore, #tpu.memory_space<semaphore_mem>>) src(%arg6 : memref<32x1024xi32, #tpu.memory_space<vmem>>) dst(%dma_wait3A_79 : memref<32x1024xi32, #tpu.memory_space<hbm>>)
    %dma_start3A_80 = arith.constant 4 : i32
    %dma_start3A_81 = arith.constant 0 : i32
    %dma_start3A_82 = tpu.memref_slice %arg5[%dma_start3A_80, %dma_start3A_81] : memref<16x32xi32, #tpu.memory_space<vmem>> -> memref<1x32xi32, #tpu.memory_space<vmem>>
    %dma_start3A_83 = tpu.memref_squeeze %dma_start3A_82 : memref<1x32xi32, #tpu.memory_space<vmem>> -> memref<32xi32, #tpu.memory_space<vmem>>
    %dma_start3A_84 = arith.constant 0 : i32
    %dma_start3A_85 = arith.constant 0 : i32
    %dma_start3A_86 = tpu.memref_slice %arg2[%dma_start3A_84, %dma_start3A_85] : memref<16384x1024xi32, #tpu.memory_space<hbm>> -> memref<16384x1024xi32, #tpu.memory_space<hbm>>
    tpu.enqueue_indirect_dma source(%dma_start3A_86 : memref<16384x1024xi32, #tpu.memory_space<hbm>>) target(%arg6 : memref<32x1024xi32, #tpu.memory_space<vmem>>) offsets(%dma_start3A_83 : memref<32xi32, #tpu.memory_space<vmem>>) semaphore(%arg8 : memref<!tpu.dma_semaphore, #tpu.memory_space<semaphore_mem>>)
    %dma_wait3A_87 = arith.constant 3 : i32
    %dma_wait3A_88 = arith.constant 0 : i32
    %dma_wait3A_89 = tpu.memref_slice %arg5[%dma_wait3A_87, %dma_wait3A_88] : memref<16x32xi32, #tpu.memory_space<vmem>> -> memref<1x32xi32, #tpu.memory_space<vmem>>
    %dma_wait3A_90 = tpu.memref_squeeze %dma_wait3A_89 : memref<1x32xi32, #tpu.memory_space<vmem>> -> memref<32xi32, #tpu.memory_space<vmem>>
    %dma_wait3A_91 = arith.constant 0 : i32
    %dma_wait3A_92 = arith.constant 0 : i32
    %dma_wait3A_93 = tpu.memref_slice %arg2[%dma_wait3A_91, %dma_wait3A_92] : memref<16384x1024xi32, #tpu.memory_space<hbm>> -> memref<16384x1024xi32, #tpu.memory_space<hbm>>
    tpu.wait_indirect_dma semaphore(%arg9 : memref<!tpu.dma_semaphore, #tpu.memory_space<semaphore_mem>>) src(%dma_wait3A_93 : memref<16384x1024xi32, #tpu.memory_space<hbm>>) dst(%arg7 : memref<32x1024xi32, #tpu.memory_space<vmem>>)
    %add3A_94 = arith.constant 96 : i32
    %add3A_95 = arith.addi %mul3A_2, %add3A_94 : i32
    %dma_start3A_96 = arith.constant 0 : i32
    %dma_start3A_97 = tpu.memref_slice %arg4[%add3A_95, %dma_start3A_96] : memref<16384x1024xi32, #tpu.memory_space<hbm>> -> memref<32x1024xi32, #tpu.memory_space<hbm>>
    %dma_start3A_98 = arith.constant 0 : i32
    %dma_start3A_99 = tpu.memref_slice %arg4[%add3A_95, %dma_start3A_98] : memref<16384x1024xi32, #tpu.memory_space<hbm>> -> memref<32x1024xi32, #tpu.memory_space<hbm>>
    tpu.enqueue_dma source(%arg7 : memref<32x1024xi32, #tpu.memory_space<vmem>>) target(%dma_start3A_99 : memref<32x1024xi32, #tpu.memory_space<hbm>>) target_semaphore(%arg11 : memref<!tpu.dma_semaphore, #tpu.memory_space<semaphore_mem>>)
    %dma_wait3A_100 = arith.constant 0 : i32
    %dma_wait3A_101 = tpu.memref_slice %arg4[%add3A_95, %dma_wait3A_100] : memref<16384x1024xi32, #tpu.memory_space<hbm>> -> memref<32x1024xi32, #tpu.memory_space<hbm>>
    %dma_wait3A_102 = arith.constant 0 : i32
    %dma_wait3A_103 = tpu.memref_slice %arg4[%add3A_95, %dma_wait3A_102] : memref<16384x1024xi32, #tpu.memory_space<hbm>> -> memref<32x1024xi32, #tpu.memory_space<hbm>>
    tpu.wait_dma2 semaphore(%arg11 : memref<!tpu.dma_semaphore, #tpu.memory_space<semaphore_mem>>) src(%arg7 : memref<32x1024xi32, #tpu.memory_space<vmem>>) dst(%dma_wait3A_103 : memref<32x1024xi32, #tpu.memory_space<hbm>>)
    %dma_start3A_104 = arith.constant 5 : i32
    %dma_start3A_105 = arith.constant 0 : i32
    %dma_start3A_106 = tpu.memref_slice %arg5[%dma_start3A_104, %dma_start3A_105] : memref<16x32xi32, #tpu.memory_space<vmem>> -> memref<1x32xi32, #tpu.memory_space<vmem>>
    %dma_start3A_107 = tpu.memref_squeeze %dma_start3A_106 : memref<1x32xi32, #tpu.memory_space<vmem>> -> memref<32xi32, #tpu.memory_space<vmem>>
    %dma_start3A_108 = arith.constant 0 : i32
    %dma_start3A_109 = arith.constant 0 : i32
    %dma_start3A_110 = tpu.memref_slice %arg2[%dma_start3A_108, %dma_start3A_109] : memref<16384x1024xi32, #tpu.memory_space<hbm>> -> memref<16384x1024xi32, #tpu.memory_space<hbm>>
    tpu.enqueue_indirect_dma source(%dma_start3A_110 : memref<16384x1024xi32, #tpu.memory_space<hbm>>) target(%arg7 : memref<32x1024xi32, #tpu.memory_space<vmem>>) offsets(%dma_start3A_107 : memref<32xi32, #tpu.memory_space<vmem>>) semaphore(%arg9 : memref<!tpu.dma_semaphore, #tpu.memory_space<semaphore_mem>>)
    %dma_wait3A_111 = arith.constant 4 : i32
    %dma_wait3A_112 = arith.constant 0 : i32
    %dma_wait3A_113 = tpu.memref_slice %arg5[%dma_wait3A_111, %dma_wait3A_112] : memref<16x32xi32, #tpu.memory_space<vmem>> -> memref<1x32xi32, #tpu.memory_space<vmem>>
    %dma_wait3A_114 = tpu.memref_squeeze %dma_wait3A_113 : memref<1x32xi32, #tpu.memory_space<vmem>> -> memref<32xi32, #tpu.memory_space<vmem>>
    %dma_wait3A_115 = arith.constant 0 : i32
    %dma_wait3A_116 = arith.constant 0 : i32
    %dma_wait3A_117 = tpu.memref_slice %arg2[%dma_wait3A_115, %dma_wait3A_116] : memref<16384x1024xi32, #tpu.memory_space<hbm>> -> memref<16384x1024xi32, #tpu.memory_space<hbm>>
    tpu.wait_indirect_dma semaphore(%arg8 : memref<!tpu.dma_semaphore, #tpu.memory_space<semaphore_mem>>) src(%dma_wait3A_117 : memref<16384x1024xi32, #tpu.memory_space<hbm>>) dst(%arg6 : memref<32x1024xi32, #tpu.memory_space<vmem>>)
    %add3A_118 = arith.constant 128 : i32
    %add3A_119 = arith.addi %mul3A_2, %add3A_118 : i32
    %dma_start3A_120 = arith.constant 0 : i32
    %dma_start3A_121 = tpu.memref_slice %arg4[%add3A_119, %dma_start3A_120] : memref<16384x1024xi32, #tpu.memory_space<hbm>> -> memref<32x1024xi32, #tpu.memory_space<hbm>>
    %dma_start3A_122 = arith.constant 0 : i32
    %dma_start3A_123 = tpu.memref_slice %arg4[%add3A_119, %dma_start3A_122] : memref<16384x1024xi32, #tpu.memory_space<hbm>> -> memref<32x1024xi32, #tpu.memory_space<hbm>>
    tpu.enqueue_dma source(%arg6 : memref<32x1024xi32, #tpu.memory_space<vmem>>) target(%dma_start3A_123 : memref<32x1024xi32, #tpu.memory_space<hbm>>) target_semaphore(%arg10 : memref<!tpu.dma_semaphore, #tpu.memory_space<semaphore_mem>>)
    %dma_wait3A_124 = arith.constant 0 : i32
    %dma_wait3A_125 = tpu.memref_slice %arg4[%add3A_119, %dma_wait3A_124] : memref<16384x1024xi32, #tpu.memory_space<hbm>> -> memref<32x1024xi32, #tpu.memory_space<hbm>>
    %dma_wait3A_126 = arith.constant 0 : i32
    %dma_wait3A_127 = tpu.memref_slice %arg4[%add3A_119, %dma_wait3A_126] : memref<16384x1024xi32, #tpu.memory_space<hbm>> -> memref<32x1024xi32, #tpu.memory_space<hbm>>
    tpu.wait_dma2 semaphore(%arg10 : memref<!tpu.dma_semaphore, #tpu.memory_space<semaphore_mem>>) src(%arg6 : memref<32x1024xi32, #tpu.memory_space<vmem>>) dst(%dma_wait3A_127 : memref<32x1024xi32, #tpu.memory_space<hbm>>)
    %dma_start3A_128 = arith.constant 6 : i32
    %dma_start3A_129 = arith.constant 0 : i32
    %dma_start3A_130 = tpu.memref_slice %arg5[%dma_start3A_128, %dma_start3A_129] : memref<16x32xi32, #tpu.memory_space<vmem>> -> memref<1x32xi32, #tpu.memory_space<vmem>>
    %dma_start3A_131 = tpu.memref_squeeze %dma_start3A_130 : memref<1x32xi32, #tpu.memory_space<vmem>> -> memref<32xi32, #tpu.memory_space<vmem>>
    %dma_start3A_132 = arith.constant 0 : i32
    %dma_start3A_133 = arith.constant 0 : i32
    %dma_start3A_134 = tpu.memref_slice %arg2[%dma_start3A_132, %dma_start3A_133] : memref<16384x1024xi32, #tpu.memory_space<hbm>> -> memref<16384x1024xi32, #tpu.memory_space<hbm>>
    tpu.enqueue_indirect_dma source(%dma_start3A_134 : memref<16384x1024xi32, #tpu.memory_space<hbm>>) target(%arg6 : memref<32x1024xi32, #tpu.memory_space<vmem>>) offsets(%dma_start3A_131 : memref<32xi32, #tpu.memory_space<vmem>>) semaphore(%arg8 : memref<!tpu.dma_semaphore, #tpu.memory_space<semaphore_mem>>)
    %dma_wait3A_135 = arith.constant 5 : i32
    %dma_wait3A_136 = arith.constant 0 : i32
    %dma_wait3A_137 = tpu.memref_slice %arg5[%dma_wait3A_135, %dma_wait3A_136] : memref<16x32xi32, #tpu.memory_space<vmem>> -> memref<1x32xi32, #tpu.memory_space<vmem>>
    %dma_wait3A_138 = tpu.memref_squeeze %dma_wait3A_137 : memref<1x32xi32, #tpu.memory_space<vmem>> -> memref<32xi32, #tpu.memory_space<vmem>>
    %dma_wait3A_139 = arith.constant 0 : i32
    %dma_wait3A_140 = arith.constant 0 : i32
    %dma_wait3A_141 = tpu.memref_slice %arg2[%dma_wait3A_139, %dma_wait3A_140] : memref<16384x1024xi32, #tpu.memory_space<hbm>> -> memref<16384x1024xi32, #tpu.memory_space<hbm>>
    tpu.wait_indirect_dma semaphore(%arg9 : memref<!tpu.dma_semaphore, #tpu.memory_space<semaphore_mem>>) src(%dma_wait3A_141 : memref<16384x1024xi32, #tpu.memory_space<hbm>>) dst(%arg7 : memref<32x1024xi32, #tpu.memory_space<vmem>>)
    %add3A_142 = arith.constant 160 : i32
    %add3A_143 = arith.addi %mul3A_2, %add3A_142 : i32
    %dma_start3A_144 = arith.constant 0 : i32
    %dma_start3A_145 = tpu.memref_slice %arg4[%add3A_143, %dma_start3A_144] : memref<16384x1024xi32, #tpu.memory_space<hbm>> -> memref<32x1024xi32, #tpu.memory_space<hbm>>
    %dma_start3A_146 = arith.constant 0 : i32
    %dma_start3A_147 = tpu.memref_slice %arg4[%add3A_143, %dma_start3A_146] : memref<16384x1024xi32, #tpu.memory_space<hbm>> -> memref<32x1024xi32, #tpu.memory_space<hbm>>
    tpu.enqueue_dma source(%arg7 : memref<32x1024xi32, #tpu.memory_space<vmem>>) target(%dma_start3A_147 : memref<32x1024xi32, #tpu.memory_space<hbm>>) target_semaphore(%arg11 : memref<!tpu.dma_semaphore, #tpu.memory_space<semaphore_mem>>)
    %dma_wait3A_148 = arith.constant 0 : i32
    %dma_wait3A_149 = tpu.memref_slice %arg4[%add3A_143, %dma_wait3A_148] : memref<16384x1024xi32, #tpu.memory_space<hbm>> -> memref<32x1024xi32, #tpu.memory_space<hbm>>
    %dma_wait3A_150 = arith.constant 0 : i32
    %dma_wait3A_151 = tpu.memref_slice %arg4[%add3A_143, %dma_wait3A_150] : memref<16384x1024xi32, #tpu.memory_space<hbm>> -> memref<32x1024xi32, #tpu.memory_space<hbm>>
    tpu.wait_dma2 semaphore(%arg11 : memref<!tpu.dma_semaphore, #tpu.memory_space<semaphore_mem>>) src(%arg7 : memref<32x1024xi32, #tpu.memory_space<vmem>>) dst(%dma_wait3A_151 : memref<32x1024xi32, #tpu.memory_space<hbm>>)
    %dma_start3A_152 = arith.constant 7 : i32
    %dma_start3A_153 = arith.constant 0 : i32
    %dma_start3A_154 = tpu.memref_slice %arg5[%dma_start3A_152, %dma_start3A_153] : memref<16x32xi32, #tpu.memory_space<vmem>> -> memref<1x32xi32, #tpu.memory_space<vmem>>
    %dma_start3A_155 = tpu.memref_squeeze %dma_start3A_154 : memref<1x32xi32, #tpu.memory_space<vmem>> -> memref<32xi32, #tpu.memory_space<vmem>>
    %dma_start3A_156 = arith.constant 0 : i32
    %dma_start3A_157 = arith.constant 0 : i32
    %dma_start3A_158 = tpu.memref_slice %arg2[%dma_start3A_156, %dma_start3A_157] : memref<16384x1024xi32, #tpu.memory_space<hbm>> -> memref<16384x1024xi32, #tpu.memory_space<hbm>>
    tpu.enqueue_indirect_dma source(%dma_start3A_158 : memref<16384x1024xi32, #tpu.memory_space<hbm>>) target(%arg7 : memref<32x1024xi32, #tpu.memory_space<vmem>>) offsets(%dma_start3A_155 : memref<32xi32, #tpu.memory_space<vmem>>) semaphore(%arg9 : memref<!tpu.dma_semaphore, #tpu.memory_space<semaphore_mem>>)
    %dma_wait3A_159 = arith.constant 6 : i32
    %dma_wait3A_160 = arith.constant 0 : i32
    %dma_wait3A_161 = tpu.memref_slice %arg5[%dma_wait3A_159, %dma_wait3A_160] : memref<16x32xi32, #tpu.memory_space<vmem>> -> memref<1x32xi32, #tpu.memory_space<vmem>>
    %dma_wait3A_162 = tpu.memref_squeeze %dma_wait3A_161 : memref<1x32xi32, #tpu.memory_space<vmem>> -> memref<32xi32, #tpu.memory_space<vmem>>
    %dma_wait3A_163 = arith.constant 0 : i32
    %dma_wait3A_164 = arith.constant 0 : i32
    %dma_wait3A_165 = tpu.memref_slice %arg2[%dma_wait3A_163, %dma_wait3A_164] : memref<16384x1024xi32, #tpu.memory_space<hbm>> -> memref<16384x1024xi32, #tpu.memory_space<hbm>>
    tpu.wait_indirect_dma semaphore(%arg8 : memref<!tpu.dma_semaphore, #tpu.memory_space<semaphore_mem>>) src(%dma_wait3A_165 : memref<16384x1024xi32, #tpu.memory_space<hbm>>) dst(%arg6 : memref<32x1024xi32, #tpu.memory_space<vmem>>)
    %add3A_166 = arith.constant 192 : i32
    %add3A_167 = arith.addi %mul3A_2, %add3A_166 : i32
    %dma_start3A_168 = arith.constant 0 : i32
    %dma_start3A_169 = tpu.memref_slice %arg4[%add3A_167, %dma_start3A_168] : memref<16384x1024xi32, #tpu.memory_space<hbm>> -> memref<32x1024xi32, #tpu.memory_space<hbm>>
    %dma_start3A_170 = arith.constant 0 : i32
    %dma_start3A_171 = tpu.memref_slice %arg4[%add3A_167, %dma_start3A_170] : memref<16384x1024xi32, #tpu.memory_space<hbm>> -> memref<32x1024xi32, #tpu.memory_space<hbm>>
    tpu.enqueue_dma source(%arg6 : memref<32x1024xi32, #tpu.memory_space<vmem>>) target(%dma_start3A_171 : memref<32x1024xi32, #tpu.memory_space<hbm>>) target_semaphore(%arg10 : memref<!tpu.dma_semaphore, #tpu.memory_space<semaphore_mem>>)
    %dma_wait3A_172 = arith.constant 0 : i32
    %dma_wait3A_173 = tpu.memref_slice %arg4[%add3A_167, %dma_wait3A_172] : memref<16384x1024xi32, #tpu.memory_space<hbm>> -> memref<32x1024xi32, #tpu.memory_space<hbm>>
    %dma_wait3A_174 = arith.constant 0 : i32
    %dma_wait3A_175 = tpu.memref_slice %arg4[%add3A_167, %dma_wait3A_174] : memref<16384x1024xi32, #tpu.memory_space<hbm>> -> memref<32x1024xi32, #tpu.memory_space<hbm>>
    tpu.wait_dma2 semaphore(%arg10 : memref<!tpu.dma_semaphore, #tpu.memory_space<semaphore_mem>>) src(%arg6 : memref<32x1024xi32, #tpu.memory_space<vmem>>) dst(%dma_wait3A_175 : memref<32x1024xi32, #tpu.memory_space<hbm>>)
    %dma_start3A_176 = arith.constant 8 : i32
    %dma_start3A_177 = arith.constant 0 : i32
    %dma_start3A_178 = tpu.memref_slice %arg5[%dma_start3A_176, %dma_start3A_177] : memref<16x32xi32, #tpu.memory_space<vmem>> -> memref<1x32xi32, #tpu.memory_space<vmem>>
    %dma_start3A_179 = tpu.memref_squeeze %dma_start3A_178 : memref<1x32xi32, #tpu.memory_space<vmem>> -> memref<32xi32, #tpu.memory_space<vmem>>
    %dma_start3A_180 = arith.constant 0 : i32
    %dma_start3A_181 = arith.constant 0 : i32
    %dma_start3A_182 = tpu.memref_slice %arg2[%dma_start3A_180, %dma_start3A_181] : memref<16384x1024xi32, #tpu.memory_space<hbm>> -> memref<16384x1024xi32, #tpu.memory_space<hbm>>
    tpu.enqueue_indirect_dma source(%dma_start3A_182 : memref<16384x1024xi32, #tpu.memory_space<hbm>>) target(%arg6 : memref<32x1024xi32, #tpu.memory_space<vmem>>) offsets(%dma_start3A_179 : memref<32xi32, #tpu.memory_space<vmem>>) semaphore(%arg8 : memref<!tpu.dma_semaphore, #tpu.memory_space<semaphore_mem>>)
    %dma_wait3A_183 = arith.constant 7 : i32
    %dma_wait3A_184 = arith.constant 0 : i32
    %dma_wait3A_185 = tpu.memref_slice %arg5[%dma_wait3A_183, %dma_wait3A_184] : memref<16x32xi32, #tpu.memory_space<vmem>> -> memref<1x32xi32, #tpu.memory_space<vmem>>
    %dma_wait3A_186 = tpu.memref_squeeze %dma_wait3A_185 : memref<1x32xi32, #tpu.memory_space<vmem>> -> memref<32xi32, #tpu.memory_space<vmem>>
    %dma_wait3A_187 = arith.constant 0 : i32
    %dma_wait3A_188 = arith.constant 0 : i32
    %dma_wait3A_189 = tpu.memref_slice %arg2[%dma_wait3A_187, %dma_wait3A_188] : memref<16384x1024xi32, #tpu.memory_space<hbm>> -> memref<16384x1024xi32, #tpu.memory_space<hbm>>
    tpu.wait_indirect_dma semaphore(%arg9 : memref<!tpu.dma_semaphore, #tpu.memory_space<semaphore_mem>>) src(%dma_wait3A_189 : memref<16384x1024xi32, #tpu.memory_space<hbm>>) dst(%arg7 : memref<32x1024xi32, #tpu.memory_space<vmem>>)
    %add3A_190 = arith.constant 224 : i32
    %add3A_191 = arith.addi %mul3A_2, %add3A_190 : i32
    %dma_start3A_192 = arith.constant 0 : i32
    %dma_start3A_193 = tpu.memref_slice %arg4[%add3A_191, %dma_start3A_192] : memref<16384x1024xi32, #tpu.memory_space<hbm>> -> memref<32x1024xi32, #tpu.memory_space<hbm>>
    %dma_start3A_194 = arith.constant 0 : i32
    %dma_start3A_195 = tpu.memref_slice %arg4[%add3A_191, %dma_start3A_194] : memref<16384x1024xi32, #tpu.memory_space<hbm>> -> memref<32x1024xi32, #tpu.memory_space<hbm>>
    tpu.enqueue_dma source(%arg7 : memref<32x1024xi32, #tpu.memory_space<vmem>>) target(%dma_start3A_195 : memref<32x1024xi32, #tpu.memory_space<hbm>>) target_semaphore(%arg11 : memref<!tpu.dma_semaphore, #tpu.memory_space<semaphore_mem>>)
    %dma_wait3A_196 = arith.constant 0 : i32
    %dma_wait3A_197 = tpu.memref_slice %arg4[%add3A_191, %dma_wait3A_196] : memref<16384x1024xi32, #tpu.memory_space<hbm>> -> memref<32x1024xi32, #tpu.memory_space<hbm>>
    %dma_wait3A_198 = arith.constant 0 : i32
    %dma_wait3A_199 = tpu.memref_slice %arg4[%add3A_191, %dma_wait3A_198] : memref<16384x1024xi32, #tpu.memory_space<hbm>> -> memref<32x1024xi32, #tpu.memory_space<hbm>>
    tpu.wait_dma2 semaphore(%arg11 : memref<!tpu.dma_semaphore, #tpu.memory_space<semaphore_mem>>) src(%arg7 : memref<32x1024xi32, #tpu.memory_space<vmem>>) dst(%dma_wait3A_199 : memref<32x1024xi32, #tpu.memory_space<hbm>>)
    %dma_start3A_200 = arith.constant 9 : i32
    %dma_start3A_201 = arith.constant 0 : i32
    %dma_start3A_202 = tpu.memref_slice %arg5[%dma_start3A_200, %dma_start3A_201] : memref<16x32xi32, #tpu.memory_space<vmem>> -> memref<1x32xi32, #tpu.memory_space<vmem>>
    %dma_start3A_203 = tpu.memref_squeeze %dma_start3A_202 : memref<1x32xi32, #tpu.memory_space<vmem>> -> memref<32xi32, #tpu.memory_space<vmem>>
    %dma_start3A_204 = arith.constant 0 : i32
    %dma_start3A_205 = arith.constant 0 : i32
    %dma_start3A_206 = tpu.memref_slice %arg2[%dma_start3A_204, %dma_start3A_205] : memref<16384x1024xi32, #tpu.memory_space<hbm>> -> memref<16384x1024xi32, #tpu.memory_space<hbm>>
    tpu.enqueue_indirect_dma source(%dma_start3A_206 : memref<16384x1024xi32, #tpu.memory_space<hbm>>) target(%arg7 : memref<32x1024xi32, #tpu.memory_space<vmem>>) offsets(%dma_start3A_203 : memref<32xi32, #tpu.memory_space<vmem>>) semaphore(%arg9 : memref<!tpu.dma_semaphore, #tpu.memory_space<semaphore_mem>>)
    %dma_wait3A_207 = arith.constant 8 : i32
    %dma_wait3A_208 = arith.constant 0 : i32
    %dma_wait3A_209 = tpu.memref_slice %arg5[%dma_wait3A_207, %dma_wait3A_208] : memref<16x32xi32, #tpu.memory_space<vmem>> -> memref<1x32xi32, #tpu.memory_space<vmem>>
    %dma_wait3A_210 = tpu.memref_squeeze %dma_wait3A_209 : memref<1x32xi32, #tpu.memory_space<vmem>> -> memref<32xi32, #tpu.memory_space<vmem>>
    %dma_wait3A_211 = arith.constant 0 : i32
    %dma_wait3A_212 = arith.constant 0 : i32
    %dma_wait3A_213 = tpu.memref_slice %arg2[%dma_wait3A_211, %dma_wait3A_212] : memref<16384x1024xi32, #tpu.memory_space<hbm>> -> memref<16384x1024xi32, #tpu.memory_space<hbm>>
    tpu.wait_indirect_dma semaphore(%arg8 : memref<!tpu.dma_semaphore, #tpu.memory_space<semaphore_mem>>) src(%dma_wait3A_213 : memref<16384x1024xi32, #tpu.memory_space<hbm>>) dst(%arg6 : memref<32x1024xi32, #tpu.memory_space<vmem>>)
    %add3A_214 = arith.constant 256 : i32
    %add3A_215 = arith.addi %mul3A_2, %add3A_214 : i32
    %dma_start3A_216 = arith.constant 0 : i32
    %dma_start3A_217 = tpu.memref_slice %arg4[%add3A_215, %dma_start3A_216] : memref<16384x1024xi32, #tpu.memory_space<hbm>> -> memref<32x1024xi32, #tpu.memory_space<hbm>>
    %dma_start3A_218 = arith.constant 0 : i32
    %dma_start3A_219 = tpu.memref_slice %arg4[%add3A_215, %dma_start3A_218] : memref<16384x1024xi32, #tpu.memory_space<hbm>> -> memref<32x1024xi32, #tpu.memory_space<hbm>>
    tpu.enqueue_dma source(%arg6 : memref<32x1024xi32, #tpu.memory_space<vmem>>) target(%dma_start3A_219 : memref<32x1024xi32, #tpu.memory_space<hbm>>) target_semaphore(%arg10 : memref<!tpu.dma_semaphore, #tpu.memory_space<semaphore_mem>>)
    %dma_wait3A_220 = arith.constant 0 : i32
    %dma_wait3A_221 = tpu.memref_slice %arg4[%add3A_215, %dma_wait3A_220] : memref<16384x1024xi32, #tpu.memory_space<hbm>> -> memref<32x1024xi32, #tpu.memory_space<hbm>>
    %dma_wait3A_222 = arith.constant 0 : i32
    %dma_wait3A_223 = tpu.memref_slice %arg4[%add3A_215, %dma_wait3A_222] : memref<16384x1024xi32, #tpu.memory_space<hbm>> -> memref<32x1024xi32, #tpu.memory_space<hbm>>
    tpu.wait_dma2 semaphore(%arg10 : memref<!tpu.dma_semaphore, #tpu.memory_space<semaphore_mem>>) src(%arg6 : memref<32x1024xi32, #tpu.memory_space<vmem>>) dst(%dma_wait3A_223 : memref<32x1024xi32, #tpu.memory_space<hbm>>)
    %dma_start3A_224 = arith.constant 10 : i32
    %dma_start3A_225 = arith.constant 0 : i32
    %dma_start3A_226 = tpu.memref_slice %arg5[%dma_start3A_224, %dma_start3A_225] : memref<16x32xi32, #tpu.memory_space<vmem>> -> memref<1x32xi32, #tpu.memory_space<vmem>>
    %dma_start3A_227 = tpu.memref_squeeze %dma_start3A_226 : memref<1x32xi32, #tpu.memory_space<vmem>> -> memref<32xi32, #tpu.memory_space<vmem>>
    %dma_start3A_228 = arith.constant 0 : i32
    %dma_start3A_229 = arith.constant 0 : i32
    %dma_start3A_230 = tpu.memref_slice %arg2[%dma_start3A_228, %dma_start3A_229] : memref<16384x1024xi32, #tpu.memory_space<hbm>> -> memref<16384x1024xi32, #tpu.memory_space<hbm>>
    tpu.enqueue_indirect_dma source(%dma_start3A_230 : memref<16384x1024xi32, #tpu.memory_space<hbm>>) target(%arg6 : memref<32x1024xi32, #tpu.memory_space<vmem>>) offsets(%dma_start3A_227 : memref<32xi32, #tpu.memory_space<vmem>>) semaphore(%arg8 : memref<!tpu.dma_semaphore, #tpu.memory_space<semaphore_mem>>)
    %dma_wait3A_231 = arith.constant 9 : i32
    %dma_wait3A_232 = arith.constant 0 : i32
    %dma_wait3A_233 = tpu.memref_slice %arg5[%dma_wait3A_231, %dma_wait3A_232] : memref<16x32xi32, #tpu.memory_space<vmem>> -> memref<1x32xi32, #tpu.memory_space<vmem>>
    %dma_wait3A_234 = tpu.memref_squeeze %dma_wait3A_233 : memref<1x32xi32, #tpu.memory_space<vmem>> -> memref<32xi32, #tpu.memory_space<vmem>>
    %dma_wait3A_235 = arith.constant 0 : i32
    %dma_wait3A_236 = arith.constant 0 : i32
    %dma_wait3A_237 = tpu.memref_slice %arg2[%dma_wait3A_235, %dma_wait3A_236] : memref<16384x1024xi32, #tpu.memory_space<hbm>> -> memref<16384x1024xi32, #tpu.memory_space<hbm>>
    tpu.wait_indirect_dma semaphore(%arg9 : memref<!tpu.dma_semaphore, #tpu.memory_space<semaphore_mem>>) src(%dma_wait3A_237 : memref<16384x1024xi32, #tpu.memory_space<hbm>>) dst(%arg7 : memref<32x1024xi32, #tpu.memory_space<vmem>>)
    %add3A_238 = arith.constant 288 : i32
    %add3A_239 = arith.addi %mul3A_2, %add3A_238 : i32
    %dma_start3A_240 = arith.constant 0 : i32
    %dma_start3A_241 = tpu.memref_slice %arg4[%add3A_239, %dma_start3A_240] : memref<16384x1024xi32, #tpu.memory_space<hbm>> -> memref<32x1024xi32, #tpu.memory_space<hbm>>
    %dma_start3A_242 = arith.constant 0 : i32
    %dma_start3A_243 = tpu.memref_slice %arg4[%add3A_239, %dma_start3A_242] : memref<16384x1024xi32, #tpu.memory_space<hbm>> -> memref<32x1024xi32, #tpu.memory_space<hbm>>
    tpu.enqueue_dma source(%arg7 : memref<32x1024xi32, #tpu.memory_space<vmem>>) target(%dma_start3A_243 : memref<32x1024xi32, #tpu.memory_space<hbm>>) target_semaphore(%arg11 : memref<!tpu.dma_semaphore, #tpu.memory_space<semaphore_mem>>)
    %dma_wait3A_244 = arith.constant 0 : i32
    %dma_wait3A_245 = tpu.memref_slice %arg4[%add3A_239, %dma_wait3A_244] : memref<16384x1024xi32, #tpu.memory_space<hbm>> -> memref<32x1024xi32, #tpu.memory_space<hbm>>
    %dma_wait3A_246 = arith.constant 0 : i32
    %dma_wait3A_247 = tpu.memref_slice %arg4[%add3A_239, %dma_wait3A_246] : memref<16384x1024xi32, #tpu.memory_space<hbm>> -> memref<32x1024xi32, #tpu.memory_space<hbm>>
    tpu.wait_dma2 semaphore(%arg11 : memref<!tpu.dma_semaphore, #tpu.memory_space<semaphore_mem>>) src(%arg7 : memref<32x1024xi32, #tpu.memory_space<vmem>>) dst(%dma_wait3A_247 : memref<32x1024xi32, #tpu.memory_space<hbm>>)
    %dma_start3A_248 = arith.constant 11 : i32
    %dma_start3A_249 = arith.constant 0 : i32
    %dma_start3A_250 = tpu.memref_slice %arg5[%dma_start3A_248, %dma_start3A_249] : memref<16x32xi32, #tpu.memory_space<vmem>> -> memref<1x32xi32, #tpu.memory_space<vmem>>
    %dma_start3A_251 = tpu.memref_squeeze %dma_start3A_250 : memref<1x32xi32, #tpu.memory_space<vmem>> -> memref<32xi32, #tpu.memory_space<vmem>>
    %dma_start3A_252 = arith.constant 0 : i32
    %dma_start3A_253 = arith.constant 0 : i32
    %dma_start3A_254 = tpu.memref_slice %arg2[%dma_start3A_252, %dma_start3A_253] : memref<16384x1024xi32, #tpu.memory_space<hbm>> -> memref<16384x1024xi32, #tpu.memory_space<hbm>>
    tpu.enqueue_indirect_dma source(%dma_start3A_254 : memref<16384x1024xi32, #tpu.memory_space<hbm>>) target(%arg7 : memref<32x1024xi32, #tpu.memory_space<vmem>>) offsets(%dma_start3A_251 : memref<32xi32, #tpu.memory_space<vmem>>) semaphore(%arg9 : memref<!tpu.dma_semaphore, #tpu.memory_space<semaphore_mem>>)
    %dma_wait3A_255 = arith.constant 10 : i32
    %dma_wait3A_256 = arith.constant 0 : i32
    %dma_wait3A_257 = tpu.memref_slice %arg5[%dma_wait3A_255, %dma_wait3A_256] : memref<16x32xi32, #tpu.memory_space<vmem>> -> memref<1x32xi32, #tpu.memory_space<vmem>>
    %dma_wait3A_258 = tpu.memref_squeeze %dma_wait3A_257 : memref<1x32xi32, #tpu.memory_space<vmem>> -> memref<32xi32, #tpu.memory_space<vmem>>
    %dma_wait3A_259 = arith.constant 0 : i32
    %dma_wait3A_260 = arith.constant 0 : i32
    %dma_wait3A_261 = tpu.memref_slice %arg2[%dma_wait3A_259, %dma_wait3A_260] : memref<16384x1024xi32, #tpu.memory_space<hbm>> -> memref<16384x1024xi32, #tpu.memory_space<hbm>>
    tpu.wait_indirect_dma semaphore(%arg8 : memref<!tpu.dma_semaphore, #tpu.memory_space<semaphore_mem>>) src(%dma_wait3A_261 : memref<16384x1024xi32, #tpu.memory_space<hbm>>) dst(%arg6 : memref<32x1024xi32, #tpu.memory_space<vmem>>)
    %add3A_262 = arith.constant 320 : i32
    %add3A_263 = arith.addi %mul3A_2, %add3A_262 : i32
    %dma_start3A_264 = arith.constant 0 : i32
    %dma_start3A_265 = tpu.memref_slice %arg4[%add3A_263, %dma_start3A_264] : memref<16384x1024xi32, #tpu.memory_space<hbm>> -> memref<32x1024xi32, #tpu.memory_space<hbm>>
    %dma_start3A_266 = arith.constant 0 : i32
    %dma_start3A_267 = tpu.memref_slice %arg4[%add3A_263, %dma_start3A_266] : memref<16384x1024xi32, #tpu.memory_space<hbm>> -> memref<32x1024xi32, #tpu.memory_space<hbm>>
    tpu.enqueue_dma source(%arg6 : memref<32x1024xi32, #tpu.memory_space<vmem>>) target(%dma_start3A_267 : memref<32x1024xi32, #tpu.memory_space<hbm>>) target_semaphore(%arg10 : memref<!tpu.dma_semaphore, #tpu.memory_space<semaphore_mem>>)
    %dma_wait3A_268 = arith.constant 0 : i32
    %dma_wait3A_269 = tpu.memref_slice %arg4[%add3A_263, %dma_wait3A_268] : memref<16384x1024xi32, #tpu.memory_space<hbm>> -> memref<32x1024xi32, #tpu.memory_space<hbm>>
    %dma_wait3A_270 = arith.constant 0 : i32
    %dma_wait3A_271 = tpu.memref_slice %arg4[%add3A_263, %dma_wait3A_270] : memref<16384x1024xi32, #tpu.memory_space<hbm>> -> memref<32x1024xi32, #tpu.memory_space<hbm>>
    tpu.wait_dma2 semaphore(%arg10 : memref<!tpu.dma_semaphore, #tpu.memory_space<semaphore_mem>>) src(%arg6 : memref<32x1024xi32, #tpu.memory_space<vmem>>) dst(%dma_wait3A_271 : memref<32x1024xi32, #tpu.memory_space<hbm>>)
    %dma_start3A_272 = arith.constant 12 : i32
    %dma_start3A_273 = arith.constant 0 : i32
    %dma_start3A_274 = tpu.memref_slice %arg5[%dma_start3A_272, %dma_start3A_273] : memref<16x32xi32, #tpu.memory_space<vmem>> -> memref<1x32xi32, #tpu.memory_space<vmem>>
    %dma_start3A_275 = tpu.memref_squeeze %dma_start3A_274 : memref<1x32xi32, #tpu.memory_space<vmem>> -> memref<32xi32, #tpu.memory_space<vmem>>
    %dma_start3A_276 = arith.constant 0 : i32
    %dma_start3A_277 = arith.constant 0 : i32
    %dma_start3A_278 = tpu.memref_slice %arg2[%dma_start3A_276, %dma_start3A_277] : memref<16384x1024xi32, #tpu.memory_space<hbm>> -> memref<16384x1024xi32, #tpu.memory_space<hbm>>
    tpu.enqueue_indirect_dma source(%dma_start3A_278 : memref<16384x1024xi32, #tpu.memory_space<hbm>>) target(%arg6 : memref<32x1024xi32, #tpu.memory_space<vmem>>) offsets(%dma_start3A_275 : memref<32xi32, #tpu.memory_space<vmem>>) semaphore(%arg8 : memref<!tpu.dma_semaphore, #tpu.memory_space<semaphore_mem>>)
    %dma_wait3A_279 = arith.constant 11 : i32
    %dma_wait3A_280 = arith.constant 0 : i32
    %dma_wait3A_281 = tpu.memref_slice %arg5[%dma_wait3A_279, %dma_wait3A_280] : memref<16x32xi32, #tpu.memory_space<vmem>> -> memref<1x32xi32, #tpu.memory_space<vmem>>
    %dma_wait3A_282 = tpu.memref_squeeze %dma_wait3A_281 : memref<1x32xi32, #tpu.memory_space<vmem>> -> memref<32xi32, #tpu.memory_space<vmem>>
    %dma_wait3A_283 = arith.constant 0 : i32
    %dma_wait3A_284 = arith.constant 0 : i32
    %dma_wait3A_285 = tpu.memref_slice %arg2[%dma_wait3A_283, %dma_wait3A_284] : memref<16384x1024xi32, #tpu.memory_space<hbm>> -> memref<16384x1024xi32, #tpu.memory_space<hbm>>
    tpu.wait_indirect_dma semaphore(%arg9 : memref<!tpu.dma_semaphore, #tpu.memory_space<semaphore_mem>>) src(%dma_wait3A_285 : memref<16384x1024xi32, #tpu.memory_space<hbm>>) dst(%arg7 : memref<32x1024xi32, #tpu.memory_space<vmem>>)
    %add3A_286 = arith.constant 352 : i32
    %add3A_287 = arith.addi %mul3A_2, %add3A_286 : i32
    %dma_start3A_288 = arith.constant 0 : i32
    %dma_start3A_289 = tpu.memref_slice %arg4[%add3A_287, %dma_start3A_288] : memref<16384x1024xi32, #tpu.memory_space<hbm>> -> memref<32x1024xi32, #tpu.memory_space<hbm>>
    %dma_start3A_290 = arith.constant 0 : i32
    %dma_start3A_291 = tpu.memref_slice %arg4[%add3A_287, %dma_start3A_290] : memref<16384x1024xi32, #tpu.memory_space<hbm>> -> memref<32x1024xi32, #tpu.memory_space<hbm>>
    tpu.enqueue_dma source(%arg7 : memref<32x1024xi32, #tpu.memory_space<vmem>>) target(%dma_start3A_291 : memref<32x1024xi32, #tpu.memory_space<hbm>>) target_semaphore(%arg11 : memref<!tpu.dma_semaphore, #tpu.memory_space<semaphore_mem>>)
    %dma_wait3A_292 = arith.constant 0 : i32
    %dma_wait3A_293 = tpu.memref_slice %arg4[%add3A_287, %dma_wait3A_292] : memref<16384x1024xi32, #tpu.memory_space<hbm>> -> memref<32x1024xi32, #tpu.memory_space<hbm>>
    %dma_wait3A_294 = arith.constant 0 : i32
    %dma_wait3A_295 = tpu.memref_slice %arg4[%add3A_287, %dma_wait3A_294] : memref<16384x1024xi32, #tpu.memory_space<hbm>> -> memref<32x1024xi32, #tpu.memory_space<hbm>>
    tpu.wait_dma2 semaphore(%arg11 : memref<!tpu.dma_semaphore, #tpu.memory_space<semaphore_mem>>) src(%arg7 : memref<32x1024xi32, #tpu.memory_space<vmem>>) dst(%dma_wait3A_295 : memref<32x1024xi32, #tpu.memory_space<hbm>>)
    %dma_start3A_296 = arith.constant 13 : i32
    %dma_start3A_297 = arith.constant 0 : i32
    %dma_start3A_298 = tpu.memref_slice %arg5[%dma_start3A_296, %dma_start3A_297] : memref<16x32xi32, #tpu.memory_space<vmem>> -> memref<1x32xi32, #tpu.memory_space<vmem>>
    %dma_start3A_299 = tpu.memref_squeeze %dma_start3A_298 : memref<1x32xi32, #tpu.memory_space<vmem>> -> memref<32xi32, #tpu.memory_space<vmem>>
    %dma_start3A_300 = arith.constant 0 : i32
    %dma_start3A_301 = arith.constant 0 : i32
    %dma_start3A_302 = tpu.memref_slice %arg2[%dma_start3A_300, %dma_start3A_301] : memref<16384x1024xi32, #tpu.memory_space<hbm>> -> memref<16384x1024xi32, #tpu.memory_space<hbm>>
    tpu.enqueue_indirect_dma source(%dma_start3A_302 : memref<16384x1024xi32, #tpu.memory_space<hbm>>) target(%arg7 : memref<32x1024xi32, #tpu.memory_space<vmem>>) offsets(%dma_start3A_299 : memref<32xi32, #tpu.memory_space<vmem>>) semaphore(%arg9 : memref<!tpu.dma_semaphore, #tpu.memory_space<semaphore_mem>>)
    %dma_wait3A_303 = arith.constant 12 : i32
    %dma_wait3A_304 = arith.constant 0 : i32
    %dma_wait3A_305 = tpu.memref_slice %arg5[%dma_wait3A_303, %dma_wait3A_304] : memref<16x32xi32, #tpu.memory_space<vmem>> -> memref<1x32xi32, #tpu.memory_space<vmem>>
    %dma_wait3A_306 = tpu.memref_squeeze %dma_wait3A_305 : memref<1x32xi32, #tpu.memory_space<vmem>> -> memref<32xi32, #tpu.memory_space<vmem>>
    %dma_wait3A_307 = arith.constant 0 : i32
    %dma_wait3A_308 = arith.constant 0 : i32
    %dma_wait3A_309 = tpu.memref_slice %arg2[%dma_wait3A_307, %dma_wait3A_308] : memref<16384x1024xi32, #tpu.memory_space<hbm>> -> memref<16384x1024xi32, #tpu.memory_space<hbm>>
    tpu.wait_indirect_dma semaphore(%arg8 : memref<!tpu.dma_semaphore, #tpu.memory_space<semaphore_mem>>) src(%dma_wait3A_309 : memref<16384x1024xi32, #tpu.memory_space<hbm>>) dst(%arg6 : memref<32x1024xi32, #tpu.memory_space<vmem>>)
    %add3A_310 = arith.constant 384 : i32
    %add3A_311 = arith.addi %mul3A_2, %add3A_310 : i32
    %dma_start3A_312 = arith.constant 0 : i32
    %dma_start3A_313 = tpu.memref_slice %arg4[%add3A_311, %dma_start3A_312] : memref<16384x1024xi32, #tpu.memory_space<hbm>> -> memref<32x1024xi32, #tpu.memory_space<hbm>>
    %dma_start3A_314 = arith.constant 0 : i32
    %dma_start3A_315 = tpu.memref_slice %arg4[%add3A_311, %dma_start3A_314] : memref<16384x1024xi32, #tpu.memory_space<hbm>> -> memref<32x1024xi32, #tpu.memory_space<hbm>>
    tpu.enqueue_dma source(%arg6 : memref<32x1024xi32, #tpu.memory_space<vmem>>) target(%dma_start3A_315 : memref<32x1024xi32, #tpu.memory_space<hbm>>) target_semaphore(%arg10 : memref<!tpu.dma_semaphore, #tpu.memory_space<semaphore_mem>>)
    %dma_wait3A_316 = arith.constant 0 : i32
    %dma_wait3A_317 = tpu.memref_slice %arg4[%add3A_311, %dma_wait3A_316] : memref<16384x1024xi32, #tpu.memory_space<hbm>> -> memref<32x1024xi32, #tpu.memory_space<hbm>>
    %dma_wait3A_318 = arith.constant 0 : i32
    %dma_wait3A_319 = tpu.memref_slice %arg4[%add3A_311, %dma_wait3A_318] : memref<16384x1024xi32, #tpu.memory_space<hbm>> -> memref<32x1024xi32, #tpu.memory_space<hbm>>
    tpu.wait_dma2 semaphore(%arg10 : memref<!tpu.dma_semaphore, #tpu.memory_space<semaphore_mem>>) src(%arg6 : memref<32x1024xi32, #tpu.memory_space<vmem>>) dst(%dma_wait3A_319 : memref<32x1024xi32, #tpu.memory_space<hbm>>)
    %dma_start3A_320 = arith.constant 14 : i32
    %dma_start3A_321 = arith.constant 0 : i32
    %dma_start3A_322 = tpu.memref_slice %arg5[%dma_start3A_320, %dma_start3A_321] : memref<16x32xi32, #tpu.memory_space<vmem>> -> memref<1x32xi32, #tpu.memory_space<vmem>>
    %dma_start3A_323 = tpu.memref_squeeze %dma_start3A_322 : memref<1x32xi32, #tpu.memory_space<vmem>> -> memref<32xi32, #tpu.memory_space<vmem>>
    %dma_start3A_324 = arith.constant 0 : i32
    %dma_start3A_325 = arith.constant 0 : i32
    %dma_start3A_326 = tpu.memref_slice %arg2[%dma_start3A_324, %dma_start3A_325] : memref<16384x1024xi32, #tpu.memory_space<hbm>> -> memref<16384x1024xi32, #tpu.memory_space<hbm>>
    tpu.enqueue_indirect_dma source(%dma_start3A_326 : memref<16384x1024xi32, #tpu.memory_space<hbm>>) target(%arg6 : memref<32x1024xi32, #tpu.memory_space<vmem>>) offsets(%dma_start3A_323 : memref<32xi32, #tpu.memory_space<vmem>>) semaphore(%arg8 : memref<!tpu.dma_semaphore, #tpu.memory_space<semaphore_mem>>)
    %dma_wait3A_327 = arith.constant 13 : i32
    %dma_wait3A_328 = arith.constant 0 : i32
    %dma_wait3A_329 = tpu.memref_slice %arg5[%dma_wait3A_327, %dma_wait3A_328] : memref<16x32xi32, #tpu.memory_space<vmem>> -> memref<1x32xi32, #tpu.memory_space<vmem>>
    %dma_wait3A_330 = tpu.memref_squeeze %dma_wait3A_329 : memref<1x32xi32, #tpu.memory_space<vmem>> -> memref<32xi32, #tpu.memory_space<vmem>>
    %dma_wait3A_331 = arith.constant 0 : i32
    %dma_wait3A_332 = arith.constant 0 : i32
    %dma_wait3A_333 = tpu.memref_slice %arg2[%dma_wait3A_331, %dma_wait3A_332] : memref<16384x1024xi32, #tpu.memory_space<hbm>> -> memref<16384x1024xi32, #tpu.memory_space<hbm>>
    tpu.wait_indirect_dma semaphore(%arg9 : memref<!tpu.dma_semaphore, #tpu.memory_space<semaphore_mem>>) src(%dma_wait3A_333 : memref<16384x1024xi32, #tpu.memory_space<hbm>>) dst(%arg7 : memref<32x1024xi32, #tpu.memory_space<vmem>>)
    %add3A_334 = arith.constant 416 : i32
    %add3A_335 = arith.addi %mul3A_2, %add3A_334 : i32
    %dma_start3A_336 = arith.constant 0 : i32
    %dma_start3A_337 = tpu.memref_slice %arg4[%add3A_335, %dma_start3A_336] : memref<16384x1024xi32, #tpu.memory_space<hbm>> -> memref<32x1024xi32, #tpu.memory_space<hbm>>
    %dma_start3A_338 = arith.constant 0 : i32
    %dma_start3A_339 = tpu.memref_slice %arg4[%add3A_335, %dma_start3A_338] : memref<16384x1024xi32, #tpu.memory_space<hbm>> -> memref<32x1024xi32, #tpu.memory_space<hbm>>
    tpu.enqueue_dma source(%arg7 : memref<32x1024xi32, #tpu.memory_space<vmem>>) target(%dma_start3A_339 : memref<32x1024xi32, #tpu.memory_space<hbm>>) target_semaphore(%arg11 : memref<!tpu.dma_semaphore, #tpu.memory_space<semaphore_mem>>)
    %dma_wait3A_340 = arith.constant 0 : i32
    %dma_wait3A_341 = tpu.memref_slice %arg4[%add3A_335, %dma_wait3A_340] : memref<16384x1024xi32, #tpu.memory_space<hbm>> -> memref<32x1024xi32, #tpu.memory_space<hbm>>
    %dma_wait3A_342 = arith.constant 0 : i32
    %dma_wait3A_343 = tpu.memref_slice %arg4[%add3A_335, %dma_wait3A_342] : memref<16384x1024xi32, #tpu.memory_space<hbm>> -> memref<32x1024xi32, #tpu.memory_space<hbm>>
    tpu.wait_dma2 semaphore(%arg11 : memref<!tpu.dma_semaphore, #tpu.memory_space<semaphore_mem>>) src(%arg7 : memref<32x1024xi32, #tpu.memory_space<vmem>>) dst(%dma_wait3A_343 : memref<32x1024xi32, #tpu.memory_space<hbm>>)
    %dma_start3A_344 = arith.constant 15 : i32
    %dma_start3A_345 = arith.constant 0 : i32
    %dma_start3A_346 = tpu.memref_slice %arg5[%dma_start3A_344, %dma_start3A_345] : memref<16x32xi32, #tpu.memory_space<vmem>> -> memref<1x32xi32, #tpu.memory_space<vmem>>
    %dma_start3A_347 = tpu.memref_squeeze %dma_start3A_346 : memref<1x32xi32, #tpu.memory_space<vmem>> -> memref<32xi32, #tpu.memory_space<vmem>>
    %dma_start3A_348 = arith.constant 0 : i32
    %dma_start3A_349 = arith.constant 0 : i32
    %dma_start3A_350 = tpu.memref_slice %arg2[%dma_start3A_348, %dma_start3A_349] : memref<16384x1024xi32, #tpu.memory_space<hbm>> -> memref<16384x1024xi32, #tpu.memory_space<hbm>>
    tpu.enqueue_indirect_dma source(%dma_start3A_350 : memref<16384x1024xi32, #tpu.memory_space<hbm>>) target(%arg7 : memref<32x1024xi32, #tpu.memory_space<vmem>>) offsets(%dma_start3A_347 : memref<32xi32, #tpu.memory_space<vmem>>) semaphore(%arg9 : memref<!tpu.dma_semaphore, #tpu.memory_space<semaphore_mem>>)
    %dma_wait3A_351 = arith.constant 14 : i32
    %dma_wait3A_352 = arith.constant 0 : i32
    %dma_wait3A_353 = tpu.memref_slice %arg5[%dma_wait3A_351, %dma_wait3A_352] : memref<16x32xi32, #tpu.memory_space<vmem>> -> memref<1x32xi32, #tpu.memory_space<vmem>>
    %dma_wait3A_354 = tpu.memref_squeeze %dma_wait3A_353 : memref<1x32xi32, #tpu.memory_space<vmem>> -> memref<32xi32, #tpu.memory_space<vmem>>
    %dma_wait3A_355 = arith.constant 0 : i32
    %dma_wait3A_356 = arith.constant 0 : i32
    %dma_wait3A_357 = tpu.memref_slice %arg2[%dma_wait3A_355, %dma_wait3A_356] : memref<16384x1024xi32, #tpu.memory_space<hbm>> -> memref<16384x1024xi32, #tpu.memory_space<hbm>>
    tpu.wait_indirect_dma semaphore(%arg8 : memref<!tpu.dma_semaphore, #tpu.memory_space<semaphore_mem>>) src(%dma_wait3A_357 : memref<16384x1024xi32, #tpu.memory_space<hbm>>) dst(%arg6 : memref<32x1024xi32, #tpu.memory_space<vmem>>)
    %add3A_358 = arith.constant 448 : i32
    %add3A_359 = arith.addi %mul3A_2, %add3A_358 : i32
    %dma_start3A_360 = arith.constant 0 : i32
    %dma_start3A_361 = tpu.memref_slice %arg4[%add3A_359, %dma_start3A_360] : memref<16384x1024xi32, #tpu.memory_space<hbm>> -> memref<32x1024xi32, #tpu.memory_space<hbm>>
    %dma_start3A_362 = arith.constant 0 : i32
    %dma_start3A_363 = tpu.memref_slice %arg4[%add3A_359, %dma_start3A_362] : memref<16384x1024xi32, #tpu.memory_space<hbm>> -> memref<32x1024xi32, #tpu.memory_space<hbm>>
    tpu.enqueue_dma source(%arg6 : memref<32x1024xi32, #tpu.memory_space<vmem>>) target(%dma_start3A_363 : memref<32x1024xi32, #tpu.memory_space<hbm>>) target_semaphore(%arg10 : memref<!tpu.dma_semaphore, #tpu.memory_space<semaphore_mem>>)
    %dma_wait3A_364 = arith.constant 15 : i32
    %dma_wait3A_365 = arith.constant 0 : i32
    %dma_wait3A_366 = tpu.memref_slice %arg5[%dma_wait3A_364, %dma_wait3A_365] : memref<16x32xi32, #tpu.memory_space<vmem>> -> memref<1x32xi32, #tpu.memory_space<vmem>>
    %dma_wait3A_367 = tpu.memref_squeeze %dma_wait3A_366 : memref<1x32xi32, #tpu.memory_space<vmem>> -> memref<32xi32, #tpu.memory_space<vmem>>
    %dma_wait3A_368 = arith.constant 0 : i32
    %dma_wait3A_369 = arith.constant 0 : i32
    %dma_wait3A_370 = tpu.memref_slice %arg2[%dma_wait3A_368, %dma_wait3A_369] : memref<16384x1024xi32, #tpu.memory_space<hbm>> -> memref<16384x1024xi32, #tpu.memory_space<hbm>>
    tpu.wait_indirect_dma semaphore(%arg9 : memref<!tpu.dma_semaphore, #tpu.memory_space<semaphore_mem>>) src(%dma_wait3A_370 : memref<16384x1024xi32, #tpu.memory_space<hbm>>) dst(%arg7 : memref<32x1024xi32, #tpu.memory_space<vmem>>)
    %add3A_371 = arith.constant 480 : i32
    %add3A_372 = arith.addi %mul3A_2, %add3A_371 : i32
    %dma_start3A_373 = arith.constant 0 : i32
    %dma_start3A_374 = tpu.memref_slice %arg4[%add3A_372, %dma_start3A_373] : memref<16384x1024xi32, #tpu.memory_space<hbm>> -> memref<32x1024xi32, #tpu.memory_space<hbm>>
    %dma_start3A_375 = arith.constant 0 : i32
    %dma_start3A_376 = tpu.memref_slice %arg4[%add3A_372, %dma_start3A_375] : memref<16384x1024xi32, #tpu.memory_space<hbm>> -> memref<32x1024xi32, #tpu.memory_space<hbm>>
    tpu.enqueue_dma source(%arg7 : memref<32x1024xi32, #tpu.memory_space<vmem>>) target(%dma_start3A_376 : memref<32x1024xi32, #tpu.memory_space<hbm>>) target_semaphore(%arg11 : memref<!tpu.dma_semaphore, #tpu.memory_space<semaphore_mem>>)
    %dma_wait3A_377 = arith.constant 0 : i32
    %dma_wait3A_378 = tpu.memref_slice %arg4[%add3A_372, %dma_wait3A_377] : memref<16384x1024xi32, #tpu.memory_space<hbm>> -> memref<32x1024xi32, #tpu.memory_space<hbm>>
    %dma_wait3A_379 = arith.constant 0 : i32
    %dma_wait3A_380 = tpu.memref_slice %arg4[%add3A_372, %dma_wait3A_379] : memref<16384x1024xi32, #tpu.memory_space<hbm>> -> memref<32x1024xi32, #tpu.memory_space<hbm>>
    tpu.wait_dma2 semaphore(%arg11 : memref<!tpu.dma_semaphore, #tpu.memory_space<semaphore_mem>>) src(%arg7 : memref<32x1024xi32, #tpu.memory_space<vmem>>) dst(%dma_wait3A_380 : memref<32x1024xi32, #tpu.memory_space<hbm>>)
    %dma_wait3A_381 = arith.constant 0 : i32
    %dma_wait3A_382 = tpu.memref_slice %arg4[%add3A_359, %dma_wait3A_381] : memref<16384x1024xi32, #tpu.memory_space<hbm>> -> memref<32x1024xi32, #tpu.memory_space<hbm>>
    %dma_wait3A_383 = arith.constant 0 : i32
    %dma_wait3A_384 = tpu.memref_slice %arg4[%add3A_359, %dma_wait3A_383] : memref<16384x1024xi32, #tpu.memory_space<hbm>> -> memref<32x1024xi32, #tpu.memory_space<hbm>>
    tpu.wait_dma2 semaphore(%arg10 : memref<!tpu.dma_semaphore, #tpu.memory_space<semaphore_mem>>) src(%arg6 : memref<32x1024xi32, #tpu.memory_space<vmem>>) dst(%dma_wait3A_384 : memref<32x1024xi32, #tpu.memory_space<hbm>>)
    return
  }
}

module attributes {stable_mosaic.version = 14 : i64} {
  func.func @_gate_body(%arg0: i32, %arg1: memref<1024x2048xf32, #tpu.memory_space<vmem>>, %arg2: memref<2048x128xf32, #tpu.memory_space<vmem>>, %arg3: memref<1x128xf32, #tpu.memory_space<vmem>>, %arg4: memref<1024x2xi32, #tpu.memory_space<vmem>>, %arg5: memref<1024x2xf32, #tpu.memory_space<vmem>>, %arg6: memref<1024x1024xi32, #tpu.memory_space<vmem>>) attributes {dimension_semantics = [#tpu.dimension_semantics<arbitrary>], iteration_bounds = array<i64: 8>, scalar_prefetch = 0 : i64, scratch_operands = 0 : i64, tpu.core_type = #tpu.core_type<tc>, window_params = [{transform_indices = @transform_0, window_bounds = array<i64: 1024, 2048>}, {pipeline_mode = #tpu.pipeline_mode<synchronous>, transform_indices = @transform_1, window_bounds = array<i64: 2048, 128>}, {pipeline_mode = #tpu.pipeline_mode<synchronous>, transform_indices = @transform_2, window_bounds = array<i64: 1, 128>}, {transform_indices = @transform_3, window_bounds = array<i64: 1024, 2>}, {transform_indices = @transform_4, window_bounds = array<i64: 1024, 2>}, {transform_indices = @transform_5, window_bounds = array<i64: 1024, 1024>}]} {
    %get3A = arith.constant 0 : index
    %get3A_0 = arith.constant 0 : index
    %get3A_1 = vector.load %arg1[%get3A, %get3A_0] : memref<1024x2048xf32, #tpu.memory_space<vmem>>, vector<1024x2048xf32>
    %convert_element_type3A = arith.truncf %get3A_1 : vector<1024x2048xf32> to vector<1024x2048xbf16>
    %get3A_2 = arith.constant 0 : index
    %get3A_3 = arith.constant 0 : index
    %get3A_4 = vector.load %arg2[%get3A_2, %get3A_3] : memref<2048x128xf32, #tpu.memory_space<vmem>>, vector<2048x128xf32>
    %convert_element_type3A_5 = arith.truncf %get3A_4 : vector<2048x128xf32> to vector<2048x128xbf16>
    %dot_general3A = arith.constant dense<0.000000e+00> : vector<1024x128xf32>
    %dot_general3A_6 = tpu.matmul %convert_element_type3A, %convert_element_type3A_5, %dot_general3A {dimension_numbers = #tpu.dot_dimension_numbers<[1], [0], [0], [1], [0, 0, 1, 1], [], []>, transpose_lhs_hint = false} : vector<1024x2048xbf16>, vector<2048x128xbf16>, vector<1024x128xf32> -> vector<1024x128xf32>
    %get3A_7 = arith.constant 0 : index
    %get3A_8 = arith.constant 0 : index
    %get3A_9 = vector.load %arg3[%get3A_7, %get3A_8] : memref<1x128xf32, #tpu.memory_space<vmem>>, vector<1x128xf32>
    %add3A = vector.broadcast %get3A_9 : vector<1x128xf32> to vector<1024x128xf32>
    %add3A_10 = arith.addf %dot_general3A_6, %add3A : vector<1024x128xf32>
    %convert_element_type3A_11 = arith.extf %convert_element_type3A : vector<1024x2048xbf16> to vector<1024x2048xf32>
    %bitcast_convert_type3A = tpu.bitcast %convert_element_type3A_11 : vector<1024x2048xf32> -> vector<1024x2048xi32>
    %slice3A = vector.extract_strided_slice %bitcast_convert_type3A {offsets = [0, 0], sizes = [1024, 1024], strides = [1, 1]} : vector<1024x2048xi32> to vector<1024x1024xi32>
    %shift_right_logical3A = arith.constant 16 : i32
    %shift_right_logical3A_12 = vector.broadcast %shift_right_logical3A : i32 to vector<1024x1024xi32>
    %shift_right_logical3A_13 = arith.shrui %slice3A, %shift_right_logical3A_12 : vector<1024x1024xi32>
    %slice3A_14 = vector.extract_strided_slice %bitcast_convert_type3A {offsets = [0, 1024], sizes = [1024, 1024], strides = [1, 1]} : vector<1024x2048xi32> to vector<1024x1024xi32>
    %and3A = arith.constant -65536 : i32
    %and3A_15 = vector.broadcast %and3A : i32 to vector<1024x1024xi32>
    %and3A_16 = arith.andi %slice3A_14, %and3A_15 : vector<1024x1024xi32>
    %or3A = arith.ori %shift_right_logical3A_13, %and3A_16 : vector<1024x1024xi32>
    %swap3A = arith.constant 0 : index
    %swap3A_17 = arith.constant 0 : index
    %swap3A_18 = vector.load %arg6[%swap3A, %swap3A_17] : memref<1024x1024xi32, #tpu.memory_space<vmem>>, vector<1024x1024xi32>
    tpu.vector_store %arg6[%swap3A, %swap3A_17], %or3A {strides = array<i32>} : memref<1024x1024xi32, #tpu.memory_space<vmem>>, vector<1024x1024xi32>,
    %iota3A = tpu.iota {dimensions = array<i32: 1>} : vector<1024x128xi32>
    %reduce_max3A = arith.constant dense<0xFF800000> : vector<1024xf32>
    %reduce_max3A_19 = vector.multi_reduction <maximumf>, %add3A_10, %reduce_max3A [1] : vector<1024x128xf32> to vector<1024xf32>
    %broadcast_in_dim3A = vector.shape_cast %reduce_max3A_19 : vector<1024xf32> to vector<1024x1xf32>
    %eq3A = vector.broadcast %broadcast_in_dim3A : vector<1024x1xf32> to vector<1024x128xf32>
    %eq3A_20 = arith.cmpf oeq, %add3A_10, %eq3A : vector<1024x128xf32>
    %jit3A = arith.constant 128 : i32
    %broadcast_in_dim3A_21 = vector.broadcast %jit3A : i32 to vector<1024x128xi32>
    %select_n3A = arith.select %eq3A_20, %iota3A, %broadcast_in_dim3A_21 : vector<1024x128xi1>, vector<1024x128xi32>
    %reduce_min3A = arith.constant dense<2147483647> : vector<1024xi32>
    %reduce_min3A_22 = vector.multi_reduction <minsi>, %select_n3A, %reduce_min3A [1] : vector<1024x128xi32> to vector<1024xi32>
    %broadcast_in_dim3A_23 = vector.shape_cast %reduce_min3A_22 : vector<1024xi32> to vector<1024x1xi32>
    %eq3A_24 = vector.broadcast %broadcast_in_dim3A_23 : vector<1024x1xi32> to vector<1024x128xi32>
    %eq3A_25 = arith.cmpi eq, %iota3A, %eq3A_24 : vector<1024x128xi32>
    %jit3A_26 = arith.constant -3.40282347E+38 : f32
    %broadcast_in_dim3A_27 = vector.broadcast %jit3A_26 : f32 to vector<1024x128xf32>
    %select_n3A_28 = arith.select %eq3A_25, %broadcast_in_dim3A_27, %add3A_10 : vector<1024x128xi1>, vector<1024x128xf32>
    %reduce_max3A_29 = arith.constant dense<0xFF800000> : vector<1024xf32>
    %reduce_max3A_30 = vector.multi_reduction <maximumf>, %select_n3A_28, %reduce_max3A_29 [1] : vector<1024x128xf32> to vector<1024xf32>
    %broadcast_in_dim3A_31 = vector.shape_cast %reduce_max3A_30 : vector<1024xf32> to vector<1024x1xf32>
    %eq3A_32 = vector.broadcast %broadcast_in_dim3A_31 : vector<1024x1xf32> to vector<1024x128xf32>
    %eq3A_33 = arith.cmpf oeq, %select_n3A_28, %eq3A_32 : vector<1024x128xf32>
    %jit3A_34 = arith.constant 128 : i32
    %broadcast_in_dim3A_35 = vector.broadcast %jit3A_34 : i32 to vector<1024x128xi32>
    %select_n3A_36 = arith.select %eq3A_33, %iota3A, %broadcast_in_dim3A_35 : vector<1024x128xi1>, vector<1024x128xi32>
    %reduce_min3A_37 = arith.constant dense<2147483647> : vector<1024xi32>
    %reduce_min3A_38 = vector.multi_reduction <minsi>, %select_n3A_36, %reduce_min3A_37 [1] : vector<1024x128xi32> to vector<1024xi32>
    %broadcast_in_dim3A_39 = vector.shape_cast %reduce_min3A_38 : vector<1024xi32> to vector<1024x1xi32>
    %sub3A = arith.subf %broadcast_in_dim3A_31, %broadcast_in_dim3A : vector<1024x1xf32>
    %exp3A = math.exp %sub3A : vector<1024x1xf32>
    %add3A_40 = arith.constant 1.000000e+00 : f32
    %add3A_41 = vector.broadcast %add3A_40 : f32 to vector<1024x1xf32>
    %add3A_42 = arith.addf %add3A_41, %exp3A : vector<1024x1xf32>
    %concatenate3A = tpu.concatenate %broadcast_in_dim3A_23, %broadcast_in_dim3A_39 in 1 : vector<1024x1xi32>, vector<1024x1xi32> -> vector<1024x2xi32>
    %swap3A_43 = arith.constant 0 : index
    %swap3A_44 = arith.constant 0 : index
    %swap3A_45 = vector.load %arg4[%swap3A_43, %swap3A_44] : memref<1024x2xi32, #tpu.memory_space<vmem>>, vector<1024x2xi32>
    tpu.vector_store %arg4[%swap3A_43, %swap3A_44], %concatenate3A {strides = array<i32>} : memref<1024x2xi32, #tpu.memory_space<vmem>>, vector<1024x2xi32>,
    %div3A = arith.constant 1.000000e+00 : f32
    %div3A_46 = vector.broadcast %div3A : f32 to vector<1024x1xf32>
    %div3A_47 = arith.divf %div3A_46, %add3A_42 : vector<1024x1xf32>
    %div3A_48 = arith.divf %exp3A, %add3A_42 : vector<1024x1xf32>
    %concatenate3A_49 = tpu.concatenate %div3A_47, %div3A_48 in 1 : vector<1024x1xf32>, vector<1024x1xf32> -> vector<1024x2xf32>
    %swap3A_50 = arith.constant 0 : index
    %swap3A_51 = arith.constant 0 : index
    %swap3A_52 = vector.load %arg5[%swap3A_50, %swap3A_51] : memref<1024x2xf32, #tpu.memory_space<vmem>>, vector<1024x2xf32>
    tpu.vector_store %arg5[%swap3A_50, %swap3A_51], %concatenate3A_49 {strides = array<i32>} : memref<1024x2xf32, #tpu.memory_space<vmem>>, vector<1024x2xf32>,
    return
  }
  func.func @transform_0(%arg0: i32) -> (i32, i32) {
    %c0_i32 = arith.constant 0 : i32
    %c0_i32_0 = arith.constant 0 : i32
    return %arg0, %c0_i32 : i32, i32
  }
  func.func @transform_1(%arg0: i32) -> (i32, i32) {
    %c0_i32 = arith.constant 0 : i32
    %c0_i32_0 = arith.constant 0 : i32
    %c0_i32_1 = arith.constant 0 : i32
    return %c0_i32, %c0_i32_0 : i32, i32
  }
  func.func @transform_2(%arg0: i32) -> (i32, i32) {
    %c0_i32 = arith.constant 0 : i32
    %c0_i32_0 = arith.constant 0 : i32
    %c0_i32_1 = arith.constant 0 : i32
    return %c0_i32, %c0_i32_0 : i32, i32
  }
  func.func @transform_3(%arg0: i32) -> (i32, i32) {
    %c0_i32 = arith.constant 0 : i32
    %c0_i32_0 = arith.constant 0 : i32
    return %arg0, %c0_i32 : i32, i32
  }
  func.func @transform_4(%arg0: i32) -> (i32, i32) {
    %c0_i32 = arith.constant 0 : i32
    %c0_i32_0 = arith.constant 0 : i32
    return %arg0, %c0_i32 : i32, i32
  }
  func.func @transform_5(%arg0: i32) -> (i32, i32) {
    %c0_i32 = arith.constant 0 : i32
    %c0_i32_0 = arith.constant 0 : i32
    return %arg0, %c0_i32 : i32, i32
  }
}

module attributes {stable_mosaic.version = 14 : i64} {
  func.func @_meta_body(%arg0: i32, %arg1: memref<8192x2xi32, #tpu.memory_space<vmem>>, %arg2: memref<8192x2xf32, #tpu.memory_space<vmem>>, %arg3: memref<8192x2xi32, #tpu.memory_space<vmem>>, %arg4: memref<8192x32xf32, #tpu.memory_space<vmem>>, %arg5: memref<1x128xi32, #tpu.memory_space<vmem>>, %arg6: memref<1x128xi32, #tpu.memory_space<vmem>>, %arg7: memref<1x16xi32, #tpu.memory_space<vmem>>, %arg8: memref<1x8xi32, #tpu.memory_space<vmem>>) attributes {dimension_semantics = [#tpu.dimension_semantics<arbitrary>], iteration_bounds = array<i64: 1>, scalar_prefetch = 0 : i64, scratch_operands = 0 : i64, tpu.core_type = #tpu.core_type<tc>, window_params = [{pipeline_mode = #tpu.pipeline_mode<synchronous>, transform_indices = @transform_0, window_bounds = array<i64: 8192, 2>}, {pipeline_mode = #tpu.pipeline_mode<synchronous>, transform_indices = @transform_1, window_bounds = array<i64: 8192, 2>}, {pipeline_mode = #tpu.pipeline_mode<synchronous>, transform_indices = @transform_2, window_bounds = array<i64: 8192, 2>}, {pipeline_mode = #tpu.pipeline_mode<synchronous>, transform_indices = @transform_3, window_bounds = array<i64: 8192, 32>}, {pipeline_mode = #tpu.pipeline_mode<synchronous>, transform_indices = @transform_4, window_bounds = array<i64: 1, 128>}, {pipeline_mode = #tpu.pipeline_mode<synchronous>, transform_indices = @transform_5, window_bounds = array<i64: 1, 128>}, {pipeline_mode = #tpu.pipeline_mode<synchronous>, transform_indices = @transform_6, window_bounds = array<i64: 1, 16>}, {pipeline_mode = #tpu.pipeline_mode<synchronous>, transform_indices = @transform_7, window_bounds = array<i64: 1, 8>}]} {
    %iota3A = tpu.iota {dimensions = array<i32: 1>} : vector<8192x8xi32>
    %get3A = arith.constant 0 : index
    %get3A_0 = arith.constant 0 : index
    %get3A_1 = vector.load %arg1[%get3A, %get3A_0] : memref<8192x2xi32, #tpu.memory_space<vmem>>, vector<8192x1xi32>
    %get3A_2 = arith.constant 0 : index
    %get3A_3 = arith.constant 1 : index
    %get3A_4 = vector.load %arg1[%get3A_2, %get3A_3] : memref<8192x2xi32, #tpu.memory_space<vmem>>, vector<8192x1xi32>
    %eq3A = vector.broadcast %get3A_1 : vector<8192x1xi32> to vector<8192x8xi32>
    %eq3A_5 = arith.cmpi eq, %eq3A, %iota3A : vector<8192x8xi32>
    %convert_element_type3A = arith.extui %eq3A_5 : vector<8192x8xi1> to vector<8192x8xi32>
    %eq3A_6 = vector.broadcast %get3A_4 : vector<8192x1xi32> to vector<8192x8xi32>
    %eq3A_7 = arith.cmpi eq, %eq3A_6, %iota3A : vector<8192x8xi32>
    %convert_element_type3A_8 = arith.extui %eq3A_7 : vector<8192x8xi1> to vector<8192x8xi32>
    %broadcast_in_dim3A = arith.constant 0 : i32
    %broadcast_in_dim3A_9 = vector.broadcast %broadcast_in_dim3A : i32 to vector<1x8xi32>
    %slice3A = vector.extract_strided_slice %convert_element_type3A {offsets = [0, 0], sizes = [8191, 8], strides = [1, 1]} : vector<8192x8xi32> to vector<8191x8xi32>
    %concatenate3A = tpu.concatenate %broadcast_in_dim3A_9, %slice3A in 0 : vector<1x8xi32>, vector<8191x8xi32> -> vector<8192x8xi32>
    %add3A = arith.addi %convert_element_type3A, %concatenate3A : vector<8192x8xi32>
    %broadcast_in_dim3A_10 = arith.constant 0 : i32
    %broadcast_in_dim3A_11 = vector.broadcast %broadcast_in_dim3A_10 : i32 to vector<2x8xi32>
    %slice3A_12 = vector.extract_strided_slice %add3A {offsets = [0, 0], sizes = [8190, 8], strides = [1, 1]} : vector<8192x8xi32> to vector<8190x8xi32>
    %concatenate3A_13 = tpu.concatenate %broadcast_in_dim3A_11, %slice3A_12 in 0 : vector<2x8xi32>, vector<8190x8xi32> -> vector<8192x8xi32>
    %add3A_14 = arith.addi %add3A, %concatenate3A_13 : vector<8192x8xi32>
    %broadcast_in_dim3A_15 = arith.constant 0 : i32
    %broadcast_in_dim3A_16 = vector.broadcast %broadcast_in_dim3A_15 : i32 to vector<4x8xi32>
    %slice3A_17 = vector.extract_strided_slice %add3A_14 {offsets = [0, 0], sizes = [8188, 8], strides = [1, 1]} : vector<8192x8xi32> to vector<8188x8xi32>
    %concatenate3A_18 = tpu.concatenate %broadcast_in_dim3A_16, %slice3A_17 in 0 : vector<4x8xi32>, vector<8188x8xi32> -> vector<8192x8xi32>
    %add3A_19 = arith.addi %add3A_14, %concatenate3A_18 : vector<8192x8xi32>
    %broadcast_in_dim3A_20 = arith.constant 0 : i32
    %broadcast_in_dim3A_21 = vector.broadcast %broadcast_in_dim3A_20 : i32 to vector<8x8xi32>
    %slice3A_22 = vector.extract_strided_slice %add3A_19 {offsets = [0, 0], sizes = [8184, 8], strides = [1, 1]} : vector<8192x8xi32> to vector<8184x8xi32>
    %concatenate3A_23 = tpu.concatenate %broadcast_in_dim3A_21, %slice3A_22 in 0 : vector<8x8xi32>, vector<8184x8xi32> -> vector<8192x8xi32>
    %add3A_24 = arith.addi %add3A_19, %concatenate3A_23 : vector<8192x8xi32>
    %broadcast_in_dim3A_25 = arith.constant 0 : i32
    %broadcast_in_dim3A_26 = vector.broadcast %broadcast_in_dim3A_25 : i32 to vector<16x8xi32>
    %slice3A_27 = vector.extract_strided_slice %add3A_24 {offsets = [0, 0], sizes = [8176, 8], strides = [1, 1]} : vector<8192x8xi32> to vector<8176x8xi32>
    %concatenate3A_28 = tpu.concatenate %broadcast_in_dim3A_26, %slice3A_27 in 0 : vector<16x8xi32>, vector<8176x8xi32> -> vector<8192x8xi32>
    %add3A_29 = arith.addi %add3A_24, %concatenate3A_28 : vector<8192x8xi32>
    %broadcast_in_dim3A_30 = arith.constant 0 : i32
    %broadcast_in_dim3A_31 = vector.broadcast %broadcast_in_dim3A_30 : i32 to vector<32x8xi32>
    %slice3A_32 = vector.extract_strided_slice %add3A_29 {offsets = [0, 0], sizes = [8160, 8], strides = [1, 1]} : vector<8192x8xi32> to vector<8160x8xi32>
    %concatenate3A_33 = tpu.concatenate %broadcast_in_dim3A_31, %slice3A_32 in 0 : vector<32x8xi32>, vector<8160x8xi32> -> vector<8192x8xi32>
    %add3A_34 = arith.addi %add3A_29, %concatenate3A_33 : vector<8192x8xi32>
    %broadcast_in_dim3A_35 = arith.constant 0 : i32
    %broadcast_in_dim3A_36 = vector.broadcast %broadcast_in_dim3A_35 : i32 to vector<64x8xi32>
    %slice3A_37 = vector.extract_strided_slice %add3A_34 {offsets = [0, 0], sizes = [8128, 8], strides = [1, 1]} : vector<8192x8xi32> to vector<8128x8xi32>
    %concatenate3A_38 = tpu.concatenate %broadcast_in_dim3A_36, %slice3A_37 in 0 : vector<64x8xi32>, vector<8128x8xi32> -> vector<8192x8xi32>
    %add3A_39 = arith.addi %add3A_34, %concatenate3A_38 : vector<8192x8xi32>
    %broadcast_in_dim3A_40 = arith.constant 0 : i32
    %broadcast_in_dim3A_41 = vector.broadcast %broadcast_in_dim3A_40 : i32 to vector<128x8xi32>
    %slice3A_42 = vector.extract_strided_slice %add3A_39 {offsets = [0, 0], sizes = [8064, 8], strides = [1, 1]} : vector<8192x8xi32> to vector<8064x8xi32>
    %concatenate3A_43 = tpu.concatenate %broadcast_in_dim3A_41, %slice3A_42 in 0 : vector<128x8xi32>, vector<8064x8xi32> -> vector<8192x8xi32>
    %add3A_44 = arith.addi %add3A_39, %concatenate3A_43 : vector<8192x8xi32>
    %broadcast_in_dim3A_45 = arith.constant 0 : i32
    %broadcast_in_dim3A_46 = vector.broadcast %broadcast_in_dim3A_45 : i32 to vector<256x8xi32>
    %slice3A_47 = vector.extract_strided_slice %add3A_44 {offsets = [0, 0], sizes = [7936, 8], strides = [1, 1]} : vector<8192x8xi32> to vector<7936x8xi32>
    %concatenate3A_48 = tpu.concatenate %broadcast_in_dim3A_46, %slice3A_47 in 0 : vector<256x8xi32>, vector<7936x8xi32> -> vector<8192x8xi32>
    %add3A_49 = arith.addi %add3A_44, %concatenate3A_48 : vector<8192x8xi32>
    %broadcast_in_dim3A_50 = arith.constant 0 : i32
    %broadcast_in_dim3A_51 = vector.broadcast %broadcast_in_dim3A_50 : i32 to vector<512x8xi32>
    %slice3A_52 = vector.extract_strided_slice %add3A_49 {offsets = [0, 0], sizes = [7680, 8], strides = [1, 1]} : vector<8192x8xi32> to vector<7680x8xi32>
    %concatenate3A_53 = tpu.concatenate %broadcast_in_dim3A_51, %slice3A_52 in 0 : vector<512x8xi32>, vector<7680x8xi32> -> vector<8192x8xi32>
    %add3A_54 = arith.addi %add3A_49, %concatenate3A_53 : vector<8192x8xi32>
    %broadcast_in_dim3A_55 = arith.constant 0 : i32
    %broadcast_in_dim3A_56 = vector.broadcast %broadcast_in_dim3A_55 : i32 to vector<1024x8xi32>
    %slice3A_57 = vector.extract_strided_slice %add3A_54 {offsets = [0, 0], sizes = [7168, 8], strides = [1, 1]} : vector<8192x8xi32> to vector<7168x8xi32>
    %concatenate3A_58 = tpu.concatenate %broadcast_in_dim3A_56, %slice3A_57 in 0 : vector<1024x8xi32>, vector<7168x8xi32> -> vector<8192x8xi32>
    %add3A_59 = arith.addi %add3A_54, %concatenate3A_58 : vector<8192x8xi32>
    %broadcast_in_dim3A_60 = arith.constant 0 : i32
    %broadcast_in_dim3A_61 = vector.broadcast %broadcast_in_dim3A_60 : i32 to vector<2048x8xi32>
    %slice3A_62 = vector.extract_strided_slice %add3A_59 {offsets = [0, 0], sizes = [6144, 8], strides = [1, 1]} : vector<8192x8xi32> to vector<6144x8xi32>
    %concatenate3A_63 = tpu.concatenate %broadcast_in_dim3A_61, %slice3A_62 in 0 : vector<2048x8xi32>, vector<6144x8xi32> -> vector<8192x8xi32>
    %add3A_64 = arith.addi %add3A_59, %concatenate3A_63 : vector<8192x8xi32>
    %broadcast_in_dim3A_65 = arith.constant 0 : i32
    %broadcast_in_dim3A_66 = vector.broadcast %broadcast_in_dim3A_65 : i32 to vector<4096x8xi32>
    %slice3A_67 = vector.extract_strided_slice %add3A_64 {offsets = [0, 0], sizes = [4096, 8], strides = [1, 1]} : vector<8192x8xi32> to vector<4096x8xi32>
    %concatenate3A_68 = tpu.concatenate %broadcast_in_dim3A_66, %slice3A_67 in 0 : vector<4096x8xi32>, vector<4096x8xi32> -> vector<8192x8xi32>
    %add3A_69 = arith.addi %add3A_64, %concatenate3A_68 : vector<8192x8xi32>
    %broadcast_in_dim3A_70 = arith.constant 0 : i32
    %broadcast_in_dim3A_71 = vector.broadcast %broadcast_in_dim3A_70 : i32 to vector<1x8xi32>
    %slice3A_72 = vector.extract_strided_slice %convert_element_type3A_8 {offsets = [0, 0], sizes = [8191, 8], strides = [1, 1]} : vector<8192x8xi32> to vector<8191x8xi32>
    %concatenate3A_73 = tpu.concatenate %broadcast_in_dim3A_71, %slice3A_72 in 0 : vector<1x8xi32>, vector<8191x8xi32> -> vector<8192x8xi32>
    %add3A_74 = arith.addi %convert_element_type3A_8, %concatenate3A_73 : vector<8192x8xi32>
    %broadcast_in_dim3A_75 = arith.constant 0 : i32
    %broadcast_in_dim3A_76 = vector.broadcast %broadcast_in_dim3A_75 : i32 to vector<2x8xi32>
    %slice3A_77 = vector.extract_strided_slice %add3A_74 {offsets = [0, 0], sizes = [8190, 8], strides = [1, 1]} : vector<8192x8xi32> to vector<8190x8xi32>
    %concatenate3A_78 = tpu.concatenate %broadcast_in_dim3A_76, %slice3A_77 in 0 : vector<2x8xi32>, vector<8190x8xi32> -> vector<8192x8xi32>
    %add3A_79 = arith.addi %add3A_74, %concatenate3A_78 : vector<8192x8xi32>
    %broadcast_in_dim3A_80 = arith.constant 0 : i32
    %broadcast_in_dim3A_81 = vector.broadcast %broadcast_in_dim3A_80 : i32 to vector<4x8xi32>
    %slice3A_82 = vector.extract_strided_slice %add3A_79 {offsets = [0, 0], sizes = [8188, 8], strides = [1, 1]} : vector<8192x8xi32> to vector<8188x8xi32>
    %concatenate3A_83 = tpu.concatenate %broadcast_in_dim3A_81, %slice3A_82 in 0 : vector<4x8xi32>, vector<8188x8xi32> -> vector<8192x8xi32>
    %add3A_84 = arith.addi %add3A_79, %concatenate3A_83 : vector<8192x8xi32>
    %broadcast_in_dim3A_85 = arith.constant 0 : i32
    %broadcast_in_dim3A_86 = vector.broadcast %broadcast_in_dim3A_85 : i32 to vector<8x8xi32>
    %slice3A_87 = vector.extract_strided_slice %add3A_84 {offsets = [0, 0], sizes = [8184, 8], strides = [1, 1]} : vector<8192x8xi32> to vector<8184x8xi32>
    %concatenate3A_88 = tpu.concatenate %broadcast_in_dim3A_86, %slice3A_87 in 0 : vector<8x8xi32>, vector<8184x8xi32> -> vector<8192x8xi32>
    %add3A_89 = arith.addi %add3A_84, %concatenate3A_88 : vector<8192x8xi32>
    %broadcast_in_dim3A_90 = arith.constant 0 : i32
    %broadcast_in_dim3A_91 = vector.broadcast %broadcast_in_dim3A_90 : i32 to vector<16x8xi32>
    %slice3A_92 = vector.extract_strided_slice %add3A_89 {offsets = [0, 0], sizes = [8176, 8], strides = [1, 1]} : vector<8192x8xi32> to vector<8176x8xi32>
    %concatenate3A_93 = tpu.concatenate %broadcast_in_dim3A_91, %slice3A_92 in 0 : vector<16x8xi32>, vector<8176x8xi32> -> vector<8192x8xi32>
    %add3A_94 = arith.addi %add3A_89, %concatenate3A_93 : vector<8192x8xi32>
    %broadcast_in_dim3A_95 = arith.constant 0 : i32
    %broadcast_in_dim3A_96 = vector.broadcast %broadcast_in_dim3A_95 : i32 to vector<32x8xi32>
    %slice3A_97 = vector.extract_strided_slice %add3A_94 {offsets = [0, 0], sizes = [8160, 8], strides = [1, 1]} : vector<8192x8xi32> to vector<8160x8xi32>
    %concatenate3A_98 = tpu.concatenate %broadcast_in_dim3A_96, %slice3A_97 in 0 : vector<32x8xi32>, vector<8160x8xi32> -> vector<8192x8xi32>
    %add3A_99 = arith.addi %add3A_94, %concatenate3A_98 : vector<8192x8xi32>
    %broadcast_in_dim3A_100 = arith.constant 0 : i32
    %broadcast_in_dim3A_101 = vector.broadcast %broadcast_in_dim3A_100 : i32 to vector<64x8xi32>
    %slice3A_102 = vector.extract_strided_slice %add3A_99 {offsets = [0, 0], sizes = [8128, 8], strides = [1, 1]} : vector<8192x8xi32> to vector<8128x8xi32>
    %concatenate3A_103 = tpu.concatenate %broadcast_in_dim3A_101, %slice3A_102 in 0 : vector<64x8xi32>, vector<8128x8xi32> -> vector<8192x8xi32>
    %add3A_104 = arith.addi %add3A_99, %concatenate3A_103 : vector<8192x8xi32>
    %broadcast_in_dim3A_105 = arith.constant 0 : i32
    %broadcast_in_dim3A_106 = vector.broadcast %broadcast_in_dim3A_105 : i32 to vector<128x8xi32>
    %slice3A_107 = vector.extract_strided_slice %add3A_104 {offsets = [0, 0], sizes = [8064, 8], strides = [1, 1]} : vector<8192x8xi32> to vector<8064x8xi32>
    %concatenate3A_108 = tpu.concatenate %broadcast_in_dim3A_106, %slice3A_107 in 0 : vector<128x8xi32>, vector<8064x8xi32> -> vector<8192x8xi32>
    %add3A_109 = arith.addi %add3A_104, %concatenate3A_108 : vector<8192x8xi32>
    %broadcast_in_dim3A_110 = arith.constant 0 : i32
    %broadcast_in_dim3A_111 = vector.broadcast %broadcast_in_dim3A_110 : i32 to vector<256x8xi32>
    %slice3A_112 = vector.extract_strided_slice %add3A_109 {offsets = [0, 0], sizes = [7936, 8], strides = [1, 1]} : vector<8192x8xi32> to vector<7936x8xi32>
    %concatenate3A_113 = tpu.concatenate %broadcast_in_dim3A_111, %slice3A_112 in 0 : vector<256x8xi32>, vector<7936x8xi32> -> vector<8192x8xi32>
    %add3A_114 = arith.addi %add3A_109, %concatenate3A_113 : vector<8192x8xi32>
    %broadcast_in_dim3A_115 = arith.constant 0 : i32
    %broadcast_in_dim3A_116 = vector.broadcast %broadcast_in_dim3A_115 : i32 to vector<512x8xi32>
    %slice3A_117 = vector.extract_strided_slice %add3A_114 {offsets = [0, 0], sizes = [7680, 8], strides = [1, 1]} : vector<8192x8xi32> to vector<7680x8xi32>
    %concatenate3A_118 = tpu.concatenate %broadcast_in_dim3A_116, %slice3A_117 in 0 : vector<512x8xi32>, vector<7680x8xi32> -> vector<8192x8xi32>
    %add3A_119 = arith.addi %add3A_114, %concatenate3A_118 : vector<8192x8xi32>
    %broadcast_in_dim3A_120 = arith.constant 0 : i32
    %broadcast_in_dim3A_121 = vector.broadcast %broadcast_in_dim3A_120 : i32 to vector<1024x8xi32>
    %slice3A_122 = vector.extract_strided_slice %add3A_119 {offsets = [0, 0], sizes = [7168, 8], strides = [1, 1]} : vector<8192x8xi32> to vector<7168x8xi32>
    %concatenate3A_123 = tpu.concatenate %broadcast_in_dim3A_121, %slice3A_122 in 0 : vector<1024x8xi32>, vector<7168x8xi32> -> vector<8192x8xi32>
    %add3A_124 = arith.addi %add3A_119, %concatenate3A_123 : vector<8192x8xi32>
    %broadcast_in_dim3A_125 = arith.constant 0 : i32
    %broadcast_in_dim3A_126 = vector.broadcast %broadcast_in_dim3A_125 : i32 to vector<2048x8xi32>
    %slice3A_127 = vector.extract_strided_slice %add3A_124 {offsets = [0, 0], sizes = [6144, 8], strides = [1, 1]} : vector<8192x8xi32> to vector<6144x8xi32>
    %concatenate3A_128 = tpu.concatenate %broadcast_in_dim3A_126, %slice3A_127 in 0 : vector<2048x8xi32>, vector<6144x8xi32> -> vector<8192x8xi32>
    %add3A_129 = arith.addi %add3A_124, %concatenate3A_128 : vector<8192x8xi32>
    %broadcast_in_dim3A_130 = arith.constant 0 : i32
    %broadcast_in_dim3A_131 = vector.broadcast %broadcast_in_dim3A_130 : i32 to vector<4096x8xi32>
    %slice3A_132 = vector.extract_strided_slice %add3A_129 {offsets = [0, 0], sizes = [4096, 8], strides = [1, 1]} : vector<8192x8xi32> to vector<4096x8xi32>
    %concatenate3A_133 = tpu.concatenate %broadcast_in_dim3A_131, %slice3A_132 in 0 : vector<4096x8xi32>, vector<4096x8xi32> -> vector<8192x8xi32>
    %add3A_134 = arith.addi %add3A_129, %concatenate3A_133 : vector<8192x8xi32>
    %add3A_135 = arith.addi %add3A_69, %add3A_134 : vector<8192x8xi32>
    %sub3A = arith.subi %add3A_135, %convert_element_type3A_8 : vector<8192x8xi32>
    %mul3A = arith.muli %convert_element_type3A, %sub3A : vector<8192x8xi32>
    %reduce_sum3A = arith.constant dense<0> : vector<8192xi32>
    %reduce_sum3A_136 = vector.multi_reduction <add>, %mul3A, %reduce_sum3A [1] : vector<8192x8xi32> to vector<8192xi32>
    %broadcast_in_dim3A_137 = vector.shape_cast %reduce_sum3A_136 : vector<8192xi32> to vector<8192x1xi32>
    %sub3A_138 = arith.constant 1 : i32
    %sub3A_139 = vector.broadcast %sub3A_138 : i32 to vector<8192x1xi32>
    %sub3A_140 = arith.subi %broadcast_in_dim3A_137, %sub3A_139 : vector<8192x1xi32>
    %add3A_141 = arith.addi %add3A_69, %add3A_134 : vector<8192x8xi32>
    %mul3A_142 = arith.muli %convert_element_type3A_8, %add3A_141 : vector<8192x8xi32>
    %reduce_sum3A_143 = arith.constant dense<0> : vector<8192xi32>
    %reduce_sum3A_144 = vector.multi_reduction <add>, %mul3A_142, %reduce_sum3A_143 [1] : vector<8192x8xi32> to vector<8192xi32>
    %broadcast_in_dim3A_145 = vector.shape_cast %reduce_sum3A_144 : vector<8192xi32> to vector<8192x1xi32>
    %sub3A_146 = arith.constant 1 : i32
    %sub3A_147 = vector.broadcast %sub3A_146 : i32 to vector<8192x1xi32>
    %sub3A_148 = arith.subi %broadcast_in_dim3A_145, %sub3A_147 : vector<8192x1xi32>
    %slice3A_149 = vector.extract_strided_slice %add3A_69 {offsets = [8191, 0], sizes = [1, 8], strides = [1, 1]} : vector<8192x8xi32> to vector<1x8xi32>
    %slice3A_150 = vector.extract_strided_slice %add3A_134 {offsets = [8191, 0], sizes = [1, 8], strides = [1, 1]} : vector<8192x8xi32> to vector<1x8xi32>
    %add3A_151 = arith.addi %slice3A_149, %slice3A_150 : vector<1x8xi32>
    %broadcast_in_dim3A_152 = arith.constant 0 : i32
    %broadcast_in_dim3A_153 = vector.broadcast %broadcast_in_dim3A_152 : i32 to vector<1x1xi32>
    %slice3A_154 = vector.extract_strided_slice %add3A_151 {offsets = [0, 0], sizes = [1, 7], strides = [1, 1]} : vector<1x8xi32> to vector<1x7xi32>
    %concatenate3A_155 = tpu.concatenate %broadcast_in_dim3A_153, %slice3A_154 in 1 : vector<1x1xi32>, vector<1x7xi32> -> vector<1x8xi32>
    %add3A_156 = arith.addi %add3A_151, %concatenate3A_155 : vector<1x8xi32>
    %broadcast_in_dim3A_157 = arith.constant 0 : i32
    %broadcast_in_dim3A_158 = vector.broadcast %broadcast_in_dim3A_157 : i32 to vector<1x2xi32>
    %slice3A_159 = vector.extract_strided_slice %add3A_156 {offsets = [0, 0], sizes = [1, 6], strides = [1, 1]} : vector<1x8xi32> to vector<1x6xi32>
    %concatenate3A_160 = tpu.concatenate %broadcast_in_dim3A_158, %slice3A_159 in 1 : vector<1x2xi32>, vector<1x6xi32> -> vector<1x8xi32>
    %add3A_161 = arith.addi %add3A_156, %concatenate3A_160 : vector<1x8xi32>
    %broadcast_in_dim3A_162 = arith.constant 0 : i32
    %broadcast_in_dim3A_163 = vector.broadcast %broadcast_in_dim3A_162 : i32 to vector<1x4xi32>
    %slice3A_164 = vector.extract_strided_slice %add3A_161 {offsets = [0, 0], sizes = [1, 4], strides = [1, 1]} : vector<1x8xi32> to vector<1x4xi32>
    %concatenate3A_165 = tpu.concatenate %broadcast_in_dim3A_163, %slice3A_164 in 1 : vector<1x4xi32>, vector<1x4xi32> -> vector<1x8xi32>
    %add3A_166 = arith.addi %add3A_161, %concatenate3A_165 : vector<1x8xi32>
    %sub3A_167 = arith.subi %add3A_166, %add3A_151 : vector<1x8xi32>
    %mul3A_168 = vector.broadcast %sub3A_167 : vector<1x8xi32> to vector<8192x8xi32>
    %mul3A_169 = arith.muli %convert_element_type3A, %mul3A_168 : vector<8192x8xi32>
    %reduce_sum3A_170 = arith.constant dense<0> : vector<8192xi32>
    %reduce_sum3A_171 = vector.multi_reduction <add>, %mul3A_169, %reduce_sum3A_170 [1] : vector<8192x8xi32> to vector<8192xi32>
    %broadcast_in_dim3A_172 = vector.shape_cast %reduce_sum3A_171 : vector<8192xi32> to vector<8192x1xi32>
    %mul3A_173 = vector.broadcast %sub3A_167 : vector<1x8xi32> to vector<8192x8xi32>
    %mul3A_174 = arith.muli %convert_element_type3A_8, %mul3A_173 : vector<8192x8xi32>
    %reduce_sum3A_175 = arith.constant dense<0> : vector<8192xi32>
    %reduce_sum3A_176 = vector.multi_reduction <add>, %mul3A_174, %reduce_sum3A_175 [1] : vector<8192x8xi32> to vector<8192xi32>
    %broadcast_in_dim3A_177 = vector.shape_cast %reduce_sum3A_176 : vector<8192xi32> to vector<8192x1xi32>
    %add3A_178 = arith.addi %broadcast_in_dim3A_172, %sub3A_140 : vector<8192x1xi32>
    %add3A_179 = arith.addi %broadcast_in_dim3A_177, %sub3A_148 : vector<8192x1xi32>
    %concatenate3A_180 = tpu.concatenate %add3A_178, %add3A_179 in 1 : vector<8192x1xi32>, vector<8192x1xi32> -> vector<8192x2xi32>
    %swap3A = arith.constant 0 : index
    %swap3A_181 = arith.constant 0 : index
    %swap3A_182 = vector.load %arg3[%swap3A, %swap3A_181] : memref<8192x2xi32, #tpu.memory_space<vmem>>, vector<8192x2xi32>
    tpu.vector_store %arg3[%swap3A, %swap3A_181], %concatenate3A_180 {strides = array<i32>} : memref<8192x2xi32, #tpu.memory_space<vmem>>, vector<8192x2xi32>,
    %get3A_183 = arith.constant 0 : index
    %get3A_184 = arith.constant 0 : index
    %get3A_185 = vector.load %arg2[%get3A_183, %get3A_184] : memref<8192x2xf32, #tpu.memory_space<vmem>>, vector<8192x2xf32>
    %slice3A_186 = vector.extract_strided_slice %get3A_185 {offsets = [0, 0], sizes = [8192, 1], strides = [1, 1]} : vector<8192x2xf32> to vector<8192x1xf32>
    %broadcast_in_dim3A_187 = vector.shape_cast %slice3A_186 : vector<8192x1xf32> to vector<8192x1xf32>
    %broadcast_in_dim3A_188 = vector.broadcast %broadcast_in_dim3A_187 : vector<8192x1xf32> to vector<8192x16xf32>
    %slice3A_189 = vector.extract_strided_slice %get3A_185 {offsets = [0, 1], sizes = [8192, 1], strides = [1, 1]} : vector<8192x2xf32> to vector<8192x1xf32>
    %broadcast_in_dim3A_190 = vector.shape_cast %slice3A_189 : vector<8192x1xf32> to vector<8192x1xf32>
    %broadcast_in_dim3A_191 = vector.broadcast %broadcast_in_dim3A_190 : vector<8192x1xf32> to vector<8192x16xf32>
    %concatenate3A_192 = tpu.concatenate %broadcast_in_dim3A_188, %broadcast_in_dim3A_191 in 1 : vector<8192x16xf32>, vector<8192x16xf32> -> vector<8192x32xf32>
    %swap3A_193 = arith.constant 0 : index
    %swap3A_194 = arith.constant 0 : index
    %swap3A_195 = vector.load %arg4[%swap3A_193, %swap3A_194] : memref<8192x32xf32, #tpu.memory_space<vmem>>, vector<8192x32xf32>
    tpu.vector_store %arg4[%swap3A_193, %swap3A_194], %concatenate3A_192 {strides = array<i32>} : memref<8192x32xf32, #tpu.memory_space<vmem>>, vector<8192x32xf32>,
    %add3A_196 = arith.addi %sub3A_167, %add3A_151 : vector<1x8xi32>
    %jit3A = arith.constant 256 : i32
    %div3A = vector.broadcast %jit3A : i32 to vector<1x8xi32>
    %div3A_197 = arith.divsi %sub3A_167, %div3A : vector<1x8xi32>
    %sign3A = arith.constant 0 : i32
    %sign3A_198 = vector.broadcast %sign3A : i32 to vector<1x8xi32>
    %sign3A_199 = arith.cmpi sgt, %sub3A_167, %sign3A_198 : vector<1x8xi32>
    %sign3A_200 = arith.extui %sign3A_199 : vector<1x8xi1> to vector<1x8xi32>
    %sign3A_201 = arith.constant 0 : i32
    %sign3A_202 = vector.broadcast %sign3A_201 : i32 to vector<1x8xi32>
    %sign3A_203 = arith.cmpi slt, %sub3A_167, %sign3A_202 : vector<1x8xi32>
    %sign3A_204 = arith.extui %sign3A_203 : vector<1x8xi1> to vector<1x8xi32>
    %sign3A_205 = arith.subi %sign3A_200, %sign3A_204 : vector<1x8xi32>
    %sign3A_206 = arith.constant 0 : i32
    %sign3A_207 = arith.cmpi sgt, %jit3A, %sign3A_206 : i32
    %sign3A_208 = arith.extui %sign3A_207 : i1 to i32
    %sign3A_209 = arith.constant 0 : i32
    %sign3A_210 = arith.cmpi slt, %jit3A, %sign3A_209 : i32
    %sign3A_211 = arith.extui %sign3A_210 : i1 to i32
    %sign3A_212 = arith.subi %sign3A_208, %sign3A_211 : i32
    %ne3A = vector.broadcast %sign3A_212 : i32 to vector<1x8xi32>
    %ne3A_213 = arith.cmpi ne, %sign3A_205, %ne3A : vector<1x8xi32>
    %rem3A = vector.broadcast %jit3A : i32 to vector<1x8xi32>
    %rem3A_214 = arith.remsi %sub3A_167, %rem3A : vector<1x8xi32>
    %ne3A_215 = arith.constant 0 : i32
    %ne3A_216 = vector.broadcast %ne3A_215 : i32 to vector<1x8xi32>
    %ne3A_217 = arith.cmpi ne, %rem3A_214, %ne3A_216 : vector<1x8xi32>
    %and3A = arith.andi %ne3A_213, %ne3A_217 : vector<1x8xi1>
    %sub3A_218 = arith.constant 1 : i32
    %sub3A_219 = vector.broadcast %sub3A_218 : i32 to vector<1x8xi32>
    %sub3A_220 = arith.subi %div3A_197, %sub3A_219 : vector<1x8xi32>
    %select_n3A = arith.select %and3A, %sub3A_220, %div3A_197 : vector<1x8xi1>, vector<1x8xi32>
    %sub3A_221 = arith.constant 1 : i32
    %sub3A_222 = vector.broadcast %sub3A_221 : i32 to vector<1x8xi32>
    %sub3A_223 = arith.subi %add3A_196, %sub3A_222 : vector<1x8xi32>
    %max3A = arith.constant 0 : i32
    %max3A_224 = vector.broadcast %max3A : i32 to vector<1x8xi32>
    %max3A_225 = arith.maxsi %sub3A_223, %max3A_224 : vector<1x8xi32>
    %jit3A_226 = arith.constant 256 : i32
    %div3A_227 = vector.broadcast %jit3A_226 : i32 to vector<1x8xi32>
    %div3A_228 = arith.divsi %max3A_225, %div3A_227 : vector<1x8xi32>
    %sign3A_229 = arith.constant 0 : i32
    %sign3A_230 = vector.broadcast %sign3A_229 : i32 to vector<1x8xi32>
    %sign3A_231 = arith.cmpi sgt, %max3A_225, %sign3A_230 : vector<1x8xi32>
    %sign3A_232 = arith.extui %sign3A_231 : vector<1x8xi1> to vector<1x8xi32>
    %sign3A_233 = arith.constant 0 : i32
    %sign3A_234 = vector.broadcast %sign3A_233 : i32 to vector<1x8xi32>
    %sign3A_235 = arith.cmpi slt, %max3A_225, %sign3A_234 : vector<1x8xi32>
    %sign3A_236 = arith.extui %sign3A_235 : vector<1x8xi1> to vector<1x8xi32>
    %sign3A_237 = arith.subi %sign3A_232, %sign3A_236 : vector<1x8xi32>
    %sign3A_238 = arith.constant 0 : i32
    %sign3A_239 = arith.cmpi sgt, %jit3A_226, %sign3A_238 : i32
    %sign3A_240 = arith.extui %sign3A_239 : i1 to i32
    %sign3A_241 = arith.constant 0 : i32
    %sign3A_242 = arith.cmpi slt, %jit3A_226, %sign3A_241 : i32
    %sign3A_243 = arith.extui %sign3A_242 : i1 to i32
    %sign3A_244 = arith.subi %sign3A_240, %sign3A_243 : i32
    %ne3A_245 = vector.broadcast %sign3A_244 : i32 to vector<1x8xi32>
    %ne3A_246 = arith.cmpi ne, %sign3A_237, %ne3A_245 : vector<1x8xi32>
    %rem3A_247 = vector.broadcast %jit3A_226 : i32 to vector<1x8xi32>
    %rem3A_248 = arith.remsi %max3A_225, %rem3A_247 : vector<1x8xi32>
    %ne3A_249 = arith.constant 0 : i32
    %ne3A_250 = vector.broadcast %ne3A_249 : i32 to vector<1x8xi32>
    %ne3A_251 = arith.cmpi ne, %rem3A_248, %ne3A_250 : vector<1x8xi32>
    %and3A_252 = arith.andi %ne3A_246, %ne3A_251 : vector<1x8xi1>
    %sub3A_253 = arith.constant 1 : i32
    %sub3A_254 = vector.broadcast %sub3A_253 : i32 to vector<1x8xi32>
    %sub3A_255 = arith.subi %div3A_228, %sub3A_254 : vector<1x8xi32>
    %select_n3A_256 = arith.select %and3A_252, %sub3A_255, %div3A_228 : vector<1x8xi1>, vector<1x8xi32>
    %gt3A = arith.constant 0 : i32
    %gt3A_257 = vector.broadcast %gt3A : i32 to vector<1x8xi32>
    %gt3A_258 = arith.cmpi sgt, %add3A_151, %gt3A_257 : vector<1x8xi32>
    %sub3A_259 = arith.subi %select_n3A_256, %select_n3A : vector<1x8xi32>
    %add3A_260 = arith.constant 1 : i32
    %add3A_261 = vector.broadcast %add3A_260 : i32 to vector<1x8xi32>
    %add3A_262 = arith.addi %sub3A_259, %add3A_261 : vector<1x8xi32>
    %jit3A_263 = arith.constant 0 : i32
    %broadcast_in_dim3A_264 = vector.broadcast %jit3A_263 : i32 to vector<1x8xi32>
    %select_n3A_265 = arith.select %gt3A_258, %add3A_262, %broadcast_in_dim3A_264 : vector<1x8xi1>, vector<1x8xi32>
    %broadcast_in_dim3A_266 = arith.constant 0 : i32
    %broadcast_in_dim3A_267 = vector.broadcast %broadcast_in_dim3A_266 : i32 to vector<1x1xi32>
    %slice3A_268 = vector.extract_strided_slice %select_n3A_265 {offsets = [0, 0], sizes = [1, 7], strides = [1, 1]} : vector<1x8xi32> to vector<1x7xi32>
    %concatenate3A_269 = tpu.concatenate %broadcast_in_dim3A_267, %slice3A_268 in 1 : vector<1x1xi32>, vector<1x7xi32> -> vector<1x8xi32>
    %add3A_270 = arith.addi %select_n3A_265, %concatenate3A_269 : vector<1x8xi32>
    %broadcast_in_dim3A_271 = arith.constant 0 : i32
    %broadcast_in_dim3A_272 = vector.broadcast %broadcast_in_dim3A_271 : i32 to vector<1x2xi32>
    %slice3A_273 = vector.extract_strided_slice %add3A_270 {offsets = [0, 0], sizes = [1, 6], strides = [1, 1]} : vector<1x8xi32> to vector<1x6xi32>
    %concatenate3A_274 = tpu.concatenate %broadcast_in_dim3A_272, %slice3A_273 in 1 : vector<1x2xi32>, vector<1x6xi32> -> vector<1x8xi32>
    %add3A_275 = arith.addi %add3A_270, %concatenate3A_274 : vector<1x8xi32>
    %broadcast_in_dim3A_276 = arith.constant 0 : i32
    %broadcast_in_dim3A_277 = vector.broadcast %broadcast_in_dim3A_276 : i32 to vector<1x4xi32>
    %slice3A_278 = vector.extract_strided_slice %add3A_275 {offsets = [0, 0], sizes = [1, 4], strides = [1, 1]} : vector<1x8xi32> to vector<1x4xi32>
    %concatenate3A_279 = tpu.concatenate %broadcast_in_dim3A_277, %slice3A_278 in 1 : vector<1x4xi32>, vector<1x4xi32> -> vector<1x8xi32>
    %add3A_280 = arith.addi %add3A_275, %concatenate3A_279 : vector<1x8xi32>
    %sub3A_281 = arith.subi %add3A_280, %select_n3A_265 : vector<1x8xi32>
    %slice3A_282 = vector.extract_strided_slice %add3A_280 {offsets = [0, 7], sizes = [1, 1], strides = [1, 1]} : vector<1x8xi32> to vector<1x1xi32>
    %iota3A_283 = tpu.iota {dimensions = array<i32: 1>} : vector<1x128xi32>
    %iota3A_284 = tpu.iota {dimensions = array<i32: 1>} : vector<8x128xi32>
    %reshape3A = vector.shape_cast %add3A_280 : vector<1x8xi32> to vector<8x1xi32>
    %broadcast_in_dim3A_285 = vector.shape_cast %reshape3A : vector<8x1xi32> to vector<8x1xi32>
    %broadcast_in_dim3A_286 = vector.broadcast %broadcast_in_dim3A_285 : vector<8x1xi32> to vector<8x128xi32>
    %ge3A = arith.cmpi sge, %iota3A_284, %broadcast_in_dim3A_286 : vector<8x128xi32>
    %convert_element_type3A_287 = arith.extui %ge3A : vector<8x128xi1> to vector<8x128xi32>
    %reduce_sum3A_288 = arith.constant dense<0> : vector<128xi32>
    %reduce_sum3A_289 = vector.multi_reduction <add>, %convert_element_type3A_287, %reduce_sum3A_288 [0] : vector<8x128xi32> to vector<128xi32>
    %broadcast_in_dim3A_290 = vector.shape_cast %reduce_sum3A_289 : vector<128xi32> to vector<1x128xi32>
    %iota3A_291 = tpu.iota {dimensions = array<i32: 0>} : vector<8x128xi32>
    %broadcast_in_dim3A_292 = vector.shape_cast %broadcast_in_dim3A_290 : vector<1x128xi32> to vector<1x128xi32>
    %broadcast_in_dim3A_293 = vector.broadcast %broadcast_in_dim3A_292 : vector<1x128xi32> to vector<8x128xi32>
    %eq3A_294 = arith.cmpi eq, %iota3A_291, %broadcast_in_dim3A_293 : vector<8x128xi32>
    %convert_element_type3A_295 = arith.extui %eq3A_294 : vector<8x128xi1> to vector<8x128xi32>
    %reshape3A_296 = vector.shape_cast %select_n3A : vector<1x8xi32> to vector<8x1xi32>
    %mul3A_297 = vector.broadcast %reshape3A_296 : vector<8x1xi32> to vector<8x128xi32>
    %mul3A_298 = arith.muli %convert_element_type3A_295, %mul3A_297 : vector<8x128xi32>
    %reduce_sum3A_299 = arith.constant dense<0> : vector<128xi32>
    %reduce_sum3A_300 = vector.multi_reduction <add>, %mul3A_298, %reduce_sum3A_299 [0] : vector<8x128xi32> to vector<128xi32>
    %broadcast_in_dim3A_301 = vector.shape_cast %reduce_sum3A_300 : vector<128xi32> to vector<1x128xi32>
    %reshape3A_302 = vector.shape_cast %sub3A_281 : vector<1x8xi32> to vector<8x1xi32>
    %mul3A_303 = vector.broadcast %reshape3A_302 : vector<8x1xi32> to vector<8x128xi32>
    %mul3A_304 = arith.muli %convert_element_type3A_295, %mul3A_303 : vector<8x128xi32>
    %reduce_sum3A_305 = arith.constant dense<0> : vector<128xi32>
    %reduce_sum3A_306 = vector.multi_reduction <add>, %mul3A_304, %reduce_sum3A_305 [0] : vector<8x128xi32> to vector<128xi32>
    %broadcast_in_dim3A_307 = vector.shape_cast %reduce_sum3A_306 : vector<128xi32> to vector<1x128xi32>
    %sub3A_308 = arith.subi %iota3A_283, %broadcast_in_dim3A_307 : vector<1x128xi32>
    %add3A_309 = arith.addi %broadcast_in_dim3A_301, %sub3A_308 : vector<1x128xi32>
    %lt3A = vector.broadcast %slice3A_282 : vector<1x1xi32> to vector<1x128xi32>
    %lt3A_310 = arith.cmpi slt, %iota3A_283, %lt3A : vector<1x128xi32>
    %iota3A_311 = tpu.iota {dimensions = array<i32: 1>} : vector<1x8xi32>
    %gt3A_312 = arith.constant 0 : i32
    %gt3A_313 = vector.broadcast %gt3A_312 : i32 to vector<1x8xi32>
    %gt3A_314 = arith.cmpi sgt, %add3A_151, %gt3A_313 : vector<1x8xi32>
    %jit3A_315 = arith.constant 0 : i32
    %broadcast_in_dim3A_316 = vector.broadcast %jit3A_315 : i32 to vector<1x8xi32>
    %select_n3A_317 = arith.select %gt3A_314, %iota3A_311, %broadcast_in_dim3A_316 : vector<1x8xi1>, vector<1x8xi32>
    %reduce_max3A = vector.shape_cast %select_n3A_317 : vector<1x8xi32> to vector<1x1x8xi32>
    %reduce_max3A_318 = arith.constant dense<-2147483648> : vector<1xi32>
    %reduce_max3A_319 = vector.multi_reduction <maxsi>, %reduce_max3A, %reduce_max3A_318 [1, 2] : vector<1x1x8xi32> to vector<1xi32>
    %reduce_max3A_320 = vector.shape_cast %reduce_max3A_319 : vector<1xi32> to vector<1x1x1xi32>
    %reduce_max3A_321 = vector.extract %reduce_max3A_320[0, 0, 0] : i32 from vector<1x1x1xi32>
    %jit3A_322 = arith.constant 63 : i32
    %broadcast_in_dim3A_323 = vector.broadcast %jit3A_322 : i32 to vector<1x128xi32>
    %select_n3A_324 = arith.select %lt3A_310, %add3A_309, %broadcast_in_dim3A_323 : vector<1x128xi1>, vector<1x128xi32>
    %swap3A_325 = arith.constant 0 : index
    %swap3A_326 = arith.constant 0 : index
    %swap3A_327 = vector.load %arg5[%swap3A_325, %swap3A_326] : memref<1x128xi32, #tpu.memory_space<vmem>>, vector<1x128xi32>
    tpu.vector_store %arg5[%swap3A_325, %swap3A_326], %select_n3A_324 {strides = array<i32>} : memref<1x128xi32, #tpu.memory_space<vmem>>, vector<1x128xi32>,
    %min3A = arith.constant 7 : i32
    %min3A_328 = vector.broadcast %min3A : i32 to vector<1x128xi32>
    %min3A_329 = arith.minsi %broadcast_in_dim3A_290, %min3A_328 : vector<1x128xi32>
    %broadcast_in_dim3A_330 = vector.broadcast %reduce_max3A_321 : i32 to vector<1x128xi32>
    %select_n3A_331 = arith.select %lt3A_310, %min3A_329, %broadcast_in_dim3A_330 : vector<1x128xi1>, vector<1x128xi32>
    %swap3A_332 = arith.constant 0 : index
    %swap3A_333 = arith.constant 0 : index
    %swap3A_334 = vector.load %arg6[%swap3A_332, %swap3A_333] : memref<1x128xi32, #tpu.memory_space<vmem>>, vector<1x128xi32>
    tpu.vector_store %arg6[%swap3A_332, %swap3A_333], %select_n3A_331 {strides = array<i32>} : memref<1x128xi32, #tpu.memory_space<vmem>>, vector<1x128xi32>,
    %broadcast_in_dim3A_335 = arith.constant 16384 : i32
    %broadcast_in_dim3A_336 = vector.broadcast %broadcast_in_dim3A_335 : i32 to vector<1x8xi32>
    %concatenate3A_337 = tpu.concatenate %sub3A_167, %broadcast_in_dim3A_336 in 1 : vector<1x8xi32>, vector<1x8xi32> -> vector<1x16xi32>
    %swap3A_338 = arith.constant 0 : index
    %swap3A_339 = arith.constant 0 : index
    %swap3A_340 = vector.load %arg7[%swap3A_338, %swap3A_339] : memref<1x16xi32, #tpu.memory_space<vmem>>, vector<1x16xi32>
    tpu.vector_store %arg7[%swap3A_338, %swap3A_339], %concatenate3A_337 {strides = array<i32>} : memref<1x16xi32, #tpu.memory_space<vmem>>, vector<1x16xi32>,
    %broadcast_in_dim3A_341 = vector.shape_cast %slice3A_282 : vector<1x1xi32> to vector<1x1xi32>
    %broadcast_in_dim3A_342 = vector.broadcast %broadcast_in_dim3A_341 : vector<1x1xi32> to vector<1x8xi32>
    %swap3A_343 = arith.constant 0 : index
    %swap3A_344 = arith.constant 0 : index
    %swap3A_345 = vector.load %arg8[%swap3A_343, %swap3A_344] : memref<1x8xi32, #tpu.memory_space<vmem>>, vector<1x8xi32>
    tpu.vector_store %arg8[%swap3A_343, %swap3A_344], %broadcast_in_dim3A_342 {strides = array<i32>} : memref<1x8xi32, #tpu.memory_space<vmem>>, vector<1x8xi32>,
    return
  }
  func.func @transform_0(%arg0: i32) -> (i32, i32) {
    %c0_i32 = arith.constant 0 : i32
    %c0_i32_0 = arith.constant 0 : i32
    %c0_i32_1 = arith.constant 0 : i32
    return %c0_i32, %c0_i32_0 : i32, i32
  }
  func.func @transform_1(%arg0: i32) -> (i32, i32) {
    %c0_i32 = arith.constant 0 : i32
    %c0_i32_0 = arith.constant 0 : i32
    %c0_i32_1 = arith.constant 0 : i32
    return %c0_i32, %c0_i32_0 : i32, i32
  }
  func.func @transform_2(%arg0: i32) -> (i32, i32) {
    %c0_i32 = arith.constant 0 : i32
    %c0_i32_0 = arith.constant 0 : i32
    %c0_i32_1 = arith.constant 0 : i32
    return %c0_i32, %c0_i32_0 : i32, i32
  }
  func.func @transform_3(%arg0: i32) -> (i32, i32) {
    %c0_i32 = arith.constant 0 : i32
    %c0_i32_0 = arith.constant 0 : i32
    %c0_i32_1 = arith.constant 0 : i32
    return %c0_i32, %c0_i32_0 : i32, i32
  }
  func.func @transform_4(%arg0: i32) -> (i32, i32) {
    %c0_i32 = arith.constant 0 : i32
    %c0_i32_0 = arith.constant 0 : i32
    %c0_i32_1 = arith.constant 0 : i32
    return %c0_i32, %c0_i32_0 : i32, i32
  }
  func.func @transform_5(%arg0: i32) -> (i32, i32) {
    %c0_i32 = arith.constant 0 : i32
    %c0_i32_0 = arith.constant 0 : i32
    %c0_i32_1 = arith.constant 0 : i32
    return %c0_i32, %c0_i32_0 : i32, i32
  }
  func.func @transform_6(%arg0: i32) -> (i32, i32) {
    %c0_i32 = arith.constant 0 : i32
    %c0_i32_0 = arith.constant 0 : i32
    %c0_i32_1 = arith.constant 0 : i32
    return %c0_i32, %c0_i32_0 : i32, i32
  }
  func.func @transform_7(%arg0: i32) -> (i32, i32) {
    %c0_i32 = arith.constant 0 : i32
    %c0_i32_0 = arith.constant 0 : i32
    %c0_i32_1 = arith.constant 0 : i32
    return %c0_i32, %c0_i32_0 : i32, i32
  }
}

module attributes {stable_mosaic.version = 14 : i64} {
  func.func @_mlp_a_body(%arg0: i32, %arg1: memref<128xi32, #tpu.memory_space<smem>>, %arg2: memref<128xi32, #tpu.memory_space<smem>>, %arg3: memref<16xi32, #tpu.memory_space<smem>>, %arg4: memref<8xi32, #tpu.memory_space<smem>>, %arg5: memref<256x1024xi32, #tpu.memory_space<vmem>>, %arg6: memref<1x2048x4096xbf16, #tpu.memory_space<vmem>>, %arg7: memref<1x1x4096xf32, #tpu.memory_space<vmem>>, %arg8: memref<256x4096xbf16, #tpu.memory_space<vmem>>) attributes {dimension_semantics = [#tpu.dimension_semantics<arbitrary>], iteration_bounds = array<i64: 71>, scalar_prefetch = 4 : i64, scratch_operands = 0 : i64, tpu.core_type = #tpu.core_type<tc>, window_params = [{transform_indices = @transform_0, window_bounds = array<i64: 256, 1024>}, {transform_indices = @transform_1, window_bounds = array<i64: 1, 2048, 4096>}, {transform_indices = @transform_2, window_bounds = array<i64: 1, 1, 4096>}, {transform_indices = @transform_3, window_bounds = array<i64: 256, 4096>}]} {
    %sub3A = arith.constant 1 : i32
    %sub3A_0 = arith.subi %arg0, %sub3A : i32
    %max3A = arith.constant 0 : i32
    %max3A_1 = arith.maxsi %sub3A_0, %max3A : i32
    %get3A = arith.index_cast %max3A_1 : i32 to index
    %get3A_2 = memref.load %arg1[%get3A] : memref<128xi32, #tpu.memory_space<smem>>
    %eq3A = arith.constant 0 : i32
    %eq3A_3 = arith.cmpi eq, %arg0, %eq3A : i32
    %get3A_4 = arith.index_cast %arg0 : i32 to index
    %get3A_5 = memref.load %arg1[%get3A_4] : memref<128xi32, #tpu.memory_space<smem>>
    %ne3A = arith.cmpi ne, %get3A_5, %get3A_2 : i32
    %or3A = arith.ori %eq3A_3, %ne3A : i1
    %convert_element_type3A = arith.extui %or3A : i1 to i32
    %cond3A = arith.constant 0 : i32
    %cond3A_6 = arith.cmpi ne, %convert_element_type3A, %cond3A : i32
    scf.if %cond3A_6 {
      %broadcast_in_dim3A = arith.constant 0.000000e+00 : bf16
      %broadcast_in_dim3A_12 = vector.broadcast %broadcast_in_dim3A : bf16 to vector<256x4096xbf16>
      %swap3A = arith.constant 0 : index
      %swap3A_13 = arith.constant 0 : index
      %swap3A_14 = vector.load %arg8[%swap3A, %swap3A_13] : memref<256x4096xbf16, #tpu.memory_space<vmem>>, vector<256x4096xbf16>
      tpu.vector_store %arg8[%swap3A, %swap3A_13], %broadcast_in_dim3A_12 {strides = array<i32>} : memref<256x4096xbf16, #tpu.memory_space<vmem>>, vector<256x4096xbf16>,
    } else {
    }
    %get3A_7 = arith.constant 0 : index
    %get3A_8 = memref.load %arg4[%get3A_7] : memref<8xi32, #tpu.memory_space<smem>>
    %lt3A = arith.cmpi slt, %arg0, %get3A_8 : i32
    %convert_element_type3A_9 = arith.extui %lt3A : i1 to i32
    %cond3A_10 = arith.constant 0 : i32
    %cond3A_11 = arith.cmpi ne, %convert_element_type3A_9, %cond3A_10 : i32
    scf.if %cond3A_11 {
      %get3A_12 = arith.constant 0 : index
      %get3A_13 = arith.constant 0 : index
      %get3A_14 = vector.load %arg5[%get3A_12, %get3A_13] : memref<256x1024xi32, #tpu.memory_space<vmem>>, vector<256x1024xi32>
      %shift_left3A = arith.constant 16 : i32
      %shift_left3A_15 = vector.broadcast %shift_left3A : i32 to vector<256x1024xi32>
      %shift_left3A_16 = arith.shli %get3A_14, %shift_left3A_15 : vector<256x1024xi32>
      %bitcast_convert_type3A = tpu.bitcast %shift_left3A_16 : vector<256x1024xi32> -> vector<256x1024xf32>
      %convert_element_type3A_17 = arith.truncf %bitcast_convert_type3A : vector<256x1024xf32> to vector<256x1024xbf16>
      %and3A = arith.constant -65536 : i32
      %and3A_18 = vector.broadcast %and3A : i32 to vector<256x1024xi32>
      %and3A_19 = arith.andi %get3A_14, %and3A_18 : vector<256x1024xi32>
      %bitcast_convert_type3A_20 = tpu.bitcast %and3A_19 : vector<256x1024xi32> -> vector<256x1024xf32>
      %convert_element_type3A_21 = arith.truncf %bitcast_convert_type3A_20 : vector<256x1024xf32> to vector<256x1024xbf16>
      %concatenate3A = tpu.concatenate %convert_element_type3A_17, %convert_element_type3A_21 in 1 : vector<256x1024xbf16>, vector<256x1024xbf16> -> vector<256x2048xbf16>
      %get3A_22 = arith.constant 0 : index
      %get3A_23 = arith.constant 0 : index
      %get3A_24 = arith.constant 0 : index
      %get3A_25 = vector.load %arg6[%get3A_22, %get3A_23, %get3A_24] : memref<1x2048x4096xbf16, #tpu.memory_space<vmem>>, vector<1x2048x4096xbf16>
      %get3A_26 = vector.shape_cast %get3A_25 : vector<1x2048x4096xbf16> to vector<2048x4096xbf16>
      %dot_general3A = arith.constant dense<0.000000e+00> : vector<256x4096xf32>
      %dot_general3A_27 = tpu.matmul %concatenate3A, %get3A_26, %dot_general3A {dimension_numbers = #tpu.dot_dimension_numbers<[1], [0], [0], [1], [0, 0, 1, 1], [], []>, transpose_lhs_hint = false} : vector<256x2048xbf16>, vector<2048x4096xbf16>, vector<256x4096xf32> -> vector<256x4096xf32>
      %get3A_28 = arith.constant 0 : index
      %get3A_29 = arith.constant 0 : index
      %get3A_30 = arith.constant 0 : index
      %get3A_31 = vector.load %arg7[%get3A_28, %get3A_29, %get3A_30] : memref<1x1x4096xf32, #tpu.memory_space<vmem>>, vector<1x1x4096xf32>
      %get3A_32 = vector.shape_cast %get3A_31 : vector<1x1x4096xf32> to vector<1x4096xf32>
      %add3A = vector.broadcast %get3A_32 : vector<1x4096xf32> to vector<256x4096xf32>
      %add3A_33 = arith.addf %dot_general3A_27, %add3A : vector<256x4096xf32>
      %neg3A = arith.constant 0.000000e+00 : f32
      %neg3A_34 = vector.broadcast %neg3A : f32 to vector<256x4096xf32>
      %neg3A_35 = arith.subf %neg3A_34, %add3A_33 : vector<256x4096xf32>
      %exp3A = math.exp %neg3A_35 : vector<256x4096xf32>
      %add3A_36 = arith.constant 1.000000e+00 : f32
      %add3A_37 = vector.broadcast %add3A_36 : f32 to vector<256x4096xf32>
      %add3A_38 = arith.addf %add3A_37, %exp3A : vector<256x4096xf32>
      %div3A = arith.divf %add3A_33, %add3A_38 : vector<256x4096xf32>
      %get3A_39 = arith.index_cast %arg0 : i32 to index
      %get3A_40 = memref.load %arg1[%get3A_39] : memref<128xi32, #tpu.memory_space<smem>>
      %get3A_41 = arith.index_cast %arg0 : i32 to index
      %get3A_42 = memref.load %arg2[%get3A_41] : memref<128xi32, #tpu.memory_space<smem>>
      %get3A_43 = arith.index_cast %get3A_42 : i32 to index
      %get3A_44 = memref.load %arg3[%get3A_43] : memref<16xi32, #tpu.memory_space<smem>>
      %add3A_45 = arith.constant 1 : i32
      %add3A_46 = arith.addi %get3A_42, %add3A_45 : i32
      %get3A_47 = arith.index_cast %add3A_46 : i32 to index
      %get3A_48 = memref.load %arg3[%get3A_47] : memref<16xi32, #tpu.memory_space<smem>>
      %mul3A = arith.constant 256 : i32
      %mul3A_49 = arith.muli %get3A_40, %mul3A : i32
      %iota3A = tpu.iota {dimensions = array<i32: 0>} : vector<256x1xi32>
      %add3A_50 = vector.broadcast %mul3A_49 : i32 to vector<256x1xi32>
      %add3A_51 = arith.addi %add3A_50, %iota3A : vector<256x1xi32>
      %ge3A = vector.broadcast %get3A_44 : i32 to vector<256x1xi32>
      %ge3A_52 = arith.cmpi sge, %add3A_51, %ge3A : vector<256x1xi32>
      %lt3A_53 = vector.broadcast %get3A_48 : i32 to vector<256x1xi32>
      %lt3A_54 = arith.cmpi slt, %add3A_51, %lt3A_53 : vector<256x1xi32>
      %and3A_55 = arith.andi %ge3A_52, %lt3A_54 : vector<256x1xi1>
      %get3A_56 = arith.constant 0 : index
      %get3A_57 = arith.constant 0 : index
      %get3A_58 = vector.load %arg8[%get3A_56, %get3A_57] : memref<256x4096xbf16, #tpu.memory_space<vmem>>, vector<256x4096xbf16>
      %jit3A = arith.constant 0.000000e+00 : f32
      %broadcast_in_dim3A = vector.shape_cast %and3A_55 : vector<256x1xi1> to vector<256x1xi1>
      %broadcast_in_dim3A_59 = vector.broadcast %broadcast_in_dim3A : vector<256x1xi1> to vector<256x4096xi1>
      %broadcast_in_dim3A_60 = vector.broadcast %jit3A : f32 to vector<256x4096xf32>
      %select_n3A = arith.select %broadcast_in_dim3A_59, %div3A, %broadcast_in_dim3A_60 : vector<256x4096xi1>, vector<256x4096xf32>
      %convert_element_type3A_61 = arith.truncf %select_n3A : vector<256x4096xf32> to vector<256x4096xbf16>
      %add3A_62 = arith.addf %get3A_58, %convert_element_type3A_61 : vector<256x4096xbf16>
      %swap3A = arith.constant 0 : index
      %swap3A_63 = arith.constant 0 : index
      %swap3A_64 = vector.load %arg8[%swap3A, %swap3A_63] : memref<256x4096xbf16, #tpu.memory_space<vmem>>, vector<256x4096xbf16>
      tpu.vector_store %arg8[%swap3A, %swap3A_63], %add3A_62 {strides = array<i32>} : memref<256x4096xbf16, #tpu.memory_space<vmem>>, vector<256x4096xbf16>,
    } else {
    }
    return
  }
  func.func @transform_0(%arg0: i32, %arg1: memref<128xi32, #tpu.memory_space<smem>>, %arg2: memref<128xi32, #tpu.memory_space<smem>>, %arg3: memref<16xi32, #tpu.memory_space<smem>>, %arg4: memref<8xi32, #tpu.memory_space<smem>>) -> (i32, i32) {
    %get3A = arith.index_cast %arg0 : i32 to index
    %get3A_0 = memref.load %arg1[%get3A] : memref<128xi32, #tpu.memory_space<smem>>
    %c0_i32 = arith.constant 0 : i32
    %c0_i32_1 = arith.constant 0 : i32
    return %get3A_0, %c0_i32 : i32, i32
  }
  func.func @transform_1(%arg0: i32, %arg1: memref<128xi32, #tpu.memory_space<smem>>, %arg2: memref<128xi32, #tpu.memory_space<smem>>, %arg3: memref<16xi32, #tpu.memory_space<smem>>, %arg4: memref<8xi32, #tpu.memory_space<smem>>) -> (i32, i32, i32) {
    %get3A = arith.index_cast %arg0 : i32 to index
    %get3A_0 = memref.load %arg2[%get3A] : memref<128xi32, #tpu.memory_space<smem>>
    %c0_i32 = arith.constant 0 : i32
    %c0_i32_1 = arith.constant 0 : i32
    %c0_i32_2 = arith.constant 0 : i32
    return %get3A_0, %c0_i32, %c0_i32_1 : i32, i32, i32
  }
  func.func @transform_2(%arg0: i32, %arg1: memref<128xi32, #tpu.memory_space<smem>>, %arg2: memref<128xi32, #tpu.memory_space<smem>>, %arg3: memref<16xi32, #tpu.memory_space<smem>>, %arg4: memref<8xi32, #tpu.memory_space<smem>>) -> (i32, i32, i32) {
    %get3A = arith.index_cast %arg0 : i32 to index
    %get3A_0 = memref.load %arg2[%get3A] : memref<128xi32, #tpu.memory_space<smem>>
    %c0_i32 = arith.constant 0 : i32
    %c0_i32_1 = arith.constant 0 : i32
    %c0_i32_2 = arith.constant 0 : i32
    return %get3A_0, %c0_i32, %c0_i32_1 : i32, i32, i32
  }
  func.func @transform_3(%arg0: i32, %arg1: memref<128xi32, #tpu.memory_space<smem>>, %arg2: memref<128xi32, #tpu.memory_space<smem>>, %arg3: memref<16xi32, #tpu.memory_space<smem>>, %arg4: memref<8xi32, #tpu.memory_space<smem>>) -> (i32, i32) {
    %get3A = arith.index_cast %arg0 : i32 to index
    %get3A_0 = memref.load %arg1[%get3A] : memref<128xi32, #tpu.memory_space<smem>>
    %c0_i32 = arith.constant 0 : i32
    %c0_i32_1 = arith.constant 0 : i32
    return %get3A_0, %c0_i32 : i32, i32
  }
}

module attributes {stable_mosaic.version = 14 : i64} {
  func.func @_mlp_b_body(%arg0: i32, %arg1: memref<128xi32, #tpu.memory_space<smem>>, %arg2: memref<128xi32, #tpu.memory_space<smem>>, %arg3: memref<16xi32, #tpu.memory_space<smem>>, %arg4: memref<8xi32, #tpu.memory_space<smem>>, %arg5: memref<256x4096xbf16, #tpu.memory_space<vmem>>, %arg6: memref<1x4096x2048xbf16, #tpu.memory_space<vmem>>, %arg7: memref<1x1x2048xf32, #tpu.memory_space<vmem>>, %arg8: memref<256x1024xi32, #tpu.memory_space<vmem>>) attributes {dimension_semantics = [#tpu.dimension_semantics<arbitrary>], iteration_bounds = array<i64: 71>, scalar_prefetch = 4 : i64, scratch_operands = 0 : i64, tpu.core_type = #tpu.core_type<tc>, window_params = [{transform_indices = @transform_0, window_bounds = array<i64: 256, 4096>}, {transform_indices = @transform_1, window_bounds = array<i64: 1, 4096, 2048>}, {transform_indices = @transform_2, window_bounds = array<i64: 1, 1, 2048>}, {transform_indices = @transform_3, window_bounds = array<i64: 256, 1024>}]} {
    %sub3A = arith.constant 1 : i32
    %sub3A_0 = arith.subi %arg0, %sub3A : i32
    %max3A = arith.constant 0 : i32
    %max3A_1 = arith.maxsi %sub3A_0, %max3A : i32
    %get3A = arith.index_cast %max3A_1 : i32 to index
    %get3A_2 = memref.load %arg1[%get3A] : memref<128xi32, #tpu.memory_space<smem>>
    %eq3A = arith.constant 0 : i32
    %eq3A_3 = arith.cmpi eq, %arg0, %eq3A : i32
    %get3A_4 = arith.index_cast %arg0 : i32 to index
    %get3A_5 = memref.load %arg1[%get3A_4] : memref<128xi32, #tpu.memory_space<smem>>
    %ne3A = arith.cmpi ne, %get3A_5, %get3A_2 : i32
    %or3A = arith.ori %eq3A_3, %ne3A : i1
    %convert_element_type3A = arith.extui %or3A : i1 to i32
    %cond3A = arith.constant 0 : i32
    %cond3A_6 = arith.cmpi ne, %convert_element_type3A, %cond3A : i32
    scf.if %cond3A_6 {
      %broadcast_in_dim3A = arith.constant 0 : i32
      %broadcast_in_dim3A_12 = vector.broadcast %broadcast_in_dim3A : i32 to vector<256x1024xi32>
      %swap3A = arith.constant 0 : index
      %swap3A_13 = arith.constant 0 : index
      %swap3A_14 = vector.load %arg8[%swap3A, %swap3A_13] : memref<256x1024xi32, #tpu.memory_space<vmem>>, vector<256x1024xi32>
      tpu.vector_store %arg8[%swap3A, %swap3A_13], %broadcast_in_dim3A_12 {strides = array<i32>} : memref<256x1024xi32, #tpu.memory_space<vmem>>, vector<256x1024xi32>,
    } else {
    }
    %get3A_7 = arith.constant 0 : index
    %get3A_8 = memref.load %arg4[%get3A_7] : memref<8xi32, #tpu.memory_space<smem>>
    %lt3A = arith.cmpi slt, %arg0, %get3A_8 : i32
    %convert_element_type3A_9 = arith.extui %lt3A : i1 to i32
    %cond3A_10 = arith.constant 0 : i32
    %cond3A_11 = arith.cmpi ne, %convert_element_type3A_9, %cond3A_10 : i32
    scf.if %cond3A_11 {
      %get3A_12 = arith.constant 0 : index
      %get3A_13 = arith.constant 0 : index
      %get3A_14 = vector.load %arg5[%get3A_12, %get3A_13] : memref<256x4096xbf16, #tpu.memory_space<vmem>>, vector<256x4096xbf16>
      %get3A_15 = arith.constant 0 : index
      %get3A_16 = arith.constant 0 : index
      %get3A_17 = arith.constant 0 : index
      %get3A_18 = vector.load %arg6[%get3A_15, %get3A_16, %get3A_17] : memref<1x4096x2048xbf16, #tpu.memory_space<vmem>>, vector<1x4096x2048xbf16>
      %get3A_19 = vector.shape_cast %get3A_18 : vector<1x4096x2048xbf16> to vector<4096x2048xbf16>
      %dot_general3A = arith.constant dense<0.000000e+00> : vector<256x2048xf32>
      %dot_general3A_20 = tpu.matmul %get3A_14, %get3A_19, %dot_general3A {dimension_numbers = #tpu.dot_dimension_numbers<[1], [0], [0], [1], [0, 0, 1, 1], [], []>, transpose_lhs_hint = false} : vector<256x4096xbf16>, vector<4096x2048xbf16>, vector<256x2048xf32> -> vector<256x2048xf32>
      %get3A_21 = arith.constant 0 : index
      %get3A_22 = arith.constant 0 : index
      %get3A_23 = arith.constant 0 : index
      %get3A_24 = vector.load %arg7[%get3A_21, %get3A_22, %get3A_23] : memref<1x1x2048xf32, #tpu.memory_space<vmem>>, vector<1x1x2048xf32>
      %get3A_25 = vector.shape_cast %get3A_24 : vector<1x1x2048xf32> to vector<1x2048xf32>
      %add3A = vector.broadcast %get3A_25 : vector<1x2048xf32> to vector<256x2048xf32>
      %add3A_26 = arith.addf %dot_general3A_20, %add3A : vector<256x2048xf32>
      %convert_element_type3A_27 = arith.truncf %add3A_26 : vector<256x2048xf32> to vector<256x2048xbf16>
      %convert_element_type3A_28 = arith.extf %convert_element_type3A_27 : vector<256x2048xbf16> to vector<256x2048xf32>
      %bitcast_convert_type3A = tpu.bitcast %convert_element_type3A_28 : vector<256x2048xf32> -> vector<256x2048xi32>
      %slice3A = vector.extract_strided_slice %bitcast_convert_type3A {offsets = [0, 0], sizes = [256, 1024], strides = [1, 1]} : vector<256x2048xi32> to vector<256x1024xi32>
      %shift_right_logical3A = arith.constant 16 : i32
      %shift_right_logical3A_29 = vector.broadcast %shift_right_logical3A : i32 to vector<256x1024xi32>
      %shift_right_logical3A_30 = arith.shrui %slice3A, %shift_right_logical3A_29 : vector<256x1024xi32>
      %slice3A_31 = vector.extract_strided_slice %bitcast_convert_type3A {offsets = [0, 1024], sizes = [256, 1024], strides = [1, 1]} : vector<256x2048xi32> to vector<256x1024xi32>
      %and3A = arith.constant -65536 : i32
      %and3A_32 = vector.broadcast %and3A : i32 to vector<256x1024xi32>
      %and3A_33 = arith.andi %slice3A_31, %and3A_32 : vector<256x1024xi32>
      %or3A_34 = arith.ori %shift_right_logical3A_30, %and3A_33 : vector<256x1024xi32>
      %get3A_35 = arith.index_cast %arg0 : i32 to index
      %get3A_36 = memref.load %arg1[%get3A_35] : memref<128xi32, #tpu.memory_space<smem>>
      %get3A_37 = arith.index_cast %arg0 : i32 to index
      %get3A_38 = memref.load %arg2[%get3A_37] : memref<128xi32, #tpu.memory_space<smem>>
      %get3A_39 = arith.index_cast %get3A_38 : i32 to index
      %get3A_40 = memref.load %arg3[%get3A_39] : memref<16xi32, #tpu.memory_space<smem>>
      %add3A_41 = arith.constant 1 : i32
      %add3A_42 = arith.addi %get3A_38, %add3A_41 : i32
      %get3A_43 = arith.index_cast %add3A_42 : i32 to index
      %get3A_44 = memref.load %arg3[%get3A_43] : memref<16xi32, #tpu.memory_space<smem>>
      %mul3A = arith.constant 256 : i32
      %mul3A_45 = arith.muli %get3A_36, %mul3A : i32
      %iota3A = tpu.iota {dimensions = array<i32: 0>} : vector<256x1xi32>
      %add3A_46 = vector.broadcast %mul3A_45 : i32 to vector<256x1xi32>
      %add3A_47 = arith.addi %add3A_46, %iota3A : vector<256x1xi32>
      %ge3A = vector.broadcast %get3A_40 : i32 to vector<256x1xi32>
      %ge3A_48 = arith.cmpi sge, %add3A_47, %ge3A : vector<256x1xi32>
      %lt3A_49 = vector.broadcast %get3A_44 : i32 to vector<256x1xi32>
      %lt3A_50 = arith.cmpi slt, %add3A_47, %lt3A_49 : vector<256x1xi32>
      %and3A_51 = arith.andi %ge3A_48, %lt3A_50 : vector<256x1xi1>
      %get3A_52 = arith.constant 0 : index
      %get3A_53 = arith.constant 0 : index
      %get3A_54 = vector.load %arg8[%get3A_52, %get3A_53] : memref<256x1024xi32, #tpu.memory_space<vmem>>, vector<256x1024xi32>
      %jit3A = arith.constant 0 : i32
      %broadcast_in_dim3A = vector.shape_cast %and3A_51 : vector<256x1xi1> to vector<256x1xi1>
      %broadcast_in_dim3A_55 = vector.broadcast %broadcast_in_dim3A : vector<256x1xi1> to vector<256x1024xi1>
      %broadcast_in_dim3A_56 = vector.broadcast %jit3A : i32 to vector<256x1024xi32>
      %select_n3A = arith.select %broadcast_in_dim3A_55, %or3A_34, %broadcast_in_dim3A_56 : vector<256x1024xi1>, vector<256x1024xi32>
      %add3A_57 = arith.addi %get3A_54, %select_n3A : vector<256x1024xi32>
      %swap3A = arith.constant 0 : index
      %swap3A_58 = arith.constant 0 : index
      %swap3A_59 = vector.load %arg8[%swap3A, %swap3A_58] : memref<256x1024xi32, #tpu.memory_space<vmem>>, vector<256x1024xi32>
      tpu.vector_store %arg8[%swap3A, %swap3A_58], %add3A_57 {strides = array<i32>} : memref<256x1024xi32, #tpu.memory_space<vmem>>, vector<256x1024xi32>,
    } else {
    }
    return
  }
  func.func @transform_0(%arg0: i32, %arg1: memref<128xi32, #tpu.memory_space<smem>>, %arg2: memref<128xi32, #tpu.memory_space<smem>>, %arg3: memref<16xi32, #tpu.memory_space<smem>>, %arg4: memref<8xi32, #tpu.memory_space<smem>>) -> (i32, i32) {
    %get3A = arith.index_cast %arg0 : i32 to index
    %get3A_0 = memref.load %arg1[%get3A] : memref<128xi32, #tpu.memory_space<smem>>
    %c0_i32 = arith.constant 0 : i32
    %c0_i32_1 = arith.constant 0 : i32
    return %get3A_0, %c0_i32 : i32, i32
  }
  func.func @transform_1(%arg0: i32, %arg1: memref<128xi32, #tpu.memory_space<smem>>, %arg2: memref<128xi32, #tpu.memory_space<smem>>, %arg3: memref<16xi32, #tpu.memory_space<smem>>, %arg4: memref<8xi32, #tpu.memory_space<smem>>) -> (i32, i32, i32) {
    %get3A = arith.index_cast %arg0 : i32 to index
    %get3A_0 = memref.load %arg2[%get3A] : memref<128xi32, #tpu.memory_space<smem>>
    %c0_i32 = arith.constant 0 : i32
    %c0_i32_1 = arith.constant 0 : i32
    %c0_i32_2 = arith.constant 0 : i32
    return %get3A_0, %c0_i32, %c0_i32_1 : i32, i32, i32
  }
  func.func @transform_2(%arg0: i32, %arg1: memref<128xi32, #tpu.memory_space<smem>>, %arg2: memref<128xi32, #tpu.memory_space<smem>>, %arg3: memref<16xi32, #tpu.memory_space<smem>>, %arg4: memref<8xi32, #tpu.memory_space<smem>>) -> (i32, i32, i32) {
    %get3A = arith.index_cast %arg0 : i32 to index
    %get3A_0 = memref.load %arg2[%get3A] : memref<128xi32, #tpu.memory_space<smem>>
    %c0_i32 = arith.constant 0 : i32
    %c0_i32_1 = arith.constant 0 : i32
    %c0_i32_2 = arith.constant 0 : i32
    return %get3A_0, %c0_i32, %c0_i32_1 : i32, i32, i32
  }
  func.func @transform_3(%arg0: i32, %arg1: memref<128xi32, #tpu.memory_space<smem>>, %arg2: memref<128xi32, #tpu.memory_space<smem>>, %arg3: memref<16xi32, #tpu.memory_space<smem>>, %arg4: memref<8xi32, #tpu.memory_space<smem>>) -> (i32, i32) {
    %get3A = arith.index_cast %arg0 : i32 to index
    %get3A_0 = memref.load %arg1[%get3A] : memref<128xi32, #tpu.memory_space<smem>>
    %c0_i32 = arith.constant 0 : i32
    %c0_i32_1 = arith.constant 0 : i32
    return %get3A_0, %c0_i32 : i32, i32
  }
}

module attributes {stable_mosaic.version = 14 : i64} {
  func.func @_combine_body(%arg0: i32, %arg1: memref<1024x1024xi32, #tpu.memory_space<vmem>>, %arg2: memref<1024x16xf32, #tpu.memory_space<vmem>>, %arg3: memref<512x2048xf32, #tpu.memory_space<vmem>>) attributes {dimension_semantics = [#tpu.dimension_semantics<arbitrary>], iteration_bounds = array<i64: 16>, scalar_prefetch = 0 : i64, scratch_operands = 0 : i64, tpu.core_type = #tpu.core_type<tc>, window_params = [{transform_indices = @transform_0, window_bounds = array<i64: 1024, 1024>}, {transform_indices = @transform_1, window_bounds = array<i64: 1024, 16>}, {transform_indices = @transform_2, window_bounds = array<i64: 512, 2048>}]} {
    %get3A = arith.constant 0 : index
    %get3A_0 = arith.constant 0 : index
    %get3A_1 = vector.load %arg1[%get3A, %get3A_0] : memref<1024x1024xi32, #tpu.memory_space<vmem>>, vector<1024x1024xi32>
    %shift_left3A = arith.constant 16 : i32
    %shift_left3A_2 = vector.broadcast %shift_left3A : i32 to vector<1024x1024xi32>
    %shift_left3A_3 = arith.shli %get3A_1, %shift_left3A_2 : vector<1024x1024xi32>
    %bitcast_convert_type3A = tpu.bitcast %shift_left3A_3 : vector<1024x1024xi32> -> vector<1024x1024xf32>
    %and3A = arith.constant -65536 : i32
    %and3A_4 = vector.broadcast %and3A : i32 to vector<1024x1024xi32>
    %and3A_5 = arith.andi %get3A_1, %and3A_4 : vector<1024x1024xi32>
    %bitcast_convert_type3A_6 = tpu.bitcast %and3A_5 : vector<1024x1024xi32> -> vector<1024x1024xf32>
    %concatenate3A = tpu.concatenate %bitcast_convert_type3A, %bitcast_convert_type3A_6 in 1 : vector<1024x1024xf32>, vector<1024x1024xf32> -> vector<1024x2048xf32>
    %get3A_7 = arith.constant 0 : index
    %get3A_8 = arith.constant 0 : index
    %get3A_9 = vector.load %arg2[%get3A_7, %get3A_8] : memref<1024x16xf32, #tpu.memory_space<vmem>>, vector<1024x1xf32>
    %mul3A = vector.broadcast %get3A_9 : vector<1024x1xf32> to vector<1024x2048xf32>
    %mul3A_10 = arith.mulf %concatenate3A, %mul3A : vector<1024x2048xf32>
    %reshape3A = vector.shape_cast %mul3A_10 : vector<1024x2048xf32> to vector<512x2x2048xf32>
    %slice3A = vector.extract_strided_slice %reshape3A {offsets = [0, 0, 0], sizes = [512, 1, 2048], strides = [1, 1, 1]} : vector<512x2x2048xf32> to vector<512x1x2048xf32>
    %squeeze3A = vector.shape_cast %slice3A : vector<512x1x2048xf32> to vector<512x2048xf32>
    %slice3A_11 = vector.extract_strided_slice %reshape3A {offsets = [0, 1, 0], sizes = [512, 1, 2048], strides = [1, 1, 1]} : vector<512x2x2048xf32> to vector<512x1x2048xf32>
    %squeeze3A_12 = vector.shape_cast %slice3A_11 : vector<512x1x2048xf32> to vector<512x2048xf32>
    %add3A = arith.addf %squeeze3A, %squeeze3A_12 : vector<512x2048xf32>
    %swap3A = arith.constant 0 : index
    %swap3A_13 = arith.constant 0 : index
    %swap3A_14 = vector.load %arg3[%swap3A, %swap3A_13] : memref<512x2048xf32, #tpu.memory_space<vmem>>, vector<512x2048xf32>
    tpu.vector_store %arg3[%swap3A, %swap3A_13], %add3A {strides = array<i32>} : memref<512x2048xf32, #tpu.memory_space<vmem>>, vector<512x2048xf32>,
    return
  }
  func.func @transform_0(%arg0: i32) -> (i32, i32) {
    %c0_i32 = arith.constant 0 : i32
    %c0_i32_0 = arith.constant 0 : i32
    return %arg0, %c0_i32 : i32, i32
  }
  func.func @transform_1(%arg0: i32) -> (i32, i32) {
    %c0_i32 = arith.constant 0 : i32
    %c0_i32_0 = arith.constant 0 : i32
    return %arg0, %c0_i32 : i32, i32
  }
  func.func @transform_2(%arg0: i32) -> (i32, i32) {
    %c0_i32 = arith.constant 0 : i32
    %c0_i32_0 = arith.constant 0 : i32
    return %arg0, %c0_i32 : i32, i32
  }
}

</mosaic_0001>

<sc_bundles>
// kernel: kernel.12.cloned.1.call-start
scs
__scs_entry_jumppad:
0x0: {  	(pc) =	sbr.rel $0x88, $3  }
0x1: {  	(tag) =	ssettag $0x0;
	lr =	simm.s32 $0x1  }
0x2: {  	[smem:$0x3F9A] =	sst lr;
	_ =	strace $0xD0000000  }
0x3: {  	_ = 	snop  }
0x4: {  	_ = 	snop  }
0x5: {  	_ = 	snop  }
0x6: {  	_ = 	snop  }
0x7: {  	_ = 	snop  }
__scs_overlays_trampoline_lowered:
0x8: {  	[smem:$0x3FA9] =	sst s0  }
0x9: {  	[smem:$0x3FAA] =	sst s1  }
0xa: {  	[smem:$0x3FAB] =	sst s2  }
0xb: {  	[smem:$0x3FAC] =	sst s3  }
0xc: {  	[smem:$0x3FAD] =	sst s4  }
0xd: {  	[smem:$0x3FAE] =	sst s5  }
0xe: {  	[smem:$0x3FAF] =	sst s6  }
0xf: {  	[smem:$0x3FB0] =	sst s7  }
0x10: {  	[smem:$0x3FB1] =	sst s8  }
0x11: {  	[smem:$0x3FB2] =	sst s9;
	s0 =	simm.s32 @!p0 $0x0  }
0x12: {  	s1 =	sld [smem:$0x3F98];
	s0 =	simm.s32 @p0 $0x1  }
0x13: {  	[smem:$0x3FB3] =	sst s0;
	s0 =	simm.s32 @!p1 $0x0  }
0x14: {  	s2 =	sld [smem:$0x3F97];
	s0 =	simm.s32 @p1 $0x1  }
0x15: {  	[smem:$0x3FB4] =	sst s0;
	s0 =	simm.s32 @!p2 $0x0  }
0x16: {  	s3 =	sld [smem:$0x3FDB];
	s0 =	simm.s32 @p2 $0x1  }
0x17: {  	s4 =	simm.s32 $0x1BF5;
	[smem:$0x3FB6] =	sst s0  }
0x18: {  	s0 =	sld [smem:$0x3F99];
	_ =	swait.ge [sflag:s4], $0x0  }
0x19: {  	s7 =	sld [smem:$0x3F9A]  }
0x1a: {  	s8 =	sadd.s32 $0xFFFFE003, lr  }
0x1b: {  	s9 =	sadd.s32 $0xFFFFFEF7, lr;
	s5 =	simm.s32 $0xFFFFFFFF;
	p2 =	slt.u32 s8, $0xFFFFF086  }
0x1c: {  	p1 =	slt.u32 s9, $0xF7A;
	s5 =	simm.s32 @!p2 $0x0  }
0x1d: {  	s5 =	simm.s32 @p1 $0x1;
	p0 =	seq.s32 s7, s2  }
0x1e: {  	s7 =	smul.u32 @!p0 $0xF7A, s2;
	p2 =	seq.s32 @!p0 s5, $0x0  }
0x1f: {  	s9 =	smul.u32 $0xF7A, s1;
	s8 =	simm.s32 @!p0 $0x1BF5;
	p2 =	por !p2, p0  }
0x20: {  	[sflag:s8] =	ssyncset.s32 @!p0 $0xFFFFF086;
	s6 =	sadd.s32 @!p0 s3, s7;
	s7 =	simm.s32 @!p0 $0x108  }
0x21: {  	s3 =	sadd.s32 s3, s9;
	s6 =	sadd.s32 @!p0 $0x88, s6;
	s7 =	simm.s32 @p2 $0x1082  }
0x22: {  	[simem:s7], [sflag:s8] =	dma.local @!p0 [hbm:s6], $0xF7A  }
0x23: {  	s9 =	sor.u32 $0xD0000000, s2;
	s6 =	simm.s32 $0x108;
	_ =	swait.ge @!p0 [sflag:s8], $0x0  }
0x24: {  	s3 =	sadd.s32 $0x88, s3;
	s6 =	simm.s32 @!p1 $0x1082;
	[sflag:s4] =	ssyncset.s32 $0xFFFFF086  }
0x25: {  	[simem:s6], [sflag:s4] =	dma.local [hbm:s3], $0xF7A  }
0x26: {  	[smem:$0x3F9A] =	sst s1;
	(tag) =	ssettag s2;
	_ =	strace s9  }
0x27: {  	s1 =	sld [smem:$0x3FAA]  }
0x28: {  	s2 =	sld [smem:$0x3FAB]  }
0x29: {  	s4 =	sld [smem:$0x3FAD]  }
0x2a: {  	p0 =	seq.s32 s5, $0x0;
	s5 =	sld [smem:$0x3FAE]  }
0x2b: {  	s6 =	sld [smem:$0x3FAF]  }
0x2c: {  	s7 =	sld [smem:$0x3FB0]  }
0x2d: {  	s3 =	simm.s32 $0x108;
	s8 =	sld [smem:$0x3FB1]  }
0x2e: {  	s3 =	simm.s32 @!p0 $0x1082;
	s9 =	sld [smem:$0x3FB2]  }
0x2f: {  	lr =	sadd.s32 s0, s3;
	s0 =	sld [smem:$0x3FA9]  }
0x30: {  	s3 =	sld [smem:$0x3FAC]  }
0x31: {  	[smem:$0x3FB5] =	sst s10  }
0x32: {  	s10 =	sld [smem:$0x3FB3];
	_ =	sdelay $0x3  }
0x33: {  	p0 =	seq.s32 s10, $0x1;
	s10 =	sld [smem:$0x3FB5];
	_ =	sdelay $0x3  }
0x34: {  	[smem:$0x3FB5] =	sst s10  }
0x35: {  	s10 =	sld [smem:$0x3FB4];
	_ =	sdelay $0x3  }
0x36: {  	p1 =	seq.s32 s10, $0x1;
	s10 =	sld [smem:$0x3FB5];
	_ =	sdelay $0x3  }
0x37: {  	[smem:$0x3FB5] =	sst s10  }
0x38: {  	s10 =	sld [smem:$0x3FB6]  }
0x39: {  	_ = 	snop;
	(pc) =	sbr.ind lr, $3  }
0x3a: {  	_ = 	snop  }
0x3b: {  	_ = 	snop  }
0x3c: {  	p2 =	seq.s32 s10, $0x1;
	s10 =	sld [smem:$0x3FB5]  }
0x3d: {  	_ =	shalt  }
0x3e: {  	_ =	shalt  }
0x3f: {  	_ =	shalt  }
0x40: {  	_ =	shalt  }
0x41: {  	_ =	shalt  }
0x42: {  	_ =	shalt  }
0x43: {  	_ =	shalt  }
0x44: {  	_ =	shalt  }
0x45: {  	_ =	shalt  }
0x46: {  	_ =	shalt  }
0x47: {  	_ =	shalt  }
0x48: {  	_ =	shalt  }
0x49: {  	_ =	shalt  }
0x4a: {  	_ =	shalt  }
0x4b: {  	_ =	shalt  }
0x4c: {  	_ =	shalt  }
0x4d: {  	_ =	shalt  }
0x4e: {  	_ =	shalt  }
0x4f: {  	_ =	shalt  }
0x50: {  	_ =	shalt  }
0x51: {  	_ =	shalt  }
0x52: {  	_ =	shalt  }
0x53: {  	_ =	shalt  }
0x54: {  	_ =	shalt  }
0x55: {  	_ =	shalt  }
0x56: {  	_ =	shalt  }
0x57: {  	_ =	shalt  }
0x58: {  	_ =	shalt  }
0x59: {  	_ =	shalt  }
0x5a: {  	_ =	shalt  }
0x5b: {  	_ =	shalt  }
0x5c: {  	_ =	shalt  }
0x5d: {  	_ =	shalt  }
0x5e: {  	_ =	shalt  }
0x5f: {  	_ =	shalt  }
0x60: {  	_ =	shalt  }
0x61: {  	_ =	shalt  }
0x62: {  	_ =	shalt  }
0x63: {  	_ =	shalt  }
0x64: {  	_ =	shalt  }
0x65: {  	_ =	shalt  }
0x66: {  	_ =	shalt  }
0x67: {  	_ =	shalt  }
0x68: {  	_ =	shalt  }
0x69: {  	_ =	shalt  }
0x6a: {  	_ =	shalt  }
0x6b: {  	_ =	shalt  }
0x6c: {  	_ =	shalt  }
0x6d: {  	_ =	shalt  }
0x6e: {  	_ =	shalt  }
0x6f: {  	_ =	shalt  }
0x70: {  	_ =	shalt  }
0x71: {  	_ =	shalt  }
0x72: {  	_ =	shalt  }
0x73: {  	_ =	shalt  }
0x74: {  	_ =	shalt  }
0x75: {  	_ =	shalt  }
0x76: {  	_ =	shalt  }
0x77: {  	_ =	shalt  }
0x78: {  	_ =	shalt  }
0x79: {  	_ =	shalt  }
0x7a: {  	_ =	shalt  }
0x7b: {  	_ =	shalt  }
0x7c: {  	_ =	shalt  }
0x7d: {  	_ =	shalt  }
0x7e: {  	_ =	shalt  }
0x7f: {  	_ =	shalt  }
0x80: {  	_ =	shalt  }
0x81: {  	_ =	shalt  }
0x82: {  	_ =	shalt  }
0x83: {  	_ =	shalt  }
0x84: {  	_ =	shalt  }
0x85: {  	_ =	shalt  }
0x86: {  	_ =	shalt  }
0x87: {  	_ =	shalt  }
.Lfunc_end0:
.L_simem_size_0:
called_computation.1_lowered:
.L_overlay_start_0:
0x88: {  	s2 =	sld [smem:$0x3FD9]  }
0x89: {  	s3 =	sld [smem:$0x3FFE];
	_ =	sdelay $0x1  }
0x8a: {  	s1 =	srdreg.scid  }
0x8b: {  	s0 =	sand.u32 $0x1, s1  }
0x8c: {  	s17 =	sshll.u32 s0, $0xA;
	s2 =	sadd.s32 s3, s2  }
0x8d: {  	s2 =	sadd.s32 s2, s17  }
0x8e: {  	[smem:$0x3FC1] =	sst s2  }
0x8f: {  	_ = 	snop  }
0x90: {  	s2 =	sld [smem:$0x3FD0];
	(tm) =	ssettm $0x1  }
0x91: {  	s18 =	sld [smem:$0x3FFB];
	_ =	sdelay $0x3  }
0x92: {  	_ =	strace s18  }
0x93: {  	s3 =	sld [smem:$0x3FFC];
	_ =	sdelay $0x3  }
0x94: {  	_ =	strace s3  }
0x95: {  	s3 =	sld [smem:$0x3FFD];
	_ =	sdelay $0x3  }
0x96: {  	_ =	strace s3  }
0x97: {  	_ =	strace $0x8FFFFFFF  }
0x98: {  	s19 =	sld [smem:$0x3FDB];
	_ =	sdelay $0x1  }
0x99: {  	s4 =	simm.s32 $_scs_section_size  }
0x9a: {  	s5 =	simm.s32 $_size__tile_overlayer_lowered;
	s6 =	simm.s32 $_tile_overlayer_lowered  }
0x9b: {  	s22 =	simm.s32 $0x1BFF;
	s21 =	sshll.u32 s6, $0x1;
	s3 =	sadd.s32 s4, s19  }
0x9c: {  	s7 =	simm.s32 $0x0;
	s20 =	sshll.u32 s5, $0x1;
	s5 =	sadd.s32 s21, s3  }
0x9d: {  	[timem:s7], [sflag:s22] =	dma.local [hbm:s5], s20  }
0x9e: {  	_ =	swait.ge [sflag:s22], s20  }
0x9f: {  	s4 =	ssub.s32 $0x0, s20;
	[sflag:s22] =	ssyncset.done $0x0  }
0xa0: {  	[sflag:s22] =	ssyncadd.s32 s4;
	_ =	sdelay $0x1  }
0xa1: {  	s23 =	simm.s32 $0x1B8B  }
0xa2: {  	_ =	swait.ge [sflag:s23], $0x1  }
0xa3: {  	[sflag:s23] =	ssyncset.done $0x0  }
0xa4: {  	s25 =	simm.s32 $0x1B8E;
	s24 =	sld [smem:$0x3FFE];
	[sflag:s23] =	ssyncadd.s32 $0xFFFFFFFF  }
0xa5: {  	s26 =	simm.s32 $execute0_lowered;
	[smem:$0x3FD2] =	sst s25  }
0xa6: {  	s5 =	sshll.u32 s26, $0x1;
	_ =	strace $0x80000049;
	[dreg:$0x1] =	wrdreg $0xFFFFFFFF  }
0xa7: {  	s28 =	simm.s32 $_size_execute0_lowered;
	s3 =	sadd.s32 s3, s5;
	[dreg:$0x0] =	wrdreg $0x0  }
0xa8: {  	s5 =	sshll.u32 s28, $0x1;
	[dreg:$0x2] =	wrdreg s3  }
0xa9: {  	[dreg:$0x3] =	wrdreg s5  }
0xaa: {  	[dreg:$0x4] =	wrdreg $0xC0  }
0xab: {  	_ =	task [dreg:s7], $0x5FFFF  }
0xac: {  	[dreg:$0x1] =	wrdreg $0xFFFFFFFF  }
0xad: {  	[dreg:$0x0] =	wrdreg $0x60  }
0xae: {  	[dreg:$0x2] =	wrdreg s2  }
0xaf: {  	[dreg:$0x3] =	wrdreg s24  }
0xb0: {  	[dreg:$0x4] =	wrdreg $0x9  }
0xb1: {  	_ =	task.clear_ibuf [dreg:s7], $0x5FFFF;
	_ =	strace $0x90000049  }
0xb2: {  	s29 =	simm.s32 $0x9;
	_ =	strace $0x8000004B  }
0xb3: {  	_ =	swait.ge [sflag:s29], $0x1  }
0xb4: {  	[sflag:s29] =	ssyncadd.s32 $0xFFFFFFFF  }
0xb5: {  	_ =	strace $0x9000004B  }
0xb6: {  	_ =	sfence  }
0xb7: {  	s30 =	sld [smem:$0x0];
	_ =	sdelay $0x2  }
0xb8: {  	s31 =	sshll.u32 s1, $0xD;
	s1 =	sshrl.u32 s1, $0x2  }
0xb9: {  	s3 =	sand.u32 $0x4000, s31;
	s1 =	sadd.s32 s1, s30  }
0xba: {  	s0 =	sor.u32 s3, s0;
	s1 =	sshll.u32 s1, $0x11  }
0xbb: {  	s0 =	sor.u32 s1, s0  }
0xbc: {  	s0 =	sadd.s32 $0x8F2B, s0  }
0xbd: {  	[sflag:s0] =	ssyncadd.remote.s32 $0x1  }
0xbe: {  	_ =	sfence.sel $0xFFFF  }
0xbf: {  	[dreg:$0x0] =	wrdreg $0xFFFFFFFF;
	(pc) =	sbr.abs _section_cstart, $3  }
0xc0: {  	[dreg:$0x1] =	wrdreg $0xFFFFFFFF  }
0xc1: {  	_ =	task.clear_ibuf [dreg:s7], $0x2FFFF;
	_ =	strace $0x9FFFFFFF  }
0xc2: {  	(tm) =	ssettm $0x7FFFFFFF  }
0xc3: {  	_ =	shalt  }
tec
execute0_lowered:
.L_overlay_start_1:
0x0: {  	(tag) =	ssettag $0x1  }
0x1: {  	s0 =	srdreg.scid;
	s1 =	stileid.u32  }
0x2: {  	s0 =	sand.u32 $0x1, s0;
	s1 =	sshll.u32 s1, $0x1  }
0x3: {  	s2 =	rddreg [dreg:$0x0];
	s1 =	sor.u32 s0, s1  }
0x4: {  	s4 =	rddreg [dreg:$0x1];
	s5 =	sshll.u32 s1, $0x8  }
0x5: {  	s3 =	simm.s32 $0x0;
	s1 =	sshll.u32 s1, $0x10;
	s5 =	sadd.s32 s5, s4  }
0x6: {  	[smem:$0x7FF] =	sst s3;
	s1 =	sadd.s32 s1, s4;
	s16 =	sadd.s32 $0x122000, s5  }
0x7: {  	_ =	strace $0x8000004A;
	s17 =	sadd.s32 $0x124000, s1;
	[dreg:$0x3] =	wrdreg s16  }
0x8: {  	s18 =	sadd.s32 $0x125000, s1;
	[dreg:$0x4] =	wrdreg s17  }
0x9: {  	s19 =	sadd.s32 $0x126000, s1;
	[dreg:$0x5] =	wrdreg s18  }
0xa: {  	s20 =	sadd.s32 $0x127000, s1;
	[dreg:$0x6] =	wrdreg s19  }
0xb: {  	s21 =	sadd.s32 $0x128000, s1;
	[dreg:$0x7] =	wrdreg s20  }
0xc: {  	s22 =	sadd.s32 $0x129000, s1;
	[dreg:$0x8] =	wrdreg s21  }
0xd: {  	s23 =	sadd.s32 $0x12A000, s1;
	[dreg:$0x9] =	wrdreg s22  }
0xe: {  	s24 =	sadd.s32 $0x12B000, s1;
	[dreg:$0xa] =	wrdreg s23  }
0xf: {  	s25 =	sadd.s32 $0x12C000, s1;
	[dreg:$0xb] =	wrdreg s24  }
0x10: {  	s26 =	sadd.s32 $0x12D000, s1;
	[dreg:$0xc] =	wrdreg s25  }
0x11: {  	s28 =	sadd.s32 $0x12E000, s1;
	[dreg:$0xd] =	wrdreg s26  }
0x12: {  	s9 =	simm.s32 $0x800;
	s30 =	sadd.s32 $0x12F000, s1;
	[dreg:$0xe] =	wrdreg s28  }
0x13: {  	s0 =	ssub.s32 $0x2, s0;
	s31 =	sadd.s32 $0x130000, s1;
	[dreg:$0xf] =	wrdreg s30  }
0x14: {  	s29 =	sshrl.u32 s0, $0x1;
	s6 =	sadd.s32 $0x131000, s1;
	[dreg:$0x10] =	wrdreg s31  }
0x15: {  	s0 =	ssub.s32 s0, s29;
	s7 =	sadd.s32 $0x132000, s1;
	[dreg:$0x11] =	wrdreg s6  }
0x16: {  	s4 =	sadd.s32 $0x100, s2;
	s1 =	sadd.s32 $0x133000, s1;
	[dreg:$0x12] =	wrdreg s7  }
0x17: {  	v2 =	vlaneseq.u32;
	s5 =	sadd.s32 $0x200, s2;
	s6 =	sadd.s32 $0x300, s2;
	[dreg:$0x13] =	wrdreg s1  }
0x18: {  	vm0 =	vmmov $0xffff;
	v1 =	vshrl.u32 v2, $0x3;
	s24 =	smax.u32 s0, $0x1;
	s25 =	simm.s32 $0x8800;
	s17 =	simm.s32 $0x1  }
0x19: {  	v0 =	vand.u32 $0x7, v2;
	v2 =	vor.u32 $0x8, v2;
	v1 =	vmul.u32 $0x8, v1;
	s18 =	simm.s32 $0x3;
	s19 =	simm.s32 $0x2;
	s20 =	simm.s32 $0x4  }
.LBB2_1:
0x1a: {  	s21 =	rddreg [dreg:$0x3];
	s16 =	simm.s32 $0x5  }
0x1b: {  	[tilespmem:s3], [sflag:$0x5] =	stream.linear.gather [hbm4b:s21+s3], $0x800, $0x38;
	[tilespmem:$0x10800] =	vst v63  }
0x1c: {  	_ =	swait.ge [sflag:s16], $0x800  }
0x1d: {  	[sflag:s16] =	ssyncset.done $0x0  }
0x1e: {  	[sflag:s16] =	ssyncadd.s32 $0xFFFFF800  }
0x1f: {  	v3 =	vld [tilespmem:$0x0];
	_ =	sdelay $0x4  }
0x20: {  	v4 =	vshll.u32 v3, $0x3  }
0x21: {  	v3 =	vand.u32 $0x7, v3;
	v4 =	vand.u32 $0xFFFFFFC0, v4  }
0x22: {  	v3 =	vor.u32 v3, v4  }
0x23: {  	v4 =	vperm.xlane v3, v0;
	_ =	sdelay $0x1  }
0x24: {  	v4 =	vadd.s32 v1, v4;
	_ =	sdelay $0x4  }
0x25: {  	[tilespmem:s9], [sflag:$0x1] =	stream.indirect_vreg.gather [hbm4b:s2+s3], $0x80, v4, vm0, $0xb8;
	[tilespmem:$0x10800] =	vst v63  }
0x26: {  	s0 =	simm.s32 $0x1000;
	v3 =	vperm.xlane v3, v2  }
0x27: {  	[tilespmem:s0], [sflag:$0x1] =	stream.indirect_vreg.gather [hbm4b:s4+s3], $0x80, v4, vm0, $0xb8;
	[tilespmem:$0x10800] =	vst v63  }
0x28: {  	s21 =	simm.s32 $0x1800;
	v3 =	vadd.s32 v1, v3  }
0x29: {  	[tilespmem:s21], [sflag:$0x1] =	stream.indirect_vreg.gather [hbm4b:s5+s3], $0x80, v4, vm0, $0xb8;
	[tilespmem:$0x10800] =	vst v63  }
0x2a: {  	s22 =	simm.s32 $0x2000  }
0x2b: {  	[tilespmem:s22], [sflag:$0x1] =	stream.indirect_vreg.gather [hbm4b:s6+s3], $0x80, v4, vm0, $0xb8;
	[tilespmem:$0x10800] =	vst v63  }
0x2c: {  	s23 =	simm.s32 $0x2800  }
0x2d: {  	[tilespmem:s23], [sflag:$0x1] =	stream.indirect_vreg.gather [hbm4b:s2+s3], $0x80, v3, vm0, $0xb8;
	[tilespmem:$0x10800] =	vst v63  }
0x2e: {  	s26 =	simm.s32 $0x3000  }
0x2f: {  	[tilespmem:s26], [sflag:$0x1] =	stream.indirect_vreg.gather [hbm4b:s4+s3], $0x80, v3, vm0, $0xb8;
	[tilespmem:$0x10800] =	vst v63  }
0x30: {  	s28 =	simm.s32 $0x3800  }
0x31: {  	[tilespmem:s28], [sflag:$0x1] =	stream.indirect_vreg.gather [hbm4b:s5+s3], $0x80, v3, vm0, $0xb8;
	[tilespmem:$0x10800] =	vst v63  }
0x32: {  	s29 =	simm.s32 $0x4000  }
0x33: {  	[tilespmem:s29], [sflag:$0x1] =	stream.indirect_vreg.gather [hbm4b:s6+s3], $0x80, v3, vm0, $0xb8;
	[tilespmem:$0x10800] =	vst v63  }
0x34: {  	v3 =	vld [tilespmem:$0x10];
	_ =	sdelay $0x4  }
0x35: {  	v33 =	vshll.u32 v3, $0x3  }
0x36: {  	v3 =	vand.u32 $0x7, v3;
	v4 =	vand.u32 $0xFFFFFFC0, v33  }
0x37: {  	v3 =	vor.u32 v3, v4  }
0x38: {  	v4 =	vperm.xlane v3, v0;
	_ =	sdelay $0x1  }
0x39: {  	v4 =	vadd.s32 v1, v4;
	_ =	sdelay $0x3  }
0x3a: {  	s30 =	simm.s32 $0x4800  }
0x3b: {  	[tilespmem:s30], [sflag:$0x1] =	stream.indirect_vreg.gather [hbm4b:s2+s3], $0x80, v4, vm0, $0xb8;
	[tilespmem:$0x10800] =	vst v63  }
0x3c: {  	s31 =	simm.s32 $0x5000;
	v3 =	vperm.xlane v3, v2  }
0x3d: {  	[tilespmem:s31], [sflag:$0x1] =	stream.indirect_vreg.gather [hbm4b:s4+s3], $0x80, v4, vm0, $0xb8;
	[tilespmem:$0x10800] =	vst v63  }
0x3e: {  	s11 =	simm.s32 $0x5800;
	v3 =	vadd.s32 v1, v3  }
0x3f: {  	[tilespmem:s11], [sflag:$0x1] =	stream.indirect_vreg.gather [hbm4b:s5+s3], $0x80, v4, vm0, $0xb8;
	[tilespmem:$0x10800] =	vst v63  }
0x40: {  	s12 =	simm.s32 $0x6000  }
0x41: {  	[tilespmem:s12], [sflag:$0x1] =	stream.indirect_vreg.gather [hbm4b:s6+s3], $0x80, v4, vm0, $0xb8;
	[tilespmem:$0x10800] =	vst v63  }
0x42: {  	s13 =	simm.s32 $0x6800  }
0x43: {  	[tilespmem:s13], [sflag:$0x1] =	stream.indirect_vreg.gather [hbm4b:s2+s3], $0x80, v3, vm0, $0xb8;
	[tilespmem:$0x10800] =	vst v63  }
0x44: {  	s14 =	simm.s32 $0x7000  }
0x45: {  	[tilespmem:s14], [sflag:$0x1] =	stream.indirect_vreg.gather [hbm4b:s4+s3], $0x80, v3, vm0, $0xb8;
	[tilespmem:$0x10800] =	vst v63  }
0x46: {  	s21 =	simm.s32 $0x7800  }
0x47: {  	[tilespmem:s21], [sflag:$0x1] =	stream.indirect_vreg.gather [hbm4b:s5+s3], $0x80, v3, vm0, $0xb8;
	[tilespmem:$0x10800] =	vst v63  }
0x48: {  	s23 =	simm.s32 $0x8000  }
0x49: {  	[tilespmem:s23], [sflag:$0x1] =	stream.indirect_vreg.gather [hbm4b:s6+s3], $0x80, v3, vm0, $0xb8;
	[tilespmem:$0x10800] =	vst v63  }
0x4a: {  	v3 =	vld [tilespmem:$0x80];
	_ =	sdelay $0x4  }
0x4b: {  	v34 =	vshll.u32 v3, $0x3  }
0x4c: {  	v3 =	vand.u32 $0x7, v3;
	v4 =	vand.u32 $0xFFFFFFC0, v34  }
0x4d: {  	v3 =	vor.u32 v3, v4  }
0x4e: {  	v4 =	vperm.xlane v3, v0;
	_ =	sdelay $0x1  }
0x4f: {  	v4 =	vadd.s32 v1, v4;
	_ =	sdelay $0x4  }
0x50: {  	[tilespmem:s25], [sflag:$0x2] =	stream.indirect_vreg.gather [hbm4b:s2+s3], $0x80, v4, vm0, $0xb8;
	[tilespmem:$0x10800] =	vst v63  }
0x51: {  	s26 =	simm.s32 $0x9000;
	v3 =	vperm.xlane v3, v2  }
0x52: {  	[tilespmem:s26], [sflag:$0x2] =	stream.indirect_vreg.gather [hbm4b:s4+s3], $0x80, v4, vm0, $0xb8;
	[tilespmem:$0x10800] =	vst v63  }
0x53: {  	s28 =	simm.s32 $0x9800;
	v3 =	vadd.s32 v1, v3  }
0x54: {  	[tilespmem:s28], [sflag:$0x2] =	stream.indirect_vreg.gather [hbm4b:s5+s3], $0x80, v4, vm0, $0xb8;
	[tilespmem:$0x10800] =	vst v63  }
0x55: {  	s30 =	simm.s32 $0xA000  }
0x56: {  	[tilespmem:s30], [sflag:$0x2] =	stream.indirect_vreg.gather [hbm4b:s6+s3], $0x80, v4, vm0, $0xb8;
	[tilespmem:$0x10800] =	vst v63  }
0x57: {  	s31 =	simm.s32 $0xA800  }
0x58: {  	[tilespmem:s31], [sflag:$0x2] =	stream.indirect_vreg.gather [hbm4b:s2+s3], $0x80, v3, vm0, $0xb8;
	[tilespmem:$0x10800] =	vst v63  }
0x59: {  	s0 =	simm.s32 $0xB000  }
0x5a: {  	[tilespmem:s0], [sflag:$0x2] =	stream.indirect_vreg.gather [hbm4b:s4+s3], $0x80, v3, vm0, $0xb8;
	[tilespmem:$0x10800] =	vst v63  }
0x5b: {  	s11 =	simm.s32 $0xB800  }
0x5c: {  	[tilespmem:s11], [sflag:$0x2] =	stream.indirect_vreg.gather [hbm4b:s5+s3], $0x80, v3, vm0, $0xb8;
	[tilespmem:$0x10800] =	vst v63  }
0x5d: {  	s12 =	simm.s32 $0xC000  }
0x5e: {  	[tilespmem:s12], [sflag:$0x2] =	stream.indirect_vreg.gather [hbm4b:s6+s3], $0x80, v3, vm0, $0xb8;
	[tilespmem:$0x10800] =	vst v63  }
0x5f: {  	v3 =	vld [tilespmem:$0x90];
	_ =	sdelay $0x4  }
0x60: {  	v35 =	vshll.u32 v3, $0x3  }
0x61: {  	v3 =	vand.u32 $0x7, v3;
	v4 =	vand.u32 $0xFFFFFFC0, v35  }
0x62: {  	v3 =	vor.u32 v3, v4  }
0x63: {  	v4 =	vperm.xlane v3, v0;
	_ =	sdelay $0x1  }
0x64: {  	v4 =	vadd.s32 v1, v4;
	_ =	sdelay $0x3  }
0x65: {  	s13 =	simm.s32 $0xC800  }
0x66: {  	[tilespmem:s13], [sflag:$0x2] =	stream.indirect_vreg.gather [hbm4b:s2+s3], $0x80, v4, vm0, $0xb8;
	[tilespmem:$0x10800] =	vst v63  }
0x67: {  	s14 =	simm.s32 $0xD000;
	v3 =	vperm.xlane v3, v2  }
0x68: {  	[tilespmem:s14], [sflag:$0x2] =	stream.indirect_vreg.gather [hbm4b:s4+s3], $0x80, v4, vm0, $0xb8;
	[tilespmem:$0x10800] =	vst v63  }
0x69: {  	s23 =	simm.s32 $0xD800;
	v3 =	vadd.s32 v1, v3  }
0x6a: {  	[tilespmem:s23], [sflag:$0x2] =	stream.indirect_vreg.gather [hbm4b:s5+s3], $0x80, v4, vm0, $0xb8;
	[tilespmem:$0x10800] =	vst v63  }
0x6b: {  	s30 =	simm.s32 $0xE000  }
0x6c: {  	[tilespmem:s30], [sflag:$0x2] =	stream.indirect_vreg.gather [hbm4b:s6+s3], $0x80, v4, vm0, $0xb8;
	[tilespmem:$0x10800] =	vst v63  }
0x6d: {  	s31 =	simm.s32 $0xE800  }
0x6e: {  	[tilespmem:s31], [sflag:$0x2] =	stream.indirect_vreg.gather [hbm4b:s2+s3], $0x80, v3, vm0, $0xb8;
	[tilespmem:$0x10800] =	vst v63  }
0x6f: {  	s0 =	simm.s32 $0xF000  }
0x70: {  	[tilespmem:s0], [sflag:$0x2] =	stream.indirect_vreg.gather [hbm4b:s4+s3], $0x80, v3, vm0, $0xb8;
	[tilespmem:$0x10800] =	vst v63  }
0x71: {  	s11 =	simm.s32 $0xF800  }
0x72: {  	[tilespmem:s11], [sflag:$0x2] =	stream.indirect_vreg.gather [hbm4b:s5+s3], $0x80, v3, vm0, $0xb8;
	[tilespmem:$0x10800] =	vst v63  }
0x73: {  	s23 =	simm.s32 $0x10000  }
0x74: {  	[tilespmem:s23], [sflag:$0x2] =	stream.indirect_vreg.gather [hbm4b:s6+s3], $0x80, v3, vm0, $0xb8;
	[tilespmem:$0x10800] =	vst v63  }
0x75: {  	_ =	swait.ge [sflag:s17], $0x8000  }
0x76: {  	[sflag:s17] =	ssyncset.done $0x0  }
0x77: {  	s0 =	rddreg [dreg:$0x4];
	[sflag:s17] =	ssyncadd.s32 $0xFFFF8000  }
0x78: {  	[hbm4b:s0+s3] =	stream.linear.scatter [tilespmem:s9], [sflag:$0x3], $0x8000, $0x38;
	[tilespmem:$0x10800] =	vst v63  }
0x79: {  	_ =	swait.ge [sflag:s18], $0x8000  }
0x7a: {  	[sflag:s18] =	ssyncset.done $0x0  }
0x7b: {  	[sflag:s18] =	ssyncadd.s32 $0xFFFF8000  }
0x7c: {  	v3 =	vld [tilespmem:$0x100];
	_ =	sdelay $0x4  }
0x7d: {  	v36 =	vshll.u32 v3, $0x3  }
0x7e: {  	v3 =	vand.u32 $0x7, v3;
	v4 =	vand.u32 $0xFFFFFFC0, v36  }
0x7f: {  	v3 =	vor.u32 v3, v4  }
0x80: {  	v4 =	vperm.xlane v3, v0;
	_ =	sdelay $0x1  }
0x81: {  	v4 =	vadd.s32 v1, v4;
	_ =	sdelay $0x4  }
0x82: {  	[tilespmem:s9], [sflag:$0x1] =	stream.indirect_vreg.gather [hbm4b:s2+s3], $0x80, v4, vm0, $0xb8;
	[tilespmem:$0x10800] =	vst v63  }
0x83: {  	s16 =	simm.s32 $0x1000;
	v3 =	vperm.xlane v3, v2  }
0x84: {  	[tilespmem:s16], [sflag:$0x1] =	stream.indirect_vreg.gather [hbm4b:s4+s3], $0x80, v4, vm0, $0xb8;
	[tilespmem:$0x10800] =	vst v63  }
0x85: {  	s1 =	simm.s32 $0x1800;
	v3 =	vadd.s32 v1, v3  }
0x86: {  	[tilespmem:s1], [sflag:$0x1] =	stream.indirect_vreg.gather [hbm4b:s5+s3], $0x80, v4, vm0, $0xb8;
	[tilespmem:$0x10800] =	vst v63  }
0x87: {  	s7 =	simm.s32 $0x2000  }
0x88: {  	[tilespmem:s7], [sflag:$0x1] =	stream.indirect_vreg.gather [hbm4b:s6+s3], $0x80, v4, vm0, $0xb8;
	[tilespmem:$0x10800] =	vst v63  }
0x89: {  	s8 =	simm.s32 $0x2800  }
0x8a: {  	[tilespmem:s8], [sflag:$0x1] =	stream.indirect_vreg.gather [hbm4b:s2+s3], $0x80, v3, vm0, $0xb8;
	[tilespmem:$0x10800] =	vst v63  }
0x8b: {  	s10 =	simm.s32 $0x3000  }
0x8c: {  	[tilespmem:s10], [sflag:$0x1] =	stream.indirect_vreg.gather [hbm4b:s4+s3], $0x80, v3, vm0, $0xb8;
	[tilespmem:$0x10800] =	vst v63  }
0x8d: {  	s15 =	simm.s32 $0x3800  }
0x8e: {  	[tilespmem:s15], [sflag:$0x1] =	stream.indirect_vreg.gather [hbm4b:s5+s3], $0x80, v3, vm0, $0xb8;
	[tilespmem:$0x10800] =	vst v63  }
0x8f: {  	s22 =	simm.s32 $0x4000  }
0x90: {  	[tilespmem:s22], [sflag:$0x1] =	stream.indirect_vreg.gather [hbm4b:s6+s3], $0x80, v3, vm0, $0xb8;
	[tilespmem:$0x10800] =	vst v63  }
0x91: {  	v3 =	vld [tilespmem:$0x110];
	_ =	sdelay $0x4  }
0x92: {  	v37 =	vshll.u32 v3, $0x3  }
0x93: {  	v3 =	vand.u32 $0x7, v3;
	v4 =	vand.u32 $0xFFFFFFC0, v37  }
0x94: {  	v3 =	vor.u32 v3, v4  }
0x95: {  	v4 =	vperm.xlane v3, v0;
	_ =	sdelay $0x1  }
0x96: {  	v4 =	vadd.s32 v1, v4;
	_ =	sdelay $0x3  }
0x97: {  	s23 =	simm.s32 $0x4800  }
0x98: {  	[tilespmem:s23], [sflag:$0x1] =	stream.indirect_vreg.gather [hbm4b:s2+s3], $0x80, v4, vm0, $0xb8;
	[tilespmem:$0x10800] =	vst v63  }
0x99: {  	s29 =	simm.s32 $0x5000;
	v3 =	vperm.xlane v3, v2  }
0x9a: {  	[tilespmem:s29], [sflag:$0x1] =	stream.indirect_vreg.gather [hbm4b:s4+s3], $0x80, v4, vm0, $0xb8;
	[tilespmem:$0x10800] =	vst v63  }
0x9b: {  	s7 =	simm.s32 $0x5800;
	v3 =	vadd.s32 v1, v3  }
0x9c: {  	[tilespmem:s7], [sflag:$0x1] =	stream.indirect_vreg.gather [hbm4b:s5+s3], $0x80, v4, vm0, $0xb8;
	[tilespmem:$0x10800] =	vst v63  }
0x9d: {  	s8 =	simm.s32 $0x6000  }
0x9e: {  	[tilespmem:s8], [sflag:$0x1] =	stream.indirect_vreg.gather [hbm4b:s6+s3], $0x80, v4, vm0, $0xb8;
	[tilespmem:$0x10800] =	vst v63  }
0x9f: {  	s29 =	simm.s32 $0x6800  }
0xa0: {  	[tilespmem:s29], [sflag:$0x1] =	stream.indirect_vreg.gather [hbm4b:s2+s3], $0x80, v3, vm0, $0xb8;
	[tilespmem:$0x10800] =	vst v63  }
0xa1: {  	s15 =	simm.s32 $0x7000  }
0xa2: {  	[tilespmem:s15], [sflag:$0x1] =	stream.indirect_vreg.gather [hbm4b:s4+s3], $0x80, v3, vm0, $0xb8;
	[tilespmem:$0x10800] =	vst v63  }
0xa3: {  	s16 =	simm.s32 $0x7800  }
0xa4: {  	[tilespmem:s16], [sflag:$0x1] =	stream.indirect_vreg.gather [hbm4b:s5+s3], $0x80, v3, vm0, $0xb8;
	[tilespmem:$0x10800] =	vst v63  }
0xa5: {  	s22 =	simm.s32 $0x8000  }
0xa6: {  	[tilespmem:s22], [sflag:$0x1] =	stream.indirect_vreg.gather [hbm4b:s6+s3], $0x80, v3, vm0, $0xb8;
	[tilespmem:$0x10800] =	vst v63  }
0xa7: {  	_ =	swait.ge [sflag:s19], $0x8000  }
0xa8: {  	[sflag:s19] =	ssyncset.done $0x0  }
0xa9: {  	s10 =	rddreg [dreg:$0x5];
	[sflag:s19] =	ssyncadd.s32 $0xFFFF8000  }
0xaa: {  	[hbm4b:s10+s3] =	stream.linear.scatter [tilespmem:s25], [sflag:$0x4], $0x8000, $0x38;
	[tilespmem:$0x10800] =	vst v63  }
0xab: {  	_ =	swait.ge [sflag:s20], $0x8000  }
0xac: {  	[sflag:s20] =	ssyncset.done $0x0  }
0xad: {  	[sflag:s20] =	ssyncadd.s32 $0xFFFF8000  }
0xae: {  	v3 =	vld [tilespmem:$0x180];
	_ =	sdelay $0x4  }
0xaf: {  	v38 =	vshll.u32 v3, $0x3  }
0xb0: {  	v3 =	vand.u32 $0x7, v3;
	v4 =	vand.u32 $0xFFFFFFC0, v38  }
0xb1: {  	v3 =	vor.u32 v3, v4  }
0xb2: {  	v4 =	vperm.xlane v3, v0;
	_ =	sdelay $0x1  }
0xb3: {  	v4 =	vadd.s32 v1, v4;
	_ =	sdelay $0x4  }
0xb4: {  	[tilespmem:s25], [sflag:$0x2] =	stream.indirect_vreg.gather [hbm4b:s2+s3], $0x80, v4, vm0, $0xb8;
	[tilespmem:$0x10800] =	vst v63  }
0xb5: {  	s1 =	simm.s32 $0x9000;
	v3 =	vperm.xlane v3, v2  }
0xb6: {  	[tilespmem:s1], [sflag:$0x2] =	stream.indirect_vreg.gather [hbm4b:s4+s3], $0x80, v4, vm0, $0xb8;
	[tilespmem:$0x10800] =	vst v63  }
0xb7: {  	s0 =	simm.s32 $0x9800;
	v3 =	vadd.s32 v1, v3  }
0xb8: {  	[tilespmem:s0], [sflag:$0x2] =	stream.indirect_vreg.gather [hbm4b:s5+s3], $0x80, v4, vm0, $0xb8;
	[tilespmem:$0x10800] =	vst v63  }
0xb9: {  	s21 =	simm.s32 $0xA000  }
0xba: {  	[tilespmem:s21], [sflag:$0x2] =	stream.indirect_vreg.gather [hbm4b:s6+s3], $0x80, v4, vm0, $0xb8;
	[tilespmem:$0x10800] =	vst v63  }
0xbb: {  	s26 =	simm.s32 $0xA800  }
0xbc: {  	[tilespmem:s26], [sflag:$0x2] =	stream.indirect_vreg.gather [hbm4b:s2+s3], $0x80, v3, vm0, $0xb8;
	[tilespmem:$0x10800] =	vst v63  }
0xbd: {  	s28 =	simm.s32 $0xB000  }
0xbe: {  	[tilespmem:s28], [sflag:$0x2] =	stream.indirect_vreg.gather [hbm4b:s4+s3], $0x80, v3, vm0, $0xb8;
	[tilespmem:$0x10800] =	vst v63  }
0xbf: {  	s28 =	simm.s32 $0xB800  }
0xc0: {  	[tilespmem:s28], [sflag:$0x2] =	stream.indirect_vreg.gather [hbm4b:s5+s3], $0x80, v3, vm0, $0xb8;
	[tilespmem:$0x10800] =	vst v63  }
0xc1: {  	s12 =	simm.s32 $0xC000  }
0xc2: {  	[tilespmem:s12], [sflag:$0x2] =	stream.indirect_vreg.gather [hbm4b:s6+s3], $0x80, v3, vm0, $0xb8;
	[tilespmem:$0x10800] =	vst v63  }
0xc3: {  	v3 =	vld [tilespmem:$0x190];
	_ =	sdelay $0x4  }
0xc4: {  	v39 =	vshll.u32 v3, $0x3  }
0xc5: {  	v3 =	vand.u32 $0x7, v3;
	v4 =	vand.u32 $0xFFFFFFC0, v39  }
0xc6: {  	v3 =	vor.u32 v3, v4  }
0xc7: {  	v4 =	vperm.xlane v3, v0;
	_ =	sdelay $0x1  }
0xc8: {  	v4 =	vadd.s32 v1, v4;
	_ =	sdelay $0x3  }
0xc9: {  	s13 =	simm.s32 $0xC800  }
0xca: {  	[tilespmem:s13], [sflag:$0x2] =	stream.indirect_vreg.gather [hbm4b:s2+s3], $0x80, v4, vm0, $0xb8;
	[tilespmem:$0x10800] =	vst v63  }
0xcb: {  	s14 =	simm.s32 $0xD000;
	v3 =	vperm.xlane v3, v2  }
0xcc: {  	[tilespmem:s14], [sflag:$0x2] =	stream.indirect_vreg.gather [hbm4b:s4+s3], $0x80, v4, vm0, $0xb8;
	[tilespmem:$0x10800] =	vst v63  }
0xcd: {  	v3 =	vadd.s32 v1, v3;
	s13 =	simm.s32 $0xD800  }
0xce: {  	[tilespmem:s13], [sflag:$0x2] =	stream.indirect_vreg.gather [hbm4b:s5+s3], $0x80, v4, vm0, $0xb8;
	[tilespmem:$0x10800] =	vst v63  }
0xcf: {  	s14 =	simm.s32 $0xE000  }
0xd0: {  	[tilespmem:s14], [sflag:$0x2] =	stream.indirect_vreg.gather [hbm4b:s6+s3], $0x80, v4, vm0, $0xb8;
	[tilespmem:$0x10800] =	vst v63  }
0xd1: {  	s21 =	simm.s32 $0xE800  }
0xd2: {  	[tilespmem:s21], [sflag:$0x2] =	stream.indirect_vreg.gather [hbm4b:s2+s3], $0x80, v3, vm0, $0xb8;
	[tilespmem:$0x10800] =	vst v63  }
0xd3: {  	s30 =	simm.s32 $0xF000  }
0xd4: {  	[tilespmem:s30], [sflag:$0x2] =	stream.indirect_vreg.gather [hbm4b:s4+s3], $0x80, v3, vm0, $0xb8;
	[tilespmem:$0x10800] =	vst v63  }
0xd5: {  	s31 =	simm.s32 $0xF800  }
0xd6: {  	[tilespmem:s31], [sflag:$0x2] =	stream.indirect_vreg.gather [hbm4b:s5+s3], $0x80, v3, vm0, $0xb8;
	[tilespmem:$0x10800] =	vst v63  }
0xd7: {  	s11 =	simm.s32 $0x10000  }
0xd8: {  	[tilespmem:s11], [sflag:$0x2] =	stream.indirect_vreg.gather [hbm4b:s6+s3], $0x80, v3, vm0, $0xb8;
	[tilespmem:$0x10800] =	vst v63  }
0xd9: {  	_ =	swait.ge [sflag:s17], $0x8000  }
0xda: {  	[sflag:s17] =	ssyncset.done $0x0  }
0xdb: {  	s21 =	rddreg [dreg:$0x6];
	[sflag:s17] =	ssyncadd.s32 $0xFFFF8000  }
0xdc: {  	[hbm4b:s21+s3] =	stream.linear.scatter [tilespmem:s9], [sflag:$0x3], $0x8000, $0x38;
	[tilespmem:$0x10800] =	vst v63  }
0xdd: {  	_ =	swait.ge [sflag:s18], $0x8000  }
0xde: {  	[sflag:s18] =	ssyncset.done $0x0  }
0xdf: {  	[sflag:s18] =	ssyncadd.s32 $0xFFFF8000  }
0xe0: {  	v3 =	vld [tilespmem:$0x200];
	_ =	sdelay $0x4  }
0xe1: {  	v40 =	vshll.u32 v3, $0x3  }
0xe2: {  	v3 =	vand.u32 $0x7, v3;
	v4 =	vand.u32 $0xFFFFFFC0, v40  }
0xe3: {  	v3 =	vor.u32 v3, v4  }
0xe4: {  	v4 =	vperm.xlane v3, v0;
	_ =	sdelay $0x1  }
0xe5: {  	v4 =	vadd.s32 v1, v4;
	_ =	sdelay $0x4  }
0xe6: {  	[tilespmem:s9], [sflag:$0x1] =	stream.indirect_vreg.gather [hbm4b:s2+s3], $0x80, v4, vm0, $0xb8;
	[tilespmem:$0x10800] =	vst v63  }
0xe7: {  	s21 =	simm.s32 $0x1000;
	v3 =	vperm.xlane v3, v2  }
0xe8: {  	[tilespmem:s21], [sflag:$0x1] =	stream.indirect_vreg.gather [hbm4b:s4+s3], $0x80, v4, vm0, $0xb8;
	[tilespmem:$0x10800] =	vst v63  }
0xe9: {  	v3 =	vadd.s32 v1, v3;
	s21 =	simm.s32 $0x1800  }
0xea: {  	[tilespmem:s21], [sflag:$0x1] =	stream.indirect_vreg.gather [hbm4b:s5+s3], $0x80, v4, vm0, $0xb8;
	[tilespmem:$0x10800] =	vst v63  }
0xeb: {  	s21 =	simm.s32 $0x2000  }
0xec: {  	[tilespmem:s21], [sflag:$0x1] =	stream.indirect_vreg.gather [hbm4b:s6+s3], $0x80, v4, vm0, $0xb8;
	[tilespmem:$0x10800] =	vst v63  }
0xed: {  	s21 =	simm.s32 $0x2800  }
0xee: {  	[tilespmem:s21], [sflag:$0x1] =	stream.indirect_vreg.gather [hbm4b:s2+s3], $0x80, v3, vm0, $0xb8;
	[tilespmem:$0x10800] =	vst v63  }
0xef: {  	s21 =	simm.s32 $0x3000  }
0xf0: {  	[tilespmem:s21], [sflag:$0x1] =	stream.indirect_vreg.gather [hbm4b:s4+s3], $0x80, v3, vm0, $0xb8;
	[tilespmem:$0x10800] =	vst v63  }
0xf1: {  	s21 =	simm.s32 $0x3800  }
0xf2: {  	[tilespmem:s21], [sflag:$0x1] =	stream.indirect_vreg.gather [hbm4b:s5+s3], $0x80, v3, vm0, $0xb8;
	[tilespmem:$0x10800] =	vst v63  }
0xf3: {  	s21 =	simm.s32 $0x4000  }
0xf4: {  	[tilespmem:s21], [sflag:$0x1] =	stream.indirect_vreg.gather [hbm4b:s6+s3], $0x80, v3, vm0, $0xb8;
	[tilespmem:$0x10800] =	vst v63  }
0xf5: {  	v3 =	vld [tilespmem:$0x210];
	_ =	sdelay $0x4  }
0xf6: {  	v41 =	vshll.u32 v3, $0x3  }
0xf7: {  	v3 =	vand.u32 $0x7, v3;
	v4 =	vand.u32 $0xFFFFFFC0, v41  }
0xf8: {  	v3 =	vor.u32 v3, v4  }
0xf9: {  	v4 =	vperm.xlane v3, v0;
	_ =	sdelay $0x1  }
0xfa: {  	v4 =	vadd.s32 v1, v4;
	_ =	sdelay $0x4  }
0xfb: {  	[tilespmem:s23], [sflag:$0x1] =	stream.indirect_vreg.gather [hbm4b:s2+s3], $0x80, v4, vm0, $0xb8;
	[tilespmem:$0x10800] =	vst v63  }
0xfc: {  	s21 =	simm.s32 $0x5000;
	v3 =	vperm.xlane v3, v2  }
0xfd: {  	[tilespmem:s21], [sflag:$0x1] =	stream.indirect_vreg.gather [hbm4b:s4+s3], $0x80, v4, vm0, $0xb8;
	[tilespmem:$0x10800] =	vst v63  }
0xfe: {  	v3 =	vadd.s32 v1, v3  }
0xff: {  	[tilespmem:s7], [sflag:$0x1] =	stream.indirect_vreg.gather [hbm4b:s5+s3], $0x80, v4, vm0, $0xb8;
	[tilespmem:$0x10800] =	vst v63  }
0x100: {  	_ = 	snop  }
0x101: {  	[tilespmem:s8], [sflag:$0x1] =	stream.indirect_vreg.gather [hbm4b:s6+s3], $0x80, v4, vm0, $0xb8;
	[tilespmem:$0x10800] =	vst v63  }
0x102: {  	_ = 	snop  }
0x103: {  	[tilespmem:s29], [sflag:$0x1] =	stream.indirect_vreg.gather [hbm4b:s2+s3], $0x80, v3, vm0, $0xb8;
	[tilespmem:$0x10800] =	vst v63  }
0x104: {  	_ = 	snop  }
0x105: {  	[tilespmem:s15], [sflag:$0x1] =	stream.indirect_vreg.gather [hbm4b:s4+s3], $0x80, v3, vm0, $0xb8;
	[tilespmem:$0x10800] =	vst v63  }
0x106: {  	_ = 	snop  }
0x107: {  	[tilespmem:s16], [sflag:$0x1] =	stream.indirect_vreg.gather [hbm4b:s5+s3], $0x80, v3, vm0, $0xb8;
	[tilespmem:$0x10800] =	vst v63  }
0x108: {  	_ = 	snop  }
0x109: {  	[tilespmem:s22], [sflag:$0x1] =	stream.indirect_vreg.gather [hbm4b:s6+s3], $0x80, v3, vm0, $0xb8;
	[tilespmem:$0x10800] =	vst v63  }
0x10a: {  	_ =	swait.ge [sflag:s19], $0x8000  }
0x10b: {  	[sflag:s19] =	ssyncset.done $0x0  }
0x10c: {  	s21 =	rddreg [dreg:$0x7];
	[sflag:s19] =	ssyncadd.s32 $0xFFFF8000  }
0x10d: {  	[hbm4b:s21+s3] =	stream.linear.scatter [tilespmem:s25], [sflag:$0x4], $0x8000, $0x38;
	[tilespmem:$0x10800] =	vst v63  }
0x10e: {  	_ =	swait.ge [sflag:s20], $0x8000  }
0x10f: {  	[sflag:s20] =	ssyncset.done $0x0  }
0x110: {  	[sflag:s20] =	ssyncadd.s32 $0xFFFF8000  }
0x111: {  	v3 =	vld [tilespmem:$0x280];
	_ =	sdelay $0x4  }
0x112: {  	v42 =	vshll.u32 v3, $0x3  }
0x113: {  	v3 =	vand.u32 $0x7, v3;
	v4 =	vand.u32 $0xFFFFFFC0, v42  }
0x114: {  	v3 =	vor.u32 v3, v4  }
0x115: {  	v4 =	vperm.xlane v3, v0;
	_ =	sdelay $0x1  }
0x116: {  	v4 =	vadd.s32 v1, v4;
	_ =	sdelay $0x4  }
0x117: {  	[tilespmem:s25], [sflag:$0x2] =	stream.indirect_vreg.gather [hbm4b:s2+s3], $0x80, v4, vm0, $0xb8;
	[tilespmem:$0x10800] =	vst v63  }
0x118: {  	v3 =	vperm.xlane v3, v2  }
0x119: {  	[tilespmem:s1], [sflag:$0x2] =	stream.indirect_vreg.gather [hbm4b:s4+s3], $0x80, v4, vm0, $0xb8;
	[tilespmem:$0x10800] =	vst v63  }
0x11a: {  	v3 =	vadd.s32 v1, v3  }
0x11b: {  	[tilespmem:s0], [sflag:$0x2] =	stream.indirect_vreg.gather [hbm4b:s5+s3], $0x80, v4, vm0, $0xb8;
	[tilespmem:$0x10800] =	vst v63  }
0x11c: {  	s21 =	simm.s32 $0xA000  }
0x11d: {  	[tilespmem:s21], [sflag:$0x2] =	stream.indirect_vreg.gather [hbm4b:s6+s3], $0x80, v4, vm0, $0xb8;
	[tilespmem:$0x10800] =	vst v63  }
0x11e: {  	s10 =	simm.s32 $0xA800  }
0x11f: {  	[tilespmem:s10], [sflag:$0x2] =	stream.indirect_vreg.gather [hbm4b:s2+s3], $0x80, v3, vm0, $0xb8;
	[tilespmem:$0x10800] =	vst v63  }
0x120: {  	s26 =	simm.s32 $0xB000  }
0x121: {  	[tilespmem:s26], [sflag:$0x2] =	stream.indirect_vreg.gather [hbm4b:s4+s3], $0x80, v3, vm0, $0xb8;
	[tilespmem:$0x10800] =	vst v63  }
0x122: {  	s28 =	simm.s32 $0xB800  }
0x123: {  	[tilespmem:s28], [sflag:$0x2] =	stream.indirect_vreg.gather [hbm4b:s5+s3], $0x80, v3, vm0, $0xb8;
	[tilespmem:$0x10800] =	vst v63  }
0x124: {  	s21 =	simm.s32 $0xC000  }
0x125: {  	[tilespmem:s21], [sflag:$0x2] =	stream.indirect_vreg.gather [hbm4b:s6+s3], $0x80, v3, vm0, $0xb8;
	[tilespmem:$0x10800] =	vst v63  }
0x126: {  	v3 =	vld [tilespmem:$0x290];
	_ =	sdelay $0x4  }
0x127: {  	v43 =	vshll.u32 v3, $0x3  }
0x128: {  	v3 =	vand.u32 $0x7, v3;
	v4 =	vand.u32 $0xFFFFFFC0, v43  }
0x129: {  	v3 =	vor.u32 v3, v4  }
0x12a: {  	v4 =	vperm.xlane v3, v0;
	_ =	sdelay $0x1  }
0x12b: {  	v4 =	vadd.s32 v1, v4;
	_ =	sdelay $0x3  }
0x12c: {  	s21 =	simm.s32 $0xC800  }
0x12d: {  	[tilespmem:s21], [sflag:$0x2] =	stream.indirect_vreg.gather [hbm4b:s2+s3], $0x80, v4, vm0, $0xb8;
	[tilespmem:$0x10800] =	vst v63  }
0x12e: {  	v3 =	vperm.xlane v3, v2;
	s21 =	simm.s32 $0xD000  }
0x12f: {  	[tilespmem:s21], [sflag:$0x2] =	stream.indirect_vreg.gather [hbm4b:s4+s3], $0x80, v4, vm0, $0xb8;
	[tilespmem:$0x10800] =	vst v63  }
0x130: {  	s12 =	simm.s32 $0xD800;
	v3 =	vadd.s32 v1, v3  }
0x131: {  	[tilespmem:s12], [sflag:$0x2] =	stream.indirect_vreg.gather [hbm4b:s5+s3], $0x80, v4, vm0, $0xb8;
	[tilespmem:$0x10800] =	vst v63  }
0x132: {  	s13 =	simm.s32 $0xE000  }
0x133: {  	[tilespmem:s13], [sflag:$0x2] =	stream.indirect_vreg.gather [hbm4b:s6+s3], $0x80, v4, vm0, $0xb8;
	[tilespmem:$0x10800] =	vst v63  }
0x134: {  	s14 =	simm.s32 $0xE800  }
0x135: {  	[tilespmem:s14], [sflag:$0x2] =	stream.indirect_vreg.gather [hbm4b:s2+s3], $0x80, v3, vm0, $0xb8;
	[tilespmem:$0x10800] =	vst v63  }
0x136: {  	s30 =	simm.s32 $0xF000  }
0x137: {  	[tilespmem:s30], [sflag:$0x2] =	stream.indirect_vreg.gather [hbm4b:s4+s3], $0x80, v3, vm0, $0xb8;
	[tilespmem:$0x10800] =	vst v63  }
0x138: {  	s31 =	simm.s32 $0xF800  }
0x139: {  	[tilespmem:s31], [sflag:$0x2] =	stream.indirect_vreg.gather [hbm4b:s5+s3], $0x80, v3, vm0, $0xb8;
	[tilespmem:$0x10800] =	vst v63  }
0x13a: {  	s11 =	simm.s32 $0x10000  }
0x13b: {  	[tilespmem:s11], [sflag:$0x2] =	stream.indirect_vreg.gather [hbm4b:s6+s3], $0x80, v3, vm0, $0xb8;
	[tilespmem:$0x10800] =	vst v63  }
0x13c: {  	_ =	swait.ge [sflag:s17], $0x8000  }
0x13d: {  	[sflag:s17] =	ssyncset.done $0x0  }
0x13e: {  	s21 =	rddreg [dreg:$0x8];
	[sflag:s17] =	ssyncadd.s32 $0xFFFF8000  }
0x13f: {  	[hbm4b:s21+s3] =	stream.linear.scatter [tilespmem:s9], [sflag:$0x3], $0x8000, $0x38;
	[tilespmem:$0x10800] =	vst v63  }
0x140: {  	_ =	swait.ge [sflag:s18], $0x8000  }
0x141: {  	[sflag:s18] =	ssyncset.done $0x0  }
0x142: {  	[sflag:s18] =	ssyncadd.s32 $0xFFFF8000  }
0x143: {  	v3 =	vld [tilespmem:$0x300];
	_ =	sdelay $0x4  }
0x144: {  	v44 =	vshll.u32 v3, $0x3  }
0x145: {  	v3 =	vand.u32 $0x7, v3;
	v4 =	vand.u32 $0xFFFFFFC0, v44  }
0x146: {  	v3 =	vor.u32 v3, v4  }
0x147: {  	v4 =	vperm.xlane v3, v0;
	_ =	sdelay $0x1  }
0x148: {  	v4 =	vadd.s32 v1, v4;
	_ =	sdelay $0x4  }
0x149: {  	[tilespmem:s9], [sflag:$0x1] =	stream.indirect_vreg.gather [hbm4b:s2+s3], $0x80, v4, vm0, $0xb8;
	[tilespmem:$0x10800] =	vst v63  }
0x14a: {  	s21 =	simm.s32 $0x1000;
	v3 =	vperm.xlane v3, v2  }
0x14b: {  	[tilespmem:s21], [sflag:$0x1] =	stream.indirect_vreg.gather [hbm4b:s4+s3], $0x80, v4, vm0, $0xb8;
	[tilespmem:$0x10800] =	vst v63  }
0x14c: {  	v3 =	vadd.s32 v1, v3;
	s21 =	simm.s32 $0x1800  }
0x14d: {  	[tilespmem:s21], [sflag:$0x1] =	stream.indirect_vreg.gather [hbm4b:s5+s3], $0x80, v4, vm0, $0xb8;
	[tilespmem:$0x10800] =	vst v63  }
0x14e: {  	s21 =	simm.s32 $0x2000  }
0x14f: {  	[tilespmem:s21], [sflag:$0x1] =	stream.indirect_vreg.gather [hbm4b:s6+s3], $0x80, v4, vm0, $0xb8;
	[tilespmem:$0x10800] =	vst v63  }
0x150: {  	s21 =	simm.s32 $0x2800  }
0x151: {  	[tilespmem:s21], [sflag:$0x1] =	stream.indirect_vreg.gather [hbm4b:s2+s3], $0x80, v3, vm0, $0xb8;
	[tilespmem:$0x10800] =	vst v63  }
0x152: {  	s21 =	simm.s32 $0x3000  }
0x153: {  	[tilespmem:s21], [sflag:$0x1] =	stream.indirect_vreg.gather [hbm4b:s4+s3], $0x80, v3, vm0, $0xb8;
	[tilespmem:$0x10800] =	vst v63  }
0x154: {  	s21 =	simm.s32 $0x3800  }
0x155: {  	[tilespmem:s21], [sflag:$0x1] =	stream.indirect_vreg.gather [hbm4b:s5+s3], $0x80, v3, vm0, $0xb8;
	[tilespmem:$0x10800] =	vst v63  }
0x156: {  	s21 =	simm.s32 $0x4000  }
0x157: {  	[tilespmem:s21], [sflag:$0x1] =	stream.indirect_vreg.gather [hbm4b:s6+s3], $0x80, v3, vm0, $0xb8;
	[tilespmem:$0x10800] =	vst v63  }
0x158: {  	v3 =	vld [tilespmem:$0x310];
	_ =	sdelay $0x4  }
0x159: {  	v45 =	vshll.u32 v3, $0x3  }
0x15a: {  	v3 =	vand.u32 $0x7, v3;
	v4 =	vand.u32 $0xFFFFFFC0, v45  }
0x15b: {  	v3 =	vor.u32 v3, v4  }
0x15c: {  	v4 =	vperm.xlane v3, v0;
	_ =	sdelay $0x1  }
0x15d: {  	v4 =	vadd.s32 v1, v4;
	_ =	sdelay $0x3  }
0x15e: {  	s23 =	simm.s32 $0x4800  }
0x15f: {  	[tilespmem:s23], [sflag:$0x1] =	stream.indirect_vreg.gather [hbm4b:s2+s3], $0x80, v4, vm0, $0xb8;
	[tilespmem:$0x10800] =	vst v63  }
0x160: {  	s21 =	simm.s32 $0x5000;
	v3 =	vperm.xlane v3, v2  }
0x161: {  	[tilespmem:s21], [sflag:$0x1] =	stream.indirect_vreg.gather [hbm4b:s4+s3], $0x80, v4, vm0, $0xb8;
	[tilespmem:$0x10800] =	vst v63  }
0x162: {  	s7 =	simm.s32 $0x5800;
	v3 =	vadd.s32 v1, v3  }
0x163: {  	[tilespmem:s7], [sflag:$0x1] =	stream.indirect_vreg.gather [hbm4b:s5+s3], $0x80, v4, vm0, $0xb8;
	[tilespmem:$0x10800] =	vst v63  }
0x164: {  	s8 =	simm.s32 $0x6000  }
0x165: {  	[tilespmem:s8], [sflag:$0x1] =	stream.indirect_vreg.gather [hbm4b:s6+s3], $0x80, v4, vm0, $0xb8;
	[tilespmem:$0x10800] =	vst v63  }
0x166: {  	s29 =	simm.s32 $0x6800  }
0x167: {  	[tilespmem:s29], [sflag:$0x1] =	stream.indirect_vreg.gather [hbm4b:s2+s3], $0x80, v3, vm0, $0xb8;
	[tilespmem:$0x10800] =	vst v63  }
0x168: {  	s15 =	simm.s32 $0x7000  }
0x169: {  	[tilespmem:s15], [sflag:$0x1] =	stream.indirect_vreg.gather [hbm4b:s4+s3], $0x80, v3, vm0, $0xb8;
	[tilespmem:$0x10800] =	vst v63  }
0x16a: {  	s16 =	simm.s32 $0x7800  }
0x16b: {  	[tilespmem:s16], [sflag:$0x1] =	stream.indirect_vreg.gather [hbm4b:s5+s3], $0x80, v3, vm0, $0xb8;
	[tilespmem:$0x10800] =	vst v63  }
0x16c: {  	s22 =	simm.s32 $0x8000  }
0x16d: {  	[tilespmem:s22], [sflag:$0x1] =	stream.indirect_vreg.gather [hbm4b:s6+s3], $0x80, v3, vm0, $0xb8;
	[tilespmem:$0x10800] =	vst v63  }
0x16e: {  	_ =	swait.ge [sflag:s19], $0x8000  }
0x16f: {  	[sflag:s19] =	ssyncset.done $0x0  }
0x170: {  	s21 =	rddreg [dreg:$0x9];
	[sflag:s19] =	ssyncadd.s32 $0xFFFF8000  }
0x171: {  	[hbm4b:s21+s3] =	stream.linear.scatter [tilespmem:s25], [sflag:$0x4], $0x8000, $0x38;
	[tilespmem:$0x10800] =	vst v63  }
0x172: {  	_ =	swait.ge [sflag:s20], $0x8000  }
0x173: {  	[sflag:s20] =	ssyncset.done $0x0  }
0x174: {  	[sflag:s20] =	ssyncadd.s32 $0xFFFF8000  }
0x175: {  	v3 =	vld [tilespmem:$0x380];
	_ =	sdelay $0x4  }
0x176: {  	v46 =	vshll.u32 v3, $0x3  }
0x177: {  	v3 =	vand.u32 $0x7, v3;
	v4 =	vand.u32 $0xFFFFFFC0, v46  }
0x178: {  	v3 =	vor.u32 v3, v4  }
0x179: {  	v4 =	vperm.xlane v3, v0;
	_ =	sdelay $0x1  }
0x17a: {  	v4 =	vadd.s32 v1, v4;
	_ =	sdelay $0x4  }
0x17b: {  	[tilespmem:s25], [sflag:$0x2] =	stream.indirect_vreg.gather [hbm4b:s2+s3], $0x80, v4, vm0, $0xb8;
	[tilespmem:$0x10800] =	vst v63  }
0x17c: {  	s1 =	simm.s32 $0x9000;
	v3 =	vperm.xlane v3, v2  }
0x17d: {  	[tilespmem:s1], [sflag:$0x2] =	stream.indirect_vreg.gather [hbm4b:s4+s3], $0x80, v4, vm0, $0xb8;
	[tilespmem:$0x10800] =	vst v63  }
0x17e: {  	s0 =	simm.s32 $0x9800;
	v3 =	vadd.s32 v1, v3  }
0x17f: {  	[tilespmem:s0], [sflag:$0x2] =	stream.indirect_vreg.gather [hbm4b:s5+s3], $0x80, v4, vm0, $0xb8;
	[tilespmem:$0x10800] =	vst v63  }
0x180: {  	s21 =	simm.s32 $0xA000  }
0x181: {  	[tilespmem:s21], [sflag:$0x2] =	stream.indirect_vreg.gather [hbm4b:s6+s3], $0x80, v4, vm0, $0xb8;
	[tilespmem:$0x10800] =	vst v63  }
0x182: {  	s10 =	simm.s32 $0xA800  }
0x183: {  	[tilespmem:s10], [sflag:$0x2] =	stream.indirect_vreg.gather [hbm4b:s2+s3], $0x80, v3, vm0, $0xb8;
	[tilespmem:$0x10800] =	vst v63  }
0x184: {  	s26 =	simm.s32 $0xB000  }
0x185: {  	[tilespmem:s26], [sflag:$0x2] =	stream.indirect_vreg.gather [hbm4b:s4+s3], $0x80, v3, vm0, $0xb8;
	[tilespmem:$0x10800] =	vst v63  }
0x186: {  	s28 =	simm.s32 $0xB800  }
0x187: {  	[tilespmem:s28], [sflag:$0x2] =	stream.indirect_vreg.gather [hbm4b:s5+s3], $0x80, v3, vm0, $0xb8;
	[tilespmem:$0x10800] =	vst v63  }
0x188: {  	s21 =	simm.s32 $0xC000  }
0x189: {  	[tilespmem:s21], [sflag:$0x2] =	stream.indirect_vreg.gather [hbm4b:s6+s3], $0x80, v3, vm0, $0xb8;
	[tilespmem:$0x10800] =	vst v63  }
0x18a: {  	v3 =	vld [tilespmem:$0x390];
	_ =	sdelay $0x4  }
0x18b: {  	v47 =	vshll.u32 v3, $0x3  }
0x18c: {  	v3 =	vand.u32 $0x7, v3;
	v4 =	vand.u32 $0xFFFFFFC0, v47  }
0x18d: {  	v3 =	vor.u32 v3, v4  }
0x18e: {  	v4 =	vperm.xlane v3, v0;
	_ =	sdelay $0x1  }
0x18f: {  	v4 =	vadd.s32 v1, v4;
	_ =	sdelay $0x3  }
0x190: {  	s21 =	simm.s32 $0xC800  }
0x191: {  	[tilespmem:s21], [sflag:$0x2] =	stream.indirect_vreg.gather [hbm4b:s2+s3], $0x80, v4, vm0, $0xb8;
	[tilespmem:$0x10800] =	vst v63  }
0x192: {  	v3 =	vperm.xlane v3, v2;
	s21 =	simm.s32 $0xD000  }
0x193: {  	[tilespmem:s21], [sflag:$0x2] =	stream.indirect_vreg.gather [hbm4b:s4+s3], $0x80, v4, vm0, $0xb8;
	[tilespmem:$0x10800] =	vst v63  }
0x194: {  	s12 =	simm.s32 $0xD800;
	v3 =	vadd.s32 v1, v3  }
0x195: {  	[tilespmem:s12], [sflag:$0x2] =	stream.indirect_vreg.gather [hbm4b:s5+s3], $0x80, v4, vm0, $0xb8;
	[tilespmem:$0x10800] =	vst v63  }
0x196: {  	s13 =	simm.s32 $0xE000  }
0x197: {  	[tilespmem:s13], [sflag:$0x2] =	stream.indirect_vreg.gather [hbm4b:s6+s3], $0x80, v4, vm0, $0xb8;
	[tilespmem:$0x10800] =	vst v63  }
0x198: {  	s14 =	simm.s32 $0xE800  }
0x199: {  	[tilespmem:s14], [sflag:$0x2] =	stream.indirect_vreg.gather [hbm4b:s2+s3], $0x80, v3, vm0, $0xb8;
	[tilespmem:$0x10800] =	vst v63  }
0x19a: {  	s30 =	simm.s32 $0xF000  }
0x19b: {  	[tilespmem:s30], [sflag:$0x2] =	stream.indirect_vreg.gather [hbm4b:s4+s3], $0x80, v3, vm0, $0xb8;
	[tilespmem:$0x10800] =	vst v63  }
0x19c: {  	s31 =	simm.s32 $0xF800  }
0x19d: {  	[tilespmem:s31], [sflag:$0x2] =	stream.indirect_vreg.gather [hbm4b:s5+s3], $0x80, v3, vm0, $0xb8;
	[tilespmem:$0x10800] =	vst v63  }
0x19e: {  	s11 =	simm.s32 $0x10000  }
0x19f: {  	[tilespmem:s11], [sflag:$0x2] =	stream.indirect_vreg.gather [hbm4b:s6+s3], $0x80, v3, vm0, $0xb8;
	[tilespmem:$0x10800] =	vst v63  }
0x1a0: {  	_ =	swait.ge [sflag:s17], $0x8000  }
0x1a1: {  	[sflag:s17] =	ssyncset.done $0x0  }
0x1a2: {  	s21 =	rddreg [dreg:$0xa];
	[sflag:s17] =	ssyncadd.s32 $0xFFFF8000  }
0x1a3: {  	[hbm4b:s21+s3] =	stream.linear.scatter [tilespmem:s9], [sflag:$0x3], $0x8000, $0x38;
	[tilespmem:$0x10800] =	vst v63  }
0x1a4: {  	_ =	swait.ge [sflag:s18], $0x8000  }
0x1a5: {  	[sflag:s18] =	ssyncset.done $0x0  }
0x1a6: {  	[sflag:s18] =	ssyncadd.s32 $0xFFFF8000  }
0x1a7: {  	v3 =	vld [tilespmem:$0x400];
	_ =	sdelay $0x4  }
0x1a8: {  	v48 =	vshll.u32 v3, $0x3  }
0x1a9: {  	v3 =	vand.u32 $0x7, v3;
	v4 =	vand.u32 $0xFFFFFFC0, v48  }
0x1aa: {  	v3 =	vor.u32 v3, v4  }
0x1ab: {  	v4 =	vperm.xlane v3, v0;
	_ =	sdelay $0x1  }
0x1ac: {  	v4 =	vadd.s32 v1, v4;
	_ =	sdelay $0x4  }
0x1ad: {  	[tilespmem:s9], [sflag:$0x1] =	stream.indirect_vreg.gather [hbm4b:s2+s3], $0x80, v4, vm0, $0xb8;
	[tilespmem:$0x10800] =	vst v63  }
0x1ae: {  	s21 =	simm.s32 $0x1000;
	v3 =	vperm.xlane v3, v2  }
0x1af: {  	[tilespmem:s21], [sflag:$0x1] =	stream.indirect_vreg.gather [hbm4b:s4+s3], $0x80, v4, vm0, $0xb8;
	[tilespmem:$0x10800] =	vst v63  }
0x1b0: {  	v3 =	vadd.s32 v1, v3;
	s21 =	simm.s32 $0x1800  }
0x1b1: {  	[tilespmem:s21], [sflag:$0x1] =	stream.indirect_vreg.gather [hbm4b:s5+s3], $0x80, v4, vm0, $0xb8;
	[tilespmem:$0x10800] =	vst v63  }
0x1b2: {  	s21 =	simm.s32 $0x2000  }
0x1b3: {  	[tilespmem:s21], [sflag:$0x1] =	stream.indirect_vreg.gather [hbm4b:s6+s3], $0x80, v4, vm0, $0xb8;
	[tilespmem:$0x10800] =	vst v63  }
0x1b4: {  	s21 =	simm.s32 $0x2800  }
0x1b5: {  	[tilespmem:s21], [sflag:$0x1] =	stream.indirect_vreg.gather [hbm4b:s2+s3], $0x80, v3, vm0, $0xb8;
	[tilespmem:$0x10800] =	vst v63  }
0x1b6: {  	s21 =	simm.s32 $0x3000  }
0x1b7: {  	[tilespmem:s21], [sflag:$0x1] =	stream.indirect_vreg.gather [hbm4b:s4+s3], $0x80, v3, vm0, $0xb8;
	[tilespmem:$0x10800] =	vst v63  }
0x1b8: {  	s21 =	simm.s32 $0x3800  }
0x1b9: {  	[tilespmem:s21], [sflag:$0x1] =	stream.indirect_vreg.gather [hbm4b:s5+s3], $0x80, v3, vm0, $0xb8;
	[tilespmem:$0x10800] =	vst v63  }
0x1ba: {  	s21 =	simm.s32 $0x4000  }
0x1bb: {  	[tilespmem:s21], [sflag:$0x1] =	stream.indirect_vreg.gather [hbm4b:s6+s3], $0x80, v3, vm0, $0xb8;
	[tilespmem:$0x10800] =	vst v63  }
0x1bc: {  	v3 =	vld [tilespmem:$0x410];
	_ =	sdelay $0x4  }
0x1bd: {  	v49 =	vshll.u32 v3, $0x3  }
0x1be: {  	v3 =	vand.u32 $0x7, v3;
	v4 =	vand.u32 $0xFFFFFFC0, v49  }
0x1bf: {  	v3 =	vor.u32 v3, v4  }
0x1c0: {  	v4 =	vperm.xlane v3, v0;
	_ =	sdelay $0x1  }
0x1c1: {  	v4 =	vadd.s32 v1, v4;
	_ =	sdelay $0x3  }
0x1c2: {  	s23 =	simm.s32 $0x4800  }
0x1c3: {  	[tilespmem:s23], [sflag:$0x1] =	stream.indirect_vreg.gather [hbm4b:s2+s3], $0x80, v4, vm0, $0xb8;
	[tilespmem:$0x10800] =	vst v63  }
0x1c4: {  	s21 =	simm.s32 $0x5000;
	v3 =	vperm.xlane v3, v2  }
0x1c5: {  	[tilespmem:s21], [sflag:$0x1] =	stream.indirect_vreg.gather [hbm4b:s4+s3], $0x80, v4, vm0, $0xb8;
	[tilespmem:$0x10800] =	vst v63  }
0x1c6: {  	s7 =	simm.s32 $0x5800;
	v3 =	vadd.s32 v1, v3  }
0x1c7: {  	[tilespmem:s7], [sflag:$0x1] =	stream.indirect_vreg.gather [hbm4b:s5+s3], $0x80, v4, vm0, $0xb8;
	[tilespmem:$0x10800] =	vst v63  }
0x1c8: {  	s8 =	simm.s32 $0x6000  }
0x1c9: {  	[tilespmem:s8], [sflag:$0x1] =	stream.indirect_vreg.gather [hbm4b:s6+s3], $0x80, v4, vm0, $0xb8;
	[tilespmem:$0x10800] =	vst v63  }
0x1ca: {  	s29 =	simm.s32 $0x6800  }
0x1cb: {  	[tilespmem:s29], [sflag:$0x1] =	stream.indirect_vreg.gather [hbm4b:s2+s3], $0x80, v3, vm0, $0xb8;
	[tilespmem:$0x10800] =	vst v63  }
0x1cc: {  	s15 =	simm.s32 $0x7000  }
0x1cd: {  	[tilespmem:s15], [sflag:$0x1] =	stream.indirect_vreg.gather [hbm4b:s4+s3], $0x80, v3, vm0, $0xb8;
	[tilespmem:$0x10800] =	vst v63  }
0x1ce: {  	s16 =	simm.s32 $0x7800  }
0x1cf: {  	[tilespmem:s16], [sflag:$0x1] =	stream.indirect_vreg.gather [hbm4b:s5+s3], $0x80, v3, vm0, $0xb8;
	[tilespmem:$0x10800] =	vst v63  }
0x1d0: {  	s22 =	simm.s32 $0x8000  }
0x1d1: {  	[tilespmem:s22], [sflag:$0x1] =	stream.indirect_vreg.gather [hbm4b:s6+s3], $0x80, v3, vm0, $0xb8;
	[tilespmem:$0x10800] =	vst v63  }
0x1d2: {  	_ =	swait.ge [sflag:s19], $0x8000  }
0x1d3: {  	[sflag:s19] =	ssyncset.done $0x0  }
0x1d4: {  	s21 =	rddreg [dreg:$0xb];
	[sflag:s19] =	ssyncadd.s32 $0xFFFF8000  }
0x1d5: {  	[hbm4b:s21+s3] =	stream.linear.scatter [tilespmem:s25], [sflag:$0x4], $0x8000, $0x38;
	[tilespmem:$0x10800] =	vst v63  }
0x1d6: {  	_ =	swait.ge [sflag:s20], $0x8000  }
0x1d7: {  	[sflag:s20] =	ssyncset.done $0x0  }
0x1d8: {  	[sflag:s20] =	ssyncadd.s32 $0xFFFF8000  }
0x1d9: {  	v3 =	vld [tilespmem:$0x480];
	_ =	sdelay $0x4  }
0x1da: {  	v50 =	vshll.u32 v3, $0x3  }
0x1db: {  	v3 =	vand.u32 $0x7, v3;
	v4 =	vand.u32 $0xFFFFFFC0, v50  }
0x1dc: {  	v3 =	vor.u32 v3, v4  }
0x1dd: {  	v4 =	vperm.xlane v3, v0;
	_ =	sdelay $0x1  }
0x1de: {  	v4 =	vadd.s32 v1, v4;
	_ =	sdelay $0x4  }
0x1df: {  	[tilespmem:s25], [sflag:$0x2] =	stream.indirect_vreg.gather [hbm4b:s2+s3], $0x80, v4, vm0, $0xb8;
	[tilespmem:$0x10800] =	vst v63  }
0x1e0: {  	s1 =	simm.s32 $0x9000;
	v3 =	vperm.xlane v3, v2  }
0x1e1: {  	[tilespmem:s1], [sflag:$0x2] =	stream.indirect_vreg.gather [hbm4b:s4+s3], $0x80, v4, vm0, $0xb8;
	[tilespmem:$0x10800] =	vst v63  }
0x1e2: {  	s0 =	simm.s32 $0x9800;
	v3 =	vadd.s32 v1, v3  }
0x1e3: {  	[tilespmem:s0], [sflag:$0x2] =	stream.indirect_vreg.gather [hbm4b:s5+s3], $0x80, v4, vm0, $0xb8;
	[tilespmem:$0x10800] =	vst v63  }
0x1e4: {  	s21 =	simm.s32 $0xA000  }
0x1e5: {  	[tilespmem:s21], [sflag:$0x2] =	stream.indirect_vreg.gather [hbm4b:s6+s3], $0x80, v4, vm0, $0xb8;
	[tilespmem:$0x10800] =	vst v63  }
0x1e6: {  	s10 =	simm.s32 $0xA800  }
0x1e7: {  	[tilespmem:s10], [sflag:$0x2] =	stream.indirect_vreg.gather [hbm4b:s2+s3], $0x80, v3, vm0, $0xb8;
	[tilespmem:$0x10800] =	vst v63  }
0x1e8: {  	s26 =	simm.s32 $0xB000  }
0x1e9: {  	[tilespmem:s26], [sflag:$0x2] =	stream.indirect_vreg.gather [hbm4b:s4+s3], $0x80, v3, vm0, $0xb8;
	[tilespmem:$0x10800] =	vst v63  }
0x1ea: {  	s28 =	simm.s32 $0xB800  }
0x1eb: {  	[tilespmem:s28], [sflag:$0x2] =	stream.indirect_vreg.gather [hbm4b:s5+s3], $0x80, v3, vm0, $0xb8;
	[tilespmem:$0x10800] =	vst v63  }
0x1ec: {  	s21 =	simm.s32 $0xC000  }
0x1ed: {  	[tilespmem:s21], [sflag:$0x2] =	stream.indirect_vreg.gather [hbm4b:s6+s3], $0x80, v3, vm0, $0xb8;
	[tilespmem:$0x10800] =	vst v63  }
0x1ee: {  	v3 =	vld [tilespmem:$0x490];
	_ =	sdelay $0x4  }
0x1ef: {  	v51 =	vshll.u32 v3, $0x3  }
0x1f0: {  	v3 =	vand.u32 $0x7, v3;
	v4 =	vand.u32 $0xFFFFFFC0, v51  }
0x1f1: {  	v3 =	vor.u32 v3, v4  }
0x1f2: {  	v4 =	vperm.xlane v3, v0;
	_ =	sdelay $0x1  }
0x1f3: {  	v4 =	vadd.s32 v1, v4;
	_ =	sdelay $0x3  }
0x1f4: {  	s21 =	simm.s32 $0xC800  }
0x1f5: {  	[tilespmem:s21], [sflag:$0x2] =	stream.indirect_vreg.gather [hbm4b:s2+s3], $0x80, v4, vm0, $0xb8;
	[tilespmem:$0x10800] =	vst v63  }
0x1f6: {  	v3 =	vperm.xlane v3, v2;
	s21 =	simm.s32 $0xD000  }
0x1f7: {  	[tilespmem:s21], [sflag:$0x2] =	stream.indirect_vreg.gather [hbm4b:s4+s3], $0x80, v4, vm0, $0xb8;
	[tilespmem:$0x10800] =	vst v63  }
0x1f8: {  	s12 =	simm.s32 $0xD800;
	v3 =	vadd.s32 v1, v3  }
0x1f9: {  	[tilespmem:s12], [sflag:$0x2] =	stream.indirect_vreg.gather [hbm4b:s5+s3], $0x80, v4, vm0, $0xb8;
	[tilespmem:$0x10800] =	vst v63  }
0x1fa: {  	s13 =	simm.s32 $0xE000  }
0x1fb: {  	[tilespmem:s13], [sflag:$0x2] =	stream.indirect_vreg.gather [hbm4b:s6+s3], $0x80, v4, vm0, $0xb8;
	[tilespmem:$0x10800] =	vst v63  }
0x1fc: {  	s14 =	simm.s32 $0xE800  }
0x1fd: {  	[tilespmem:s14], [sflag:$0x2] =	stream.indirect_vreg.gather [hbm4b:s2+s3], $0x80, v3, vm0, $0xb8;
	[tilespmem:$0x10800] =	vst v63  }
0x1fe: {  	s30 =	simm.s32 $0xF000  }
0x1ff: {  	[tilespmem:s30], [sflag:$0x2] =	stream.indirect_vreg.gather [hbm4b:s4+s3], $0x80, v3, vm0, $0xb8;
	[tilespmem:$0x10800] =	vst v63  }
0x200: {  	s31 =	simm.s32 $0xF800  }
0x201: {  	[tilespmem:s31], [sflag:$0x2] =	stream.indirect_vreg.gather [hbm4b:s5+s3], $0x80, v3, vm0, $0xb8;
	[tilespmem:$0x10800] =	vst v63  }
0x202: {  	s11 =	simm.s32 $0x10000  }
0x203: {  	[tilespmem:s11], [sflag:$0x2] =	stream.indirect_vreg.gather [hbm4b:s6+s3], $0x80, v3, vm0, $0xb8;
	[tilespmem:$0x10800] =	vst v63  }
0x204: {  	_ =	swait.ge [sflag:s17], $0x8000  }
0x205: {  	[sflag:s17] =	ssyncset.done $0x0  }
0x206: {  	s21 =	rddreg [dreg:$0xc];
	[sflag:s17] =	ssyncadd.s32 $0xFFFF8000  }
0x207: {  	[hbm4b:s21+s3] =	stream.linear.scatter [tilespmem:s9], [sflag:$0x3], $0x8000, $0x38;
	[tilespmem:$0x10800] =	vst v63  }
0x208: {  	_ =	swait.ge [sflag:s18], $0x8000  }
0x209: {  	[sflag:s18] =	ssyncset.done $0x0  }
0x20a: {  	[sflag:s18] =	ssyncadd.s32 $0xFFFF8000  }
0x20b: {  	v3 =	vld [tilespmem:$0x500];
	_ =	sdelay $0x4  }
0x20c: {  	v52 =	vshll.u32 v3, $0x3  }
0x20d: {  	v3 =	vand.u32 $0x7, v3;
	v4 =	vand.u32 $0xFFFFFFC0, v52  }
0x20e: {  	v3 =	vor.u32 v3, v4  }
0x20f: {  	v4 =	vperm.xlane v3, v0;
	_ =	sdelay $0x1  }
0x210: {  	v4 =	vadd.s32 v1, v4;
	_ =	sdelay $0x4  }
0x211: {  	[tilespmem:s9], [sflag:$0x1] =	stream.indirect_vreg.gather [hbm4b:s2+s3], $0x80, v4, vm0, $0xb8;
	[tilespmem:$0x10800] =	vst v63  }
0x212: {  	s21 =	simm.s32 $0x1000;
	v3 =	vperm.xlane v3, v2  }
0x213: {  	[tilespmem:s21], [sflag:$0x1] =	stream.indirect_vreg.gather [hbm4b:s4+s3], $0x80, v4, vm0, $0xb8;
	[tilespmem:$0x10800] =	vst v63  }
0x214: {  	v3 =	vadd.s32 v1, v3;
	s21 =	simm.s32 $0x1800  }
0x215: {  	[tilespmem:s21], [sflag:$0x1] =	stream.indirect_vreg.gather [hbm4b:s5+s3], $0x80, v4, vm0, $0xb8;
	[tilespmem:$0x10800] =	vst v63  }
0x216: {  	s21 =	simm.s32 $0x2000  }
0x217: {  	[tilespmem:s21], [sflag:$0x1] =	stream.indirect_vreg.gather [hbm4b:s6+s3], $0x80, v4, vm0, $0xb8;
	[tilespmem:$0x10800] =	vst v63  }
0x218: {  	s21 =	simm.s32 $0x2800  }
0x219: {  	[tilespmem:s21], [sflag:$0x1] =	stream.indirect_vreg.gather [hbm4b:s2+s3], $0x80, v3, vm0, $0xb8;
	[tilespmem:$0x10800] =	vst v63  }
0x21a: {  	s21 =	simm.s32 $0x3000  }
0x21b: {  	[tilespmem:s21], [sflag:$0x1] =	stream.indirect_vreg.gather [hbm4b:s4+s3], $0x80, v3, vm0, $0xb8;
	[tilespmem:$0x10800] =	vst v63  }
0x21c: {  	s21 =	simm.s32 $0x3800  }
0x21d: {  	[tilespmem:s21], [sflag:$0x1] =	stream.indirect_vreg.gather [hbm4b:s5+s3], $0x80, v3, vm0, $0xb8;
	[tilespmem:$0x10800] =	vst v63  }
0x21e: {  	s21 =	simm.s32 $0x4000  }
0x21f: {  	[tilespmem:s21], [sflag:$0x1] =	stream.indirect_vreg.gather [hbm4b:s6+s3], $0x80, v3, vm0, $0xb8;
	[tilespmem:$0x10800] =	vst v63  }
0x220: {  	v3 =	vld [tilespmem:$0x510];
	_ =	sdelay $0x4  }
0x221: {  	v53 =	vshll.u32 v3, $0x3  }
0x222: {  	v3 =	vand.u32 $0x7, v3;
	v4 =	vand.u32 $0xFFFFFFC0, v53  }
0x223: {  	v3 =	vor.u32 v3, v4  }
0x224: {  	v4 =	vperm.xlane v3, v0;
	_ =	sdelay $0x1  }
0x225: {  	v4 =	vadd.s32 v1, v4;
	_ =	sdelay $0x3  }
0x226: {  	s23 =	simm.s32 $0x4800  }
0x227: {  	[tilespmem:s23], [sflag:$0x1] =	stream.indirect_vreg.gather [hbm4b:s2+s3], $0x80, v4, vm0, $0xb8;
	[tilespmem:$0x10800] =	vst v63  }
0x228: {  	s21 =	simm.s32 $0x5000;
	v3 =	vperm.xlane v3, v2  }
0x229: {  	[tilespmem:s21], [sflag:$0x1] =	stream.indirect_vreg.gather [hbm4b:s4+s3], $0x80, v4, vm0, $0xb8;
	[tilespmem:$0x10800] =	vst v63  }
0x22a: {  	s7 =	simm.s32 $0x5800;
	v3 =	vadd.s32 v1, v3  }
0x22b: {  	[tilespmem:s7], [sflag:$0x1] =	stream.indirect_vreg.gather [hbm4b:s5+s3], $0x80, v4, vm0, $0xb8;
	[tilespmem:$0x10800] =	vst v63  }
0x22c: {  	s8 =	simm.s32 $0x6000  }
0x22d: {  	[tilespmem:s8], [sflag:$0x1] =	stream.indirect_vreg.gather [hbm4b:s6+s3], $0x80, v4, vm0, $0xb8;
	[tilespmem:$0x10800] =	vst v63  }
0x22e: {  	s29 =	simm.s32 $0x6800  }
0x22f: {  	[tilespmem:s29], [sflag:$0x1] =	stream.indirect_vreg.gather [hbm4b:s2+s3], $0x80, v3, vm0, $0xb8;
	[tilespmem:$0x10800] =	vst v63  }
0x230: {  	s15 =	simm.s32 $0x7000  }
0x231: {  	[tilespmem:s15], [sflag:$0x1] =	stream.indirect_vreg.gather [hbm4b:s4+s3], $0x80, v3, vm0, $0xb8;
	[tilespmem:$0x10800] =	vst v63  }
0x232: {  	s16 =	simm.s32 $0x7800  }
0x233: {  	[tilespmem:s16], [sflag:$0x1] =	stream.indirect_vreg.gather [hbm4b:s5+s3], $0x80, v3, vm0, $0xb8;
	[tilespmem:$0x10800] =	vst v63  }
0x234: {  	s22 =	simm.s32 $0x8000  }
0x235: {  	[tilespmem:s22], [sflag:$0x1] =	stream.indirect_vreg.gather [hbm4b:s6+s3], $0x80, v3, vm0, $0xb8;
	[tilespmem:$0x10800] =	vst v63  }
0x236: {  	_ =	swait.ge [sflag:s19], $0x8000  }
0x237: {  	[sflag:s19] =	ssyncset.done $0x0  }
0x238: {  	s7 =	rddreg [dreg:$0xd];
	[sflag:s19] =	ssyncadd.s32 $0xFFFF8000  }
0x239: {  	[hbm4b:s7+s3] =	stream.linear.scatter [tilespmem:s25], [sflag:$0x4], $0x8000, $0x38;
	[tilespmem:$0x10800] =	vst v63  }
0x23a: {  	_ =	swait.ge [sflag:s20], $0x8000  }
0x23b: {  	[sflag:s20] =	ssyncset.done $0x0  }
0x23c: {  	[sflag:s20] =	ssyncadd.s32 $0xFFFF8000  }
0x23d: {  	v3 =	vld [tilespmem:$0x580];
	_ =	sdelay $0x4  }
0x23e: {  	v54 =	vshll.u32 v3, $0x3  }
0x23f: {  	v3 =	vand.u32 $0x7, v3;
	v4 =	vand.u32 $0xFFFFFFC0, v54  }
0x240: {  	v3 =	vor.u32 v3, v4  }
0x241: {  	v4 =	vperm.xlane v3, v0;
	_ =	sdelay $0x1  }
0x242: {  	v4 =	vadd.s32 v1, v4;
	_ =	sdelay $0x4  }
0x243: {  	[tilespmem:s25], [sflag:$0x2] =	stream.indirect_vreg.gather [hbm4b:s2+s3], $0x80, v4, vm0, $0xb8;
	[tilespmem:$0x10800] =	vst v63  }
0x244: {  	s1 =	simm.s32 $0x9000;
	v3 =	vperm.xlane v3, v2  }
0x245: {  	[tilespmem:s1], [sflag:$0x2] =	stream.indirect_vreg.gather [hbm4b:s4+s3], $0x80, v4, vm0, $0xb8;
	[tilespmem:$0x10800] =	vst v63  }
0x246: {  	s0 =	simm.s32 $0x9800;
	v3 =	vadd.s32 v1, v3  }
0x247: {  	[tilespmem:s0], [sflag:$0x2] =	stream.indirect_vreg.gather [hbm4b:s5+s3], $0x80, v4, vm0, $0xb8;
	[tilespmem:$0x10800] =	vst v63  }
0x248: {  	s21 =	simm.s32 $0xA000  }
0x249: {  	[tilespmem:s21], [sflag:$0x2] =	stream.indirect_vreg.gather [hbm4b:s6+s3], $0x80, v4, vm0, $0xb8;
	[tilespmem:$0x10800] =	vst v63  }
0x24a: {  	s10 =	simm.s32 $0xA800  }
0x24b: {  	[tilespmem:s10], [sflag:$0x2] =	stream.indirect_vreg.gather [hbm4b:s2+s3], $0x80, v3, vm0, $0xb8;
	[tilespmem:$0x10800] =	vst v63  }
0x24c: {  	s26 =	simm.s32 $0xB000  }
0x24d: {  	[tilespmem:s26], [sflag:$0x2] =	stream.indirect_vreg.gather [hbm4b:s4+s3], $0x80, v3, vm0, $0xb8;
	[tilespmem:$0x10800] =	vst v63  }
0x24e: {  	s28 =	simm.s32 $0xB800  }
0x24f: {  	[tilespmem:s28], [sflag:$0x2] =	stream.indirect_vreg.gather [hbm4b:s5+s3], $0x80, v3, vm0, $0xb8;
	[tilespmem:$0x10800] =	vst v63  }
0x250: {  	s21 =	simm.s32 $0xC000  }
0x251: {  	[tilespmem:s21], [sflag:$0x2] =	stream.indirect_vreg.gather [hbm4b:s6+s3], $0x80, v3, vm0, $0xb8;
	[tilespmem:$0x10800] =	vst v63  }
0x252: {  	v3 =	vld [tilespmem:$0x590];
	_ =	sdelay $0x4  }
0x253: {  	v55 =	vshll.u32 v3, $0x3  }
0x254: {  	v3 =	vand.u32 $0x7, v3;
	v4 =	vand.u32 $0xFFFFFFC0, v55  }
0x255: {  	v3 =	vor.u32 v3, v4  }
0x256: {  	v4 =	vperm.xlane v3, v0;
	_ =	sdelay $0x1  }
0x257: {  	v4 =	vadd.s32 v1, v4;
	_ =	sdelay $0x3  }
0x258: {  	s10 =	simm.s32 $0xC800  }
0x259: {  	[tilespmem:s10], [sflag:$0x2] =	stream.indirect_vreg.gather [hbm4b:s2+s3], $0x80, v4, vm0, $0xb8;
	[tilespmem:$0x10800] =	vst v63  }
0x25a: {  	s21 =	simm.s32 $0xD000;
	v3 =	vperm.xlane v3, v2  }
0x25b: {  	[tilespmem:s21], [sflag:$0x2] =	stream.indirect_vreg.gather [hbm4b:s4+s3], $0x80, v4, vm0, $0xb8;
	[tilespmem:$0x10800] =	vst v63  }
0x25c: {  	s12 =	simm.s32 $0xD800;
	v3 =	vadd.s32 v1, v3  }
0x25d: {  	[tilespmem:s12], [sflag:$0x2] =	stream.indirect_vreg.gather [hbm4b:s5+s3], $0x80, v4, vm0, $0xb8;
	[tilespmem:$0x10800] =	vst v63  }
0x25e: {  	s13 =	simm.s32 $0xE000  }
0x25f: {  	[tilespmem:s13], [sflag:$0x2] =	stream.indirect_vreg.gather [hbm4b:s6+s3], $0x80, v4, vm0, $0xb8;
	[tilespmem:$0x10800] =	vst v63  }
0x260: {  	s14 =	simm.s32 $0xE800  }
0x261: {  	[tilespmem:s14], [sflag:$0x2] =	stream.indirect_vreg.gather [hbm4b:s2+s3], $0x80, v3, vm0, $0xb8;
	[tilespmem:$0x10800] =	vst v63  }
0x262: {  	s30 =	simm.s32 $0xF000  }
0x263: {  	[tilespmem:s30], [sflag:$0x2] =	stream.indirect_vreg.gather [hbm4b:s4+s3], $0x80, v3, vm0, $0xb8;
	[tilespmem:$0x10800] =	vst v63  }
0x264: {  	s31 =	simm.s32 $0xF800  }
0x265: {  	[tilespmem:s31], [sflag:$0x2] =	stream.indirect_vreg.gather [hbm4b:s5+s3], $0x80, v3, vm0, $0xb8;
	[tilespmem:$0x10800] =	vst v63  }
0x266: {  	s11 =	simm.s32 $0x10000  }
0x267: {  	[tilespmem:s11], [sflag:$0x2] =	stream.indirect_vreg.gather [hbm4b:s6+s3], $0x80, v3, vm0, $0xb8;
	[tilespmem:$0x10800] =	vst v63  }
0x268: {  	_ =	swait.ge [sflag:s17], $0x8000  }
0x269: {  	[sflag:s17] =	ssyncset.done $0x0  }
0x26a: {  	s7 =	rddreg [dreg:$0xe];
	[sflag:s17] =	ssyncadd.s32 $0xFFFF8000  }
0x26b: {  	[hbm4b:s7+s3] =	stream.linear.scatter [tilespmem:s9], [sflag:$0x3], $0x8000, $0x38;
	[tilespmem:$0x10800] =	vst v63  }
0x26c: {  	_ =	swait.ge [sflag:s18], $0x8000  }
0x26d: {  	[sflag:s18] =	ssyncset.done $0x0  }
0x26e: {  	[sflag:s18] =	ssyncadd.s32 $0xFFFF8000  }
0x26f: {  	v3 =	vld [tilespmem:$0x600];
	_ =	sdelay $0x4  }
0x270: {  	v56 =	vshll.u32 v3, $0x3  }
0x271: {  	v3 =	vand.u32 $0x7, v3;
	v4 =	vand.u32 $0xFFFFFFC0, v56  }
0x272: {  	v3 =	vor.u32 v3, v4  }
0x273: {  	v4 =	vperm.xlane v3, v0;
	_ =	sdelay $0x1  }
0x274: {  	v4 =	vadd.s32 v1, v4;
	_ =	sdelay $0x4  }
0x275: {  	[tilespmem:s9], [sflag:$0x1] =	stream.indirect_vreg.gather [hbm4b:s2+s3], $0x80, v4, vm0, $0xb8;
	[tilespmem:$0x10800] =	vst v63  }
0x276: {  	s10 =	simm.s32 $0x1000;
	v3 =	vperm.xlane v3, v2  }
0x277: {  	[tilespmem:s10], [sflag:$0x1] =	stream.indirect_vreg.gather [hbm4b:s4+s3], $0x80, v4, vm0, $0xb8;
	[tilespmem:$0x10800] =	vst v63  }
0x278: {  	s11 =	simm.s32 $0x1800;
	v3 =	vadd.s32 v1, v3  }
0x279: {  	[tilespmem:s11], [sflag:$0x1] =	stream.indirect_vreg.gather [hbm4b:s5+s3], $0x80, v4, vm0, $0xb8;
	[tilespmem:$0x10800] =	vst v63  }
0x27a: {  	s21 =	simm.s32 $0x2000  }
0x27b: {  	[tilespmem:s21], [sflag:$0x1] =	stream.indirect_vreg.gather [hbm4b:s6+s3], $0x80, v4, vm0, $0xb8;
	[tilespmem:$0x10800] =	vst v63  }
0x27c: {  	s31 =	simm.s32 $0x2800  }
0x27d: {  	[tilespmem:s31], [sflag:$0x1] =	stream.indirect_vreg.gather [hbm4b:s2+s3], $0x80, v3, vm0, $0xb8;
	[tilespmem:$0x10800] =	vst v63  }
0x27e: {  	s10 =	simm.s32 $0x3000  }
0x27f: {  	[tilespmem:s10], [sflag:$0x1] =	stream.indirect_vreg.gather [hbm4b:s4+s3], $0x80, v3, vm0, $0xb8;
	[tilespmem:$0x10800] =	vst v63  }
0x280: {  	s11 =	simm.s32 $0x3800  }
0x281: {  	[tilespmem:s11], [sflag:$0x1] =	stream.indirect_vreg.gather [hbm4b:s5+s3], $0x80, v3, vm0, $0xb8;
	[tilespmem:$0x10800] =	vst v63  }
0x282: {  	s21 =	simm.s32 $0x4000  }
0x283: {  	[tilespmem:s21], [sflag:$0x1] =	stream.indirect_vreg.gather [hbm4b:s6+s3], $0x80, v3, vm0, $0xb8;
	[tilespmem:$0x10800] =	vst v63  }
0x284: {  	v3 =	vld [tilespmem:$0x610];
	_ =	sdelay $0x4  }
0x285: {  	v57 =	vshll.u32 v3, $0x3  }
0x286: {  	v3 =	vand.u32 $0x7, v3;
	v4 =	vand.u32 $0xFFFFFFC0, v57  }
0x287: {  	v3 =	vor.u32 v3, v4  }
0x288: {  	v4 =	vperm.xlane v3, v0;
	_ =	sdelay $0x1  }
0x289: {  	v4 =	vadd.s32 v1, v4;
	_ =	sdelay $0x3  }
0x28a: {  	s23 =	simm.s32 $0x4800  }
0x28b: {  	[tilespmem:s23], [sflag:$0x1] =	stream.indirect_vreg.gather [hbm4b:s2+s3], $0x80, v4, vm0, $0xb8;
	[tilespmem:$0x10800] =	vst v63  }
0x28c: {  	s31 =	simm.s32 $0x5000;
	v3 =	vperm.xlane v3, v2  }
0x28d: {  	[tilespmem:s31], [sflag:$0x1] =	stream.indirect_vreg.gather [hbm4b:s4+s3], $0x80, v4, vm0, $0xb8;
	[tilespmem:$0x10800] =	vst v63  }
0x28e: {  	s10 =	simm.s32 $0x5800;
	v3 =	vadd.s32 v1, v3  }
0x28f: {  	[tilespmem:s10], [sflag:$0x1] =	stream.indirect_vreg.gather [hbm4b:s5+s3], $0x80, v4, vm0, $0xb8;
	[tilespmem:$0x10800] =	vst v63  }
0x290: {  	s8 =	simm.s32 $0x6000  }
0x291: {  	[tilespmem:s8], [sflag:$0x1] =	stream.indirect_vreg.gather [hbm4b:s6+s3], $0x80, v4, vm0, $0xb8;
	[tilespmem:$0x10800] =	vst v63  }
0x292: {  	s29 =	simm.s32 $0x6800  }
0x293: {  	[tilespmem:s29], [sflag:$0x1] =	stream.indirect_vreg.gather [hbm4b:s2+s3], $0x80, v3, vm0, $0xb8;
	[tilespmem:$0x10800] =	vst v63  }
0x294: {  	s15 =	simm.s32 $0x7000  }
0x295: {  	[tilespmem:s15], [sflag:$0x1] =	stream.indirect_vreg.gather [hbm4b:s4+s3], $0x80, v3, vm0, $0xb8;
	[tilespmem:$0x10800] =	vst v63  }
0x296: {  	s16 =	simm.s32 $0x7800  }
0x297: {  	[tilespmem:s16], [sflag:$0x1] =	stream.indirect_vreg.gather [hbm4b:s5+s3], $0x80, v3, vm0, $0xb8;
	[tilespmem:$0x10800] =	vst v63  }
0x298: {  	s22 =	simm.s32 $0x8000  }
0x299: {  	[tilespmem:s22], [sflag:$0x1] =	stream.indirect_vreg.gather [hbm4b:s6+s3], $0x80, v3, vm0, $0xb8;
	[tilespmem:$0x10800] =	vst v63  }
0x29a: {  	_ =	swait.ge [sflag:s19], $0x8000  }
0x29b: {  	[sflag:s19] =	ssyncset.done $0x0  }
0x29c: {  	s11 =	rddreg [dreg:$0xf];
	[sflag:s19] =	ssyncadd.s32 $0xFFFF8000  }
0x29d: {  	[hbm4b:s11+s3] =	stream.linear.scatter [tilespmem:s25], [sflag:$0x4], $0x8000, $0x38;
	[tilespmem:$0x10800] =	vst v63  }
0x29e: {  	_ =	swait.ge [sflag:s20], $0x8000  }
0x29f: {  	[sflag:s20] =	ssyncset.done $0x0  }
0x2a0: {  	[sflag:s20] =	ssyncadd.s32 $0xFFFF8000  }
0x2a1: {  	v3 =	vld [tilespmem:$0x680];
	_ =	sdelay $0x4  }
0x2a2: {  	v58 =	vshll.u32 v3, $0x3  }
0x2a3: {  	v3 =	vand.u32 $0x7, v3;
	v4 =	vand.u32 $0xFFFFFFC0, v58  }
0x2a4: {  	v3 =	vor.u32 v3, v4  }
0x2a5: {  	v4 =	vperm.xlane v3, v0;
	_ =	sdelay $0x1  }
0x2a6: {  	v4 =	vadd.s32 v1, v4;
	_ =	sdelay $0x4  }
0x2a7: {  	[tilespmem:s25], [sflag:$0x2] =	stream.indirect_vreg.gather [hbm4b:s2+s3], $0x80, v4, vm0, $0xb8;
	[tilespmem:$0x10800] =	vst v63  }
0x2a8: {  	s1 =	simm.s32 $0x9000;
	v3 =	vperm.xlane v3, v2  }
0x2a9: {  	[tilespmem:s1], [sflag:$0x2] =	stream.indirect_vreg.gather [hbm4b:s4+s3], $0x80, v4, vm0, $0xb8;
	[tilespmem:$0x10800] =	vst v63  }
0x2aa: {  	s0 =	simm.s32 $0x9800;
	v3 =	vadd.s32 v1, v3  }
0x2ab: {  	[tilespmem:s0], [sflag:$0x2] =	stream.indirect_vreg.gather [hbm4b:s5+s3], $0x80, v4, vm0, $0xb8;
	[tilespmem:$0x10800] =	vst v63  }
0x2ac: {  	s21 =	simm.s32 $0xA000  }
0x2ad: {  	[tilespmem:s21], [sflag:$0x2] =	stream.indirect_vreg.gather [hbm4b:s6+s3], $0x80, v4, vm0, $0xb8;
	[tilespmem:$0x10800] =	vst v63  }
0x2ae: {  	s22 =	simm.s32 $0xA800  }
0x2af: {  	[tilespmem:s22], [sflag:$0x2] =	stream.indirect_vreg.gather [hbm4b:s2+s3], $0x80, v3, vm0, $0xb8;
	[tilespmem:$0x10800] =	vst v63  }
0x2b0: {  	s26 =	simm.s32 $0xB000  }
0x2b1: {  	[tilespmem:s26], [sflag:$0x2] =	stream.indirect_vreg.gather [hbm4b:s4+s3], $0x80, v3, vm0, $0xb8;
	[tilespmem:$0x10800] =	vst v63  }
0x2b2: {  	s28 =	simm.s32 $0xB800  }
0x2b3: {  	[tilespmem:s28], [sflag:$0x2] =	stream.indirect_vreg.gather [hbm4b:s5+s3], $0x80, v3, vm0, $0xb8;
	[tilespmem:$0x10800] =	vst v63  }
0x2b4: {  	s26 =	simm.s32 $0xC000  }
0x2b5: {  	[tilespmem:s26], [sflag:$0x2] =	stream.indirect_vreg.gather [hbm4b:s6+s3], $0x80, v3, vm0, $0xb8;
	[tilespmem:$0x10800] =	vst v63  }
0x2b6: {  	v3 =	vld [tilespmem:$0x690];
	_ =	sdelay $0x4  }
0x2b7: {  	v59 =	vshll.u32 v3, $0x3  }
0x2b8: {  	v3 =	vand.u32 $0x7, v3;
	v4 =	vand.u32 $0xFFFFFFC0, v59  }
0x2b9: {  	v3 =	vor.u32 v3, v4  }
0x2ba: {  	v4 =	vperm.xlane v3, v0;
	_ =	sdelay $0x1  }
0x2bb: {  	v4 =	vadd.s32 v1, v4;
	_ =	sdelay $0x3  }
0x2bc: {  	s28 =	simm.s32 $0xC800  }
0x2bd: {  	[tilespmem:s28], [sflag:$0x2] =	stream.indirect_vreg.gather [hbm4b:s2+s3], $0x80, v4, vm0, $0xb8;
	[tilespmem:$0x10800] =	vst v63  }
0x2be: {  	s26 =	simm.s32 $0xD000;
	v3 =	vperm.xlane v3, v2  }
0x2bf: {  	[tilespmem:s26], [sflag:$0x2] =	stream.indirect_vreg.gather [hbm4b:s4+s3], $0x80, v4, vm0, $0xb8;
	[tilespmem:$0x10800] =	vst v63  }
0x2c0: {  	s12 =	simm.s32 $0xD800;
	v3 =	vadd.s32 v1, v3  }
0x2c1: {  	[tilespmem:s12], [sflag:$0x2] =	stream.indirect_vreg.gather [hbm4b:s5+s3], $0x80, v4, vm0, $0xb8;
	[tilespmem:$0x10800] =	vst v63  }
0x2c2: {  	s13 =	simm.s32 $0xE000  }
0x2c3: {  	[tilespmem:s13], [sflag:$0x2] =	stream.indirect_vreg.gather [hbm4b:s6+s3], $0x80, v4, vm0, $0xb8;
	[tilespmem:$0x10800] =	vst v63  }
0x2c4: {  	s14 =	simm.s32 $0xE800  }
0x2c5: {  	[tilespmem:s14], [sflag:$0x2] =	stream.indirect_vreg.gather [hbm4b:s2+s3], $0x80, v3, vm0, $0xb8;
	[tilespmem:$0x10800] =	vst v63  }
0x2c6: {  	s30 =	simm.s32 $0xF000  }
0x2c7: {  	[tilespmem:s30], [sflag:$0x2] =	stream.indirect_vreg.gather [hbm4b:s4+s3], $0x80, v3, vm0, $0xb8;
	[tilespmem:$0x10800] =	vst v63  }
0x2c8: {  	s28 =	simm.s32 $0xF800  }
0x2c9: {  	[tilespmem:s28], [sflag:$0x2] =	stream.indirect_vreg.gather [hbm4b:s5+s3], $0x80, v3, vm0, $0xb8;
	[tilespmem:$0x10800] =	vst v63  }
0x2ca: {  	s30 =	simm.s32 $0x10000  }
0x2cb: {  	[tilespmem:s30], [sflag:$0x2] =	stream.indirect_vreg.gather [hbm4b:s6+s3], $0x80, v3, vm0, $0xb8;
	[tilespmem:$0x10800] =	vst v63  }
0x2cc: {  	_ =	swait.ge [sflag:s17], $0x8000  }
0x2cd: {  	[sflag:s17] =	ssyncset.done $0x0  }
0x2ce: {  	s21 =	rddreg [dreg:$0x10];
	[sflag:s17] =	ssyncadd.s32 $0xFFFF8000  }
0x2cf: {  	[hbm4b:s21+s3] =	stream.linear.scatter [tilespmem:s9], [sflag:$0x3], $0x8000, $0x38;
	[tilespmem:$0x10800] =	vst v63  }
0x2d0: {  	_ =	swait.ge [sflag:s18], $0x8000  }
0x2d1: {  	[sflag:s18] =	ssyncset.done $0x0  }
0x2d2: {  	[sflag:s18] =	ssyncadd.s32 $0xFFFF8000  }
0x2d3: {  	v3 =	vld [tilespmem:$0x700];
	_ =	sdelay $0x4  }
0x2d4: {  	v60 =	vshll.u32 v3, $0x3  }
0x2d5: {  	v3 =	vand.u32 $0x7, v3;
	v4 =	vand.u32 $0xFFFFFFC0, v60  }
0x2d6: {  	v3 =	vor.u32 v3, v4  }
0x2d7: {  	v4 =	vperm.xlane v3, v0;
	_ =	sdelay $0x1  }
0x2d8: {  	v4 =	vadd.s32 v1, v4;
	_ =	sdelay $0x4  }
0x2d9: {  	[tilespmem:s9], [sflag:$0x1] =	stream.indirect_vreg.gather [hbm4b:s2+s3], $0x80, v4, vm0, $0xb8;
	[tilespmem:$0x10800] =	vst v63  }
0x2da: {  	s21 =	simm.s32 $0x1000;
	v3 =	vperm.xlane v3, v2  }
0x2db: {  	[tilespmem:s21], [sflag:$0x1] =	stream.indirect_vreg.gather [hbm4b:s4+s3], $0x80, v4, vm0, $0xb8;
	[tilespmem:$0x10800] =	vst v63  }
0x2dc: {  	v3 =	vadd.s32 v1, v3;
	s21 =	simm.s32 $0x1800  }
0x2dd: {  	[tilespmem:s21], [sflag:$0x1] =	stream.indirect_vreg.gather [hbm4b:s5+s3], $0x80, v4, vm0, $0xb8;
	[tilespmem:$0x10800] =	vst v63  }
0x2de: {  	s21 =	simm.s32 $0x2000  }
0x2df: {  	[tilespmem:s21], [sflag:$0x1] =	stream.indirect_vreg.gather [hbm4b:s6+s3], $0x80, v4, vm0, $0xb8;
	[tilespmem:$0x10800] =	vst v63  }
0x2e0: {  	s21 =	simm.s32 $0x2800  }
0x2e1: {  	[tilespmem:s21], [sflag:$0x1] =	stream.indirect_vreg.gather [hbm4b:s2+s3], $0x80, v3, vm0, $0xb8;
	[tilespmem:$0x10800] =	vst v63  }
0x2e2: {  	s21 =	simm.s32 $0x3000  }
0x2e3: {  	[tilespmem:s21], [sflag:$0x1] =	stream.indirect_vreg.gather [hbm4b:s4+s3], $0x80, v3, vm0, $0xb8;
	[tilespmem:$0x10800] =	vst v63  }
0x2e4: {  	s21 =	simm.s32 $0x3800  }
0x2e5: {  	[tilespmem:s21], [sflag:$0x1] =	stream.indirect_vreg.gather [hbm4b:s5+s3], $0x80, v3, vm0, $0xb8;
	[tilespmem:$0x10800] =	vst v63  }
0x2e6: {  	s21 =	simm.s32 $0x4000  }
0x2e7: {  	[tilespmem:s21], [sflag:$0x1] =	stream.indirect_vreg.gather [hbm4b:s6+s3], $0x80, v3, vm0, $0xb8;
	[tilespmem:$0x10800] =	vst v63  }
0x2e8: {  	v3 =	vld [tilespmem:$0x710];
	_ =	sdelay $0x4  }
0x2e9: {  	v61 =	vshll.u32 v3, $0x3  }
0x2ea: {  	v3 =	vand.u32 $0x7, v3;
	v4 =	vand.u32 $0xFFFFFFC0, v61  }
0x2eb: {  	v3 =	vor.u32 v3, v4  }
0x2ec: {  	v4 =	vperm.xlane v3, v0;
	_ =	sdelay $0x1  }
0x2ed: {  	v4 =	vadd.s32 v1, v4;
	_ =	sdelay $0x3  }
0x2ee: {  	s7 =	simm.s32 $0x4800  }
0x2ef: {  	[tilespmem:s7], [sflag:$0x1] =	stream.indirect_vreg.gather [hbm4b:s2+s3], $0x80, v4, vm0, $0xb8;
	[tilespmem:$0x10800] =	vst v63  }
0x2f0: {  	s21 =	simm.s32 $0x5000;
	v3 =	vperm.xlane v3, v2  }
0x2f1: {  	[tilespmem:s21], [sflag:$0x1] =	stream.indirect_vreg.gather [hbm4b:s4+s3], $0x80, v4, vm0, $0xb8;
	[tilespmem:$0x10800] =	vst v63  }
0x2f2: {  	s23 =	simm.s32 $0x5800;
	v3 =	vadd.s32 v1, v3  }
0x2f3: {  	[tilespmem:s23], [sflag:$0x1] =	stream.indirect_vreg.gather [hbm4b:s5+s3], $0x80, v4, vm0, $0xb8;
	[tilespmem:$0x10800] =	vst v63  }
0x2f4: {  	s8 =	simm.s32 $0x6000  }
0x2f5: {  	[tilespmem:s8], [sflag:$0x1] =	stream.indirect_vreg.gather [hbm4b:s6+s3], $0x80, v4, vm0, $0xb8;
	[tilespmem:$0x10800] =	vst v63  }
0x2f6: {  	s10 =	simm.s32 $0x6800  }
0x2f7: {  	[tilespmem:s10], [sflag:$0x1] =	stream.indirect_vreg.gather [hbm4b:s2+s3], $0x80, v3, vm0, $0xb8;
	[tilespmem:$0x10800] =	vst v63  }
0x2f8: {  	s29 =	simm.s32 $0x7000  }
0x2f9: {  	[tilespmem:s29], [sflag:$0x1] =	stream.indirect_vreg.gather [hbm4b:s4+s3], $0x80, v3, vm0, $0xb8;
	[tilespmem:$0x10800] =	vst v63  }
0x2fa: {  	s15 =	simm.s32 $0x7800  }
0x2fb: {  	[tilespmem:s15], [sflag:$0x1] =	stream.indirect_vreg.gather [hbm4b:s5+s3], $0x80, v3, vm0, $0xb8;
	[tilespmem:$0x10800] =	vst v63  }
0x2fc: {  	s16 =	simm.s32 $0x8000  }
0x2fd: {  	[tilespmem:s16], [sflag:$0x1] =	stream.indirect_vreg.gather [hbm4b:s6+s3], $0x80, v3, vm0, $0xb8;
	[tilespmem:$0x10800] =	vst v63  }
0x2fe: {  	_ =	swait.ge [sflag:s19], $0x8000  }
0x2ff: {  	[sflag:s19] =	ssyncset.done $0x0  }
0x300: {  	s16 =	rddreg [dreg:$0x11];
	[sflag:s19] =	ssyncadd.s32 $0xFFFF8000  }
0x301: {  	[hbm4b:s16+s3] =	stream.linear.scatter [tilespmem:s25], [sflag:$0x4], $0x8000, $0x38;
	[tilespmem:$0x10800] =	vst v63  }
0x302: {  	_ =	swait.ge [sflag:s20], $0x8000  }
0x303: {  	[sflag:s20] =	ssyncset.done $0x0  }
0x304: {  	[sflag:s20] =	ssyncadd.s32 $0xFFFF8000  }
0x305: {  	v3 =	vld [tilespmem:$0x780];
	_ =	sdelay $0x4  }
0x306: {  	v62 =	vshll.u32 v3, $0x3  }
0x307: {  	v3 =	vand.u32 $0x7, v3;
	v4 =	vand.u32 $0xFFFFFFC0, v62  }
0x308: {  	v3 =	vor.u32 v3, v4  }
0x309: {  	v4 =	vperm.xlane v3, v0;
	_ =	sdelay $0x1  }
0x30a: {  	v4 =	vadd.s32 v1, v4;
	_ =	sdelay $0x4  }
0x30b: {  	[tilespmem:s25], [sflag:$0x2] =	stream.indirect_vreg.gather [hbm4b:s2+s3], $0x80, v4, vm0, $0xb8;
	[tilespmem:$0x10800] =	vst v63  }
0x30c: {  	s31 =	simm.s32 $0x9000;
	v3 =	vperm.xlane v3, v2  }
0x30d: {  	[tilespmem:s31], [sflag:$0x2] =	stream.indirect_vreg.gather [hbm4b:s4+s3], $0x80, v4, vm0, $0xb8;
	[tilespmem:$0x10800] =	vst v63  }
0x30e: {  	s11 =	simm.s32 $0x9800;
	v3 =	vadd.s32 v1, v3  }
0x30f: {  	[tilespmem:s11], [sflag:$0x2] =	stream.indirect_vreg.gather [hbm4b:s5+s3], $0x80, v4, vm0, $0xb8;
	[tilespmem:$0x10800] =	vst v63  }
0x310: {  	s21 =	simm.s32 $0xA000  }
0x311: {  	[tilespmem:s21], [sflag:$0x2] =	stream.indirect_vreg.gather [hbm4b:s6+s3], $0x80, v4, vm0, $0xb8;
	[tilespmem:$0x10800] =	vst v63  }
0x312: {  	s0 =	simm.s32 $0xA800  }
0x313: {  	[tilespmem:s0], [sflag:$0x2] =	stream.indirect_vreg.gather [hbm4b:s2+s3], $0x80, v3, vm0, $0xb8;
	[tilespmem:$0x10800] =	vst v63  }
0x314: {  	s1 =	simm.s32 $0xB000  }
0x315: {  	[tilespmem:s1], [sflag:$0x2] =	stream.indirect_vreg.gather [hbm4b:s4+s3], $0x80, v3, vm0, $0xb8;
	[tilespmem:$0x10800] =	vst v63  }
0x316: {  	s22 =	simm.s32 $0xB800  }
0x317: {  	[tilespmem:s22], [sflag:$0x2] =	stream.indirect_vreg.gather [hbm4b:s5+s3], $0x80, v3, vm0, $0xb8;
	[tilespmem:$0x10800] =	vst v63  }
0x318: {  	s22 =	simm.s32 $0xC000  }
0x319: {  	[tilespmem:s22], [sflag:$0x2] =	stream.indirect_vreg.gather [hbm4b:s6+s3], $0x80, v3, vm0, $0xb8;
	[tilespmem:$0x10800] =	vst v63  }
0x31a: {  	v3 =	vld [tilespmem:$0x790];
	_ =	sdelay $0x4  }
0x31b: {  	v63 =	vshll.u32 v3, $0x3  }
0x31c: {  	v3 =	vand.u32 $0x7, v3;
	v4 =	vand.u32 $0xFFFFFFC0, v63  }
0x31d: {  	v3 =	vor.u32 v3, v4  }
0x31e: {  	v4 =	vperm.xlane v3, v0;
	_ =	sdelay $0x1  }
0x31f: {  	v4 =	vadd.s32 v1, v4;
	_ =	sdelay $0x3  }
0x320: {  	s23 =	simm.s32 $0xC800  }
0x321: {  	[tilespmem:s23], [sflag:$0x2] =	stream.indirect_vreg.gather [hbm4b:s2+s3], $0x80, v4, vm0, $0xb8;
	[tilespmem:$0x10800] =	vst v63  }
0x322: {  	s29 =	simm.s32 $0xD000;
	v3 =	vperm.xlane v3, v2  }
0x323: {  	[tilespmem:s29], [sflag:$0x2] =	stream.indirect_vreg.gather [hbm4b:s4+s3], $0x80, v4, vm0, $0xb8;
	[tilespmem:$0x10800] =	vst v63  }
0x324: {  	s26 =	simm.s32 $0xD800;
	v3 =	vadd.s32 v1, v3  }
0x325: {  	[tilespmem:s26], [sflag:$0x2] =	stream.indirect_vreg.gather [hbm4b:s5+s3], $0x80, v4, vm0, $0xb8;
	[tilespmem:$0x10800] =	vst v63  }
0x326: {  	s12 =	simm.s32 $0xE000  }
0x327: {  	[tilespmem:s12], [sflag:$0x2] =	stream.indirect_vreg.gather [hbm4b:s6+s3], $0x80, v4, vm0, $0xb8;
	[tilespmem:$0x10800] =	vst v63  }
0x328: {  	s13 =	simm.s32 $0xE800  }
0x329: {  	[tilespmem:s13], [sflag:$0x2] =	stream.indirect_vreg.gather [hbm4b:s2+s3], $0x80, v3, vm0, $0xb8;
	[tilespmem:$0x10800] =	vst v63  }
0x32a: {  	s14 =	simm.s32 $0xF000  }
0x32b: {  	[tilespmem:s14], [sflag:$0x2] =	stream.indirect_vreg.gather [hbm4b:s4+s3], $0x80, v3, vm0, $0xb8;
	[tilespmem:$0x10800] =	vst v63  }
0x32c: {  	s28 =	simm.s32 $0xF800  }
0x32d: {  	[tilespmem:s28], [sflag:$0x2] =	stream.indirect_vreg.gather [hbm4b:s5+s3], $0x80, v3, vm0, $0xb8;
	[tilespmem:$0x10800] =	vst v63  }
0x32e: {  	s30 =	simm.s32 $0x10000  }
0x32f: {  	[tilespmem:s30], [sflag:$0x2] =	stream.indirect_vreg.gather [hbm4b:s6+s3], $0x80, v3, vm0, $0xb8;
	[tilespmem:$0x10800] =	vst v63  }
0x330: {  	_ =	swait.ge [sflag:s17], $0x8000  }
0x331: {  	[sflag:s17] =	ssyncset.done $0x0  }
0x332: {  	s30 =	rddreg [dreg:$0x12];
	[sflag:s17] =	ssyncadd.s32 $0xFFFF8000  }
0x333: {  	[hbm4b:s30+s3] =	stream.linear.scatter [tilespmem:s9], [sflag:$0x3], $0x8000, $0x38;
	[tilespmem:$0x10800] =	vst v63  }
0x334: {  	_ =	swait.ge [sflag:s19], $0x8000  }
0x335: {  	[sflag:s19] =	ssyncset.done $0x0  }
0x336: {  	s31 =	rddreg [dreg:$0x13];
	[sflag:s19] =	ssyncadd.s32 $0xFFFF8000  }
0x337: {  	[hbm4b:s31+s3] =	stream.linear.scatter [tilespmem:s25], [sflag:$0x4], $0x8000, $0x38;
	[tilespmem:$0x10800] =	vst v63  }
0x338: {  	p0 =	sne.s32 s24, $0x1;
	_ =	swait.ge [sflag:s20], $0x8000  }
.Ltmp0:
0x339: {  	[sflag:s20] =	ssyncset.done $0x0;
	(pc) =	sbr.rel @p0 .LBB2_1-.Ltmp0, $4  }
0x33a: {  	[sflag:s20] =	ssyncadd.s32 $0xFFFF8000  }
0x33b: {  	_ =	swait.ge [sflag:s18], $0x8000  }
0x33c: {  	[sflag:s18] =	ssyncset.done $0x0  }
0x33d: {  	s24 =	sadd.s32 $0xFFFFFFFF, s24;
	[sflag:s18] =	ssyncadd.s32 $0xFFFF8000  }
0x33e: {  	_ =	sfence.sel $0x180000  }
0x33f: {  	[bflag:$0x0] =	sbarrier.arrive $0xFFFF  }
0x340: {  	_ =	strace $0x9000004A  }
0x341: {  	s0 =	stileid.u32;
	[bflag:$0x2] =	sbarrier.arrive $0xFFFF  }
0x342: {  	p0 =	sne.s32 s0, $0x0;
	s0 =	rddreg [dreg:$0x2]  }
0x343: {  	s0 =	sadd.s32 @!p0 $0x100000, s0  }
0x344: {  	[sflag:s0] =	ssyncadd.tile.s32 @!p0 $0x1;
	_ =	shalt  }
.Lfunc_end2:
_tile_overlayer_lowered:
.L_overlay_start_2:
0x345: {  	(tag) =	ssettag $0x2  }
0x346: {  	s0 =	rddreg [dreg:$0x0];
	s2 =	stileid.u32  }
0x347: {  	s1 =	rddreg [dreg:$0x1];
	p0 =	sne.s32 s2, $0x0  }
0x348: {  	s3 =	rddreg [dreg:$0x2];
	[bflag:$0x3] =	sbarrier.arrive $0xFFFF;
	s2 =	simm.s32 @!p0 $0x1C05  }
0x349: {  	[timem:s3], [sflag:s2] =	dma.local @!p0 [hbm:s0], s1  }
0x34a: {  	s0 =	simm.s32 @!p0 $0x5  }
0x34b: {  	_ =	swait.ge @!p0 [sflag:s0], s1  }
0x34c: {  	s1 =	ssub.s32 @!p0 $0x0, s1;
	[sflag:s0] =	ssyncset.done @!p0 $0x0  }
0x34d: {  	[sflag:s0] =	ssyncadd.s32 @!p0 s1  }
0x34e: {  	[bflag:$0x3] =	sbarrier.arrive $0xFFFF  }
0x34f: {  	_ =	shalt  }

// kernel: kernel.9.cloned.1.call-start
scs
__scs_entry_jumppad:
0x0: {  	(pc) =	sbr.rel $0x88, $3  }
0x1: {  	(tag) =	ssettag $0x0;
	lr =	simm.s32 $0x1  }
0x2: {  	[smem:$0x3F9A] =	sst lr;
	_ =	strace $0xD0000000  }
0x3: {  	_ = 	snop  }
0x4: {  	_ = 	snop  }
0x5: {  	_ = 	snop  }
0x6: {  	_ = 	snop  }
0x7: {  	_ = 	snop  }
__scs_overlays_trampoline_lowered:
0x8: {  	[smem:$0x3FA9] =	sst s0  }
0x9: {  	[smem:$0x3FAA] =	sst s1  }
0xa: {  	[smem:$0x3FAB] =	sst s2  }
0xb: {  	[smem:$0x3FAC] =	sst s3  }
0xc: {  	[smem:$0x3FAD] =	sst s4  }
0xd: {  	[smem:$0x3FAE] =	sst s5  }
0xe: {  	[smem:$0x3FAF] =	sst s6  }
0xf: {  	[smem:$0x3FB0] =	sst s7  }
0x10: {  	[smem:$0x3FB1] =	sst s8  }
0x11: {  	[smem:$0x3FB2] =	sst s9;
	s0 =	simm.s32 @!p0 $0x0  }
0x12: {  	s1 =	sld [smem:$0x3F98];
	s0 =	simm.s32 @p0 $0x1  }
0x13: {  	[smem:$0x3FB3] =	sst s0;
	s0 =	simm.s32 @!p1 $0x0  }
0x14: {  	s2 =	sld [smem:$0x3F97];
	s0 =	simm.s32 @p1 $0x1  }
0x15: {  	[smem:$0x3FB4] =	sst s0;
	s0 =	simm.s32 @!p2 $0x0  }
0x16: {  	s3 =	sld [smem:$0x3FDB];
	s0 =	simm.s32 @p2 $0x1  }
0x17: {  	s4 =	simm.s32 $0x1BF5;
	[smem:$0x3FB6] =	sst s0  }
0x18: {  	s0 =	sld [smem:$0x3F99];
	_ =	swait.ge [sflag:s4], $0x0  }
0x19: {  	s7 =	sld [smem:$0x3F9A]  }
0x1a: {  	s8 =	sadd.s32 $0xFFFFE003, lr  }
0x1b: {  	s9 =	sadd.s32 $0xFFFFFEF7, lr;
	s5 =	simm.s32 $0xFFFFFFFF;
	p2 =	slt.u32 s8, $0xFFFFF086  }
0x1c: {  	p1 =	slt.u32 s9, $0xF7A;
	s5 =	simm.s32 @!p2 $0x0  }
0x1d: {  	s5 =	simm.s32 @p1 $0x1;
	p0 =	seq.s32 s7, s2  }
0x1e: {  	s7 =	smul.u32 @!p0 $0xF7A, s2;
	p2 =	seq.s32 @!p0 s5, $0x0  }
0x1f: {  	s9 =	smul.u32 $0xF7A, s1;
	s8 =	simm.s32 @!p0 $0x1BF5;
	p2 =	por !p2, p0  }
0x20: {  	[sflag:s8] =	ssyncset.s32 @!p0 $0xFFFFF086;
	s6 =	sadd.s32 @!p0 s3, s7;
	s7 =	simm.s32 @!p0 $0x108  }
0x21: {  	s3 =	sadd.s32 s3, s9;
	s6 =	sadd.s32 @!p0 $0x88, s6;
	s7 =	simm.s32 @p2 $0x1082  }
0x22: {  	[simem:s7], [sflag:s8] =	dma.local @!p0 [hbm:s6], $0xF7A  }
0x23: {  	s9 =	sor.u32 $0xD0000000, s2;
	s6 =	simm.s32 $0x108;
	_ =	swait.ge @!p0 [sflag:s8], $0x0  }
0x24: {  	s3 =	sadd.s32 $0x88, s3;
	s6 =	simm.s32 @!p1 $0x1082;
	[sflag:s4] =	ssyncset.s32 $0xFFFFF086  }
0x25: {  	[simem:s6], [sflag:s4] =	dma.local [hbm:s3], $0xF7A  }
0x26: {  	[smem:$0x3F9A] =	sst s1;
	(tag) =	ssettag s2;
	_ =	strace s9  }
0x27: {  	s1 =	sld [smem:$0x3FAA]  }
0x28: {  	s2 =	sld [smem:$0x3FAB]  }
0x29: {  	s4 =	sld [smem:$0x3FAD]  }
0x2a: {  	p0 =	seq.s32 s5, $0x0;
	s5 =	sld [smem:$0x3FAE]  }
0x2b: {  	s6 =	sld [smem:$0x3FAF]  }
0x2c: {  	s7 =	sld [smem:$0x3FB0]  }
0x2d: {  	s3 =	simm.s32 $0x108;
	s8 =	sld [smem:$0x3FB1]  }
0x2e: {  	s3 =	simm.s32 @!p0 $0x1082;
	s9 =	sld [smem:$0x3FB2]  }
0x2f: {  	lr =	sadd.s32 s0, s3;
	s0 =	sld [smem:$0x3FA9]  }
0x30: {  	s3 =	sld [smem:$0x3FAC]  }
0x31: {  	[smem:$0x3FB5] =	sst s10  }
0x32: {  	s10 =	sld [smem:$0x3FB3];
	_ =	sdelay $0x3  }
0x33: {  	p0 =	seq.s32 s10, $0x1;
	s10 =	sld [smem:$0x3FB5];
	_ =	sdelay $0x3  }
0x34: {  	[smem:$0x3FB5] =	sst s10  }
0x35: {  	s10 =	sld [smem:$0x3FB4];
	_ =	sdelay $0x3  }
0x36: {  	p1 =	seq.s32 s10, $0x1;
	s10 =	sld [smem:$0x3FB5];
	_ =	sdelay $0x3  }
0x37: {  	[smem:$0x3FB5] =	sst s10  }
0x38: {  	s10 =	sld [smem:$0x3FB6]  }
0x39: {  	_ = 	snop;
	(pc) =	sbr.ind lr, $3  }
0x3a: {  	_ = 	snop  }
0x3b: {  	_ = 	snop  }
0x3c: {  	p2 =	seq.s32 s10, $0x1;
	s10 =	sld [smem:$0x3FB5]  }
0x3d: {  	_ =	shalt  }
0x3e: {  	_ =	shalt  }
0x3f: {  	_ =	shalt  }
0x40: {  	_ =	shalt  }
0x41: {  	_ =	shalt  }
0x42: {  	_ =	shalt  }
0x43: {  	_ =	shalt  }
0x44: {  	_ =	shalt  }
0x45: {  	_ =	shalt  }
0x46: {  	_ =	shalt  }
0x47: {  	_ =	shalt  }
0x48: {  	_ =	shalt  }
0x49: {  	_ =	shalt  }
0x4a: {  	_ =	shalt  }
0x4b: {  	_ =	shalt  }
0x4c: {  	_ =	shalt  }
0x4d: {  	_ =	shalt  }
0x4e: {  	_ =	shalt  }
0x4f: {  	_ =	shalt  }
0x50: {  	_ =	shalt  }
0x51: {  	_ =	shalt  }
0x52: {  	_ =	shalt  }
0x53: {  	_ =	shalt  }
0x54: {  	_ =	shalt  }
0x55: {  	_ =	shalt  }
0x56: {  	_ =	shalt  }
0x57: {  	_ =	shalt  }
0x58: {  	_ =	shalt  }
0x59: {  	_ =	shalt  }
0x5a: {  	_ =	shalt  }
0x5b: {  	_ =	shalt  }
0x5c: {  	_ =	shalt  }
0x5d: {  	_ =	shalt  }
0x5e: {  	_ =	shalt  }
0x5f: {  	_ =	shalt  }
0x60: {  	_ =	shalt  }
0x61: {  	_ =	shalt  }
0x62: {  	_ =	shalt  }
0x63: {  	_ =	shalt  }
0x64: {  	_ =	shalt  }
0x65: {  	_ =	shalt  }
0x66: {  	_ =	shalt  }
0x67: {  	_ =	shalt  }
0x68: {  	_ =	shalt  }
0x69: {  	_ =	shalt  }
0x6a: {  	_ =	shalt  }
0x6b: {  	_ =	shalt  }
0x6c: {  	_ =	shalt  }
0x6d: {  	_ =	shalt  }
0x6e: {  	_ =	shalt  }
0x6f: {  	_ =	shalt  }
0x70: {  	_ =	shalt  }
0x71: {  	_ =	shalt  }
0x72: {  	_ =	shalt  }
0x73: {  	_ =	shalt  }
0x74: {  	_ =	shalt  }
0x75: {  	_ =	shalt  }
0x76: {  	_ =	shalt  }
0x77: {  	_ =	shalt  }
0x78: {  	_ =	shalt  }
0x79: {  	_ =	shalt  }
0x7a: {  	_ =	shalt  }
0x7b: {  	_ =	shalt  }
0x7c: {  	_ =	shalt  }
0x7d: {  	_ =	shalt  }
0x7e: {  	_ =	shalt  }
0x7f: {  	_ =	shalt  }
0x80: {  	_ =	shalt  }
0x81: {  	_ =	shalt  }
0x82: {  	_ =	shalt  }
0x83: {  	_ =	shalt  }
0x84: {  	_ =	shalt  }
0x85: {  	_ =	shalt  }
0x86: {  	_ =	shalt  }
0x87: {  	_ =	shalt  }
.Lfunc_end0:
.L_simem_size_0:
called_computation_lowered:
.L_overlay_start_0:
0x88: {  	s2 =	sld [smem:$0x3FD9]  }
0x89: {  	s3 =	sld [smem:$0x3FFE];
	_ =	sdelay $0x1  }
0x8a: {  	s1 =	srdreg.scid  }
0x8b: {  	s0 =	sand.u32 $0x1, s1  }
0x8c: {  	s17 =	sshll.u32 s0, $0xA;
	s2 =	sadd.s32 s3, s2  }
0x8d: {  	s2 =	sadd.s32 s2, s17  }
0x8e: {  	[smem:$0x3FC1] =	sst s2  }
0x8f: {  	_ = 	snop  }
0x90: {  	s2 =	sld [smem:$0x3FD0];
	(tm) =	ssettm $0x1  }
0x91: {  	s18 =	sld [smem:$0x3FFB];
	_ =	sdelay $0x3  }
0x92: {  	_ =	strace s18  }
0x93: {  	s3 =	sld [smem:$0x3FFC];
	_ =	sdelay $0x3  }
0x94: {  	_ =	strace s3  }
0x95: {  	s3 =	sld [smem:$0x3FFD];
	_ =	sdelay $0x3  }
0x96: {  	_ =	strace s3  }
0x97: {  	_ =	strace $0x8FFFFFFF  }
0x98: {  	s19 =	sld [smem:$0x3FDB];
	_ =	sdelay $0x1  }
0x99: {  	s4 =	simm.s32 $_scs_section_size  }
0x9a: {  	s5 =	simm.s32 $_size__tile_overlayer_lowered;
	s6 =	simm.s32 $_tile_overlayer_lowered  }
0x9b: {  	s22 =	simm.s32 $0x1BFF;
	s21 =	sshll.u32 s6, $0x1;
	s3 =	sadd.s32 s4, s19  }
0x9c: {  	s7 =	simm.s32 $0x0;
	s20 =	sshll.u32 s5, $0x1;
	s5 =	sadd.s32 s21, s3  }
0x9d: {  	[timem:s7], [sflag:s22] =	dma.local [hbm:s5], s20  }
0x9e: {  	_ =	swait.ge [sflag:s22], s20  }
0x9f: {  	s4 =	ssub.s32 $0x0, s20;
	[sflag:s22] =	ssyncset.done $0x0  }
0xa0: {  	[sflag:s22] =	ssyncadd.s32 s4;
	_ =	sdelay $0x1  }
0xa1: {  	s23 =	simm.s32 $0x1B8B  }
0xa2: {  	_ =	swait.ge [sflag:s23], $0x1  }
0xa3: {  	[sflag:s23] =	ssyncset.done $0x0  }
0xa4: {  	s25 =	simm.s32 $0x1B8E;
	s24 =	sld [smem:$0x3FFE];
	[sflag:s23] =	ssyncadd.s32 $0xFFFFFFFF  }
0xa5: {  	s26 =	simm.s32 $execute0_lowered;
	[smem:$0x3FD2] =	sst s25  }
0xa6: {  	s5 =	sshll.u32 s26, $0x1;
	_ =	strace $0x80000046;
	[dreg:$0x1] =	wrdreg $0xFFFFFFFF  }
0xa7: {  	s28 =	simm.s32 $_size_execute0_lowered;
	s3 =	sadd.s32 s3, s5;
	[dreg:$0x0] =	wrdreg $0x0  }
0xa8: {  	s5 =	sshll.u32 s28, $0x1;
	[dreg:$0x2] =	wrdreg s3  }
0xa9: {  	[dreg:$0x3] =	wrdreg s5  }
0xaa: {  	[dreg:$0x4] =	wrdreg $0xC0  }
0xab: {  	_ =	task [dreg:s7], $0x5FFFF  }
0xac: {  	[dreg:$0x1] =	wrdreg $0xFFFFFFFF  }
0xad: {  	[dreg:$0x0] =	wrdreg $0x60  }
0xae: {  	[dreg:$0x2] =	wrdreg s24  }
0xaf: {  	[dreg:$0x3] =	wrdreg s2  }
0xb0: {  	[dreg:$0x4] =	wrdreg $0x9  }
0xb1: {  	_ =	task.clear_ibuf [dreg:s7], $0x5FFFF;
	_ =	strace $0x90000046  }
0xb2: {  	s29 =	simm.s32 $0x9;
	_ =	strace $0x80000048  }
0xb3: {  	_ =	swait.ge [sflag:s29], $0x1  }
0xb4: {  	[sflag:s29] =	ssyncadd.s32 $0xFFFFFFFF  }
0xb5: {  	_ =	strace $0x90000048  }
0xb6: {  	_ =	sfence  }
0xb7: {  	s30 =	sld [smem:$0x0];
	_ =	sdelay $0x2  }
0xb8: {  	s31 =	sshll.u32 s1, $0xD;
	s1 =	sshrl.u32 s1, $0x2  }
0xb9: {  	s3 =	sand.u32 $0x4000, s31;
	s1 =	sadd.s32 s1, s30  }
0xba: {  	s0 =	sor.u32 s3, s0;
	s1 =	sshll.u32 s1, $0x11  }
0xbb: {  	s0 =	sor.u32 s1, s0  }
0xbc: {  	s0 =	sadd.s32 $0x8F2B, s0  }
0xbd: {  	[sflag:s0] =	ssyncadd.remote.s32 $0x1  }
0xbe: {  	_ =	sfence.sel $0xFFFF  }
0xbf: {  	[dreg:$0x0] =	wrdreg $0xFFFFFFFF;
	(pc) =	sbr.abs _section_cstart, $3  }
0xc0: {  	[dreg:$0x1] =	wrdreg $0xFFFFFFFF  }
0xc1: {  	_ =	task.clear_ibuf [dreg:s7], $0x2FFFF;
	_ =	strace $0x9FFFFFFF  }
0xc2: {  	(tm) =	ssettm $0x7FFFFFFF  }
0xc3: {  	_ =	shalt  }
tec
execute0_lowered:
.L_overlay_start_1:
0x0: {  	(tag) =	ssettag $0x1  }
0x1: {  	s0 =	srdreg.scid;
	s2 =	stileid.u32  }
0x2: {  	s1 =	sand.u32 $0x1, s0;
	s29 =	sshll.u32 s2, $0x1  }
0x3: {  	s4 =	sor.u32 s1, s29  }
0x4: {  	v43 =	vlaneseq.u32;
	vm0 =	vmmov $0xffff;
	s0 =	sshll.u32 s4, $0x9  }
0x5: {  	v41 =	vand.u32 $0x7, v43;
	v42 =	vshrl.u32 v43, $0x3;
	v0 =	vor.u32 s0, v43  }
0x6: {  	v42 =	vmul.u32 $0x8, v42;
	s30 =	sor.u32 $0x10, s0;
	v2 =	vmov s0;
	s31 =	sor.u32 $0x20, s0;
	v0 =	vshrl.u32 v0, $0x1  }
0x7: {  	s5 =	sor.u32 $0x40, s0;
	s9 =	sor.u32 $0x80, s0;
	s11 =	sor.u32 $0xA0, s0;
	v1 =	vor.u32 s30, v43;
	v2 =	vshll.u32 v2, $0x2;
	v4 =	vmov s31  }
0x8: {  	s15 =	sor.u32 $0xE0, s0;
	s16 =	sor.u32 $0xF0, s0;
	s17 =	sor.u32 $0x100, s0;
	v6 =	vor.u32 s5, v43;
	v10 =	vmov s9;
	v12 =	vor.u32 s11, v43  }
0x9: {  	s19 =	sor.u32 $0x120, s0;
	s20 =	sor.u32 $0x130, s0;
	v16 =	vor.u32 s16, v43;
	v17 =	vmov s15;
	v19 =	vor.u32 s17, v43  }
0xa: {  	s21 =	sor.u32 $0x140, s0;
	s22 =	sor.u32 $0x150, s0;
	s23 =	sor.u32 $0x160, s0;
	v20 =	vmov s17;
	v23 =	vmov s19;
	v22 =	vor.u32 s20, v43  }
0xb: {  	s25 =	sor.u32 $0x180, s0;
	s28 =	sor.u32 $0x1A0, s0;
	v25 =	vor.u32 s22, v43;
	v26 =	vmov s21;
	v28 =	vor.u32 s23, v43  }
0xc: {  	v29 =	vmov s23;
	v32 =	vmov s25;
	v57 =	vor.u32 s28, v43  }
0xd: {  	v35 =	vmov s28;
	v1 =	vshrl.u32 v1, $0x1;
	v3 =	vand.u32 $0x7, v0  }
0xe: {  	v4 =	vshll.u32 v4, $0x2;
	v10 =	vshll.u32 v10, $0x2;
	v16 =	vshrl.u32 v16, $0x1  }
0xf: {  	v17 =	vshll.u32 v17, $0x2;
	v20 =	vshll.u32 v20, $0x2;
	v22 =	vshrl.u32 v22, $0x1  }
0x10: {  	v23 =	vshll.u32 v23, $0x2;
	v44 =	vor.u32 v3, v2;
	v2 =	vor.u32 s31, v43  }
0x11: {  	v25 =	vshrl.u32 v25, $0x1;
	v26 =	vshll.u32 v26, $0x2;
	v2 =	vshrl.u32 v2, $0x1  }
0x12: {  	v29 =	vshll.u32 v29, $0x2;
	v32 =	vshll.u32 v32, $0x2;
	v5 =	vand.u32 $0x7, v2  }
0x13: {  	s6 =	sor.u32 $0x50, s0;
	v35 =	vshll.u32 v35, $0x2;
	v47 =	vor.u32 v5, v4;
	v4 =	vshrl.u32 v6, $0x1  }
0x14: {  	s7 =	sor.u32 $0x60, s0;
	v5 =	vmov s5;
	v6 =	vor.u32 s6, v43;
	v7 =	vand.u32 $0x7, v4  }
0x15: {  	v8 =	vshll.u32 v5, $0x2;
	v5 =	vshrl.u32 v6, $0x1;
	v6 =	vor.u32 s7, v43  }
0x16: {  	s30 =	sor.u32 $0x1D0, s0;
	v48 =	vor.u32 v7, v8;
	v8 =	vmov s7;
	v6 =	vshrl.u32 v6, $0x1  }
0x17: {  	s3 =	sor.u32 $0x30, s0;
	v58 =	vor.u32 s30, v43;
	v9 =	vand.u32 $0x7, v6;
	v8 =	vshll.u32 v8, $0x2  }
0x18: {  	v3 =	vor.u32 s3, v43;
	s31 =	sor.u32 $0x1E0, s0;
	v49 =	vor.u32 v9, v8;
	v8 =	vor.u32 s9, v43  }
0x19: {  	v3 =	vshrl.u32 v3, $0x1;
	v59 =	vor.u32 s31, v43;
	v8 =	vshrl.u32 v8, $0x1  }
0x1a: {  	v45 =	vmov s31;
	v46 =	vperm.xlane v44, v41;
	v11 =	vand.u32 $0x7, v8  }
0x1b: {  	s12 =	sor.u32 $0xB0, s0;
	v45 =	vshll.u32 v45, $0x2;
	v50 =	vor.u32 v11, v10;
	v10 =	vshrl.u32 v12, $0x1  }
0x1c: {  	s13 =	sor.u32 $0xC0, s0;
	v11 =	vmov s11;
	v12 =	vor.u32 s12, v43;
	v13 =	vand.u32 $0x7, v10  }
0x1d: {  	v14 =	vshll.u32 v11, $0x2;
	v11 =	vshrl.u32 v12, $0x1;
	v12 =	vor.u32 s13, v43  }
0x1e: {  	s6 =	sor.u32 $0x190, s0;
	v51 =	vor.u32 v13, v14;
	v14 =	vmov s13;
	v12 =	vshrl.u32 v12, $0x1  }
0x1f: {  	v31 =	vor.u32 s6, v43;
	v15 =	vand.u32 $0x7, v12;
	v14 =	vshll.u32 v14, $0x2  }
0x20: {  	s8 =	sor.u32 $0x70, s0;
	v60 =	vperm.xlane v47, v41;
	v14 =	vor.u32 v15, v14;
	v15 =	vor.u32 s15, v43  }
0x21: {  	v7 =	vor.u32 s8, v43;
	v31 =	vshrl.u32 v31, $0x1;
	v15 =	vshrl.u32 v15, $0x1  }
0x22: {  	s10 =	sor.u32 $0x90, s0;
	v7 =	vshrl.u32 v7, $0x1;
	v62 =	vperm.xlane v48, v41;
	v18 =	vand.u32 $0x7, v15  }
0x23: {  	v9 =	vor.u32 s10, v43;
	s9 =	sor.u32 $0x1B0, s0;
	v17 =	vor.u32 v18, v17;
	v18 =	vshrl.u32 v19, $0x1  }
0x24: {  	v9 =	vshrl.u32 v9, $0x1;
	v34 =	vor.u32 s9, v43;
	v21 =	vand.u32 $0x7, v18  }
0x25: {  	s14 =	sor.u32 $0xD0, s0;
	v63 =	vperm.xlane v49, v41;
	s11 =	sor.u32 $0x1C0, s0;
	v20 =	vor.u32 v21, v20;
	v21 =	vor.u32 s19, v43  }
0x26: {  	s18 =	sor.u32 $0x110, s0;
	s5 =	sor.u32 $0x170, s0;
	v34 =	vshrl.u32 v34, $0x1;
	s0 =	sor.u32 $0x1F0, s0;
	v37 =	vor.u32 s11, v43;
	v21 =	vshrl.u32 v21, $0x1  }
0x27: {  	v38 =	vmov s11;
	v40 =	vor.u32 s0, v43;
	v24 =	vand.u32 $0x7, v21  }
0x28: {  	v56 =	vperm.xlane v50, v41;
	v23 =	vor.u32 v24, v23;
	v24 =	vor.u32 s21, v43  }
0x29: {  	v13 =	vor.u32 s14, v43;
	v38 =	vshll.u32 v38, $0x2;
	v24 =	vshrl.u32 v24, $0x1  }
0x2a: {  	v40 =	vshrl.u32 v40, $0x1;
	v13 =	vshrl.u32 v13, $0x1;
	v27 =	vand.u32 $0x7, v24  }
0x2b: {  	v19 =	vor.u32 s18, v43;
	v26 =	vor.u32 v27, v26;
	v27 =	vshrl.u32 v28, $0x1  }
0x2c: {  	v19 =	vshrl.u32 v19, $0x1;
	v28 =	vor.u32 s5, v43;
	v30 =	vand.u32 $0x7, v27  }
0x2d: {  	v29 =	vor.u32 v30, v29;
	v30 =	vor.u32 s25, v43;
	v43 =	vor.u32 $0x8, v43  }
0x2e: {  	v28 =	vshrl.u32 v28, $0x1;
	v30 =	vshrl.u32 v30, $0x1;
	v53 =	vperm.xlane v44, v43  }
0x2f: {  	v61 =	vperm.xlane v47, v43;
	v47 =	vadd.s32 v42, v60;
	v33 =	vand.u32 $0x7, v30  }
0x30: {  	v54 =	vperm.xlane v48, v43;
	v32 =	vor.u32 v33, v32;
	v33 =	vshrl.u32 v57, $0x1  }
0x31: {  	s1 =	ssub.s32 $0x2, s1;
	v55 =	vperm.xlane v49, v43;
	v49 =	vadd.s32 v42, v62;
	v36 =	vand.u32 $0x7, v33  }
0x32: {  	s24 =	rddreg [dreg:$0x1];
	s26 =	sshrl.u32 s1, $0x1;
	s3 =	simm.s32 $0x0;
	v48 =	vadd.s32 v42, v61;
	v35 =	vor.u32 v36, v35;
	v36 =	vshrl.u32 v37, $0x1  }
0x33: {  	s4 =	sshll.u32 s4, $0x8;
	s1 =	ssub.s32 s1, s26;
	[smem:$0x7FF] =	sst s3;
	v57 =	vperm.xlane v50, v43;
	v50 =	vadd.s32 v42, v54;
	v39 =	vand.u32 $0x7, v36  }
0x34: {  	s1 =	smax.u32 s1, $0x1;
	s7 =	rddreg [dreg:$0x0];
	_ =	strace $0x80000047;
	v37 =	vshrl.u32 v58, $0x1;
	v38 =	vor.u32 v39, v38;
	v39 =	vshrl.u32 v59, $0x1  }
0x35: {  	s8 =	sadd.s32 s4, s7;
	s4 =	sadd.s32 $0x1800, s7;
	s6 =	sadd.s32 $0x1A00, s7;
	v58 =	vperm.xlane v51, v41;
	v54 =	vadd.s32 v42, v57;
	v52 =	vand.u32 $0x7, v39  }
0x36: {  	s29 =	sadd.s32 $0x122000, s8;
	s8 =	sadd.s32 $0x100, s24;
	s10 =	sadd.s32 $0x300, s24;
	v59 =	vperm.xlane v51, v43;
	v51 =	vadd.s32 v42, v63;
	v44 =	vor.u32 v52, v45  }
0x37: {  	[dreg:$0x3] =	wrdreg s29;
	s9 =	sadd.s32 $0x200, s24;
	s12 =	simm.s32 $0x100;
	v45 =	vadd.s32 v42, v46;
	v46 =	vadd.s32 v42, v53;
	v52 =	vadd.s32 v42, v55  }
0x38: {  	[dreg:$0x4] =	wrdreg s12;
	s5 =	sadd.s32 $0x1900, s7;
	s7 =	sadd.s32 $0x1B00, s7;
	v53 =	vadd.s32 v42, v56;
	v55 =	vadd.s32 v42, v58;
	v56 =	vadd.s32 v42, v59  }
.LBB2_1:
0x39: {  	[dreg:$0x5] =	wrdreg s1  }
0x3a: {  	s28 =	rddreg [dreg:$0x3]  }
0x3b: {  	s29 =	rddreg [dreg:$0x4];
	s14 =	simm.s32 $0x5  }
0x3c: {  	[tilespmem:s29], [sflag:$0x5] =	stream.linear.gather [hbm4b:s28+s3], $0x800, $0x38;
	[tilespmem:$0x10900] =	vst v63  }
0x3d: {  	_ =	swait.ge [sflag:s14], $0x800  }
0x3e: {  	[sflag:s14] =	ssyncset.done $0x0  }
0x3f: {  	[sflag:s14] =	ssyncadd.s32 $0xFFFFF800  }
0x40: {  	[tilespmem:$0x0] =	vst v0  }
0x41: {  	s0 =	simm.s32 $0x900;
	[tilespmem:$0x10] =	vst v1  }
0x42: {  	[tilespmem:s0], [sflag:$0x1] =	stream.indirect_vreg.gather [hbm4b:s4+s3], $0x80, v45, vm0, $0xb8;
	[tilespmem:$0x10900] =	vst v63  }
0x43: {  	s15 =	simm.s32 $0x1100  }
0x44: {  	[tilespmem:s15], [sflag:$0x1] =	stream.indirect_vreg.gather [hbm4b:s5+s3], $0x80, v45, vm0, $0xb8;
	[tilespmem:$0x10900] =	vst v63  }
0x45: {  	s16 =	simm.s32 $0x1900  }
0x46: {  	[tilespmem:s16], [sflag:$0x1] =	stream.indirect_vreg.gather [hbm4b:s6+s3], $0x80, v45, vm0, $0xb8;
	[tilespmem:$0x10900] =	vst v63  }
0x47: {  	s17 =	simm.s32 $0x2100  }
0x48: {  	[tilespmem:s17], [sflag:$0x1] =	stream.indirect_vreg.gather [hbm4b:s7+s3], $0x80, v45, vm0, $0xb8;
	[tilespmem:$0x10900] =	vst v63  }
0x49: {  	s18 =	simm.s32 $0x2900  }
0x4a: {  	[tilespmem:s18], [sflag:$0x1] =	stream.indirect_vreg.gather [hbm4b:s4+s3], $0x80, v46, vm0, $0xb8;
	[tilespmem:$0x10900] =	vst v63  }
0x4b: {  	s19 =	simm.s32 $0x3100  }
0x4c: {  	[tilespmem:s19], [sflag:$0x1] =	stream.indirect_vreg.gather [hbm4b:s5+s3], $0x80, v46, vm0, $0xb8;
	[tilespmem:$0x10900] =	vst v63  }
0x4d: {  	s20 =	simm.s32 $0x3900  }
0x4e: {  	[tilespmem:s20], [sflag:$0x1] =	stream.indirect_vreg.gather [hbm4b:s6+s3], $0x80, v46, vm0, $0xb8;
	[tilespmem:$0x10900] =	vst v63  }
0x4f: {  	s21 =	simm.s32 $0x4100  }
0x50: {  	[tilespmem:s21], [sflag:$0x1] =	stream.indirect_vreg.gather [hbm4b:s7+s3], $0x80, v46, vm0, $0xb8;
	[tilespmem:$0x10900] =	vst v63  }
0x51: {  	v57 =	vld [tilespmem:$0x10];
	_ =	sdelay $0x4  }
0x52: {  	v58 =	vshll.u32 v57, $0x3  }
0x53: {  	v57 =	vand.u32 $0x7, v57;
	v58 =	vand.u32 $0xFFFFFFC0, v58  }
0x54: {  	v57 =	vor.u32 v57, v58  }
0x55: {  	v58 =	vperm.xlane v57, v41;
	_ =	sdelay $0x1  }
0x56: {  	v58 =	vadd.s32 v42, v58;
	_ =	sdelay $0x3  }
0x57: {  	s22 =	simm.s32 $0x4900  }
0x58: {  	[tilespmem:s22], [sflag:$0x1] =	stream.indirect_vreg.gather [hbm4b:s4+s3], $0x80, v58, vm0, $0xb8;
	[tilespmem:$0x10900] =	vst v63  }
0x59: {  	s23 =	simm.s32 $0x5100;
	v57 =	vperm.xlane v57, v43  }
0x5a: {  	[tilespmem:s23], [sflag:$0x1] =	stream.indirect_vreg.gather [hbm4b:s5+s3], $0x80, v58, vm0, $0xb8;
	[tilespmem:$0x10900] =	vst v63  }
0x5b: {  	s24 =	simm.s32 $0x5900;
	v57 =	vadd.s32 v42, v57  }
0x5c: {  	[tilespmem:s24], [sflag:$0x1] =	stream.indirect_vreg.gather [hbm4b:s6+s3], $0x80, v58, vm0, $0xb8;
	[tilespmem:$0x10900] =	vst v63  }
0x5d: {  	s25 =	simm.s32 $0x6100  }
0x5e: {  	[tilespmem:s25], [sflag:$0x1] =	stream.indirect_vreg.gather [hbm4b:s7+s3], $0x80, v58, vm0, $0xb8;
	[tilespmem:$0x10900] =	vst v63  }
0x5f: {  	s26 =	simm.s32 $0x6900  }
0x60: {  	[tilespmem:s26], [sflag:$0x1] =	stream.indirect_vreg.gather [hbm4b:s4+s3], $0x80, v57, vm0, $0xb8;
	[tilespmem:$0x10900] =	vst v63  }
0x61: {  	s28 =	simm.s32 $0x7100  }
0x62: {  	[tilespmem:s28], [sflag:$0x1] =	stream.indirect_vreg.gather [hbm4b:s5+s3], $0x80, v57, vm0, $0xb8;
	[tilespmem:$0x10900] =	vst v63  }
0x63: {  	s29 =	simm.s32 $0x7900  }
0x64: {  	[tilespmem:s29], [sflag:$0x1] =	stream.indirect_vreg.gather [hbm4b:s6+s3], $0x80, v57, vm0, $0xb8;
	[tilespmem:$0x10900] =	vst v63  }
0x65: {  	s30 =	simm.s32 $0x8100  }
0x66: {  	[tilespmem:s30], [sflag:$0x1] =	stream.indirect_vreg.gather [hbm4b:s7+s3], $0x80, v57, vm0, $0xb8;
	[tilespmem:$0x10900] =	vst v63  }
0x67: {  	[tilespmem:$0x80] =	vst v2  }
0x68: {  	s31 =	simm.s32 $0x8900;
	[tilespmem:$0x90] =	vst v3  }
0x69: {  	[tilespmem:s31], [sflag:$0x2] =	stream.indirect_vreg.gather [hbm4b:s4+s3], $0x80, v47, vm0, $0xb8;
	[tilespmem:$0x10900] =	vst v63  }
0x6a: {  	s1 =	simm.s32 $0x9100  }
0x6b: {  	[tilespmem:s1], [sflag:$0x2] =	stream.indirect_vreg.gather [hbm4b:s5+s3], $0x80, v47, vm0, $0xb8;
	[tilespmem:$0x10900] =	vst v63  }
0x6c: {  	s22 =	simm.s32 $0x9900  }
0x6d: {  	[tilespmem:s22], [sflag:$0x2] =	stream.indirect_vreg.gather [hbm4b:s6+s3], $0x80, v47, vm0, $0xb8;
	[tilespmem:$0x10900] =	vst v63  }
0x6e: {  	s2 =	simm.s32 $0xA100  }
0x6f: {  	[tilespmem:s2], [sflag:$0x2] =	stream.indirect_vreg.gather [hbm4b:s7+s3], $0x80, v47, vm0, $0xb8;
	[tilespmem:$0x10900] =	vst v63  }
0x70: {  	s11 =	simm.s32 $0xA900  }
0x71: {  	[tilespmem:s11], [sflag:$0x2] =	stream.indirect_vreg.gather [hbm4b:s4+s3], $0x80, v48, vm0, $0xb8;
	[tilespmem:$0x10900] =	vst v63  }
0x72: {  	s12 =	simm.s32 $0xB100  }
0x73: {  	[tilespmem:s12], [sflag:$0x2] =	stream.indirect_vreg.gather [hbm4b:s5+s3], $0x80, v48, vm0, $0xb8;
	[tilespmem:$0x10900] =	vst v63  }
0x74: {  	s13 =	simm.s32 $0xB900  }
0x75: {  	[tilespmem:s13], [sflag:$0x2] =	stream.indirect_vreg.gather [hbm4b:s6+s3], $0x80, v48, vm0, $0xb8;
	[tilespmem:$0x10900] =	vst v63  }
0x76: {  	s14 =	simm.s32 $0xC100  }
0x77: {  	[tilespmem:s14], [sflag:$0x2] =	stream.indirect_vreg.gather [hbm4b:s7+s3], $0x80, v48, vm0, $0xb8;
	[tilespmem:$0x10900] =	vst v63  }
0x78: {  	v57 =	vld [tilespmem:$0x90];
	_ =	sdelay $0x4  }
0x79: {  	v63 =	vshll.u32 v57, $0x3  }
0x7a: {  	v57 =	vand.u32 $0x7, v57;
	v58 =	vand.u32 $0xFFFFFFC0, v63  }
0x7b: {  	v57 =	vor.u32 v57, v58  }
0x7c: {  	v58 =	vperm.xlane v57, v41;
	_ =	sdelay $0x1  }
0x7d: {  	v58 =	vadd.s32 v42, v58;
	_ =	sdelay $0x3  }
0x7e: {  	s15 =	simm.s32 $0xC900  }
0x7f: {  	[tilespmem:s15], [sflag:$0x2] =	stream.indirect_vreg.gather [hbm4b:s4+s3], $0x80, v58, vm0, $0xb8;
	[tilespmem:$0x10900] =	vst v63  }
0x80: {  	s16 =	simm.s32 $0xD100;
	v57 =	vperm.xlane v57, v43  }
0x81: {  	[tilespmem:s16], [sflag:$0x2] =	stream.indirect_vreg.gather [hbm4b:s5+s3], $0x80, v58, vm0, $0xb8;
	[tilespmem:$0x10900] =	vst v63  }
0x82: {  	s17 =	simm.s32 $0xD900;
	v57 =	vadd.s32 v42, v57  }
0x83: {  	[tilespmem:s17], [sflag:$0x2] =	stream.indirect_vreg.gather [hbm4b:s6+s3], $0x80, v58, vm0, $0xb8;
	[tilespmem:$0x10900] =	vst v63  }
0x84: {  	s18 =	simm.s32 $0xE100  }
0x85: {  	[tilespmem:s18], [sflag:$0x2] =	stream.indirect_vreg.gather [hbm4b:s7+s3], $0x80, v58, vm0, $0xb8;
	[tilespmem:$0x10900] =	vst v63  }
0x86: {  	s19 =	simm.s32 $0xE900  }
0x87: {  	[tilespmem:s19], [sflag:$0x2] =	stream.indirect_vreg.gather [hbm4b:s4+s3], $0x80, v57, vm0, $0xb8;
	[tilespmem:$0x10900] =	vst v63  }
0x88: {  	s20 =	simm.s32 $0xF100  }
0x89: {  	[tilespmem:s20], [sflag:$0x2] =	stream.indirect_vreg.gather [hbm4b:s5+s3], $0x80, v57, vm0, $0xb8;
	[tilespmem:$0x10900] =	vst v63  }
0x8a: {  	s21 =	simm.s32 $0xF900  }
0x8b: {  	[tilespmem:s21], [sflag:$0x2] =	stream.indirect_vreg.gather [hbm4b:s6+s3], $0x80, v57, vm0, $0xb8;
	[tilespmem:$0x10900] =	vst v63  }
0x8c: {  	s23 =	simm.s32 $0x10100;
	s24 =	simm.s32 $0x1  }
0x8d: {  	[tilespmem:s23], [sflag:$0x2] =	stream.indirect_vreg.gather [hbm4b:s7+s3], $0x80, v57, vm0, $0xb8;
	[tilespmem:$0x10900] =	vst v63  }
0x8e: {  	_ =	swait.ge [sflag:s24], $0x8000  }
0x8f: {  	[sflag:s24] =	ssyncset.done $0x0  }
0x90: {  	[sflag:s24] =	ssyncadd.s32 $0xFFFF8000  }
0x91: {  	v60 =	vld [tilespmem:$0x100];
	_ =	sdelay $0x4  }
0x92: {  	v61 =	vshll.u32 v60, $0x3  }
0x93: {  	v57 =	vand.u32 $0x7, v60;
	v58 =	vand.u32 $0xFFFFFFC0, v61  }
0x94: {  	v57 =	vor.u32 v57, v58  }
0x95: {  	v58 =	vperm.xlane v57, v41;
	_ =	sdelay $0x1  }
0x96: {  	v58 =	vadd.s32 v42, v58;
	_ =	sdelay $0x3  }
0x97: {  	s11 =	simm.s32 $0x900;
	s20 =	rddreg [dreg:$0x1]  }
0x98: {  	[hbm4b:s20+s3] =	stream.indirect_vreg.scatter [tilespmem:s11], [sflag:$0x3], $0x80, v58, vm0, $0xb8;
	[tilespmem:$0x10900] =	vst v63  }
0x99: {  	s31 =	simm.s32 $0x1100;
	v57 =	vperm.xlane v57, v43  }
0x9a: {  	[hbm4b:s8+s3] =	stream.indirect_vreg.scatter [tilespmem:s31], [sflag:$0x3], $0x80, v58, vm0, $0xb8;
	[tilespmem:$0x10900] =	vst v63  }
0x9b: {  	s25 =	simm.s32 $0x1900;
	v57 =	vadd.s32 v42, v57  }
0x9c: {  	[hbm4b:s9+s3] =	stream.indirect_vreg.scatter [tilespmem:s25], [sflag:$0x3], $0x80, v58, vm0, $0xb8;
	[tilespmem:$0x10900] =	vst v63  }
0x9d: {  	s26 =	simm.s32 $0x2100  }
0x9e: {  	[hbm4b:s10+s3] =	stream.indirect_vreg.scatter [tilespmem:s26], [sflag:$0x3], $0x80, v58, vm0, $0xb8;
	[tilespmem:$0x10900] =	vst v63  }
0x9f: {  	s12 =	simm.s32 $0x2900  }
0xa0: {  	[hbm4b:s20+s3] =	stream.indirect_vreg.scatter [tilespmem:s12], [sflag:$0x3], $0x80, v57, vm0, $0xb8;
	[tilespmem:$0x10900] =	vst v63  }
0xa1: {  	s13 =	simm.s32 $0x3100  }
0xa2: {  	[hbm4b:s8+s3] =	stream.indirect_vreg.scatter [tilespmem:s13], [sflag:$0x3], $0x80, v57, vm0, $0xb8;
	[tilespmem:$0x10900] =	vst v63  }
0xa3: {  	s14 =	simm.s32 $0x3900  }
0xa4: {  	[hbm4b:s9+s3] =	stream.indirect_vreg.scatter [tilespmem:s14], [sflag:$0x3], $0x80, v57, vm0, $0xb8;
	[tilespmem:$0x10900] =	vst v63  }
0xa5: {  	s29 =	simm.s32 $0x4100  }
0xa6: {  	[hbm4b:s10+s3] =	stream.indirect_vreg.scatter [tilespmem:s29], [sflag:$0x3], $0x80, v57, vm0, $0xb8;
	[tilespmem:$0x10900] =	vst v63  }
0xa7: {  	v57 =	vld [tilespmem:$0x110];
	_ =	sdelay $0x4  }
0xa8: {  	v62 =	vshll.u32 v57, $0x3  }
0xa9: {  	v57 =	vand.u32 $0x7, v57;
	v58 =	vand.u32 $0xFFFFFFC0, v62  }
0xaa: {  	v57 =	vor.u32 v57, v58  }
0xab: {  	v58 =	vperm.xlane v57, v41;
	_ =	sdelay $0x1  }
0xac: {  	v58 =	vadd.s32 v42, v58;
	_ =	sdelay $0x3  }
0xad: {  	s21 =	simm.s32 $0x4900  }
0xae: {  	[hbm4b:s20+s3] =	stream.indirect_vreg.scatter [tilespmem:s21], [sflag:$0x3], $0x80, v58, vm0, $0xb8;
	[tilespmem:$0x10900] =	vst v63  }
0xaf: {  	s23 =	simm.s32 $0x5100;
	v57 =	vperm.xlane v57, v43  }
0xb0: {  	[hbm4b:s8+s3] =	stream.indirect_vreg.scatter [tilespmem:s23], [sflag:$0x3], $0x80, v58, vm0, $0xb8;
	[tilespmem:$0x10900] =	vst v63  }
0xb1: {  	s15 =	simm.s32 $0x5900;
	v57 =	vadd.s32 v42, v57  }
0xb2: {  	[hbm4b:s9+s3] =	stream.indirect_vreg.scatter [tilespmem:s15], [sflag:$0x3], $0x80, v58, vm0, $0xb8;
	[tilespmem:$0x10900] =	vst v63  }
0xb3: {  	s16 =	simm.s32 $0x6100  }
0xb4: {  	[hbm4b:s10+s3] =	stream.indirect_vreg.scatter [tilespmem:s16], [sflag:$0x3], $0x80, v58, vm0, $0xb8;
	[tilespmem:$0x10900] =	vst v63  }
0xb5: {  	s17 =	simm.s32 $0x6900  }
0xb6: {  	[hbm4b:s20+s3] =	stream.indirect_vreg.scatter [tilespmem:s17], [sflag:$0x3], $0x80, v57, vm0, $0xb8;
	[tilespmem:$0x10900] =	vst v63  }
0xb7: {  	s18 =	simm.s32 $0x7100  }
0xb8: {  	[hbm4b:s8+s3] =	stream.indirect_vreg.scatter [tilespmem:s18], [sflag:$0x3], $0x80, v57, vm0, $0xb8;
	[tilespmem:$0x10900] =	vst v63  }
0xb9: {  	s19 =	simm.s32 $0x7900  }
0xba: {  	[hbm4b:s9+s3] =	stream.indirect_vreg.scatter [tilespmem:s19], [sflag:$0x3], $0x80, v57, vm0, $0xb8;
	[tilespmem:$0x10900] =	vst v63  }
0xbb: {  	s30 =	simm.s32 $0x8100;
	s2 =	simm.s32 $0x3  }
0xbc: {  	[hbm4b:s10+s3] =	stream.indirect_vreg.scatter [tilespmem:s30], [sflag:$0x3], $0x80, v57, vm0, $0xb8;
	[tilespmem:$0x10900] =	vst v63  }
0xbd: {  	_ =	swait.ge [sflag:s2], $0x8000  }
0xbe: {  	[sflag:s2] =	ssyncset.done $0x0  }
0xbf: {  	[sflag:s2] =	ssyncadd.s32 $0xFFFF8000  }
0xc0: {  	[tilespmem:$0x0] =	vst v4  }
0xc1: {  	[tilespmem:$0x10] =	vst v5  }
0xc2: {  	[tilespmem:s11], [sflag:$0x1] =	stream.indirect_vreg.gather [hbm4b:s4+s3], $0x80, v49, vm0, $0xb8;
	[tilespmem:$0x10900] =	vst v63  }
0xc3: {  	_ = 	snop  }
0xc4: {  	[tilespmem:s31], [sflag:$0x1] =	stream.indirect_vreg.gather [hbm4b:s5+s3], $0x80, v49, vm0, $0xb8;
	[tilespmem:$0x10900] =	vst v63  }
0xc5: {  	_ = 	snop  }
0xc6: {  	[tilespmem:s25], [sflag:$0x1] =	stream.indirect_vreg.gather [hbm4b:s6+s3], $0x80, v49, vm0, $0xb8;
	[tilespmem:$0x10900] =	vst v63  }
0xc7: {  	_ = 	snop  }
0xc8: {  	[tilespmem:s26], [sflag:$0x1] =	stream.indirect_vreg.gather [hbm4b:s7+s3], $0x80, v49, vm0, $0xb8;
	[tilespmem:$0x10900] =	vst v63  }
0xc9: {  	_ = 	snop  }
0xca: {  	[tilespmem:s12], [sflag:$0x1] =	stream.indirect_vreg.gather [hbm4b:s4+s3], $0x80, v50, vm0, $0xb8;
	[tilespmem:$0x10900] =	vst v63  }
0xcb: {  	_ = 	snop  }
0xcc: {  	[tilespmem:s13], [sflag:$0x1] =	stream.indirect_vreg.gather [hbm4b:s5+s3], $0x80, v50, vm0, $0xb8;
	[tilespmem:$0x10900] =	vst v63  }
0xcd: {  	_ = 	snop  }
0xce: {  	[tilespmem:s14], [sflag:$0x1] =	stream.indirect_vreg.gather [hbm4b:s6+s3], $0x80, v50, vm0, $0xb8;
	[tilespmem:$0x10900] =	vst v63  }
0xcf: {  	_ = 	snop  }
0xd0: {  	[tilespmem:s29], [sflag:$0x1] =	stream.indirect_vreg.gather [hbm4b:s7+s3], $0x80, v50, vm0, $0xb8;
	[tilespmem:$0x10900] =	vst v63  }
0xd1: {  	v63 =	vld [tilespmem:$0x10];
	_ =	sdelay $0x4  }
0xd2: {  	v60 =	vshll.u32 v63, $0x3  }
0xd3: {  	v57 =	vand.u32 $0x7, v63;
	v58 =	vand.u32 $0xFFFFFFC0, v60  }
0xd4: {  	v57 =	vor.u32 v57, v58  }
0xd5: {  	v58 =	vperm.xlane v57, v41;
	_ =	sdelay $0x1  }
0xd6: {  	v58 =	vadd.s32 v42, v58;
	_ =	sdelay $0x4  }
0xd7: {  	[tilespmem:s21], [sflag:$0x1] =	stream.indirect_vreg.gather [hbm4b:s4+s3], $0x80, v58, vm0, $0xb8;
	[tilespmem:$0x10900] =	vst v63  }
0xd8: {  	v57 =	vperm.xlane v57, v43  }
0xd9: {  	[tilespmem:s23], [sflag:$0x1] =	stream.indirect_vreg.gather [hbm4b:s5+s3], $0x80, v58, vm0, $0xb8;
	[tilespmem:$0x10900] =	vst v63  }
0xda: {  	v57 =	vadd.s32 v42, v57  }
0xdb: {  	[tilespmem:s15], [sflag:$0x1] =	stream.indirect_vreg.gather [hbm4b:s6+s3], $0x80, v58, vm0, $0xb8;
	[tilespmem:$0x10900] =	vst v63  }
0xdc: {  	_ = 	snop  }
0xdd: {  	[tilespmem:s16], [sflag:$0x1] =	stream.indirect_vreg.gather [hbm4b:s7+s3], $0x80, v58, vm0, $0xb8;
	[tilespmem:$0x10900] =	vst v63  }
0xde: {  	_ = 	snop  }
0xdf: {  	[tilespmem:s17], [sflag:$0x1] =	stream.indirect_vreg.gather [hbm4b:s4+s3], $0x80, v57, vm0, $0xb8;
	[tilespmem:$0x10900] =	vst v63  }
0xe0: {  	_ = 	snop  }
0xe1: {  	[tilespmem:s18], [sflag:$0x1] =	stream.indirect_vreg.gather [hbm4b:s5+s3], $0x80, v57, vm0, $0xb8;
	[tilespmem:$0x10900] =	vst v63  }
0xe2: {  	_ = 	snop  }
0xe3: {  	[tilespmem:s19], [sflag:$0x1] =	stream.indirect_vreg.gather [hbm4b:s6+s3], $0x80, v57, vm0, $0xb8;
	[tilespmem:$0x10900] =	vst v63  }
0xe4: {  	s29 =	simm.s32 $0x2  }
0xe5: {  	[tilespmem:s30], [sflag:$0x1] =	stream.indirect_vreg.gather [hbm4b:s7+s3], $0x80, v57, vm0, $0xb8;
	[tilespmem:$0x10900] =	vst v63  }
0xe6: {  	_ =	swait.ge [sflag:s29], $0x8000  }
0xe7: {  	[sflag:s29] =	ssyncset.done $0x0  }
0xe8: {  	[sflag:s29] =	ssyncadd.s32 $0xFFFF8000  }
0xe9: {  	v61 =	vld [tilespmem:$0x180];
	_ =	sdelay $0x4  }
0xea: {  	v62 =	vshll.u32 v61, $0x3  }
0xeb: {  	v57 =	vand.u32 $0x7, v61;
	v58 =	vand.u32 $0xFFFFFFC0, v62  }
0xec: {  	v57 =	vor.u32 v57, v58  }
0xed: {  	v58 =	vperm.xlane v57, v41;
	_ =	sdelay $0x1  }
0xee: {  	v58 =	vadd.s32 v42, v58;
	_ =	sdelay $0x3  }
0xef: {  	s23 =	simm.s32 $0x8900  }
0xf0: {  	[hbm4b:s20+s3] =	stream.indirect_vreg.scatter [tilespmem:s23], [sflag:$0x4], $0x80, v58, vm0, $0xb8;
	[tilespmem:$0x10900] =	vst v63  }
0xf1: {  	s0 =	simm.s32 $0x9100;
	v57 =	vperm.xlane v57, v43  }
0xf2: {  	[hbm4b:s8+s3] =	stream.indirect_vreg.scatter [tilespmem:s0], [sflag:$0x4], $0x80, v58, vm0, $0xb8;
	[tilespmem:$0x10900] =	vst v63  }
0xf3: {  	s1 =	simm.s32 $0x9900;
	v57 =	vadd.s32 v42, v57  }
0xf4: {  	[hbm4b:s9+s3] =	stream.indirect_vreg.scatter [tilespmem:s1], [sflag:$0x4], $0x80, v58, vm0, $0xb8;
	[tilespmem:$0x10900] =	vst v63  }
0xf5: {  	s12 =	simm.s32 $0xA100  }
0xf6: {  	[hbm4b:s10+s3] =	stream.indirect_vreg.scatter [tilespmem:s12], [sflag:$0x4], $0x80, v58, vm0, $0xb8;
	[tilespmem:$0x10900] =	vst v63  }
0xf7: {  	s18 =	simm.s32 $0xA900  }
0xf8: {  	[hbm4b:s20+s3] =	stream.indirect_vreg.scatter [tilespmem:s18], [sflag:$0x4], $0x80, v57, vm0, $0xb8;
	[tilespmem:$0x10900] =	vst v63  }
0xf9: {  	s19 =	simm.s32 $0xB100  }
0xfa: {  	[hbm4b:s8+s3] =	stream.indirect_vreg.scatter [tilespmem:s19], [sflag:$0x4], $0x80, v57, vm0, $0xb8;
	[tilespmem:$0x10900] =	vst v63  }
0xfb: {  	s22 =	simm.s32 $0xB900  }
0xfc: {  	[hbm4b:s9+s3] =	stream.indirect_vreg.scatter [tilespmem:s22], [sflag:$0x4], $0x80, v57, vm0, $0xb8;
	[tilespmem:$0x10900] =	vst v63  }
0xfd: {  	s11 =	simm.s32 $0xC100  }
0xfe: {  	[hbm4b:s10+s3] =	stream.indirect_vreg.scatter [tilespmem:s11], [sflag:$0x4], $0x80, v57, vm0, $0xb8;
	[tilespmem:$0x10900] =	vst v63  }
0xff: {  	v57 =	vld [tilespmem:$0x190];
	_ =	sdelay $0x4  }
0x100: {  	v63 =	vshll.u32 v57, $0x3  }
0x101: {  	v57 =	vand.u32 $0x7, v57;
	v58 =	vand.u32 $0xFFFFFFC0, v63  }
0x102: {  	v57 =	vor.u32 v57, v58  }
0x103: {  	v58 =	vperm.xlane v57, v41;
	_ =	sdelay $0x1  }
0x104: {  	v58 =	vadd.s32 v42, v58;
	_ =	sdelay $0x3  }
0x105: {  	s13 =	simm.s32 $0xC900  }
0x106: {  	[hbm4b:s20+s3] =	stream.indirect_vreg.scatter [tilespmem:s13], [sflag:$0x4], $0x80, v58, vm0, $0xb8;
	[tilespmem:$0x10900] =	vst v63  }
0x107: {  	s14 =	simm.s32 $0xD100;
	v57 =	vperm.xlane v57, v43  }
0x108: {  	[hbm4b:s8+s3] =	stream.indirect_vreg.scatter [tilespmem:s14], [sflag:$0x4], $0x80, v58, vm0, $0xb8;
	[tilespmem:$0x10900] =	vst v63  }
0x109: {  	s15 =	simm.s32 $0xD900;
	v57 =	vadd.s32 v42, v57  }
0x10a: {  	[hbm4b:s9+s3] =	stream.indirect_vreg.scatter [tilespmem:s15], [sflag:$0x4], $0x80, v58, vm0, $0xb8;
	[tilespmem:$0x10900] =	vst v63  }
0x10b: {  	s16 =	simm.s32 $0xE100  }
0x10c: {  	[hbm4b:s10+s3] =	stream.indirect_vreg.scatter [tilespmem:s16], [sflag:$0x4], $0x80, v58, vm0, $0xb8;
	[tilespmem:$0x10900] =	vst v63  }
0x10d: {  	s17 =	simm.s32 $0xE900  }
0x10e: {  	[hbm4b:s20+s3] =	stream.indirect_vreg.scatter [tilespmem:s17], [sflag:$0x4], $0x80, v57, vm0, $0xb8;
	[tilespmem:$0x10900] =	vst v63  }
0x10f: {  	s24 =	simm.s32 $0xF100  }
0x110: {  	[hbm4b:s8+s3] =	stream.indirect_vreg.scatter [tilespmem:s24], [sflag:$0x4], $0x80, v57, vm0, $0xb8;
	[tilespmem:$0x10900] =	vst v63  }
0x111: {  	s25 =	simm.s32 $0xF900  }
0x112: {  	[hbm4b:s9+s3] =	stream.indirect_vreg.scatter [tilespmem:s25], [sflag:$0x4], $0x80, v57, vm0, $0xb8;
	[tilespmem:$0x10900] =	vst v63  }
0x113: {  	s26 =	simm.s32 $0x10100;
	s30 =	simm.s32 $0x4  }
0x114: {  	[hbm4b:s10+s3] =	stream.indirect_vreg.scatter [tilespmem:s26], [sflag:$0x4], $0x80, v57, vm0, $0xb8;
	[tilespmem:$0x10900] =	vst v63  }
0x115: {  	_ =	swait.ge [sflag:s30], $0x8000  }
0x116: {  	[sflag:s30] =	ssyncset.done $0x0  }
0x117: {  	[sflag:s30] =	ssyncadd.s32 $0xFFFF8000  }
0x118: {  	[tilespmem:$0x80] =	vst v6  }
0x119: {  	[tilespmem:$0x90] =	vst v7  }
0x11a: {  	[tilespmem:s23], [sflag:$0x2] =	stream.indirect_vreg.gather [hbm4b:s4+s3], $0x80, v51, vm0, $0xb8;
	[tilespmem:$0x10900] =	vst v63  }
0x11b: {  	_ = 	snop  }
0x11c: {  	[tilespmem:s0], [sflag:$0x2] =	stream.indirect_vreg.gather [hbm4b:s5+s3], $0x80, v51, vm0, $0xb8;
	[tilespmem:$0x10900] =	vst v63  }
0x11d: {  	_ = 	snop  }
0x11e: {  	[tilespmem:s1], [sflag:$0x2] =	stream.indirect_vreg.gather [hbm4b:s6+s3], $0x80, v51, vm0, $0xb8;
	[tilespmem:$0x10900] =	vst v63  }
0x11f: {  	_ = 	snop  }
0x120: {  	[tilespmem:s12], [sflag:$0x2] =	stream.indirect_vreg.gather [hbm4b:s7+s3], $0x80, v51, vm0, $0xb8;
	[tilespmem:$0x10900] =	vst v63  }
0x121: {  	_ = 	snop  }
0x122: {  	[tilespmem:s18], [sflag:$0x2] =	stream.indirect_vreg.gather [hbm4b:s4+s3], $0x80, v52, vm0, $0xb8;
	[tilespmem:$0x10900] =	vst v63  }
0x123: {  	_ = 	snop  }
0x124: {  	[tilespmem:s19], [sflag:$0x2] =	stream.indirect_vreg.gather [hbm4b:s5+s3], $0x80, v52, vm0, $0xb8;
	[tilespmem:$0x10900] =	vst v63  }
0x125: {  	_ = 	snop  }
0x126: {  	[tilespmem:s22], [sflag:$0x2] =	stream.indirect_vreg.gather [hbm4b:s6+s3], $0x80, v52, vm0, $0xb8;
	[tilespmem:$0x10900] =	vst v63  }
0x127: {  	_ = 	snop  }
0x128: {  	[tilespmem:s11], [sflag:$0x2] =	stream.indirect_vreg.gather [hbm4b:s7+s3], $0x80, v52, vm0, $0xb8;
	[tilespmem:$0x10900] =	vst v63  }
0x129: {  	v60 =	vld [tilespmem:$0x90];
	_ =	sdelay $0x4  }
0x12a: {  	v61 =	vshll.u32 v60, $0x3  }
0x12b: {  	v57 =	vand.u32 $0x7, v60;
	v58 =	vand.u32 $0xFFFFFFC0, v61  }
0x12c: {  	v57 =	vor.u32 v57, v58  }
0x12d: {  	v58 =	vperm.xlane v57, v41;
	_ =	sdelay $0x1  }
0x12e: {  	v58 =	vadd.s32 v42, v58;
	_ =	sdelay $0x4  }
0x12f: {  	[tilespmem:s13], [sflag:$0x2] =	stream.indirect_vreg.gather [hbm4b:s4+s3], $0x80, v58, vm0, $0xb8;
	[tilespmem:$0x10900] =	vst v63  }
0x130: {  	v57 =	vperm.xlane v57, v43  }
0x131: {  	[tilespmem:s14], [sflag:$0x2] =	stream.indirect_vreg.gather [hbm4b:s5+s3], $0x80, v58, vm0, $0xb8;
	[tilespmem:$0x10900] =	vst v63  }
0x132: {  	v57 =	vadd.s32 v42, v57  }
0x133: {  	[tilespmem:s15], [sflag:$0x2] =	stream.indirect_vreg.gather [hbm4b:s6+s3], $0x80, v58, vm0, $0xb8;
	[tilespmem:$0x10900] =	vst v63  }
0x134: {  	_ = 	snop  }
0x135: {  	[tilespmem:s16], [sflag:$0x2] =	stream.indirect_vreg.gather [hbm4b:s7+s3], $0x80, v58, vm0, $0xb8;
	[tilespmem:$0x10900] =	vst v63  }
0x136: {  	_ = 	snop  }
0x137: {  	[tilespmem:s17], [sflag:$0x2] =	stream.indirect_vreg.gather [hbm4b:s4+s3], $0x80, v57, vm0, $0xb8;
	[tilespmem:$0x10900] =	vst v63  }
0x138: {  	_ = 	snop  }
0x139: {  	[tilespmem:s24], [sflag:$0x2] =	stream.indirect_vreg.gather [hbm4b:s5+s3], $0x80, v57, vm0, $0xb8;
	[tilespmem:$0x10900] =	vst v63  }
0x13a: {  	_ = 	snop  }
0x13b: {  	[tilespmem:s25], [sflag:$0x2] =	stream.indirect_vreg.gather [hbm4b:s6+s3], $0x80, v57, vm0, $0xb8;
	[tilespmem:$0x10900] =	vst v63  }
0x13c: {  	s15 =	simm.s32 $0x1  }
0x13d: {  	[tilespmem:s26], [sflag:$0x2] =	stream.indirect_vreg.gather [hbm4b:s7+s3], $0x80, v57, vm0, $0xb8;
	[tilespmem:$0x10900] =	vst v63  }
0x13e: {  	_ =	swait.ge [sflag:s15], $0x8000  }
0x13f: {  	[sflag:s15] =	ssyncset.done $0x0  }
0x140: {  	[sflag:s15] =	ssyncadd.s32 $0xFFFF8000  }
0x141: {  	v62 =	vld [tilespmem:$0x200];
	_ =	sdelay $0x4  }
0x142: {  	v63 =	vshll.u32 v62, $0x3  }
0x143: {  	v57 =	vand.u32 $0x7, v62;
	v58 =	vand.u32 $0xFFFFFFC0, v63  }
0x144: {  	v57 =	vor.u32 v57, v58  }
0x145: {  	v58 =	vperm.xlane v57, v41;
	_ =	sdelay $0x1  }
0x146: {  	v58 =	vadd.s32 v42, v58;
	_ =	sdelay $0x3  }
0x147: {  	s16 =	simm.s32 $0x900  }
0x148: {  	[hbm4b:s20+s3] =	stream.indirect_vreg.scatter [tilespmem:s16], [sflag:$0x3], $0x80, v58, vm0, $0xb8;
	[tilespmem:$0x10900] =	vst v63  }
0x149: {  	s17 =	simm.s32 $0x1100;
	v57 =	vperm.xlane v57, v43  }
0x14a: {  	[hbm4b:s8+s3] =	stream.indirect_vreg.scatter [tilespmem:s17], [sflag:$0x3], $0x80, v58, vm0, $0xb8;
	[tilespmem:$0x10900] =	vst v63  }
0x14b: {  	s19 =	simm.s32 $0x1900;
	v57 =	vadd.s32 v42, v57  }
0x14c: {  	[hbm4b:s9+s3] =	stream.indirect_vreg.scatter [tilespmem:s19], [sflag:$0x3], $0x80, v58, vm0, $0xb8;
	[tilespmem:$0x10900] =	vst v63  }
0x14d: {  	s21 =	simm.s32 $0x2100  }
0x14e: {  	[hbm4b:s10+s3] =	stream.indirect_vreg.scatter [tilespmem:s21], [sflag:$0x3], $0x80, v58, vm0, $0xb8;
	[tilespmem:$0x10900] =	vst v63  }
0x14f: {  	s22 =	simm.s32 $0x2900  }
0x150: {  	[hbm4b:s20+s3] =	stream.indirect_vreg.scatter [tilespmem:s22], [sflag:$0x3], $0x80, v57, vm0, $0xb8;
	[tilespmem:$0x10900] =	vst v63  }
0x151: {  	s2 =	simm.s32 $0x3100  }
0x152: {  	[hbm4b:s8+s3] =	stream.indirect_vreg.scatter [tilespmem:s2], [sflag:$0x3], $0x80, v57, vm0, $0xb8;
	[tilespmem:$0x10900] =	vst v63  }
0x153: {  	s12 =	simm.s32 $0x3900  }
0x154: {  	[hbm4b:s9+s3] =	stream.indirect_vreg.scatter [tilespmem:s12], [sflag:$0x3], $0x80, v57, vm0, $0xb8;
	[tilespmem:$0x10900] =	vst v63  }
0x155: {  	s13 =	simm.s32 $0x4100  }
0x156: {  	[hbm4b:s10+s3] =	stream.indirect_vreg.scatter [tilespmem:s13], [sflag:$0x3], $0x80, v57, vm0, $0xb8;
	[tilespmem:$0x10900] =	vst v63  }
0x157: {  	v57 =	vld [tilespmem:$0x210];
	_ =	sdelay $0x4  }
0x158: {  	v60 =	vshll.u32 v57, $0x3  }
0x159: {  	v57 =	vand.u32 $0x7, v57;
	v58 =	vand.u32 $0xFFFFFFC0, v60  }
0x15a: {  	v57 =	vor.u32 v57, v58  }
0x15b: {  	v58 =	vperm.xlane v57, v41;
	_ =	sdelay $0x1  }
0x15c: {  	v58 =	vadd.s32 v42, v58;
	_ =	sdelay $0x3  }
0x15d: {  	s0 =	simm.s32 $0x4900  }
0x15e: {  	[hbm4b:s20+s3] =	stream.indirect_vreg.scatter [tilespmem:s0], [sflag:$0x3], $0x80, v58, vm0, $0xb8;
	[tilespmem:$0x10900] =	vst v63  }
0x15f: {  	s1 =	simm.s32 $0x5100;
	v57 =	vperm.xlane v57, v43  }
0x160: {  	[hbm4b:s8+s3] =	stream.indirect_vreg.scatter [tilespmem:s1], [sflag:$0x3], $0x80, v58, vm0, $0xb8;
	[tilespmem:$0x10900] =	vst v63  }
0x161: {  	s11 =	simm.s32 $0x5900;
	v57 =	vadd.s32 v42, v57  }
0x162: {  	[hbm4b:s9+s3] =	stream.indirect_vreg.scatter [tilespmem:s11], [sflag:$0x3], $0x80, v58, vm0, $0xb8;
	[tilespmem:$0x10900] =	vst v63  }
0x163: {  	s14 =	simm.s32 $0x6100  }
0x164: {  	[hbm4b:s10+s3] =	stream.indirect_vreg.scatter [tilespmem:s14], [sflag:$0x3], $0x80, v58, vm0, $0xb8;
	[tilespmem:$0x10900] =	vst v63  }
0x165: {  	s25 =	simm.s32 $0x6900  }
0x166: {  	[hbm4b:s20+s3] =	stream.indirect_vreg.scatter [tilespmem:s25], [sflag:$0x3], $0x80, v57, vm0, $0xb8;
	[tilespmem:$0x10900] =	vst v63  }
0x167: {  	s26 =	simm.s32 $0x7100  }
0x168: {  	[hbm4b:s8+s3] =	stream.indirect_vreg.scatter [tilespmem:s26], [sflag:$0x3], $0x80, v57, vm0, $0xb8;
	[tilespmem:$0x10900] =	vst v63  }
0x169: {  	s24 =	simm.s32 $0x7900  }
0x16a: {  	[hbm4b:s9+s3] =	stream.indirect_vreg.scatter [tilespmem:s24], [sflag:$0x3], $0x80, v57, vm0, $0xb8;
	[tilespmem:$0x10900] =	vst v63  }
0x16b: {  	s28 =	simm.s32 $0x8100;
	s30 =	simm.s32 $0x3  }
0x16c: {  	[hbm4b:s10+s3] =	stream.indirect_vreg.scatter [tilespmem:s28], [sflag:$0x3], $0x80, v57, vm0, $0xb8;
	[tilespmem:$0x10900] =	vst v63  }
0x16d: {  	_ =	swait.ge [sflag:s30], $0x8000  }
0x16e: {  	[sflag:s30] =	ssyncset.done $0x0  }
0x16f: {  	[sflag:s30] =	ssyncadd.s32 $0xFFFF8000  }
0x170: {  	[tilespmem:$0x0] =	vst v8  }
0x171: {  	[tilespmem:$0x10] =	vst v9  }
0x172: {  	[tilespmem:s16], [sflag:$0x1] =	stream.indirect_vreg.gather [hbm4b:s4+s3], $0x80, v53, vm0, $0xb8;
	[tilespmem:$0x10900] =	vst v63  }
0x173: {  	_ = 	snop  }
0x174: {  	[tilespmem:s17], [sflag:$0x1] =	stream.indirect_vreg.gather [hbm4b:s5+s3], $0x80, v53, vm0, $0xb8;
	[tilespmem:$0x10900] =	vst v63  }
0x175: {  	_ = 	snop  }
0x176: {  	[tilespmem:s19], [sflag:$0x1] =	stream.indirect_vreg.gather [hbm4b:s6+s3], $0x80, v53, vm0, $0xb8;
	[tilespmem:$0x10900] =	vst v63  }
0x177: {  	_ = 	snop  }
0x178: {  	[tilespmem:s21], [sflag:$0x1] =	stream.indirect_vreg.gather [hbm4b:s7+s3], $0x80, v53, vm0, $0xb8;
	[tilespmem:$0x10900] =	vst v63  }
0x179: {  	_ = 	snop  }
0x17a: {  	[tilespmem:s22], [sflag:$0x1] =	stream.indirect_vreg.gather [hbm4b:s4+s3], $0x80, v54, vm0, $0xb8;
	[tilespmem:$0x10900] =	vst v63  }
0x17b: {  	_ = 	snop  }
0x17c: {  	[tilespmem:s2], [sflag:$0x1] =	stream.indirect_vreg.gather [hbm4b:s5+s3], $0x80, v54, vm0, $0xb8;
	[tilespmem:$0x10900] =	vst v63  }
0x17d: {  	_ = 	snop  }
0x17e: {  	[tilespmem:s12], [sflag:$0x1] =	stream.indirect_vreg.gather [hbm4b:s6+s3], $0x80, v54, vm0, $0xb8;
	[tilespmem:$0x10900] =	vst v63  }
0x17f: {  	_ = 	snop  }
0x180: {  	[tilespmem:s13], [sflag:$0x1] =	stream.indirect_vreg.gather [hbm4b:s7+s3], $0x80, v54, vm0, $0xb8;
	[tilespmem:$0x10900] =	vst v63  }
0x181: {  	v61 =	vld [tilespmem:$0x10];
	_ =	sdelay $0x4  }
0x182: {  	v62 =	vshll.u32 v61, $0x3  }
0x183: {  	v57 =	vand.u32 $0x7, v61;
	v58 =	vand.u32 $0xFFFFFFC0, v62  }
0x184: {  	v57 =	vor.u32 v57, v58  }
0x185: {  	v58 =	vperm.xlane v57, v41;
	_ =	sdelay $0x1  }
0x186: {  	v58 =	vadd.s32 v42, v58;
	_ =	sdelay $0x4  }
0x187: {  	[tilespmem:s0], [sflag:$0x1] =	stream.indirect_vreg.gather [hbm4b:s4+s3], $0x80, v58, vm0, $0xb8;
	[tilespmem:$0x10900] =	vst v63  }
0x188: {  	v57 =	vperm.xlane v57, v43  }
0x189: {  	[tilespmem:s1], [sflag:$0x1] =	stream.indirect_vreg.gather [hbm4b:s5+s3], $0x80, v58, vm0, $0xb8;
	[tilespmem:$0x10900] =	vst v63  }
0x18a: {  	v57 =	vadd.s32 v42, v57  }
0x18b: {  	[tilespmem:s11], [sflag:$0x1] =	stream.indirect_vreg.gather [hbm4b:s6+s3], $0x80, v58, vm0, $0xb8;
	[tilespmem:$0x10900] =	vst v63  }
0x18c: {  	_ = 	snop  }
0x18d: {  	[tilespmem:s14], [sflag:$0x1] =	stream.indirect_vreg.gather [hbm4b:s7+s3], $0x80, v58, vm0, $0xb8;
	[tilespmem:$0x10900] =	vst v63  }
0x18e: {  	_ = 	snop  }
0x18f: {  	[tilespmem:s25], [sflag:$0x1] =	stream.indirect_vreg.gather [hbm4b:s4+s3], $0x80, v57, vm0, $0xb8;
	[tilespmem:$0x10900] =	vst v63  }
0x190: {  	_ = 	snop  }
0x191: {  	[tilespmem:s26], [sflag:$0x1] =	stream.indirect_vreg.gather [hbm4b:s5+s3], $0x80, v57, vm0, $0xb8;
	[tilespmem:$0x10900] =	vst v63  }
0x192: {  	_ = 	snop  }
0x193: {  	[tilespmem:s24], [sflag:$0x1] =	stream.indirect_vreg.gather [hbm4b:s6+s3], $0x80, v57, vm0, $0xb8;
	[tilespmem:$0x10900] =	vst v63  }
0x194: {  	_ = 	snop  }
0x195: {  	[tilespmem:s28], [sflag:$0x1] =	stream.indirect_vreg.gather [hbm4b:s7+s3], $0x80, v57, vm0, $0xb8;
	[tilespmem:$0x10900] =	vst v63  }
0x196: {  	_ =	swait.ge [sflag:s29], $0x8000  }
0x197: {  	[sflag:s29] =	ssyncset.done $0x0  }
0x198: {  	[sflag:s29] =	ssyncadd.s32 $0xFFFF8000  }
0x199: {  	v63 =	vld [tilespmem:$0x280];
	_ =	sdelay $0x4  }
0x19a: {  	v60 =	vshll.u32 v63, $0x3  }
0x19b: {  	v57 =	vand.u32 $0x7, v63;
	v58 =	vand.u32 $0xFFFFFFC0, v60  }
0x19c: {  	v57 =	vor.u32 v57, v58  }
0x19d: {  	v58 =	vperm.xlane v57, v41;
	_ =	sdelay $0x1  }
0x19e: {  	v58 =	vadd.s32 v42, v58;
	_ =	sdelay $0x3  }
0x19f: {  	s19 =	simm.s32 $0x8900  }
0x1a0: {  	[hbm4b:s20+s3] =	stream.indirect_vreg.scatter [tilespmem:s19], [sflag:$0x4], $0x80, v58, vm0, $0xb8;
	[tilespmem:$0x10900] =	vst v63  }
0x1a1: {  	s14 =	simm.s32 $0x9100;
	v57 =	vperm.xlane v57, v43  }
0x1a2: {  	[hbm4b:s8+s3] =	stream.indirect_vreg.scatter [tilespmem:s14], [sflag:$0x4], $0x80, v58, vm0, $0xb8;
	[tilespmem:$0x10900] =	vst v63  }
0x1a3: {  	s18 =	simm.s32 $0x9900;
	v57 =	vadd.s32 v42, v57  }
0x1a4: {  	[hbm4b:s9+s3] =	stream.indirect_vreg.scatter [tilespmem:s18], [sflag:$0x4], $0x80, v58, vm0, $0xb8;
	[tilespmem:$0x10900] =	vst v63  }
0x1a5: {  	s15 =	simm.s32 $0xA100  }
0x1a6: {  	[hbm4b:s10+s3] =	stream.indirect_vreg.scatter [tilespmem:s15], [sflag:$0x4], $0x80, v58, vm0, $0xb8;
	[tilespmem:$0x10900] =	vst v63  }
0x1a7: {  	s24 =	simm.s32 $0xA900  }
0x1a8: {  	[hbm4b:s20+s3] =	stream.indirect_vreg.scatter [tilespmem:s24], [sflag:$0x4], $0x80, v57, vm0, $0xb8;
	[tilespmem:$0x10900] =	vst v63  }
0x1a9: {  	s25 =	simm.s32 $0xB100  }
0x1aa: {  	[hbm4b:s8+s3] =	stream.indirect_vreg.scatter [tilespmem:s25], [sflag:$0x4], $0x80, v57, vm0, $0xb8;
	[tilespmem:$0x10900] =	vst v63  }
0x1ab: {  	s13 =	simm.s32 $0xB900  }
0x1ac: {  	[hbm4b:s9+s3] =	stream.indirect_vreg.scatter [tilespmem:s13], [sflag:$0x4], $0x80, v57, vm0, $0xb8;
	[tilespmem:$0x10900] =	vst v63  }
0x1ad: {  	s12 =	simm.s32 $0xC100  }
0x1ae: {  	[hbm4b:s10+s3] =	stream.indirect_vreg.scatter [tilespmem:s12], [sflag:$0x4], $0x80, v57, vm0, $0xb8;
	[tilespmem:$0x10900] =	vst v63  }
0x1af: {  	v57 =	vld [tilespmem:$0x290];
	_ =	sdelay $0x4  }
0x1b0: {  	v61 =	vshll.u32 v57, $0x3  }
0x1b1: {  	v57 =	vand.u32 $0x7, v57;
	v58 =	vand.u32 $0xFFFFFFC0, v61  }
0x1b2: {  	v57 =	vor.u32 v57, v58  }
0x1b3: {  	v58 =	vperm.xlane v57, v41;
	_ =	sdelay $0x1  }
0x1b4: {  	v58 =	vadd.s32 v42, v58;
	_ =	sdelay $0x3  }
0x1b5: {  	s16 =	simm.s32 $0xC900  }
0x1b6: {  	[hbm4b:s20+s3] =	stream.indirect_vreg.scatter [tilespmem:s16], [sflag:$0x4], $0x80, v58, vm0, $0xb8;
	[tilespmem:$0x10900] =	vst v63  }
0x1b7: {  	s0 =	simm.s32 $0xD100;
	v57 =	vperm.xlane v57, v43  }
0x1b8: {  	[hbm4b:s8+s3] =	stream.indirect_vreg.scatter [tilespmem:s0], [sflag:$0x4], $0x80, v58, vm0, $0xb8;
	[tilespmem:$0x10900] =	vst v63  }
0x1b9: {  	s1 =	simm.s32 $0xD900;
	v57 =	vadd.s32 v42, v57  }
0x1ba: {  	[hbm4b:s9+s3] =	stream.indirect_vreg.scatter [tilespmem:s1], [sflag:$0x4], $0x80, v58, vm0, $0xb8;
	[tilespmem:$0x10900] =	vst v63  }
0x1bb: {  	s2 =	simm.s32 $0xE100  }
0x1bc: {  	[hbm4b:s10+s3] =	stream.indirect_vreg.scatter [tilespmem:s2], [sflag:$0x4], $0x80, v58, vm0, $0xb8;
	[tilespmem:$0x10900] =	vst v63  }
0x1bd: {  	s11 =	simm.s32 $0xE900  }
0x1be: {  	[hbm4b:s20+s3] =	stream.indirect_vreg.scatter [tilespmem:s11], [sflag:$0x4], $0x80, v57, vm0, $0xb8;
	[tilespmem:$0x10900] =	vst v63  }
0x1bf: {  	s17 =	simm.s32 $0xF100  }
0x1c0: {  	[hbm4b:s8+s3] =	stream.indirect_vreg.scatter [tilespmem:s17], [sflag:$0x4], $0x80, v57, vm0, $0xb8;
	[tilespmem:$0x10900] =	vst v63  }
0x1c1: {  	s23 =	simm.s32 $0xF900  }
0x1c2: {  	[hbm4b:s9+s3] =	stream.indirect_vreg.scatter [tilespmem:s23], [sflag:$0x4], $0x80, v57, vm0, $0xb8;
	[tilespmem:$0x10900] =	vst v63  }
0x1c3: {  	s30 =	simm.s32 $0x4;
	s26 =	simm.s32 $0x10100  }
0x1c4: {  	[hbm4b:s10+s3] =	stream.indirect_vreg.scatter [tilespmem:s26], [sflag:$0x4], $0x80, v57, vm0, $0xb8;
	[tilespmem:$0x10900] =	vst v63  }
0x1c5: {  	_ =	swait.ge [sflag:s30], $0x8000  }
0x1c6: {  	[sflag:s30] =	ssyncset.done $0x0  }
0x1c7: {  	[sflag:s30] =	ssyncadd.s32 $0xFFFF8000  }
0x1c8: {  	[tilespmem:$0x80] =	vst v10  }
0x1c9: {  	[tilespmem:$0x90] =	vst v11  }
0x1ca: {  	[tilespmem:s19], [sflag:$0x2] =	stream.indirect_vreg.gather [hbm4b:s4+s3], $0x80, v55, vm0, $0xb8;
	[tilespmem:$0x10900] =	vst v63  }
0x1cb: {  	_ = 	snop  }
0x1cc: {  	[tilespmem:s14], [sflag:$0x2] =	stream.indirect_vreg.gather [hbm4b:s5+s3], $0x80, v55, vm0, $0xb8;
	[tilespmem:$0x10900] =	vst v63  }
0x1cd: {  	_ = 	snop  }
0x1ce: {  	[tilespmem:s18], [sflag:$0x2] =	stream.indirect_vreg.gather [hbm4b:s6+s3], $0x80, v55, vm0, $0xb8;
	[tilespmem:$0x10900] =	vst v63  }
0x1cf: {  	_ = 	snop  }
0x1d0: {  	[tilespmem:s15], [sflag:$0x2] =	stream.indirect_vreg.gather [hbm4b:s7+s3], $0x80, v55, vm0, $0xb8;
	[tilespmem:$0x10900] =	vst v63  }
0x1d1: {  	_ = 	snop  }
0x1d2: {  	[tilespmem:s24], [sflag:$0x2] =	stream.indirect_vreg.gather [hbm4b:s4+s3], $0x80, v56, vm0, $0xb8;
	[tilespmem:$0x10900] =	vst v63  }
0x1d3: {  	_ = 	snop  }
0x1d4: {  	[tilespmem:s25], [sflag:$0x2] =	stream.indirect_vreg.gather [hbm4b:s5+s3], $0x80, v56, vm0, $0xb8;
	[tilespmem:$0x10900] =	vst v63  }
0x1d5: {  	_ = 	snop  }
0x1d6: {  	[tilespmem:s13], [sflag:$0x2] =	stream.indirect_vreg.gather [hbm4b:s6+s3], $0x80, v56, vm0, $0xb8;
	[tilespmem:$0x10900] =	vst v63  }
0x1d7: {  	_ = 	snop  }
0x1d8: {  	[tilespmem:s12], [sflag:$0x2] =	stream.indirect_vreg.gather [hbm4b:s7+s3], $0x80, v56, vm0, $0xb8;
	[tilespmem:$0x10900] =	vst v63  }
0x1d9: {  	v62 =	vld [tilespmem:$0x90];
	_ =	sdelay $0x4  }
0x1da: {  	v63 =	vshll.u32 v62, $0x3  }
0x1db: {  	v57 =	vand.u32 $0x7, v62;
	v58 =	vand.u32 $0xFFFFFFC0, v63  }
0x1dc: {  	v57 =	vor.u32 v57, v58  }
0x1dd: {  	v58 =	vperm.xlane v57, v41;
	_ =	sdelay $0x1  }
0x1de: {  	v58 =	vadd.s32 v42, v58;
	_ =	sdelay $0x4  }
0x1df: {  	[tilespmem:s16], [sflag:$0x2] =	stream.indirect_vreg.gather [hbm4b:s4+s3], $0x80, v58, vm0, $0xb8;
	[tilespmem:$0x10900] =	vst v63  }
0x1e0: {  	v57 =	vperm.xlane v57, v43  }
0x1e1: {  	[tilespmem:s0], [sflag:$0x2] =	stream.indirect_vreg.gather [hbm4b:s5+s3], $0x80, v58, vm0, $0xb8;
	[tilespmem:$0x10900] =	vst v63  }
0x1e2: {  	v57 =	vadd.s32 v42, v57  }
0x1e3: {  	[tilespmem:s1], [sflag:$0x2] =	stream.indirect_vreg.gather [hbm4b:s6+s3], $0x80, v58, vm0, $0xb8;
	[tilespmem:$0x10900] =	vst v63  }
0x1e4: {  	_ = 	snop  }
0x1e5: {  	[tilespmem:s2], [sflag:$0x2] =	stream.indirect_vreg.gather [hbm4b:s7+s3], $0x80, v58, vm0, $0xb8;
	[tilespmem:$0x10900] =	vst v63  }
0x1e6: {  	_ = 	snop  }
0x1e7: {  	[tilespmem:s11], [sflag:$0x2] =	stream.indirect_vreg.gather [hbm4b:s4+s3], $0x80, v57, vm0, $0xb8;
	[tilespmem:$0x10900] =	vst v63  }
0x1e8: {  	_ = 	snop  }
0x1e9: {  	[tilespmem:s17], [sflag:$0x2] =	stream.indirect_vreg.gather [hbm4b:s5+s3], $0x80, v57, vm0, $0xb8;
	[tilespmem:$0x10900] =	vst v63  }
0x1ea: {  	_ = 	snop  }
0x1eb: {  	[tilespmem:s23], [sflag:$0x2] =	stream.indirect_vreg.gather [hbm4b:s6+s3], $0x80, v57, vm0, $0xb8;
	[tilespmem:$0x10900] =	vst v63  }
0x1ec: {  	s19 =	simm.s32 $0x1  }
0x1ed: {  	[tilespmem:s26], [sflag:$0x2] =	stream.indirect_vreg.gather [hbm4b:s7+s3], $0x80, v57, vm0, $0xb8;
	[tilespmem:$0x10900] =	vst v63  }
0x1ee: {  	_ =	swait.ge [sflag:s19], $0x8000  }
0x1ef: {  	[sflag:s19] =	ssyncset.done $0x0  }
0x1f0: {  	[sflag:s19] =	ssyncadd.s32 $0xFFFF8000  }
0x1f1: {  	v60 =	vld [tilespmem:$0x300];
	_ =	sdelay $0x4  }
0x1f2: {  	v61 =	vshll.u32 v60, $0x3  }
0x1f3: {  	v57 =	vand.u32 $0x7, v60;
	v58 =	vand.u32 $0xFFFFFFC0, v61  }
0x1f4: {  	v57 =	vor.u32 v57, v58  }
0x1f5: {  	v58 =	vperm.xlane v57, v41;
	_ =	sdelay $0x1  }
0x1f6: {  	v58 =	vadd.s32 v42, v58;
	_ =	sdelay $0x3  }
0x1f7: {  	s21 =	simm.s32 $0x900  }
0x1f8: {  	[hbm4b:s20+s3] =	stream.indirect_vreg.scatter [tilespmem:s21], [sflag:$0x3], $0x80, v58, vm0, $0xb8;
	[tilespmem:$0x10900] =	vst v63  }
0x1f9: {  	s0 =	simm.s32 $0x1100;
	v57 =	vperm.xlane v57, v43  }
0x1fa: {  	[hbm4b:s8+s3] =	stream.indirect_vreg.scatter [tilespmem:s0], [sflag:$0x3], $0x80, v58, vm0, $0xb8;
	[tilespmem:$0x10900] =	vst v63  }
0x1fb: {  	s1 =	simm.s32 $0x1900;
	v57 =	vadd.s32 v42, v57  }
0x1fc: {  	[hbm4b:s9+s3] =	stream.indirect_vreg.scatter [tilespmem:s1], [sflag:$0x3], $0x80, v58, vm0, $0xb8;
	[tilespmem:$0x10900] =	vst v63  }
0x1fd: {  	s2 =	simm.s32 $0x2100  }
0x1fe: {  	[hbm4b:s10+s3] =	stream.indirect_vreg.scatter [tilespmem:s2], [sflag:$0x3], $0x80, v58, vm0, $0xb8;
	[tilespmem:$0x10900] =	vst v63  }
0x1ff: {  	s11 =	simm.s32 $0x2900  }
0x200: {  	[hbm4b:s20+s3] =	stream.indirect_vreg.scatter [tilespmem:s11], [sflag:$0x3], $0x80, v57, vm0, $0xb8;
	[tilespmem:$0x10900] =	vst v63  }
0x201: {  	s12 =	simm.s32 $0x3100  }
0x202: {  	[hbm4b:s8+s3] =	stream.indirect_vreg.scatter [tilespmem:s12], [sflag:$0x3], $0x80, v57, vm0, $0xb8;
	[tilespmem:$0x10900] =	vst v63  }
0x203: {  	s18 =	simm.s32 $0x3900  }
0x204: {  	[hbm4b:s9+s3] =	stream.indirect_vreg.scatter [tilespmem:s18], [sflag:$0x3], $0x80, v57, vm0, $0xb8;
	[tilespmem:$0x10900] =	vst v63  }
0x205: {  	s19 =	simm.s32 $0x4100  }
0x206: {  	[hbm4b:s10+s3] =	stream.indirect_vreg.scatter [tilespmem:s19], [sflag:$0x3], $0x80, v57, vm0, $0xb8;
	[tilespmem:$0x10900] =	vst v63  }
0x207: {  	v57 =	vld [tilespmem:$0x310];
	_ =	sdelay $0x4  }
0x208: {  	v62 =	vshll.u32 v57, $0x3  }
0x209: {  	v57 =	vand.u32 $0x7, v57;
	v58 =	vand.u32 $0xFFFFFFC0, v62  }
0x20a: {  	v57 =	vor.u32 v57, v58  }
0x20b: {  	v58 =	vperm.xlane v57, v41;
	_ =	sdelay $0x1  }
0x20c: {  	v58 =	vadd.s32 v42, v58;
	_ =	sdelay $0x3  }
0x20d: {  	s13 =	simm.s32 $0x4900  }
0x20e: {  	[hbm4b:s20+s3] =	stream.indirect_vreg.scatter [tilespmem:s13], [sflag:$0x3], $0x80, v58, vm0, $0xb8;
	[tilespmem:$0x10900] =	vst v63  }
0x20f: {  	s26 =	simm.s32 $0x5100;
	v57 =	vperm.xlane v57, v43  }
0x210: {  	[hbm4b:s8+s3] =	stream.indirect_vreg.scatter [tilespmem:s26], [sflag:$0x3], $0x80, v58, vm0, $0xb8;
	[tilespmem:$0x10900] =	vst v63  }
0x211: {  	s14 =	simm.s32 $0x5900;
	v57 =	vadd.s32 v42, v57  }
0x212: {  	[hbm4b:s9+s3] =	stream.indirect_vreg.scatter [tilespmem:s14], [sflag:$0x3], $0x80, v58, vm0, $0xb8;
	[tilespmem:$0x10900] =	vst v63  }
0x213: {  	s15 =	simm.s32 $0x6100  }
0x214: {  	[hbm4b:s10+s3] =	stream.indirect_vreg.scatter [tilespmem:s15], [sflag:$0x3], $0x80, v58, vm0, $0xb8;
	[tilespmem:$0x10900] =	vst v63  }
0x215: {  	s16 =	simm.s32 $0x6900  }
0x216: {  	[hbm4b:s20+s3] =	stream.indirect_vreg.scatter [tilespmem:s16], [sflag:$0x3], $0x80, v57, vm0, $0xb8;
	[tilespmem:$0x10900] =	vst v63  }
0x217: {  	s17 =	simm.s32 $0x7100  }
0x218: {  	[hbm4b:s8+s3] =	stream.indirect_vreg.scatter [tilespmem:s17], [sflag:$0x3], $0x80, v57, vm0, $0xb8;
	[tilespmem:$0x10900] =	vst v63  }
0x219: {  	s25 =	simm.s32 $0x7900  }
0x21a: {  	[hbm4b:s9+s3] =	stream.indirect_vreg.scatter [tilespmem:s25], [sflag:$0x3], $0x80, v57, vm0, $0xb8;
	[tilespmem:$0x10900] =	vst v63  }
0x21b: {  	s30 =	simm.s32 $0x8100;
	v63 =	vperm.xlane v14, v41;
	s23 =	simm.s32 $0x3  }
0x21c: {  	[hbm4b:s10+s3] =	stream.indirect_vreg.scatter [tilespmem:s30], [sflag:$0x3], $0x80, v57, vm0, $0xb8;
	[tilespmem:$0x10900] =	vst v63  }
0x21d: {  	v60 =	vadd.s32 v42, v63;
	_ =	swait.ge [sflag:s23], $0x8000  }
0x21e: {  	[sflag:s23] =	ssyncset.done $0x0  }
0x21f: {  	[sflag:s23] =	ssyncadd.s32 $0xFFFF8000  }
0x220: {  	[tilespmem:$0x0] =	vst v12  }
0x221: {  	[tilespmem:$0x10] =	vst v13  }
0x222: {  	[tilespmem:s21], [sflag:$0x1] =	stream.indirect_vreg.gather [hbm4b:s4+s3], $0x80, v60, vm0, $0xb8;
	[tilespmem:$0x10900] =	vst v63  }
0x223: {  	v61 =	vperm.xlane v14, v43  }
0x224: {  	[tilespmem:s0], [sflag:$0x1] =	stream.indirect_vreg.gather [hbm4b:s5+s3], $0x80, v60, vm0, $0xb8;
	[tilespmem:$0x10900] =	vst v63  }
0x225: {  	v58 =	vadd.s32 v42, v61  }
0x226: {  	[tilespmem:s1], [sflag:$0x1] =	stream.indirect_vreg.gather [hbm4b:s6+s3], $0x80, v60, vm0, $0xb8;
	[tilespmem:$0x10900] =	vst v63  }
0x227: {  	_ = 	snop  }
0x228: {  	[tilespmem:s2], [sflag:$0x1] =	stream.indirect_vreg.gather [hbm4b:s7+s3], $0x80, v60, vm0, $0xb8;
	[tilespmem:$0x10900] =	vst v63  }
0x229: {  	_ = 	snop  }
0x22a: {  	[tilespmem:s11], [sflag:$0x1] =	stream.indirect_vreg.gather [hbm4b:s4+s3], $0x80, v58, vm0, $0xb8;
	[tilespmem:$0x10900] =	vst v63  }
0x22b: {  	_ = 	snop  }
0x22c: {  	[tilespmem:s12], [sflag:$0x1] =	stream.indirect_vreg.gather [hbm4b:s5+s3], $0x80, v58, vm0, $0xb8;
	[tilespmem:$0x10900] =	vst v63  }
0x22d: {  	_ = 	snop  }
0x22e: {  	[tilespmem:s18], [sflag:$0x1] =	stream.indirect_vreg.gather [hbm4b:s6+s3], $0x80, v58, vm0, $0xb8;
	[tilespmem:$0x10900] =	vst v63  }
0x22f: {  	_ = 	snop  }
0x230: {  	[tilespmem:s19], [sflag:$0x1] =	stream.indirect_vreg.gather [hbm4b:s7+s3], $0x80, v58, vm0, $0xb8;
	[tilespmem:$0x10900] =	vst v63  }
0x231: {  	v57 =	vld [tilespmem:$0x10];
	_ =	sdelay $0x4  }
0x232: {  	v62 =	vshll.u32 v57, $0x3  }
0x233: {  	v57 =	vand.u32 $0x7, v57;
	v58 =	vand.u32 $0xFFFFFFC0, v62  }
0x234: {  	v57 =	vor.u32 v57, v58  }
0x235: {  	v58 =	vperm.xlane v57, v41;
	_ =	sdelay $0x1  }
0x236: {  	v58 =	vadd.s32 v42, v58;
	_ =	sdelay $0x4  }
0x237: {  	[tilespmem:s13], [sflag:$0x1] =	stream.indirect_vreg.gather [hbm4b:s4+s3], $0x80, v58, vm0, $0xb8;
	[tilespmem:$0x10900] =	vst v63  }
0x238: {  	v57 =	vperm.xlane v57, v43  }
0x239: {  	[tilespmem:s26], [sflag:$0x1] =	stream.indirect_vreg.gather [hbm4b:s5+s3], $0x80, v58, vm0, $0xb8;
	[tilespmem:$0x10900] =	vst v63  }
0x23a: {  	v57 =	vadd.s32 v42, v57  }
0x23b: {  	[tilespmem:s14], [sflag:$0x1] =	stream.indirect_vreg.gather [hbm4b:s6+s3], $0x80, v58, vm0, $0xb8;
	[tilespmem:$0x10900] =	vst v63  }
0x23c: {  	_ = 	snop  }
0x23d: {  	[tilespmem:s15], [sflag:$0x1] =	stream.indirect_vreg.gather [hbm4b:s7+s3], $0x80, v58, vm0, $0xb8;
	[tilespmem:$0x10900] =	vst v63  }
0x23e: {  	_ = 	snop  }
0x23f: {  	[tilespmem:s16], [sflag:$0x1] =	stream.indirect_vreg.gather [hbm4b:s4+s3], $0x80, v57, vm0, $0xb8;
	[tilespmem:$0x10900] =	vst v63  }
0x240: {  	_ = 	snop  }
0x241: {  	[tilespmem:s17], [sflag:$0x1] =	stream.indirect_vreg.gather [hbm4b:s5+s3], $0x80, v57, vm0, $0xb8;
	[tilespmem:$0x10900] =	vst v63  }
0x242: {  	_ = 	snop  }
0x243: {  	[tilespmem:s25], [sflag:$0x1] =	stream.indirect_vreg.gather [hbm4b:s6+s3], $0x80, v57, vm0, $0xb8;
	[tilespmem:$0x10900] =	vst v63  }
0x244: {  	_ = 	snop  }
0x245: {  	[tilespmem:s30], [sflag:$0x1] =	stream.indirect_vreg.gather [hbm4b:s7+s3], $0x80, v57, vm0, $0xb8;
	[tilespmem:$0x10900] =	vst v63  }
0x246: {  	_ =	swait.ge [sflag:s29], $0x8000  }
0x247: {  	[sflag:s29] =	ssyncset.done $0x0  }
0x248: {  	[sflag:s29] =	ssyncadd.s32 $0xFFFF8000  }
0x249: {  	v63 =	vld [tilespmem:$0x380];
	_ =	sdelay $0x4  }
0x24a: {  	v60 =	vshll.u32 v63, $0x3  }
0x24b: {  	v57 =	vand.u32 $0x7, v63;
	v58 =	vand.u32 $0xFFFFFFC0, v60  }
0x24c: {  	v57 =	vor.u32 v57, v58  }
0x24d: {  	v58 =	vperm.xlane v57, v41;
	_ =	sdelay $0x1  }
0x24e: {  	v58 =	vadd.s32 v42, v58;
	_ =	sdelay $0x3  }
0x24f: {  	s26 =	simm.s32 $0x8900  }
0x250: {  	[hbm4b:s20+s3] =	stream.indirect_vreg.scatter [tilespmem:s26], [sflag:$0x4], $0x80, v58, vm0, $0xb8;
	[tilespmem:$0x10900] =	vst v63  }
0x251: {  	s15 =	simm.s32 $0x9100;
	v57 =	vperm.xlane v57, v43  }
0x252: {  	[hbm4b:s8+s3] =	stream.indirect_vreg.scatter [tilespmem:s15], [sflag:$0x4], $0x80, v58, vm0, $0xb8;
	[tilespmem:$0x10900] =	vst v63  }
0x253: {  	s18 =	simm.s32 $0x9900;
	v57 =	vadd.s32 v42, v57  }
0x254: {  	[hbm4b:s9+s3] =	stream.indirect_vreg.scatter [tilespmem:s18], [sflag:$0x4], $0x80, v58, vm0, $0xb8;
	[tilespmem:$0x10900] =	vst v63  }
0x255: {  	s21 =	simm.s32 $0xA100  }
0x256: {  	[hbm4b:s10+s3] =	stream.indirect_vreg.scatter [tilespmem:s21], [sflag:$0x4], $0x80, v58, vm0, $0xb8;
	[tilespmem:$0x10900] =	vst v63  }
0x257: {  	s2 =	simm.s32 $0xA900  }
0x258: {  	[hbm4b:s20+s3] =	stream.indirect_vreg.scatter [tilespmem:s2], [sflag:$0x4], $0x80, v57, vm0, $0xb8;
	[tilespmem:$0x10900] =	vst v63  }
0x259: {  	s11 =	simm.s32 $0xB100  }
0x25a: {  	[hbm4b:s8+s3] =	stream.indirect_vreg.scatter [tilespmem:s11], [sflag:$0x4], $0x80, v57, vm0, $0xb8;
	[tilespmem:$0x10900] =	vst v63  }
0x25b: {  	s12 =	simm.s32 $0xB900  }
0x25c: {  	[hbm4b:s9+s3] =	stream.indirect_vreg.scatter [tilespmem:s12], [sflag:$0x4], $0x80, v57, vm0, $0xb8;
	[tilespmem:$0x10900] =	vst v63  }
0x25d: {  	s14 =	simm.s32 $0xC100  }
0x25e: {  	[hbm4b:s10+s3] =	stream.indirect_vreg.scatter [tilespmem:s14], [sflag:$0x4], $0x80, v57, vm0, $0xb8;
	[tilespmem:$0x10900] =	vst v63  }
0x25f: {  	v57 =	vld [tilespmem:$0x390];
	_ =	sdelay $0x4  }
0x260: {  	v61 =	vshll.u32 v57, $0x3  }
0x261: {  	v57 =	vand.u32 $0x7, v57;
	v58 =	vand.u32 $0xFFFFFFC0, v61  }
0x262: {  	v57 =	vor.u32 v57, v58  }
0x263: {  	v58 =	vperm.xlane v57, v41;
	_ =	sdelay $0x1  }
0x264: {  	v58 =	vadd.s32 v42, v58;
	_ =	sdelay $0x3  }
0x265: {  	s19 =	simm.s32 $0xC900  }
0x266: {  	[hbm4b:s20+s3] =	stream.indirect_vreg.scatter [tilespmem:s19], [sflag:$0x4], $0x80, v58, vm0, $0xb8;
	[tilespmem:$0x10900] =	vst v63  }
0x267: {  	s25 =	simm.s32 $0xD100;
	v57 =	vperm.xlane v57, v43  }
0x268: {  	[hbm4b:s8+s3] =	stream.indirect_vreg.scatter [tilespmem:s25], [sflag:$0x4], $0x80, v58, vm0, $0xb8;
	[tilespmem:$0x10900] =	vst v63  }
0x269: {  	s0 =	simm.s32 $0xD900;
	v57 =	vadd.s32 v42, v57  }
0x26a: {  	[hbm4b:s9+s3] =	stream.indirect_vreg.scatter [tilespmem:s0], [sflag:$0x4], $0x80, v58, vm0, $0xb8;
	[tilespmem:$0x10900] =	vst v63  }
0x26b: {  	s1 =	simm.s32 $0xE100  }
0x26c: {  	[hbm4b:s10+s3] =	stream.indirect_vreg.scatter [tilespmem:s1], [sflag:$0x4], $0x80, v58, vm0, $0xb8;
	[tilespmem:$0x10900] =	vst v63  }
0x26d: {  	s13 =	simm.s32 $0xE900  }
0x26e: {  	[hbm4b:s20+s3] =	stream.indirect_vreg.scatter [tilespmem:s13], [sflag:$0x4], $0x80, v57, vm0, $0xb8;
	[tilespmem:$0x10900] =	vst v63  }
0x26f: {  	s23 =	simm.s32 $0xF100  }
0x270: {  	[hbm4b:s8+s3] =	stream.indirect_vreg.scatter [tilespmem:s23], [sflag:$0x4], $0x80, v57, vm0, $0xb8;
	[tilespmem:$0x10900] =	vst v63  }
0x271: {  	s24 =	simm.s32 $0xF900  }
0x272: {  	[hbm4b:s9+s3] =	stream.indirect_vreg.scatter [tilespmem:s24], [sflag:$0x4], $0x80, v57, vm0, $0xb8;
	[tilespmem:$0x10900] =	vst v63  }
0x273: {  	s28 =	simm.s32 $0x4;
	v62 =	vperm.xlane v17, v41;
	s30 =	simm.s32 $0x10100  }
0x274: {  	[hbm4b:s10+s3] =	stream.indirect_vreg.scatter [tilespmem:s30], [sflag:$0x4], $0x80, v57, vm0, $0xb8;
	[tilespmem:$0x10900] =	vst v63  }
0x275: {  	v63 =	vadd.s32 v42, v62;
	_ =	swait.ge [sflag:s28], $0x8000  }
0x276: {  	[sflag:s28] =	ssyncset.done $0x0  }
0x277: {  	[sflag:s28] =	ssyncadd.s32 $0xFFFF8000  }
0x278: {  	[tilespmem:$0x80] =	vst v15  }
0x279: {  	[tilespmem:$0x90] =	vst v16  }
0x27a: {  	[tilespmem:s26], [sflag:$0x2] =	stream.indirect_vreg.gather [hbm4b:s4+s3], $0x80, v63, vm0, $0xb8;
	[tilespmem:$0x10900] =	vst v63  }
0x27b: {  	v60 =	vperm.xlane v17, v43  }
0x27c: {  	[tilespmem:s15], [sflag:$0x2] =	stream.indirect_vreg.gather [hbm4b:s5+s3], $0x80, v63, vm0, $0xb8;
	[tilespmem:$0x10900] =	vst v63  }
0x27d: {  	v58 =	vadd.s32 v42, v60  }
0x27e: {  	[tilespmem:s18], [sflag:$0x2] =	stream.indirect_vreg.gather [hbm4b:s6+s3], $0x80, v63, vm0, $0xb8;
	[tilespmem:$0x10900] =	vst v63  }
0x27f: {  	_ = 	snop  }
0x280: {  	[tilespmem:s21], [sflag:$0x2] =	stream.indirect_vreg.gather [hbm4b:s7+s3], $0x80, v63, vm0, $0xb8;
	[tilespmem:$0x10900] =	vst v63  }
0x281: {  	_ = 	snop  }
0x282: {  	[tilespmem:s2], [sflag:$0x2] =	stream.indirect_vreg.gather [hbm4b:s4+s3], $0x80, v58, vm0, $0xb8;
	[tilespmem:$0x10900] =	vst v63  }
0x283: {  	_ = 	snop  }
0x284: {  	[tilespmem:s11], [sflag:$0x2] =	stream.indirect_vreg.gather [hbm4b:s5+s3], $0x80, v58, vm0, $0xb8;
	[tilespmem:$0x10900] =	vst v63  }
0x285: {  	_ = 	snop  }
0x286: {  	[tilespmem:s12], [sflag:$0x2] =	stream.indirect_vreg.gather [hbm4b:s6+s3], $0x80, v58, vm0, $0xb8;
	[tilespmem:$0x10900] =	vst v63  }
0x287: {  	_ = 	snop  }
0x288: {  	[tilespmem:s14], [sflag:$0x2] =	stream.indirect_vreg.gather [hbm4b:s7+s3], $0x80, v58, vm0, $0xb8;
	[tilespmem:$0x10900] =	vst v63  }
0x289: {  	v57 =	vld [tilespmem:$0x90];
	_ =	sdelay $0x4  }
0x28a: {  	v61 =	vshll.u32 v57, $0x3  }
0x28b: {  	v57 =	vand.u32 $0x7, v57;
	v58 =	vand.u32 $0xFFFFFFC0, v61  }
0x28c: {  	v57 =	vor.u32 v57, v58  }
0x28d: {  	v58 =	vperm.xlane v57, v41;
	_ =	sdelay $0x1  }
0x28e: {  	v58 =	vadd.s32 v42, v58;
	_ =	sdelay $0x4  }
0x28f: {  	[tilespmem:s19], [sflag:$0x2] =	stream.indirect_vreg.gather [hbm4b:s4+s3], $0x80, v58, vm0, $0xb8;
	[tilespmem:$0x10900] =	vst v63  }
0x290: {  	v57 =	vperm.xlane v57, v43  }
0x291: {  	[tilespmem:s25], [sflag:$0x2] =	stream.indirect_vreg.gather [hbm4b:s5+s3], $0x80, v58, vm0, $0xb8;
	[tilespmem:$0x10900] =	vst v63  }
0x292: {  	v57 =	vadd.s32 v42, v57  }
0x293: {  	[tilespmem:s0], [sflag:$0x2] =	stream.indirect_vreg.gather [hbm4b:s6+s3], $0x80, v58, vm0, $0xb8;
	[tilespmem:$0x10900] =	vst v63  }
0x294: {  	_ = 	snop  }
0x295: {  	[tilespmem:s1], [sflag:$0x2] =	stream.indirect_vreg.gather [hbm4b:s7+s3], $0x80, v58, vm0, $0xb8;
	[tilespmem:$0x10900] =	vst v63  }
0x296: {  	_ = 	snop  }
0x297: {  	[tilespmem:s13], [sflag:$0x2] =	stream.indirect_vreg.gather [hbm4b:s4+s3], $0x80, v57, vm0, $0xb8;
	[tilespmem:$0x10900] =	vst v63  }
0x298: {  	_ = 	snop  }
0x299: {  	[tilespmem:s23], [sflag:$0x2] =	stream.indirect_vreg.gather [hbm4b:s5+s3], $0x80, v57, vm0, $0xb8;
	[tilespmem:$0x10900] =	vst v63  }
0x29a: {  	_ = 	snop  }
0x29b: {  	[tilespmem:s24], [sflag:$0x2] =	stream.indirect_vreg.gather [hbm4b:s6+s3], $0x80, v57, vm0, $0xb8;
	[tilespmem:$0x10900] =	vst v63  }
0x29c: {  	s31 =	simm.s32 $0x1  }
0x29d: {  	[tilespmem:s30], [sflag:$0x2] =	stream.indirect_vreg.gather [hbm4b:s7+s3], $0x80, v57, vm0, $0xb8;
	[tilespmem:$0x10900] =	vst v63  }
0x29e: {  	_ =	swait.ge [sflag:s31], $0x8000  }
0x29f: {  	[sflag:s31] =	ssyncset.done $0x0  }
0x2a0: {  	[sflag:s31] =	ssyncadd.s32 $0xFFFF8000  }
0x2a1: {  	v62 =	vld [tilespmem:$0x400];
	_ =	sdelay $0x4  }
0x2a2: {  	v63 =	vshll.u32 v62, $0x3  }
0x2a3: {  	v57 =	vand.u32 $0x7, v62;
	v58 =	vand.u32 $0xFFFFFFC0, v63  }
0x2a4: {  	v57 =	vor.u32 v57, v58  }
0x2a5: {  	v58 =	vperm.xlane v57, v41;
	_ =	sdelay $0x1  }
0x2a6: {  	v58 =	vadd.s32 v42, v58;
	_ =	sdelay $0x3  }
0x2a7: {  	s21 =	simm.s32 $0x900  }
0x2a8: {  	[hbm4b:s20+s3] =	stream.indirect_vreg.scatter [tilespmem:s21], [sflag:$0x3], $0x80, v58, vm0, $0xb8;
	[tilespmem:$0x10900] =	vst v63  }
0x2a9: {  	s18 =	simm.s32 $0x1100;
	v57 =	vperm.xlane v57, v43  }
0x2aa: {  	[hbm4b:s8+s3] =	stream.indirect_vreg.scatter [tilespmem:s18], [sflag:$0x3], $0x80, v58, vm0, $0xb8;
	[tilespmem:$0x10900] =	vst v63  }
0x2ab: {  	s19 =	simm.s32 $0x1900;
	v57 =	vadd.s32 v42, v57  }
0x2ac: {  	[hbm4b:s9+s3] =	stream.indirect_vreg.scatter [tilespmem:s19], [sflag:$0x3], $0x80, v58, vm0, $0xb8;
	[tilespmem:$0x10900] =	vst v63  }
0x2ad: {  	s0 =	simm.s32 $0x2100  }
0x2ae: {  	[hbm4b:s10+s3] =	stream.indirect_vreg.scatter [tilespmem:s0], [sflag:$0x3], $0x80, v58, vm0, $0xb8;
	[tilespmem:$0x10900] =	vst v63  }
0x2af: {  	s1 =	simm.s32 $0x2900  }
0x2b0: {  	[hbm4b:s20+s3] =	stream.indirect_vreg.scatter [tilespmem:s1], [sflag:$0x3], $0x80, v57, vm0, $0xb8;
	[tilespmem:$0x10900] =	vst v63  }
0x2b1: {  	s2 =	simm.s32 $0x3100  }
0x2b2: {  	[hbm4b:s8+s3] =	stream.indirect_vreg.scatter [tilespmem:s2], [sflag:$0x3], $0x80, v57, vm0, $0xb8;
	[tilespmem:$0x10900] =	vst v63  }
0x2b3: {  	s16 =	simm.s32 $0x3900  }
0x2b4: {  	[hbm4b:s9+s3] =	stream.indirect_vreg.scatter [tilespmem:s16], [sflag:$0x3], $0x80, v57, vm0, $0xb8;
	[tilespmem:$0x10900] =	vst v63  }
0x2b5: {  	s17 =	simm.s32 $0x4100  }
0x2b6: {  	[hbm4b:s10+s3] =	stream.indirect_vreg.scatter [tilespmem:s17], [sflag:$0x3], $0x80, v57, vm0, $0xb8;
	[tilespmem:$0x10900] =	vst v63  }
0x2b7: {  	v57 =	vld [tilespmem:$0x410];
	_ =	sdelay $0x4  }
0x2b8: {  	v60 =	vshll.u32 v57, $0x3  }
0x2b9: {  	v57 =	vand.u32 $0x7, v57;
	v58 =	vand.u32 $0xFFFFFFC0, v60  }
0x2ba: {  	v57 =	vor.u32 v57, v58  }
0x2bb: {  	v58 =	vperm.xlane v57, v41;
	_ =	sdelay $0x1  }
0x2bc: {  	v58 =	vadd.s32 v42, v58;
	_ =	sdelay $0x3  }
0x2bd: {  	s25 =	simm.s32 $0x4900  }
0x2be: {  	[hbm4b:s20+s3] =	stream.indirect_vreg.scatter [tilespmem:s25], [sflag:$0x3], $0x80, v58, vm0, $0xb8;
	[tilespmem:$0x10900] =	vst v63  }
0x2bf: {  	s11 =	simm.s32 $0x5100;
	v57 =	vperm.xlane v57, v43  }
0x2c0: {  	[hbm4b:s8+s3] =	stream.indirect_vreg.scatter [tilespmem:s11], [sflag:$0x3], $0x80, v58, vm0, $0xb8;
	[tilespmem:$0x10900] =	vst v63  }
0x2c1: {  	s12 =	simm.s32 $0x5900;
	v57 =	vadd.s32 v42, v57  }
0x2c2: {  	[hbm4b:s9+s3] =	stream.indirect_vreg.scatter [tilespmem:s12], [sflag:$0x3], $0x80, v58, vm0, $0xb8;
	[tilespmem:$0x10900] =	vst v63  }
0x2c3: {  	s13 =	simm.s32 $0x6100  }
0x2c4: {  	[hbm4b:s10+s3] =	stream.indirect_vreg.scatter [tilespmem:s13], [sflag:$0x3], $0x80, v58, vm0, $0xb8;
	[tilespmem:$0x10900] =	vst v63  }
0x2c5: {  	s14 =	simm.s32 $0x6900  }
0x2c6: {  	[hbm4b:s20+s3] =	stream.indirect_vreg.scatter [tilespmem:s14], [sflag:$0x3], $0x80, v57, vm0, $0xb8;
	[tilespmem:$0x10900] =	vst v63  }
0x2c7: {  	s15 =	simm.s32 $0x7100  }
0x2c8: {  	[hbm4b:s8+s3] =	stream.indirect_vreg.scatter [tilespmem:s15], [sflag:$0x3], $0x80, v57, vm0, $0xb8;
	[tilespmem:$0x10900] =	vst v63  }
0x2c9: {  	s24 =	simm.s32 $0x7900  }
0x2ca: {  	[hbm4b:s9+s3] =	stream.indirect_vreg.scatter [tilespmem:s24], [sflag:$0x3], $0x80, v57, vm0, $0xb8;
	[tilespmem:$0x10900] =	vst v63  }
0x2cb: {  	s26 =	simm.s32 $0x3;
	v61 =	vperm.xlane v20, v41;
	s30 =	simm.s32 $0x8100  }
0x2cc: {  	[hbm4b:s10+s3] =	stream.indirect_vreg.scatter [tilespmem:s30], [sflag:$0x3], $0x80, v57, vm0, $0xb8;
	[tilespmem:$0x10900] =	vst v63  }
0x2cd: {  	v62 =	vadd.s32 v42, v61;
	_ =	swait.ge [sflag:s26], $0x8000  }
0x2ce: {  	[sflag:s26] =	ssyncset.done $0x0  }
0x2cf: {  	[sflag:s26] =	ssyncadd.s32 $0xFFFF8000  }
0x2d0: {  	[tilespmem:$0x0] =	vst v18  }
0x2d1: {  	[tilespmem:$0x10] =	vst v19  }
0x2d2: {  	[tilespmem:s21], [sflag:$0x1] =	stream.indirect_vreg.gather [hbm4b:s4+s3], $0x80, v62, vm0, $0xb8;
	[tilespmem:$0x10900] =	vst v63  }
0x2d3: {  	v63 =	vperm.xlane v20, v43  }
0x2d4: {  	[tilespmem:s18], [sflag:$0x1] =	stream.indirect_vreg.gather [hbm4b:s5+s3], $0x80, v62, vm0, $0xb8;
	[tilespmem:$0x10900] =	vst v63  }
0x2d5: {  	v58 =	vadd.s32 v42, v63  }
0x2d6: {  	[tilespmem:s19], [sflag:$0x1] =	stream.indirect_vreg.gather [hbm4b:s6+s3], $0x80, v62, vm0, $0xb8;
	[tilespmem:$0x10900] =	vst v63  }
0x2d7: {  	_ = 	snop  }
0x2d8: {  	[tilespmem:s0], [sflag:$0x1] =	stream.indirect_vreg.gather [hbm4b:s7+s3], $0x80, v62, vm0, $0xb8;
	[tilespmem:$0x10900] =	vst v63  }
0x2d9: {  	_ = 	snop  }
0x2da: {  	[tilespmem:s1], [sflag:$0x1] =	stream.indirect_vreg.gather [hbm4b:s4+s3], $0x80, v58, vm0, $0xb8;
	[tilespmem:$0x10900] =	vst v63  }
0x2db: {  	_ = 	snop  }
0x2dc: {  	[tilespmem:s2], [sflag:$0x1] =	stream.indirect_vreg.gather [hbm4b:s5+s3], $0x80, v58, vm0, $0xb8;
	[tilespmem:$0x10900] =	vst v63  }
0x2dd: {  	_ = 	snop  }
0x2de: {  	[tilespmem:s16], [sflag:$0x1] =	stream.indirect_vreg.gather [hbm4b:s6+s3], $0x80, v58, vm0, $0xb8;
	[tilespmem:$0x10900] =	vst v63  }
0x2df: {  	_ = 	snop  }
0x2e0: {  	[tilespmem:s17], [sflag:$0x1] =	stream.indirect_vreg.gather [hbm4b:s7+s3], $0x80, v58, vm0, $0xb8;
	[tilespmem:$0x10900] =	vst v63  }
0x2e1: {  	v57 =	vld [tilespmem:$0x10];
	_ =	sdelay $0x4  }
0x2e2: {  	v60 =	vshll.u32 v57, $0x3  }
0x2e3: {  	v57 =	vand.u32 $0x7, v57;
	v58 =	vand.u32 $0xFFFFFFC0, v60  }
0x2e4: {  	v57 =	vor.u32 v57, v58  }
0x2e5: {  	v58 =	vperm.xlane v57, v41;
	_ =	sdelay $0x1  }
0x2e6: {  	v58 =	vadd.s32 v42, v58;
	_ =	sdelay $0x4  }
0x2e7: {  	[tilespmem:s25], [sflag:$0x1] =	stream.indirect_vreg.gather [hbm4b:s4+s3], $0x80, v58, vm0, $0xb8;
	[tilespmem:$0x10900] =	vst v63  }
0x2e8: {  	v57 =	vperm.xlane v57, v43  }
0x2e9: {  	[tilespmem:s11], [sflag:$0x1] =	stream.indirect_vreg.gather [hbm4b:s5+s3], $0x80, v58, vm0, $0xb8;
	[tilespmem:$0x10900] =	vst v63  }
0x2ea: {  	v57 =	vadd.s32 v42, v57  }
0x2eb: {  	[tilespmem:s12], [sflag:$0x1] =	stream.indirect_vreg.gather [hbm4b:s6+s3], $0x80, v58, vm0, $0xb8;
	[tilespmem:$0x10900] =	vst v63  }
0x2ec: {  	_ = 	snop  }
0x2ed: {  	[tilespmem:s13], [sflag:$0x1] =	stream.indirect_vreg.gather [hbm4b:s7+s3], $0x80, v58, vm0, $0xb8;
	[tilespmem:$0x10900] =	vst v63  }
0x2ee: {  	_ = 	snop  }
0x2ef: {  	[tilespmem:s14], [sflag:$0x1] =	stream.indirect_vreg.gather [hbm4b:s4+s3], $0x80, v57, vm0, $0xb8;
	[tilespmem:$0x10900] =	vst v63  }
0x2f0: {  	_ = 	snop  }
0x2f1: {  	[tilespmem:s15], [sflag:$0x1] =	stream.indirect_vreg.gather [hbm4b:s5+s3], $0x80, v57, vm0, $0xb8;
	[tilespmem:$0x10900] =	vst v63  }
0x2f2: {  	_ = 	snop  }
0x2f3: {  	[tilespmem:s24], [sflag:$0x1] =	stream.indirect_vreg.gather [hbm4b:s6+s3], $0x80, v57, vm0, $0xb8;
	[tilespmem:$0x10900] =	vst v63  }
0x2f4: {  	_ = 	snop  }
0x2f5: {  	[tilespmem:s30], [sflag:$0x1] =	stream.indirect_vreg.gather [hbm4b:s7+s3], $0x80, v57, vm0, $0xb8;
	[tilespmem:$0x10900] =	vst v63  }
0x2f6: {  	_ =	swait.ge [sflag:s29], $0x8000  }
0x2f7: {  	[sflag:s29] =	ssyncset.done $0x0  }
0x2f8: {  	[sflag:s29] =	ssyncadd.s32 $0xFFFF8000  }
0x2f9: {  	v61 =	vld [tilespmem:$0x480];
	_ =	sdelay $0x4  }
0x2fa: {  	v62 =	vshll.u32 v61, $0x3  }
0x2fb: {  	v57 =	vand.u32 $0x7, v61;
	v58 =	vand.u32 $0xFFFFFFC0, v62  }
0x2fc: {  	v57 =	vor.u32 v57, v58  }
0x2fd: {  	v58 =	vperm.xlane v57, v41;
	_ =	sdelay $0x1  }
0x2fe: {  	v58 =	vadd.s32 v42, v58;
	_ =	sdelay $0x3  }
0x2ff: {  	s15 =	simm.s32 $0x8900  }
0x300: {  	[hbm4b:s20+s3] =	stream.indirect_vreg.scatter [tilespmem:s15], [sflag:$0x4], $0x80, v58, vm0, $0xb8;
	[tilespmem:$0x10900] =	vst v63  }
0x301: {  	s21 =	simm.s32 $0x9100;
	v57 =	vperm.xlane v57, v43  }
0x302: {  	[hbm4b:s8+s3] =	stream.indirect_vreg.scatter [tilespmem:s21], [sflag:$0x4], $0x80, v58, vm0, $0xb8;
	[tilespmem:$0x10900] =	vst v63  }
0x303: {  	s22 =	simm.s32 $0x9900;
	v57 =	vadd.s32 v42, v57  }
0x304: {  	[hbm4b:s9+s3] =	stream.indirect_vreg.scatter [tilespmem:s22], [sflag:$0x4], $0x80, v58, vm0, $0xb8;
	[tilespmem:$0x10900] =	vst v63  }
0x305: {  	s14 =	simm.s32 $0xA100  }
0x306: {  	[hbm4b:s10+s3] =	stream.indirect_vreg.scatter [tilespmem:s14], [sflag:$0x4], $0x80, v58, vm0, $0xb8;
	[tilespmem:$0x10900] =	vst v63  }
0x307: {  	s19 =	simm.s32 $0xA900  }
0x308: {  	[hbm4b:s20+s3] =	stream.indirect_vreg.scatter [tilespmem:s19], [sflag:$0x4], $0x80, v57, vm0, $0xb8;
	[tilespmem:$0x10900] =	vst v63  }
0x309: {  	s2 =	simm.s32 $0xB100  }
0x30a: {  	[hbm4b:s8+s3] =	stream.indirect_vreg.scatter [tilespmem:s2], [sflag:$0x4], $0x80, v57, vm0, $0xb8;
	[tilespmem:$0x10900] =	vst v63  }
0x30b: {  	s18 =	simm.s32 $0xB900  }
0x30c: {  	[hbm4b:s9+s3] =	stream.indirect_vreg.scatter [tilespmem:s18], [sflag:$0x4], $0x80, v57, vm0, $0xb8;
	[tilespmem:$0x10900] =	vst v63  }
0x30d: {  	s1 =	simm.s32 $0xC100  }
0x30e: {  	[hbm4b:s10+s3] =	stream.indirect_vreg.scatter [tilespmem:s1], [sflag:$0x4], $0x80, v57, vm0, $0xb8;
	[tilespmem:$0x10900] =	vst v63  }
0x30f: {  	v57 =	vld [tilespmem:$0x490];
	_ =	sdelay $0x4  }
0x310: {  	v63 =	vshll.u32 v57, $0x3  }
0x311: {  	v57 =	vand.u32 $0x7, v57;
	v58 =	vand.u32 $0xFFFFFFC0, v63  }
0x312: {  	v57 =	vor.u32 v57, v58  }
0x313: {  	v58 =	vperm.xlane v57, v41;
	_ =	sdelay $0x1  }
0x314: {  	v58 =	vadd.s32 v42, v58;
	_ =	sdelay $0x3  }
0x315: {  	s11 =	simm.s32 $0xC900  }
0x316: {  	[hbm4b:s20+s3] =	stream.indirect_vreg.scatter [tilespmem:s11], [sflag:$0x4], $0x80, v58, vm0, $0xb8;
	[tilespmem:$0x10900] =	vst v63  }
0x317: {  	s13 =	simm.s32 $0xD100;
	v57 =	vperm.xlane v57, v43  }
0x318: {  	[hbm4b:s8+s3] =	stream.indirect_vreg.scatter [tilespmem:s13], [sflag:$0x4], $0x80, v58, vm0, $0xb8;
	[tilespmem:$0x10900] =	vst v63  }
0x319: {  	s17 =	simm.s32 $0xD900;
	v57 =	vadd.s32 v42, v57  }
0x31a: {  	[hbm4b:s9+s3] =	stream.indirect_vreg.scatter [tilespmem:s17], [sflag:$0x4], $0x80, v58, vm0, $0xb8;
	[tilespmem:$0x10900] =	vst v63  }
0x31b: {  	s0 =	simm.s32 $0xE100  }
0x31c: {  	[hbm4b:s10+s3] =	stream.indirect_vreg.scatter [tilespmem:s0], [sflag:$0x4], $0x80, v58, vm0, $0xb8;
	[tilespmem:$0x10900] =	vst v63  }
0x31d: {  	s12 =	simm.s32 $0xE900  }
0x31e: {  	[hbm4b:s20+s3] =	stream.indirect_vreg.scatter [tilespmem:s12], [sflag:$0x4], $0x80, v57, vm0, $0xb8;
	[tilespmem:$0x10900] =	vst v63  }
0x31f: {  	s23 =	simm.s32 $0xF100  }
0x320: {  	[hbm4b:s8+s3] =	stream.indirect_vreg.scatter [tilespmem:s23], [sflag:$0x4], $0x80, v57, vm0, $0xb8;
	[tilespmem:$0x10900] =	vst v63  }
0x321: {  	s24 =	simm.s32 $0xF900  }
0x322: {  	[hbm4b:s9+s3] =	stream.indirect_vreg.scatter [tilespmem:s24], [sflag:$0x4], $0x80, v57, vm0, $0xb8;
	[tilespmem:$0x10900] =	vst v63  }
0x323: {  	s26 =	simm.s32 $0x10100;
	v60 =	vperm.xlane v23, v41  }
0x324: {  	[hbm4b:s10+s3] =	stream.indirect_vreg.scatter [tilespmem:s26], [sflag:$0x4], $0x80, v57, vm0, $0xb8;
	[tilespmem:$0x10900] =	vst v63  }
0x325: {  	v61 =	vadd.s32 v42, v60;
	_ =	swait.ge [sflag:s28], $0x8000  }
0x326: {  	[sflag:s28] =	ssyncset.done $0x0  }
0x327: {  	[sflag:s28] =	ssyncadd.s32 $0xFFFF8000  }
0x328: {  	[tilespmem:$0x80] =	vst v21  }
0x329: {  	[tilespmem:$0x90] =	vst v22  }
0x32a: {  	[tilespmem:s15], [sflag:$0x2] =	stream.indirect_vreg.gather [hbm4b:s4+s3], $0x80, v61, vm0, $0xb8;
	[tilespmem:$0x10900] =	vst v63  }
0x32b: {  	v62 =	vperm.xlane v23, v43  }
0x32c: {  	[tilespmem:s21], [sflag:$0x2] =	stream.indirect_vreg.gather [hbm4b:s5+s3], $0x80, v61, vm0, $0xb8;
	[tilespmem:$0x10900] =	vst v63  }
0x32d: {  	v58 =	vadd.s32 v42, v62  }
0x32e: {  	[tilespmem:s22], [sflag:$0x2] =	stream.indirect_vreg.gather [hbm4b:s6+s3], $0x80, v61, vm0, $0xb8;
	[tilespmem:$0x10900] =	vst v63  }
0x32f: {  	_ = 	snop  }
0x330: {  	[tilespmem:s14], [sflag:$0x2] =	stream.indirect_vreg.gather [hbm4b:s7+s3], $0x80, v61, vm0, $0xb8;
	[tilespmem:$0x10900] =	vst v63  }
0x331: {  	_ = 	snop  }
0x332: {  	[tilespmem:s19], [sflag:$0x2] =	stream.indirect_vreg.gather [hbm4b:s4+s3], $0x80, v58, vm0, $0xb8;
	[tilespmem:$0x10900] =	vst v63  }
0x333: {  	_ = 	snop  }
0x334: {  	[tilespmem:s2], [sflag:$0x2] =	stream.indirect_vreg.gather [hbm4b:s5+s3], $0x80, v58, vm0, $0xb8;
	[tilespmem:$0x10900] =	vst v63  }
0x335: {  	_ = 	snop  }
0x336: {  	[tilespmem:s18], [sflag:$0x2] =	stream.indirect_vreg.gather [hbm4b:s6+s3], $0x80, v58, vm0, $0xb8;
	[tilespmem:$0x10900] =	vst v63  }
0x337: {  	_ = 	snop  }
0x338: {  	[tilespmem:s1], [sflag:$0x2] =	stream.indirect_vreg.gather [hbm4b:s7+s3], $0x80, v58, vm0, $0xb8;
	[tilespmem:$0x10900] =	vst v63  }
0x339: {  	v57 =	vld [tilespmem:$0x90];
	_ =	sdelay $0x4  }
0x33a: {  	v63 =	vshll.u32 v57, $0x3  }
0x33b: {  	v57 =	vand.u32 $0x7, v57;
	v58 =	vand.u32 $0xFFFFFFC0, v63  }
0x33c: {  	v57 =	vor.u32 v57, v58  }
0x33d: {  	v58 =	vperm.xlane v57, v41;
	_ =	sdelay $0x1  }
0x33e: {  	v58 =	vadd.s32 v42, v58;
	_ =	sdelay $0x4  }
0x33f: {  	[tilespmem:s11], [sflag:$0x2] =	stream.indirect_vreg.gather [hbm4b:s4+s3], $0x80, v58, vm0, $0xb8;
	[tilespmem:$0x10900] =	vst v63  }
0x340: {  	v57 =	vperm.xlane v57, v43  }
0x341: {  	[tilespmem:s13], [sflag:$0x2] =	stream.indirect_vreg.gather [hbm4b:s5+s3], $0x80, v58, vm0, $0xb8;
	[tilespmem:$0x10900] =	vst v63  }
0x342: {  	v57 =	vadd.s32 v42, v57  }
0x343: {  	[tilespmem:s17], [sflag:$0x2] =	stream.indirect_vreg.gather [hbm4b:s6+s3], $0x80, v58, vm0, $0xb8;
	[tilespmem:$0x10900] =	vst v63  }
0x344: {  	_ = 	snop  }
0x345: {  	[tilespmem:s0], [sflag:$0x2] =	stream.indirect_vreg.gather [hbm4b:s7+s3], $0x80, v58, vm0, $0xb8;
	[tilespmem:$0x10900] =	vst v63  }
0x346: {  	_ = 	snop  }
0x347: {  	[tilespmem:s12], [sflag:$0x2] =	stream.indirect_vreg.gather [hbm4b:s4+s3], $0x80, v57, vm0, $0xb8;
	[tilespmem:$0x10900] =	vst v63  }
0x348: {  	_ = 	snop  }
0x349: {  	[tilespmem:s23], [sflag:$0x2] =	stream.indirect_vreg.gather [hbm4b:s5+s3], $0x80, v57, vm0, $0xb8;
	[tilespmem:$0x10900] =	vst v63  }
0x34a: {  	_ = 	snop  }
0x34b: {  	[tilespmem:s24], [sflag:$0x2] =	stream.indirect_vreg.gather [hbm4b:s6+s3], $0x80, v57, vm0, $0xb8;
	[tilespmem:$0x10900] =	vst v63  }
0x34c: {  	_ = 	snop  }
0x34d: {  	[tilespmem:s26], [sflag:$0x2] =	stream.indirect_vreg.gather [hbm4b:s7+s3], $0x80, v57, vm0, $0xb8;
	[tilespmem:$0x10900] =	vst v63  }
0x34e: {  	_ =	swait.ge [sflag:s31], $0x8000  }
0x34f: {  	[sflag:s31] =	ssyncset.done $0x0  }
0x350: {  	[sflag:s31] =	ssyncadd.s32 $0xFFFF8000  }
0x351: {  	v60 =	vld [tilespmem:$0x500];
	_ =	sdelay $0x4  }
0x352: {  	v61 =	vshll.u32 v60, $0x3  }
0x353: {  	v57 =	vand.u32 $0x7, v60;
	v58 =	vand.u32 $0xFFFFFFC0, v61  }
0x354: {  	v57 =	vor.u32 v57, v58  }
0x355: {  	v58 =	vperm.xlane v57, v41;
	_ =	sdelay $0x1  }
0x356: {  	v58 =	vadd.s32 v42, v58;
	_ =	sdelay $0x3  }
0x357: {  	s23 =	simm.s32 $0x900  }
0x358: {  	[hbm4b:s20+s3] =	stream.indirect_vreg.scatter [tilespmem:s23], [sflag:$0x3], $0x80, v58, vm0, $0xb8;
	[tilespmem:$0x10900] =	vst v63  }
0x359: {  	s22 =	simm.s32 $0x1100;
	v57 =	vperm.xlane v57, v43  }
0x35a: {  	[hbm4b:s8+s3] =	stream.indirect_vreg.scatter [tilespmem:s22], [sflag:$0x3], $0x80, v58, vm0, $0xb8;
	[tilespmem:$0x10900] =	vst v63  }
0x35b: {  	s19 =	simm.s32 $0x1900;
	v57 =	vadd.s32 v42, v57  }
0x35c: {  	[hbm4b:s9+s3] =	stream.indirect_vreg.scatter [tilespmem:s19], [sflag:$0x3], $0x80, v58, vm0, $0xb8;
	[tilespmem:$0x10900] =	vst v63  }
0x35d: {  	s0 =	simm.s32 $0x2100  }
0x35e: {  	[hbm4b:s10+s3] =	stream.indirect_vreg.scatter [tilespmem:s0], [sflag:$0x3], $0x80, v58, vm0, $0xb8;
	[tilespmem:$0x10900] =	vst v63  }
0x35f: {  	s18 =	simm.s32 $0x2900  }
0x360: {  	[hbm4b:s20+s3] =	stream.indirect_vreg.scatter [tilespmem:s18], [sflag:$0x3], $0x80, v57, vm0, $0xb8;
	[tilespmem:$0x10900] =	vst v63  }
0x361: {  	s1 =	simm.s32 $0x3100  }
0x362: {  	[hbm4b:s8+s3] =	stream.indirect_vreg.scatter [tilespmem:s1], [sflag:$0x3], $0x80, v57, vm0, $0xb8;
	[tilespmem:$0x10900] =	vst v63  }
0x363: {  	s2 =	simm.s32 $0x3900  }
0x364: {  	[hbm4b:s9+s3] =	stream.indirect_vreg.scatter [tilespmem:s2], [sflag:$0x3], $0x80, v57, vm0, $0xb8;
	[tilespmem:$0x10900] =	vst v63  }
0x365: {  	s16 =	simm.s32 $0x4100  }
0x366: {  	[hbm4b:s10+s3] =	stream.indirect_vreg.scatter [tilespmem:s16], [sflag:$0x3], $0x80, v57, vm0, $0xb8;
	[tilespmem:$0x10900] =	vst v63  }
0x367: {  	v57 =	vld [tilespmem:$0x510];
	_ =	sdelay $0x4  }
0x368: {  	v62 =	vshll.u32 v57, $0x3  }
0x369: {  	v57 =	vand.u32 $0x7, v57;
	v58 =	vand.u32 $0xFFFFFFC0, v62  }
0x36a: {  	v57 =	vor.u32 v57, v58  }
0x36b: {  	v58 =	vperm.xlane v57, v41;
	_ =	sdelay $0x1  }
0x36c: {  	v58 =	vadd.s32 v42, v58;
	_ =	sdelay $0x3  }
0x36d: {  	s17 =	simm.s32 $0x4900  }
0x36e: {  	[hbm4b:s20+s3] =	stream.indirect_vreg.scatter [tilespmem:s17], [sflag:$0x3], $0x80, v58, vm0, $0xb8;
	[tilespmem:$0x10900] =	vst v63  }
0x36f: {  	s21 =	simm.s32 $0x5100;
	v57 =	vperm.xlane v57, v43  }
0x370: {  	[hbm4b:s8+s3] =	stream.indirect_vreg.scatter [tilespmem:s21], [sflag:$0x3], $0x80, v58, vm0, $0xb8;
	[tilespmem:$0x10900] =	vst v63  }
0x371: {  	s11 =	simm.s32 $0x5900;
	v57 =	vadd.s32 v42, v57  }
0x372: {  	[hbm4b:s9+s3] =	stream.indirect_vreg.scatter [tilespmem:s11], [sflag:$0x3], $0x80, v58, vm0, $0xb8;
	[tilespmem:$0x10900] =	vst v63  }
0x373: {  	s12 =	simm.s32 $0x6100  }
0x374: {  	[hbm4b:s10+s3] =	stream.indirect_vreg.scatter [tilespmem:s12], [sflag:$0x3], $0x80, v58, vm0, $0xb8;
	[tilespmem:$0x10900] =	vst v63  }
0x375: {  	s13 =	simm.s32 $0x6900  }
0x376: {  	[hbm4b:s20+s3] =	stream.indirect_vreg.scatter [tilespmem:s13], [sflag:$0x3], $0x80, v57, vm0, $0xb8;
	[tilespmem:$0x10900] =	vst v63  }
0x377: {  	s14 =	simm.s32 $0x7100  }
0x378: {  	[hbm4b:s8+s3] =	stream.indirect_vreg.scatter [tilespmem:s14], [sflag:$0x3], $0x80, v57, vm0, $0xb8;
	[tilespmem:$0x10900] =	vst v63  }
0x379: {  	s15 =	simm.s32 $0x7900  }
0x37a: {  	[hbm4b:s9+s3] =	stream.indirect_vreg.scatter [tilespmem:s15], [sflag:$0x3], $0x80, v57, vm0, $0xb8;
	[tilespmem:$0x10900] =	vst v63  }
0x37b: {  	s30 =	simm.s32 $0x3;
	v63 =	vperm.xlane v26, v41;
	s26 =	simm.s32 $0x8100  }
0x37c: {  	[hbm4b:s10+s3] =	stream.indirect_vreg.scatter [tilespmem:s26], [sflag:$0x3], $0x80, v57, vm0, $0xb8;
	[tilespmem:$0x10900] =	vst v63  }
0x37d: {  	v60 =	vadd.s32 v42, v63;
	_ =	swait.ge [sflag:s30], $0x8000  }
0x37e: {  	[sflag:s30] =	ssyncset.done $0x0  }
0x37f: {  	[sflag:s30] =	ssyncadd.s32 $0xFFFF8000  }
0x380: {  	[tilespmem:$0x0] =	vst v24  }
0x381: {  	[tilespmem:$0x10] =	vst v25  }
0x382: {  	[tilespmem:s23], [sflag:$0x1] =	stream.indirect_vreg.gather [hbm4b:s4+s3], $0x80, v60, vm0, $0xb8;
	[tilespmem:$0x10900] =	vst v63  }
0x383: {  	v61 =	vperm.xlane v26, v43  }
0x384: {  	[tilespmem:s22], [sflag:$0x1] =	stream.indirect_vreg.gather [hbm4b:s5+s3], $0x80, v60, vm0, $0xb8;
	[tilespmem:$0x10900] =	vst v63  }
0x385: {  	v58 =	vadd.s32 v42, v61  }
0x386: {  	[tilespmem:s19], [sflag:$0x1] =	stream.indirect_vreg.gather [hbm4b:s6+s3], $0x80, v60, vm0, $0xb8;
	[tilespmem:$0x10900] =	vst v63  }
0x387: {  	_ = 	snop  }
0x388: {  	[tilespmem:s0], [sflag:$0x1] =	stream.indirect_vreg.gather [hbm4b:s7+s3], $0x80, v60, vm0, $0xb8;
	[tilespmem:$0x10900] =	vst v63  }
0x389: {  	_ = 	snop  }
0x38a: {  	[tilespmem:s18], [sflag:$0x1] =	stream.indirect_vreg.gather [hbm4b:s4+s3], $0x80, v58, vm0, $0xb8;
	[tilespmem:$0x10900] =	vst v63  }
0x38b: {  	_ = 	snop  }
0x38c: {  	[tilespmem:s1], [sflag:$0x1] =	stream.indirect_vreg.gather [hbm4b:s5+s3], $0x80, v58, vm0, $0xb8;
	[tilespmem:$0x10900] =	vst v63  }
0x38d: {  	_ = 	snop  }
0x38e: {  	[tilespmem:s2], [sflag:$0x1] =	stream.indirect_vreg.gather [hbm4b:s6+s3], $0x80, v58, vm0, $0xb8;
	[tilespmem:$0x10900] =	vst v63  }
0x38f: {  	_ = 	snop  }
0x390: {  	[tilespmem:s16], [sflag:$0x1] =	stream.indirect_vreg.gather [hbm4b:s7+s3], $0x80, v58, vm0, $0xb8;
	[tilespmem:$0x10900] =	vst v63  }
0x391: {  	v57 =	vld [tilespmem:$0x10];
	_ =	sdelay $0x4  }
0x392: {  	v62 =	vshll.u32 v57, $0x3  }
0x393: {  	v57 =	vand.u32 $0x7, v57;
	v58 =	vand.u32 $0xFFFFFFC0, v62  }
0x394: {  	v57 =	vor.u32 v57, v58  }
0x395: {  	v58 =	vperm.xlane v57, v41;
	_ =	sdelay $0x1  }
0x396: {  	v58 =	vadd.s32 v42, v58;
	_ =	sdelay $0x4  }
0x397: {  	[tilespmem:s17], [sflag:$0x1] =	stream.indirect_vreg.gather [hbm4b:s4+s3], $0x80, v58, vm0, $0xb8;
	[tilespmem:$0x10900] =	vst v63  }
0x398: {  	v57 =	vperm.xlane v57, v43  }
0x399: {  	[tilespmem:s21], [sflag:$0x1] =	stream.indirect_vreg.gather [hbm4b:s5+s3], $0x80, v58, vm0, $0xb8;
	[tilespmem:$0x10900] =	vst v63  }
0x39a: {  	v57 =	vadd.s32 v42, v57  }
0x39b: {  	[tilespmem:s11], [sflag:$0x1] =	stream.indirect_vreg.gather [hbm4b:s6+s3], $0x80, v58, vm0, $0xb8;
	[tilespmem:$0x10900] =	vst v63  }
0x39c: {  	_ = 	snop  }
0x39d: {  	[tilespmem:s12], [sflag:$0x1] =	stream.indirect_vreg.gather [hbm4b:s7+s3], $0x80, v58, vm0, $0xb8;
	[tilespmem:$0x10900] =	vst v63  }
0x39e: {  	_ = 	snop  }
0x39f: {  	[tilespmem:s13], [sflag:$0x1] =	stream.indirect_vreg.gather [hbm4b:s4+s3], $0x80, v57, vm0, $0xb8;
	[tilespmem:$0x10900] =	vst v63  }
0x3a0: {  	_ = 	snop  }
0x3a1: {  	[tilespmem:s14], [sflag:$0x1] =	stream.indirect_vreg.gather [hbm4b:s5+s3], $0x80, v57, vm0, $0xb8;
	[tilespmem:$0x10900] =	vst v63  }
0x3a2: {  	_ = 	snop  }
0x3a3: {  	[tilespmem:s15], [sflag:$0x1] =	stream.indirect_vreg.gather [hbm4b:s6+s3], $0x80, v57, vm0, $0xb8;
	[tilespmem:$0x10900] =	vst v63  }
0x3a4: {  	_ = 	snop  }
0x3a5: {  	[tilespmem:s26], [sflag:$0x1] =	stream.indirect_vreg.gather [hbm4b:s7+s3], $0x80, v57, vm0, $0xb8;
	[tilespmem:$0x10900] =	vst v63  }
0x3a6: {  	_ =	swait.ge [sflag:s29], $0x8000  }
0x3a7: {  	[sflag:s29] =	ssyncset.done $0x0  }
0x3a8: {  	[sflag:s29] =	ssyncadd.s32 $0xFFFF8000  }
0x3a9: {  	v63 =	vld [tilespmem:$0x580];
	_ =	sdelay $0x4  }
0x3aa: {  	v60 =	vshll.u32 v63, $0x3  }
0x3ab: {  	v57 =	vand.u32 $0x7, v63;
	v58 =	vand.u32 $0xFFFFFFC0, v60  }
0x3ac: {  	v57 =	vor.u32 v57, v58  }
0x3ad: {  	v58 =	vperm.xlane v57, v41;
	_ =	sdelay $0x1  }
0x3ae: {  	v58 =	vadd.s32 v42, v58;
	_ =	sdelay $0x3  }
0x3af: {  	s21 =	simm.s32 $0x8900  }
0x3b0: {  	[hbm4b:s20+s3] =	stream.indirect_vreg.scatter [tilespmem:s21], [sflag:$0x4], $0x80, v58, vm0, $0xb8;
	[tilespmem:$0x10900] =	vst v63  }
0x3b1: {  	s22 =	simm.s32 $0x9100;
	v57 =	vperm.xlane v57, v43  }
0x3b2: {  	[hbm4b:s8+s3] =	stream.indirect_vreg.scatter [tilespmem:s22], [sflag:$0x4], $0x80, v58, vm0, $0xb8;
	[tilespmem:$0x10900] =	vst v63  }
0x3b3: {  	s23 =	simm.s32 $0x9900;
	v57 =	vadd.s32 v42, v57  }
0x3b4: {  	[hbm4b:s9+s3] =	stream.indirect_vreg.scatter [tilespmem:s23], [sflag:$0x4], $0x80, v58, vm0, $0xb8;
	[tilespmem:$0x10900] =	vst v63  }
0x3b5: {  	s12 =	simm.s32 $0xA100  }
0x3b6: {  	[hbm4b:s10+s3] =	stream.indirect_vreg.scatter [tilespmem:s12], [sflag:$0x4], $0x80, v58, vm0, $0xb8;
	[tilespmem:$0x10900] =	vst v63  }
0x3b7: {  	s17 =	simm.s32 $0xA900  }
0x3b8: {  	[hbm4b:s20+s3] =	stream.indirect_vreg.scatter [tilespmem:s17], [sflag:$0x4], $0x80, v57, vm0, $0xb8;
	[tilespmem:$0x10900] =	vst v63  }
0x3b9: {  	s0 =	simm.s32 $0xB100  }
0x3ba: {  	[hbm4b:s8+s3] =	stream.indirect_vreg.scatter [tilespmem:s0], [sflag:$0x4], $0x80, v57, vm0, $0xb8;
	[tilespmem:$0x10900] =	vst v63  }
0x3bb: {  	s16 =	simm.s32 $0xB900  }
0x3bc: {  	[hbm4b:s9+s3] =	stream.indirect_vreg.scatter [tilespmem:s16], [sflag:$0x4], $0x80, v57, vm0, $0xb8;
	[tilespmem:$0x10900] =	vst v63  }
0x3bd: {  	s26 =	simm.s32 $0xC100  }
0x3be: {  	[hbm4b:s10+s3] =	stream.indirect_vreg.scatter [tilespmem:s26], [sflag:$0x4], $0x80, v57, vm0, $0xb8;
	[tilespmem:$0x10900] =	vst v63  }
0x3bf: {  	v57 =	vld [tilespmem:$0x590];
	_ =	sdelay $0x4  }
0x3c0: {  	v61 =	vshll.u32 v57, $0x3  }
0x3c1: {  	v57 =	vand.u32 $0x7, v57;
	v58 =	vand.u32 $0xFFFFFFC0, v61  }
0x3c2: {  	v57 =	vor.u32 v57, v58  }
0x3c3: {  	v58 =	vperm.xlane v57, v41;
	_ =	sdelay $0x1  }
0x3c4: {  	v58 =	vadd.s32 v42, v58;
	_ =	sdelay $0x3  }
0x3c5: {  	s1 =	simm.s32 $0xC900  }
0x3c6: {  	[hbm4b:s20+s3] =	stream.indirect_vreg.scatter [tilespmem:s1], [sflag:$0x4], $0x80, v58, vm0, $0xb8;
	[tilespmem:$0x10900] =	vst v63  }
0x3c7: {  	s2 =	simm.s32 $0xD100;
	v57 =	vperm.xlane v57, v43  }
0x3c8: {  	[hbm4b:s8+s3] =	stream.indirect_vreg.scatter [tilespmem:s2], [sflag:$0x4], $0x80, v58, vm0, $0xb8;
	[tilespmem:$0x10900] =	vst v63  }
0x3c9: {  	s11 =	simm.s32 $0xD900;
	v57 =	vadd.s32 v42, v57  }
0x3ca: {  	[hbm4b:s9+s3] =	stream.indirect_vreg.scatter [tilespmem:s11], [sflag:$0x4], $0x80, v58, vm0, $0xb8;
	[tilespmem:$0x10900] =	vst v63  }
0x3cb: {  	s15 =	simm.s32 $0xE100  }
0x3cc: {  	[hbm4b:s10+s3] =	stream.indirect_vreg.scatter [tilespmem:s15], [sflag:$0x4], $0x80, v58, vm0, $0xb8;
	[tilespmem:$0x10900] =	vst v63  }
0x3cd: {  	s18 =	simm.s32 $0xE900  }
0x3ce: {  	[hbm4b:s20+s3] =	stream.indirect_vreg.scatter [tilespmem:s18], [sflag:$0x4], $0x80, v57, vm0, $0xb8;
	[tilespmem:$0x10900] =	vst v63  }
0x3cf: {  	s19 =	simm.s32 $0xF100  }
0x3d0: {  	[hbm4b:s8+s3] =	stream.indirect_vreg.scatter [tilespmem:s19], [sflag:$0x4], $0x80, v57, vm0, $0xb8;
	[tilespmem:$0x10900] =	vst v63  }
0x3d1: {  	s24 =	simm.s32 $0xF900  }
0x3d2: {  	[hbm4b:s9+s3] =	stream.indirect_vreg.scatter [tilespmem:s24], [sflag:$0x4], $0x80, v57, vm0, $0xb8;
	[tilespmem:$0x10900] =	vst v63  }
0x3d3: {  	s30 =	simm.s32 $0x10100;
	v62 =	vperm.xlane v29, v41  }
0x3d4: {  	[hbm4b:s10+s3] =	stream.indirect_vreg.scatter [tilespmem:s30], [sflag:$0x4], $0x80, v57, vm0, $0xb8;
	[tilespmem:$0x10900] =	vst v63  }
0x3d5: {  	v63 =	vadd.s32 v42, v62;
	_ =	swait.ge [sflag:s28], $0x8000  }
0x3d6: {  	[sflag:s28] =	ssyncset.done $0x0  }
0x3d7: {  	[sflag:s28] =	ssyncadd.s32 $0xFFFF8000  }
0x3d8: {  	[tilespmem:$0x80] =	vst v27  }
0x3d9: {  	[tilespmem:$0x90] =	vst v28  }
0x3da: {  	[tilespmem:s21], [sflag:$0x2] =	stream.indirect_vreg.gather [hbm4b:s4+s3], $0x80, v63, vm0, $0xb8;
	[tilespmem:$0x10900] =	vst v63  }
0x3db: {  	v60 =	vperm.xlane v29, v43  }
0x3dc: {  	[tilespmem:s22], [sflag:$0x2] =	stream.indirect_vreg.gather [hbm4b:s5+s3], $0x80, v63, vm0, $0xb8;
	[tilespmem:$0x10900] =	vst v63  }
0x3dd: {  	v58 =	vadd.s32 v42, v60  }
0x3de: {  	[tilespmem:s23], [sflag:$0x2] =	stream.indirect_vreg.gather [hbm4b:s6+s3], $0x80, v63, vm0, $0xb8;
	[tilespmem:$0x10900] =	vst v63  }
0x3df: {  	_ = 	snop  }
0x3e0: {  	[tilespmem:s12], [sflag:$0x2] =	stream.indirect_vreg.gather [hbm4b:s7+s3], $0x80, v63, vm0, $0xb8;
	[tilespmem:$0x10900] =	vst v63  }
0x3e1: {  	_ = 	snop  }
0x3e2: {  	[tilespmem:s17], [sflag:$0x2] =	stream.indirect_vreg.gather [hbm4b:s4+s3], $0x80, v58, vm0, $0xb8;
	[tilespmem:$0x10900] =	vst v63  }
0x3e3: {  	_ = 	snop  }
0x3e4: {  	[tilespmem:s0], [sflag:$0x2] =	stream.indirect_vreg.gather [hbm4b:s5+s3], $0x80, v58, vm0, $0xb8;
	[tilespmem:$0x10900] =	vst v63  }
0x3e5: {  	_ = 	snop  }
0x3e6: {  	[tilespmem:s16], [sflag:$0x2] =	stream.indirect_vreg.gather [hbm4b:s6+s3], $0x80, v58, vm0, $0xb8;
	[tilespmem:$0x10900] =	vst v63  }
0x3e7: {  	_ = 	snop  }
0x3e8: {  	[tilespmem:s26], [sflag:$0x2] =	stream.indirect_vreg.gather [hbm4b:s7+s3], $0x80, v58, vm0, $0xb8;
	[tilespmem:$0x10900] =	vst v63  }
0x3e9: {  	v57 =	vld [tilespmem:$0x90];
	_ =	sdelay $0x4  }
0x3ea: {  	v61 =	vshll.u32 v57, $0x3  }
0x3eb: {  	v57 =	vand.u32 $0x7, v57;
	v58 =	vand.u32 $0xFFFFFFC0, v61  }
0x3ec: {  	v57 =	vor.u32 v57, v58  }
0x3ed: {  	v58 =	vperm.xlane v57, v41;
	_ =	sdelay $0x1  }
0x3ee: {  	v58 =	vadd.s32 v42, v58;
	_ =	sdelay $0x4  }
0x3ef: {  	[tilespmem:s1], [sflag:$0x2] =	stream.indirect_vreg.gather [hbm4b:s4+s3], $0x80, v58, vm0, $0xb8;
	[tilespmem:$0x10900] =	vst v63  }
0x3f0: {  	v57 =	vperm.xlane v57, v43  }
0x3f1: {  	[tilespmem:s2], [sflag:$0x2] =	stream.indirect_vreg.gather [hbm4b:s5+s3], $0x80, v58, vm0, $0xb8;
	[tilespmem:$0x10900] =	vst v63  }
0x3f2: {  	v57 =	vadd.s32 v42, v57  }
0x3f3: {  	[tilespmem:s11], [sflag:$0x2] =	stream.indirect_vreg.gather [hbm4b:s6+s3], $0x80, v58, vm0, $0xb8;
	[tilespmem:$0x10900] =	vst v63  }
0x3f4: {  	_ = 	snop  }
0x3f5: {  	[tilespmem:s15], [sflag:$0x2] =	stream.indirect_vreg.gather [hbm4b:s7+s3], $0x80, v58, vm0, $0xb8;
	[tilespmem:$0x10900] =	vst v63  }
0x3f6: {  	_ = 	snop  }
0x3f7: {  	[tilespmem:s18], [sflag:$0x2] =	stream.indirect_vreg.gather [hbm4b:s4+s3], $0x80, v57, vm0, $0xb8;
	[tilespmem:$0x10900] =	vst v63  }
0x3f8: {  	_ = 	snop  }
0x3f9: {  	[tilespmem:s19], [sflag:$0x2] =	stream.indirect_vreg.gather [hbm4b:s5+s3], $0x80, v57, vm0, $0xb8;
	[tilespmem:$0x10900] =	vst v63  }
0x3fa: {  	_ = 	snop  }
0x3fb: {  	[tilespmem:s24], [sflag:$0x2] =	stream.indirect_vreg.gather [hbm4b:s6+s3], $0x80, v57, vm0, $0xb8;
	[tilespmem:$0x10900] =	vst v63  }
0x3fc: {  	_ = 	snop  }
0x3fd: {  	[tilespmem:s30], [sflag:$0x2] =	stream.indirect_vreg.gather [hbm4b:s7+s3], $0x80, v57, vm0, $0xb8;
	[tilespmem:$0x10900] =	vst v63  }
0x3fe: {  	_ =	swait.ge [sflag:s31], $0x8000  }
0x3ff: {  	[sflag:s31] =	ssyncset.done $0x0  }
0x400: {  	[sflag:s31] =	ssyncadd.s32 $0xFFFF8000  }
0x401: {  	v62 =	vld [tilespmem:$0x600];
	_ =	sdelay $0x4  }
0x402: {  	v63 =	vshll.u32 v62, $0x3  }
0x403: {  	v57 =	vand.u32 $0x7, v62;
	v58 =	vand.u32 $0xFFFFFFC0, v63  }
0x404: {  	v57 =	vor.u32 v57, v58  }
0x405: {  	v58 =	vperm.xlane v57, v41;
	_ =	sdelay $0x1  }
0x406: {  	v58 =	vadd.s32 v42, v58;
	_ =	sdelay $0x3  }
0x407: {  	s23 =	simm.s32 $0x900  }
0x408: {  	[hbm4b:s20+s3] =	stream.indirect_vreg.scatter [tilespmem:s23], [sflag:$0x3], $0x80, v58, vm0, $0xb8;
	[tilespmem:$0x10900] =	vst v63  }
0x409: {  	s18 =	simm.s32 $0x1100;
	v57 =	vperm.xlane v57, v43  }
0x40a: {  	[hbm4b:s8+s3] =	stream.indirect_vreg.scatter [tilespmem:s18], [sflag:$0x3], $0x80, v58, vm0, $0xb8;
	[tilespmem:$0x10900] =	vst v63  }
0x40b: {  	s19 =	simm.s32 $0x1900;
	v57 =	vadd.s32 v42, v57  }
0x40c: {  	[hbm4b:s9+s3] =	stream.indirect_vreg.scatter [tilespmem:s19], [sflag:$0x3], $0x80, v58, vm0, $0xb8;
	[tilespmem:$0x10900] =	vst v63  }
0x40d: {  	s1 =	simm.s32 $0x2100  }
0x40e: {  	[hbm4b:s10+s3] =	stream.indirect_vreg.scatter [tilespmem:s1], [sflag:$0x3], $0x80, v58, vm0, $0xb8;
	[tilespmem:$0x10900] =	vst v63  }
0x40f: {  	s2 =	simm.s32 $0x2900  }
0x410: {  	[hbm4b:s20+s3] =	stream.indirect_vreg.scatter [tilespmem:s2], [sflag:$0x3], $0x80, v57, vm0, $0xb8;
	[tilespmem:$0x10900] =	vst v63  }
0x411: {  	s16 =	simm.s32 $0x3100  }
0x412: {  	[hbm4b:s8+s3] =	stream.indirect_vreg.scatter [tilespmem:s16], [sflag:$0x3], $0x80, v57, vm0, $0xb8;
	[tilespmem:$0x10900] =	vst v63  }
0x413: {  	s17 =	simm.s32 $0x3900  }
0x414: {  	[hbm4b:s9+s3] =	stream.indirect_vreg.scatter [tilespmem:s17], [sflag:$0x3], $0x80, v57, vm0, $0xb8;
	[tilespmem:$0x10900] =	vst v63  }
0x415: {  	s21 =	simm.s32 $0x4100  }
0x416: {  	[hbm4b:s10+s3] =	stream.indirect_vreg.scatter [tilespmem:s21], [sflag:$0x3], $0x80, v57, vm0, $0xb8;
	[tilespmem:$0x10900] =	vst v63  }
0x417: {  	v57 =	vld [tilespmem:$0x610];
	_ =	sdelay $0x4  }
0x418: {  	v60 =	vshll.u32 v57, $0x3  }
0x419: {  	v57 =	vand.u32 $0x7, v57;
	v58 =	vand.u32 $0xFFFFFFC0, v60  }
0x41a: {  	v57 =	vor.u32 v57, v58  }
0x41b: {  	v58 =	vperm.xlane v57, v41;
	_ =	sdelay $0x1  }
0x41c: {  	v58 =	vadd.s32 v42, v58;
	_ =	sdelay $0x3  }
0x41d: {  	s0 =	simm.s32 $0x4900  }
0x41e: {  	[hbm4b:s20+s3] =	stream.indirect_vreg.scatter [tilespmem:s0], [sflag:$0x3], $0x80, v58, vm0, $0xb8;
	[tilespmem:$0x10900] =	vst v63  }
0x41f: {  	s11 =	simm.s32 $0x5100;
	v57 =	vperm.xlane v57, v43  }
0x420: {  	[hbm4b:s8+s3] =	stream.indirect_vreg.scatter [tilespmem:s11], [sflag:$0x3], $0x80, v58, vm0, $0xb8;
	[tilespmem:$0x10900] =	vst v63  }
0x421: {  	s12 =	simm.s32 $0x5900;
	v57 =	vadd.s32 v42, v57  }
0x422: {  	[hbm4b:s9+s3] =	stream.indirect_vreg.scatter [tilespmem:s12], [sflag:$0x3], $0x80, v58, vm0, $0xb8;
	[tilespmem:$0x10900] =	vst v63  }
0x423: {  	s13 =	simm.s32 $0x6100  }
0x424: {  	[hbm4b:s10+s3] =	stream.indirect_vreg.scatter [tilespmem:s13], [sflag:$0x3], $0x80, v58, vm0, $0xb8;
	[tilespmem:$0x10900] =	vst v63  }
0x425: {  	s14 =	simm.s32 $0x6900  }
0x426: {  	[hbm4b:s20+s3] =	stream.indirect_vreg.scatter [tilespmem:s14], [sflag:$0x3], $0x80, v57, vm0, $0xb8;
	[tilespmem:$0x10900] =	vst v63  }
0x427: {  	s15 =	simm.s32 $0x7100  }
0x428: {  	[hbm4b:s8+s3] =	stream.indirect_vreg.scatter [tilespmem:s15], [sflag:$0x3], $0x80, v57, vm0, $0xb8;
	[tilespmem:$0x10900] =	vst v63  }
0x429: {  	s26 =	simm.s32 $0x7900  }
0x42a: {  	[hbm4b:s9+s3] =	stream.indirect_vreg.scatter [tilespmem:s26], [sflag:$0x3], $0x80, v57, vm0, $0xb8;
	[tilespmem:$0x10900] =	vst v63  }
0x42b: {  	s25 =	simm.s32 $0x3;
	v61 =	vperm.xlane v32, v41;
	s30 =	simm.s32 $0x8100  }
0x42c: {  	[hbm4b:s10+s3] =	stream.indirect_vreg.scatter [tilespmem:s30], [sflag:$0x3], $0x80, v57, vm0, $0xb8;
	[tilespmem:$0x10900] =	vst v63  }
0x42d: {  	v62 =	vadd.s32 v42, v61;
	_ =	swait.ge [sflag:s25], $0x8000  }
0x42e: {  	[sflag:s25] =	ssyncset.done $0x0  }
0x42f: {  	[sflag:s25] =	ssyncadd.s32 $0xFFFF8000  }
0x430: {  	[tilespmem:$0x0] =	vst v30  }
0x431: {  	[tilespmem:$0x10] =	vst v31  }
0x432: {  	[tilespmem:s23], [sflag:$0x1] =	stream.indirect_vreg.gather [hbm4b:s4+s3], $0x80, v62, vm0, $0xb8;
	[tilespmem:$0x10900] =	vst v63  }
0x433: {  	v63 =	vperm.xlane v32, v43  }
0x434: {  	[tilespmem:s18], [sflag:$0x1] =	stream.indirect_vreg.gather [hbm4b:s5+s3], $0x80, v62, vm0, $0xb8;
	[tilespmem:$0x10900] =	vst v63  }
0x435: {  	v58 =	vadd.s32 v42, v63  }
0x436: {  	[tilespmem:s19], [sflag:$0x1] =	stream.indirect_vreg.gather [hbm4b:s6+s3], $0x80, v62, vm0, $0xb8;
	[tilespmem:$0x10900] =	vst v63  }
0x437: {  	_ = 	snop  }
0x438: {  	[tilespmem:s1], [sflag:$0x1] =	stream.indirect_vreg.gather [hbm4b:s7+s3], $0x80, v62, vm0, $0xb8;
	[tilespmem:$0x10900] =	vst v63  }
0x439: {  	_ = 	snop  }
0x43a: {  	[tilespmem:s2], [sflag:$0x1] =	stream.indirect_vreg.gather [hbm4b:s4+s3], $0x80, v58, vm0, $0xb8;
	[tilespmem:$0x10900] =	vst v63  }
0x43b: {  	_ = 	snop  }
0x43c: {  	[tilespmem:s16], [sflag:$0x1] =	stream.indirect_vreg.gather [hbm4b:s5+s3], $0x80, v58, vm0, $0xb8;
	[tilespmem:$0x10900] =	vst v63  }
0x43d: {  	_ = 	snop  }
0x43e: {  	[tilespmem:s17], [sflag:$0x1] =	stream.indirect_vreg.gather [hbm4b:s6+s3], $0x80, v58, vm0, $0xb8;
	[tilespmem:$0x10900] =	vst v63  }
0x43f: {  	_ = 	snop  }
0x440: {  	[tilespmem:s21], [sflag:$0x1] =	stream.indirect_vreg.gather [hbm4b:s7+s3], $0x80, v58, vm0, $0xb8;
	[tilespmem:$0x10900] =	vst v63  }
0x441: {  	v57 =	vld [tilespmem:$0x10];
	_ =	sdelay $0x4  }
0x442: {  	v60 =	vshll.u32 v57, $0x3  }
0x443: {  	v57 =	vand.u32 $0x7, v57;
	v58 =	vand.u32 $0xFFFFFFC0, v60  }
0x444: {  	v57 =	vor.u32 v57, v58  }
0x445: {  	v58 =	vperm.xlane v57, v41;
	_ =	sdelay $0x1  }
0x446: {  	v58 =	vadd.s32 v42, v58;
	_ =	sdelay $0x4  }
0x447: {  	[tilespmem:s0], [sflag:$0x1] =	stream.indirect_vreg.gather [hbm4b:s4+s3], $0x80, v58, vm0, $0xb8;
	[tilespmem:$0x10900] =	vst v63  }
0x448: {  	v57 =	vperm.xlane v57, v43  }
0x449: {  	[tilespmem:s11], [sflag:$0x1] =	stream.indirect_vreg.gather [hbm4b:s5+s3], $0x80, v58, vm0, $0xb8;
	[tilespmem:$0x10900] =	vst v63  }
0x44a: {  	v57 =	vadd.s32 v42, v57  }
0x44b: {  	[tilespmem:s12], [sflag:$0x1] =	stream.indirect_vreg.gather [hbm4b:s6+s3], $0x80, v58, vm0, $0xb8;
	[tilespmem:$0x10900] =	vst v63  }
0x44c: {  	_ = 	snop  }
0x44d: {  	[tilespmem:s13], [sflag:$0x1] =	stream.indirect_vreg.gather [hbm4b:s7+s3], $0x80, v58, vm0, $0xb8;
	[tilespmem:$0x10900] =	vst v63  }
0x44e: {  	_ = 	snop  }
0x44f: {  	[tilespmem:s14], [sflag:$0x1] =	stream.indirect_vreg.gather [hbm4b:s4+s3], $0x80, v57, vm0, $0xb8;
	[tilespmem:$0x10900] =	vst v63  }
0x450: {  	_ = 	snop  }
0x451: {  	[tilespmem:s15], [sflag:$0x1] =	stream.indirect_vreg.gather [hbm4b:s5+s3], $0x80, v57, vm0, $0xb8;
	[tilespmem:$0x10900] =	vst v63  }
0x452: {  	_ = 	snop  }
0x453: {  	[tilespmem:s26], [sflag:$0x1] =	stream.indirect_vreg.gather [hbm4b:s6+s3], $0x80, v57, vm0, $0xb8;
	[tilespmem:$0x10900] =	vst v63  }
0x454: {  	_ = 	snop  }
0x455: {  	[tilespmem:s30], [sflag:$0x1] =	stream.indirect_vreg.gather [hbm4b:s7+s3], $0x80, v57, vm0, $0xb8;
	[tilespmem:$0x10900] =	vst v63  }
0x456: {  	_ =	swait.ge [sflag:s29], $0x8000  }
0x457: {  	[sflag:s29] =	ssyncset.done $0x0  }
0x458: {  	[sflag:s29] =	ssyncadd.s32 $0xFFFF8000  }
0x459: {  	v61 =	vld [tilespmem:$0x680];
	_ =	sdelay $0x4  }
0x45a: {  	v62 =	vshll.u32 v61, $0x3  }
0x45b: {  	v57 =	vand.u32 $0x7, v61;
	v58 =	vand.u32 $0xFFFFFFC0, v62  }
0x45c: {  	v57 =	vor.u32 v57, v58  }
0x45d: {  	v58 =	vperm.xlane v57, v41;
	_ =	sdelay $0x1  }
0x45e: {  	v58 =	vadd.s32 v42, v58;
	_ =	sdelay $0x3  }
0x45f: {  	s12 =	simm.s32 $0x8900  }
0x460: {  	[hbm4b:s20+s3] =	stream.indirect_vreg.scatter [tilespmem:s12], [sflag:$0x4], $0x80, v58, vm0, $0xb8;
	[tilespmem:$0x10900] =	vst v63  }
0x461: {  	s22 =	simm.s32 $0x9100;
	v57 =	vperm.xlane v57, v43  }
0x462: {  	[hbm4b:s8+s3] =	stream.indirect_vreg.scatter [tilespmem:s22], [sflag:$0x4], $0x80, v58, vm0, $0xb8;
	[tilespmem:$0x10900] =	vst v63  }
0x463: {  	s26 =	simm.s32 $0x9900;
	v57 =	vadd.s32 v42, v57  }
0x464: {  	[hbm4b:s9+s3] =	stream.indirect_vreg.scatter [tilespmem:s26], [sflag:$0x4], $0x80, v58, vm0, $0xb8;
	[tilespmem:$0x10900] =	vst v63  }
0x465: {  	s21 =	simm.s32 $0xA100  }
0x466: {  	[hbm4b:s10+s3] =	stream.indirect_vreg.scatter [tilespmem:s21], [sflag:$0x4], $0x80, v58, vm0, $0xb8;
	[tilespmem:$0x10900] =	vst v63  }
0x467: {  	s11 =	simm.s32 $0xA900  }
0x468: {  	[hbm4b:s20+s3] =	stream.indirect_vreg.scatter [tilespmem:s11], [sflag:$0x4], $0x80, v57, vm0, $0xb8;
	[tilespmem:$0x10900] =	vst v63  }
0x469: {  	s16 =	simm.s32 $0xB100  }
0x46a: {  	[hbm4b:s8+s3] =	stream.indirect_vreg.scatter [tilespmem:s16], [sflag:$0x4], $0x80, v57, vm0, $0xb8;
	[tilespmem:$0x10900] =	vst v63  }
0x46b: {  	s23 =	simm.s32 $0xB900  }
0x46c: {  	[hbm4b:s9+s3] =	stream.indirect_vreg.scatter [tilespmem:s23], [sflag:$0x4], $0x80, v57, vm0, $0xb8;
	[tilespmem:$0x10900] =	vst v63  }
0x46d: {  	s18 =	simm.s32 $0xC100  }
0x46e: {  	[hbm4b:s10+s3] =	stream.indirect_vreg.scatter [tilespmem:s18], [sflag:$0x4], $0x80, v57, vm0, $0xb8;
	[tilespmem:$0x10900] =	vst v63  }
0x46f: {  	v57 =	vld [tilespmem:$0x690];
	_ =	sdelay $0x4  }
0x470: {  	v63 =	vshll.u32 v57, $0x3  }
0x471: {  	v57 =	vand.u32 $0x7, v57;
	v58 =	vand.u32 $0xFFFFFFC0, v63  }
0x472: {  	v57 =	vor.u32 v57, v58  }
0x473: {  	v58 =	vperm.xlane v57, v41;
	_ =	sdelay $0x1  }
0x474: {  	v58 =	vadd.s32 v42, v58;
	_ =	sdelay $0x3  }
0x475: {  	s30 =	simm.s32 $0xC900  }
0x476: {  	[hbm4b:s20+s3] =	stream.indirect_vreg.scatter [tilespmem:s30], [sflag:$0x4], $0x80, v58, vm0, $0xb8;
	[tilespmem:$0x10900] =	vst v63  }
0x477: {  	s24 =	simm.s32 $0xD100;
	v57 =	vperm.xlane v57, v43  }
0x478: {  	[hbm4b:s8+s3] =	stream.indirect_vreg.scatter [tilespmem:s24], [sflag:$0x4], $0x80, v58, vm0, $0xb8;
	[tilespmem:$0x10900] =	vst v63  }
0x479: {  	s15 =	simm.s32 $0xD900;
	v57 =	vadd.s32 v42, v57  }
0x47a: {  	[hbm4b:s9+s3] =	stream.indirect_vreg.scatter [tilespmem:s15], [sflag:$0x4], $0x80, v58, vm0, $0xb8;
	[tilespmem:$0x10900] =	vst v63  }
0x47b: {  	s2 =	simm.s32 $0xE100  }
0x47c: {  	[hbm4b:s10+s3] =	stream.indirect_vreg.scatter [tilespmem:s2], [sflag:$0x4], $0x80, v58, vm0, $0xb8;
	[tilespmem:$0x10900] =	vst v63  }
0x47d: {  	s14 =	simm.s32 $0xE900  }
0x47e: {  	[hbm4b:s20+s3] =	stream.indirect_vreg.scatter [tilespmem:s14], [sflag:$0x4], $0x80, v57, vm0, $0xb8;
	[tilespmem:$0x10900] =	vst v63  }
0x47f: {  	s19 =	simm.s32 $0xF100  }
0x480: {  	[hbm4b:s8+s3] =	stream.indirect_vreg.scatter [tilespmem:s19], [sflag:$0x4], $0x80, v57, vm0, $0xb8;
	[tilespmem:$0x10900] =	vst v63  }
0x481: {  	s17 =	simm.s32 $0xF900  }
0x482: {  	[hbm4b:s9+s3] =	stream.indirect_vreg.scatter [tilespmem:s17], [sflag:$0x4], $0x80, v57, vm0, $0xb8;
	[tilespmem:$0x10900] =	vst v63  }
0x483: {  	s1 =	simm.s32 $0x10100;
	v60 =	vperm.xlane v35, v41  }
0x484: {  	[hbm4b:s10+s3] =	stream.indirect_vreg.scatter [tilespmem:s1], [sflag:$0x4], $0x80, v57, vm0, $0xb8;
	[tilespmem:$0x10900] =	vst v63  }
0x485: {  	v61 =	vadd.s32 v42, v60;
	_ =	swait.ge [sflag:s28], $0x8000  }
0x486: {  	[sflag:s28] =	ssyncset.done $0x0  }
0x487: {  	[sflag:s28] =	ssyncadd.s32 $0xFFFF8000  }
0x488: {  	[tilespmem:$0x80] =	vst v33  }
0x489: {  	[tilespmem:$0x90] =	vst v34  }
0x48a: {  	[tilespmem:s12], [sflag:$0x2] =	stream.indirect_vreg.gather [hbm4b:s4+s3], $0x80, v61, vm0, $0xb8;
	[tilespmem:$0x10900] =	vst v63  }
0x48b: {  	v62 =	vperm.xlane v35, v43  }
0x48c: {  	[tilespmem:s22], [sflag:$0x2] =	stream.indirect_vreg.gather [hbm4b:s5+s3], $0x80, v61, vm0, $0xb8;
	[tilespmem:$0x10900] =	vst v63  }
0x48d: {  	v58 =	vadd.s32 v42, v62  }
0x48e: {  	[tilespmem:s26], [sflag:$0x2] =	stream.indirect_vreg.gather [hbm4b:s6+s3], $0x80, v61, vm0, $0xb8;
	[tilespmem:$0x10900] =	vst v63  }
0x48f: {  	_ = 	snop  }
0x490: {  	[tilespmem:s21], [sflag:$0x2] =	stream.indirect_vreg.gather [hbm4b:s7+s3], $0x80, v61, vm0, $0xb8;
	[tilespmem:$0x10900] =	vst v63  }
0x491: {  	_ = 	snop  }
0x492: {  	[tilespmem:s11], [sflag:$0x2] =	stream.indirect_vreg.gather [hbm4b:s4+s3], $0x80, v58, vm0, $0xb8;
	[tilespmem:$0x10900] =	vst v63  }
0x493: {  	_ = 	snop  }
0x494: {  	[tilespmem:s16], [sflag:$0x2] =	stream.indirect_vreg.gather [hbm4b:s5+s3], $0x80, v58, vm0, $0xb8;
	[tilespmem:$0x10900] =	vst v63  }
0x495: {  	_ = 	snop  }
0x496: {  	[tilespmem:s23], [sflag:$0x2] =	stream.indirect_vreg.gather [hbm4b:s6+s3], $0x80, v58, vm0, $0xb8;
	[tilespmem:$0x10900] =	vst v63  }
0x497: {  	_ = 	snop  }
0x498: {  	[tilespmem:s18], [sflag:$0x2] =	stream.indirect_vreg.gather [hbm4b:s7+s3], $0x80, v58, vm0, $0xb8;
	[tilespmem:$0x10900] =	vst v63  }
0x499: {  	v57 =	vld [tilespmem:$0x90];
	_ =	sdelay $0x4  }
0x49a: {  	v63 =	vshll.u32 v57, $0x3  }
0x49b: {  	v57 =	vand.u32 $0x7, v57;
	v58 =	vand.u32 $0xFFFFFFC0, v63  }
0x49c: {  	v57 =	vor.u32 v57, v58  }
0x49d: {  	v58 =	vperm.xlane v57, v41;
	_ =	sdelay $0x1  }
0x49e: {  	v58 =	vadd.s32 v42, v58;
	_ =	sdelay $0x4  }
0x49f: {  	[tilespmem:s30], [sflag:$0x2] =	stream.indirect_vreg.gather [hbm4b:s4+s3], $0x80, v58, vm0, $0xb8;
	[tilespmem:$0x10900] =	vst v63  }
0x4a0: {  	v57 =	vperm.xlane v57, v43  }
0x4a1: {  	[tilespmem:s24], [sflag:$0x2] =	stream.indirect_vreg.gather [hbm4b:s5+s3], $0x80, v58, vm0, $0xb8;
	[tilespmem:$0x10900] =	vst v63  }
0x4a2: {  	v57 =	vadd.s32 v42, v57  }
0x4a3: {  	[tilespmem:s15], [sflag:$0x2] =	stream.indirect_vreg.gather [hbm4b:s6+s3], $0x80, v58, vm0, $0xb8;
	[tilespmem:$0x10900] =	vst v63  }
0x4a4: {  	_ = 	snop  }
0x4a5: {  	[tilespmem:s2], [sflag:$0x2] =	stream.indirect_vreg.gather [hbm4b:s7+s3], $0x80, v58, vm0, $0xb8;
	[tilespmem:$0x10900] =	vst v63  }
0x4a6: {  	_ = 	snop  }
0x4a7: {  	[tilespmem:s14], [sflag:$0x2] =	stream.indirect_vreg.gather [hbm4b:s4+s3], $0x80, v57, vm0, $0xb8;
	[tilespmem:$0x10900] =	vst v63  }
0x4a8: {  	_ = 	snop  }
0x4a9: {  	[tilespmem:s19], [sflag:$0x2] =	stream.indirect_vreg.gather [hbm4b:s5+s3], $0x80, v57, vm0, $0xb8;
	[tilespmem:$0x10900] =	vst v63  }
0x4aa: {  	_ = 	snop  }
0x4ab: {  	[tilespmem:s17], [sflag:$0x2] =	stream.indirect_vreg.gather [hbm4b:s6+s3], $0x80, v57, vm0, $0xb8;
	[tilespmem:$0x10900] =	vst v63  }
0x4ac: {  	_ = 	snop  }
0x4ad: {  	[tilespmem:s1], [sflag:$0x2] =	stream.indirect_vreg.gather [hbm4b:s7+s3], $0x80, v57, vm0, $0xb8;
	[tilespmem:$0x10900] =	vst v63  }
0x4ae: {  	_ =	swait.ge [sflag:s31], $0x8000  }
0x4af: {  	[sflag:s31] =	ssyncset.done $0x0  }
0x4b0: {  	[sflag:s31] =	ssyncadd.s32 $0xFFFF8000  }
0x4b1: {  	v60 =	vld [tilespmem:$0x700];
	_ =	sdelay $0x4  }
0x4b2: {  	v61 =	vshll.u32 v60, $0x3  }
0x4b3: {  	v57 =	vand.u32 $0x7, v60;
	v58 =	vand.u32 $0xFFFFFFC0, v61  }
0x4b4: {  	v57 =	vor.u32 v57, v58  }
0x4b5: {  	v58 =	vperm.xlane v57, v41;
	_ =	sdelay $0x1  }
0x4b6: {  	v58 =	vadd.s32 v42, v58;
	_ =	sdelay $0x3  }
0x4b7: {  	s24 =	simm.s32 $0x900  }
0x4b8: {  	[hbm4b:s20+s3] =	stream.indirect_vreg.scatter [tilespmem:s24], [sflag:$0x3], $0x80, v58, vm0, $0xb8;
	[tilespmem:$0x10900] =	vst v63  }
0x4b9: {  	s23 =	simm.s32 $0x1100;
	v57 =	vperm.xlane v57, v43  }
0x4ba: {  	[hbm4b:s8+s3] =	stream.indirect_vreg.scatter [tilespmem:s23], [sflag:$0x3], $0x80, v58, vm0, $0xb8;
	[tilespmem:$0x10900] =	vst v63  }
0x4bb: {  	s18 =	simm.s32 $0x1900;
	v57 =	vadd.s32 v42, v57  }
0x4bc: {  	[hbm4b:s9+s3] =	stream.indirect_vreg.scatter [tilespmem:s18], [sflag:$0x3], $0x80, v58, vm0, $0xb8;
	[tilespmem:$0x10900] =	vst v63  }
0x4bd: {  	s19 =	simm.s32 $0x2100  }
0x4be: {  	[hbm4b:s10+s3] =	stream.indirect_vreg.scatter [tilespmem:s19], [sflag:$0x3], $0x80, v58, vm0, $0xb8;
	[tilespmem:$0x10900] =	vst v63  }
0x4bf: {  	s22 =	simm.s32 $0x2900  }
0x4c0: {  	[hbm4b:s20+s3] =	stream.indirect_vreg.scatter [tilespmem:s22], [sflag:$0x3], $0x80, v57, vm0, $0xb8;
	[tilespmem:$0x10900] =	vst v63  }
0x4c1: {  	s1 =	simm.s32 $0x3100  }
0x4c2: {  	[hbm4b:s8+s3] =	stream.indirect_vreg.scatter [tilespmem:s1], [sflag:$0x3], $0x80, v57, vm0, $0xb8;
	[tilespmem:$0x10900] =	vst v63  }
0x4c3: {  	s2 =	simm.s32 $0x3900  }
0x4c4: {  	[hbm4b:s9+s3] =	stream.indirect_vreg.scatter [tilespmem:s2], [sflag:$0x3], $0x80, v57, vm0, $0xb8;
	[tilespmem:$0x10900] =	vst v63  }
0x4c5: {  	s16 =	simm.s32 $0x4100  }
0x4c6: {  	[hbm4b:s10+s3] =	stream.indirect_vreg.scatter [tilespmem:s16], [sflag:$0x3], $0x80, v57, vm0, $0xb8;
	[tilespmem:$0x10900] =	vst v63  }
0x4c7: {  	v57 =	vld [tilespmem:$0x710];
	_ =	sdelay $0x4  }
0x4c8: {  	v62 =	vshll.u32 v57, $0x3  }
0x4c9: {  	v57 =	vand.u32 $0x7, v57;
	v58 =	vand.u32 $0xFFFFFFC0, v62  }
0x4ca: {  	v57 =	vor.u32 v57, v58  }
0x4cb: {  	v58 =	vperm.xlane v57, v41;
	_ =	sdelay $0x1  }
0x4cc: {  	v58 =	vadd.s32 v42, v58;
	_ =	sdelay $0x3  }
0x4cd: {  	s17 =	simm.s32 $0x4900  }
0x4ce: {  	[hbm4b:s20+s3] =	stream.indirect_vreg.scatter [tilespmem:s17], [sflag:$0x3], $0x80, v58, vm0, $0xb8;
	[tilespmem:$0x10900] =	vst v63  }
0x4cf: {  	s21 =	simm.s32 $0x5100;
	v57 =	vperm.xlane v57, v43  }
0x4d0: {  	[hbm4b:s8+s3] =	stream.indirect_vreg.scatter [tilespmem:s21], [sflag:$0x3], $0x80, v58, vm0, $0xb8;
	[tilespmem:$0x10900] =	vst v63  }
0x4d1: {  	s11 =	simm.s32 $0x5900;
	v57 =	vadd.s32 v42, v57  }
0x4d2: {  	[hbm4b:s9+s3] =	stream.indirect_vreg.scatter [tilespmem:s11], [sflag:$0x3], $0x80, v58, vm0, $0xb8;
	[tilespmem:$0x10900] =	vst v63  }
0x4d3: {  	s12 =	simm.s32 $0x6100  }
0x4d4: {  	[hbm4b:s10+s3] =	stream.indirect_vreg.scatter [tilespmem:s12], [sflag:$0x3], $0x80, v58, vm0, $0xb8;
	[tilespmem:$0x10900] =	vst v63  }
0x4d5: {  	s13 =	simm.s32 $0x6900  }
0x4d6: {  	[hbm4b:s20+s3] =	stream.indirect_vreg.scatter [tilespmem:s13], [sflag:$0x3], $0x80, v57, vm0, $0xb8;
	[tilespmem:$0x10900] =	vst v63  }
0x4d7: {  	s14 =	simm.s32 $0x7100  }
0x4d8: {  	[hbm4b:s8+s3] =	stream.indirect_vreg.scatter [tilespmem:s14], [sflag:$0x3], $0x80, v57, vm0, $0xb8;
	[tilespmem:$0x10900] =	vst v63  }
0x4d9: {  	s15 =	simm.s32 $0x7900  }
0x4da: {  	[hbm4b:s9+s3] =	stream.indirect_vreg.scatter [tilespmem:s15], [sflag:$0x3], $0x80, v57, vm0, $0xb8;
	[tilespmem:$0x10900] =	vst v63  }
0x4db: {  	s0 =	simm.s32 $0x8100;
	v63 =	vperm.xlane v38, v41  }
0x4dc: {  	[hbm4b:s10+s3] =	stream.indirect_vreg.scatter [tilespmem:s0], [sflag:$0x3], $0x80, v57, vm0, $0xb8;
	[tilespmem:$0x10900] =	vst v63  }
0x4dd: {  	v60 =	vadd.s32 v42, v63;
	_ =	swait.ge [sflag:s25], $0x8000  }
0x4de: {  	[sflag:s25] =	ssyncset.done $0x0  }
0x4df: {  	[sflag:s25] =	ssyncadd.s32 $0xFFFF8000  }
0x4e0: {  	[tilespmem:$0x0] =	vst v36  }
0x4e1: {  	[tilespmem:$0x10] =	vst v37  }
0x4e2: {  	[tilespmem:s24], [sflag:$0x1] =	stream.indirect_vreg.gather [hbm4b:s4+s3], $0x80, v60, vm0, $0xb8;
	[tilespmem:$0x10900] =	vst v63  }
0x4e3: {  	v61 =	vperm.xlane v38, v43  }
0x4e4: {  	[tilespmem:s23], [sflag:$0x1] =	stream.indirect_vreg.gather [hbm4b:s5+s3], $0x80, v60, vm0, $0xb8;
	[tilespmem:$0x10900] =	vst v63  }
0x4e5: {  	v58 =	vadd.s32 v42, v61  }
0x4e6: {  	[tilespmem:s18], [sflag:$0x1] =	stream.indirect_vreg.gather [hbm4b:s6+s3], $0x80, v60, vm0, $0xb8;
	[tilespmem:$0x10900] =	vst v63  }
0x4e7: {  	_ = 	snop  }
0x4e8: {  	[tilespmem:s19], [sflag:$0x1] =	stream.indirect_vreg.gather [hbm4b:s7+s3], $0x80, v60, vm0, $0xb8;
	[tilespmem:$0x10900] =	vst v63  }
0x4e9: {  	_ = 	snop  }
0x4ea: {  	[tilespmem:s22], [sflag:$0x1] =	stream.indirect_vreg.gather [hbm4b:s4+s3], $0x80, v58, vm0, $0xb8;
	[tilespmem:$0x10900] =	vst v63  }
0x4eb: {  	_ = 	snop  }
0x4ec: {  	[tilespmem:s1], [sflag:$0x1] =	stream.indirect_vreg.gather [hbm4b:s5+s3], $0x80, v58, vm0, $0xb8;
	[tilespmem:$0x10900] =	vst v63  }
0x4ed: {  	_ = 	snop  }
0x4ee: {  	[tilespmem:s2], [sflag:$0x1] =	stream.indirect_vreg.gather [hbm4b:s6+s3], $0x80, v58, vm0, $0xb8;
	[tilespmem:$0x10900] =	vst v63  }
0x4ef: {  	_ = 	snop  }
0x4f0: {  	[tilespmem:s16], [sflag:$0x1] =	stream.indirect_vreg.gather [hbm4b:s7+s3], $0x80, v58, vm0, $0xb8;
	[tilespmem:$0x10900] =	vst v63  }
0x4f1: {  	v57 =	vld [tilespmem:$0x10];
	_ =	sdelay $0x4  }
0x4f2: {  	v62 =	vshll.u32 v57, $0x3  }
0x4f3: {  	v57 =	vand.u32 $0x7, v57;
	v58 =	vand.u32 $0xFFFFFFC0, v62  }
0x4f4: {  	v57 =	vor.u32 v57, v58  }
0x4f5: {  	v58 =	vperm.xlane v57, v41;
	_ =	sdelay $0x1  }
0x4f6: {  	v58 =	vadd.s32 v42, v58;
	_ =	sdelay $0x4  }
0x4f7: {  	[tilespmem:s17], [sflag:$0x1] =	stream.indirect_vreg.gather [hbm4b:s4+s3], $0x80, v58, vm0, $0xb8;
	[tilespmem:$0x10900] =	vst v63  }
0x4f8: {  	v57 =	vperm.xlane v57, v43  }
0x4f9: {  	[tilespmem:s21], [sflag:$0x1] =	stream.indirect_vreg.gather [hbm4b:s5+s3], $0x80, v58, vm0, $0xb8;
	[tilespmem:$0x10900] =	vst v63  }
0x4fa: {  	v57 =	vadd.s32 v42, v57  }
0x4fb: {  	[tilespmem:s11], [sflag:$0x1] =	stream.indirect_vreg.gather [hbm4b:s6+s3], $0x80, v58, vm0, $0xb8;
	[tilespmem:$0x10900] =	vst v63  }
0x4fc: {  	_ = 	snop  }
0x4fd: {  	[tilespmem:s12], [sflag:$0x1] =	stream.indirect_vreg.gather [hbm4b:s7+s3], $0x80, v58, vm0, $0xb8;
	[tilespmem:$0x10900] =	vst v63  }
0x4fe: {  	_ = 	snop  }
0x4ff: {  	[tilespmem:s13], [sflag:$0x1] =	stream.indirect_vreg.gather [hbm4b:s4+s3], $0x80, v57, vm0, $0xb8;
	[tilespmem:$0x10900] =	vst v63  }
0x500: {  	_ = 	snop  }
0x501: {  	[tilespmem:s14], [sflag:$0x1] =	stream.indirect_vreg.gather [hbm4b:s5+s3], $0x80, v57, vm0, $0xb8;
	[tilespmem:$0x10900] =	vst v63  }
0x502: {  	_ = 	snop  }
0x503: {  	[tilespmem:s15], [sflag:$0x1] =	stream.indirect_vreg.gather [hbm4b:s6+s3], $0x80, v57, vm0, $0xb8;
	[tilespmem:$0x10900] =	vst v63  }
0x504: {  	_ = 	snop  }
0x505: {  	[tilespmem:s0], [sflag:$0x1] =	stream.indirect_vreg.gather [hbm4b:s7+s3], $0x80, v57, vm0, $0xb8;
	[tilespmem:$0x10900] =	vst v63  }
0x506: {  	_ =	swait.ge [sflag:s29], $0x8000  }
0x507: {  	[sflag:s29] =	ssyncset.done $0x0  }
0x508: {  	[sflag:s29] =	ssyncadd.s32 $0xFFFF8000  }
0x509: {  	v63 =	vld [tilespmem:$0x780];
	_ =	sdelay $0x4  }
0x50a: {  	v60 =	vshll.u32 v63, $0x3  }
0x50b: {  	v57 =	vand.u32 $0x7, v63;
	v58 =	vand.u32 $0xFFFFFFC0, v60  }
0x50c: {  	v57 =	vor.u32 v57, v58  }
0x50d: {  	v58 =	vperm.xlane v57, v41;
	_ =	sdelay $0x1  }
0x50e: {  	v58 =	vadd.s32 v42, v58;
	_ =	sdelay $0x3  }
0x50f: {  	s12 =	simm.s32 $0x8900  }
0x510: {  	[hbm4b:s20+s3] =	stream.indirect_vreg.scatter [tilespmem:s12], [sflag:$0x4], $0x80, v58, vm0, $0xb8;
	[tilespmem:$0x10900] =	vst v63  }
0x511: {  	s11 =	simm.s32 $0x9100;
	v57 =	vperm.xlane v57, v43  }
0x512: {  	[hbm4b:s8+s3] =	stream.indirect_vreg.scatter [tilespmem:s11], [sflag:$0x4], $0x80, v58, vm0, $0xb8;
	[tilespmem:$0x10900] =	vst v63  }
0x513: {  	s26 =	simm.s32 $0x9900;
	v57 =	vadd.s32 v42, v57  }
0x514: {  	[hbm4b:s9+s3] =	stream.indirect_vreg.scatter [tilespmem:s26], [sflag:$0x4], $0x80, v58, vm0, $0xb8;
	[tilespmem:$0x10900] =	vst v63  }
0x515: {  	s21 =	simm.s32 $0xA100  }
0x516: {  	[hbm4b:s10+s3] =	stream.indirect_vreg.scatter [tilespmem:s21], [sflag:$0x4], $0x80, v58, vm0, $0xb8;
	[tilespmem:$0x10900] =	vst v63  }
0x517: {  	s0 =	simm.s32 $0xA900  }
0x518: {  	[hbm4b:s20+s3] =	stream.indirect_vreg.scatter [tilespmem:s0], [sflag:$0x4], $0x80, v57, vm0, $0xb8;
	[tilespmem:$0x10900] =	vst v63  }
0x519: {  	s2 =	simm.s32 $0xB100  }
0x51a: {  	[hbm4b:s8+s3] =	stream.indirect_vreg.scatter [tilespmem:s2], [sflag:$0x4], $0x80, v57, vm0, $0xb8;
	[tilespmem:$0x10900] =	vst v63  }
0x51b: {  	s15 =	simm.s32 $0xB900  }
0x51c: {  	[hbm4b:s9+s3] =	stream.indirect_vreg.scatter [tilespmem:s15], [sflag:$0x4], $0x80, v57, vm0, $0xb8;
	[tilespmem:$0x10900] =	vst v63  }
0x51d: {  	s22 =	simm.s32 $0xC100  }
0x51e: {  	[hbm4b:s10+s3] =	stream.indirect_vreg.scatter [tilespmem:s22], [sflag:$0x4], $0x80, v57, vm0, $0xb8;
	[tilespmem:$0x10900] =	vst v63  }
0x51f: {  	v57 =	vld [tilespmem:$0x790];
	_ =	sdelay $0x4  }
0x520: {  	v61 =	vshll.u32 v57, $0x3  }
0x521: {  	v57 =	vand.u32 $0x7, v57;
	v58 =	vand.u32 $0xFFFFFFC0, v61  }
0x522: {  	v57 =	vor.u32 v57, v58  }
0x523: {  	v58 =	vperm.xlane v57, v41;
	_ =	sdelay $0x1  }
0x524: {  	v58 =	vadd.s32 v42, v58;
	_ =	sdelay $0x3  }
0x525: {  	s30 =	simm.s32 $0xC900  }
0x526: {  	[hbm4b:s20+s3] =	stream.indirect_vreg.scatter [tilespmem:s30], [sflag:$0x4], $0x80, v58, vm0, $0xb8;
	[tilespmem:$0x10900] =	vst v63  }
0x527: {  	s23 =	simm.s32 $0xD100;
	v57 =	vperm.xlane v57, v43  }
0x528: {  	[hbm4b:s8+s3] =	stream.indirect_vreg.scatter [tilespmem:s23], [sflag:$0x4], $0x80, v58, vm0, $0xb8;
	[tilespmem:$0x10900] =	vst v63  }
0x529: {  	s14 =	simm.s32 $0xD900;
	v57 =	vadd.s32 v42, v57  }
0x52a: {  	[hbm4b:s9+s3] =	stream.indirect_vreg.scatter [tilespmem:s14], [sflag:$0x4], $0x80, v58, vm0, $0xb8;
	[tilespmem:$0x10900] =	vst v63  }
0x52b: {  	s1 =	simm.s32 $0xE100  }
0x52c: {  	[hbm4b:s10+s3] =	stream.indirect_vreg.scatter [tilespmem:s1], [sflag:$0x4], $0x80, v58, vm0, $0xb8;
	[tilespmem:$0x10900] =	vst v63  }
0x52d: {  	s13 =	simm.s32 $0xE900  }
0x52e: {  	[hbm4b:s20+s3] =	stream.indirect_vreg.scatter [tilespmem:s13], [sflag:$0x4], $0x80, v57, vm0, $0xb8;
	[tilespmem:$0x10900] =	vst v63  }
0x52f: {  	s17 =	simm.s32 $0xF100  }
0x530: {  	[hbm4b:s8+s3] =	stream.indirect_vreg.scatter [tilespmem:s17], [sflag:$0x4], $0x80, v57, vm0, $0xb8;
	[tilespmem:$0x10900] =	vst v63  }
0x531: {  	s16 =	simm.s32 $0xF900  }
0x532: {  	[hbm4b:s9+s3] =	stream.indirect_vreg.scatter [tilespmem:s16], [sflag:$0x4], $0x80, v57, vm0, $0xb8;
	[tilespmem:$0x10900] =	vst v63  }
0x533: {  	s24 =	simm.s32 $0x10100;
	v62 =	vperm.xlane v44, v41  }
0x534: {  	[hbm4b:s10+s3] =	stream.indirect_vreg.scatter [tilespmem:s24], [sflag:$0x4], $0x80, v57, vm0, $0xb8;
	[tilespmem:$0x10900] =	vst v63  }
0x535: {  	v63 =	vadd.s32 v42, v62;
	_ =	swait.ge [sflag:s28], $0x8000  }
0x536: {  	[sflag:s28] =	ssyncset.done $0x0  }
0x537: {  	[sflag:s28] =	ssyncadd.s32 $0xFFFF8000  }
0x538: {  	[tilespmem:$0x80] =	vst v39  }
0x539: {  	[tilespmem:$0x90] =	vst v40  }
0x53a: {  	[tilespmem:s12], [sflag:$0x2] =	stream.indirect_vreg.gather [hbm4b:s4+s3], $0x80, v63, vm0, $0xb8;
	[tilespmem:$0x10900] =	vst v63  }
0x53b: {  	v60 =	vperm.xlane v44, v43  }
0x53c: {  	[tilespmem:s11], [sflag:$0x2] =	stream.indirect_vreg.gather [hbm4b:s5+s3], $0x80, v63, vm0, $0xb8;
	[tilespmem:$0x10900] =	vst v63  }
0x53d: {  	v58 =	vadd.s32 v42, v60  }
0x53e: {  	[tilespmem:s26], [sflag:$0x2] =	stream.indirect_vreg.gather [hbm4b:s6+s3], $0x80, v63, vm0, $0xb8;
	[tilespmem:$0x10900] =	vst v63  }
0x53f: {  	_ = 	snop  }
0x540: {  	[tilespmem:s21], [sflag:$0x2] =	stream.indirect_vreg.gather [hbm4b:s7+s3], $0x80, v63, vm0, $0xb8;
	[tilespmem:$0x10900] =	vst v63  }
0x541: {  	_ = 	snop  }
0x542: {  	[tilespmem:s0], [sflag:$0x2] =	stream.indirect_vreg.gather [hbm4b:s4+s3], $0x80, v58, vm0, $0xb8;
	[tilespmem:$0x10900] =	vst v63  }
0x543: {  	_ = 	snop  }
0x544: {  	[tilespmem:s2], [sflag:$0x2] =	stream.indirect_vreg.gather [hbm4b:s5+s3], $0x80, v58, vm0, $0xb8;
	[tilespmem:$0x10900] =	vst v63  }
0x545: {  	_ = 	snop  }
0x546: {  	[tilespmem:s15], [sflag:$0x2] =	stream.indirect_vreg.gather [hbm4b:s6+s3], $0x80, v58, vm0, $0xb8;
	[tilespmem:$0x10900] =	vst v63  }
0x547: {  	_ = 	snop  }
0x548: {  	[tilespmem:s22], [sflag:$0x2] =	stream.indirect_vreg.gather [hbm4b:s7+s3], $0x80, v58, vm0, $0xb8;
	[tilespmem:$0x10900] =	vst v63  }
0x549: {  	v57 =	vld [tilespmem:$0x90];
	_ =	sdelay $0x4  }
0x54a: {  	v61 =	vshll.u32 v57, $0x3  }
0x54b: {  	v57 =	vand.u32 $0x7, v57;
	v58 =	vand.u32 $0xFFFFFFC0, v61  }
0x54c: {  	v57 =	vor.u32 v57, v58  }
0x54d: {  	v58 =	vperm.xlane v57, v41;
	_ =	sdelay $0x1  }
0x54e: {  	v58 =	vadd.s32 v42, v58;
	_ =	sdelay $0x4  }
0x54f: {  	[tilespmem:s30], [sflag:$0x2] =	stream.indirect_vreg.gather [hbm4b:s4+s3], $0x80, v58, vm0, $0xb8;
	[tilespmem:$0x10900] =	vst v63  }
0x550: {  	v57 =	vperm.xlane v57, v43  }
0x551: {  	[tilespmem:s23], [sflag:$0x2] =	stream.indirect_vreg.gather [hbm4b:s5+s3], $0x80, v58, vm0, $0xb8;
	[tilespmem:$0x10900] =	vst v63  }
0x552: {  	v57 =	vadd.s32 v42, v57  }
0x553: {  	[tilespmem:s14], [sflag:$0x2] =	stream.indirect_vreg.gather [hbm4b:s6+s3], $0x80, v58, vm0, $0xb8;
	[tilespmem:$0x10900] =	vst v63  }
0x554: {  	_ = 	snop  }
0x555: {  	[tilespmem:s1], [sflag:$0x2] =	stream.indirect_vreg.gather [hbm4b:s7+s3], $0x80, v58, vm0, $0xb8;
	[tilespmem:$0x10900] =	vst v63  }
0x556: {  	_ = 	snop  }
0x557: {  	[tilespmem:s13], [sflag:$0x2] =	stream.indirect_vreg.gather [hbm4b:s4+s3], $0x80, v57, vm0, $0xb8;
	[tilespmem:$0x10900] =	vst v63  }
0x558: {  	_ = 	snop  }
0x559: {  	[tilespmem:s17], [sflag:$0x2] =	stream.indirect_vreg.gather [hbm4b:s5+s3], $0x80, v57, vm0, $0xb8;
	[tilespmem:$0x10900] =	vst v63  }
0x55a: {  	_ = 	snop  }
0x55b: {  	[tilespmem:s16], [sflag:$0x2] =	stream.indirect_vreg.gather [hbm4b:s6+s3], $0x80, v57, vm0, $0xb8;
	[tilespmem:$0x10900] =	vst v63  }
0x55c: {  	_ = 	snop  }
0x55d: {  	[tilespmem:s24], [sflag:$0x2] =	stream.indirect_vreg.gather [hbm4b:s7+s3], $0x80, v57, vm0, $0xb8;
	[tilespmem:$0x10900] =	vst v63  }
0x55e: {  	_ =	swait.ge [sflag:s31], $0x8000  }
0x55f: {  	[sflag:s31] =	ssyncset.done $0x0  }
0x560: {  	[sflag:s31] =	ssyncadd.s32 $0xFFFF8000  }
0x561: {  	v62 =	vld [tilespmem:$0x800];
	_ =	sdelay $0x4  }
0x562: {  	v63 =	vshll.u32 v62, $0x3  }
0x563: {  	v57 =	vand.u32 $0x7, v62;
	v58 =	vand.u32 $0xFFFFFFC0, v63  }
0x564: {  	v57 =	vor.u32 v57, v58  }
0x565: {  	v58 =	vperm.xlane v57, v41;
	_ =	sdelay $0x1  }
0x566: {  	v58 =	vadd.s32 v42, v58;
	_ =	sdelay $0x3  }
0x567: {  	s31 =	simm.s32 $0x900  }
0x568: {  	[hbm4b:s20+s3] =	stream.indirect_vreg.scatter [tilespmem:s31], [sflag:$0x3], $0x80, v58, vm0, $0xb8;
	[tilespmem:$0x10900] =	vst v63  }
0x569: {  	v57 =	vperm.xlane v57, v43;
	s31 =	simm.s32 $0x1100  }
0x56a: {  	[hbm4b:s8+s3] =	stream.indirect_vreg.scatter [tilespmem:s31], [sflag:$0x3], $0x80, v58, vm0, $0xb8;
	[tilespmem:$0x10900] =	vst v63  }
0x56b: {  	s18 =	simm.s32 $0x1900;
	v57 =	vadd.s32 v42, v57  }
0x56c: {  	[hbm4b:s9+s3] =	stream.indirect_vreg.scatter [tilespmem:s18], [sflag:$0x3], $0x80, v58, vm0, $0xb8;
	[tilespmem:$0x10900] =	vst v63  }
0x56d: {  	s19 =	simm.s32 $0x2100  }
0x56e: {  	[hbm4b:s10+s3] =	stream.indirect_vreg.scatter [tilespmem:s19], [sflag:$0x3], $0x80, v58, vm0, $0xb8;
	[tilespmem:$0x10900] =	vst v63  }
0x56f: {  	s31 =	simm.s32 $0x2900  }
0x570: {  	[hbm4b:s20+s3] =	stream.indirect_vreg.scatter [tilespmem:s31], [sflag:$0x3], $0x80, v57, vm0, $0xb8;
	[tilespmem:$0x10900] =	vst v63  }
0x571: {  	s19 =	simm.s32 $0x3100  }
0x572: {  	[hbm4b:s8+s3] =	stream.indirect_vreg.scatter [tilespmem:s19], [sflag:$0x3], $0x80, v57, vm0, $0xb8;
	[tilespmem:$0x10900] =	vst v63  }
0x573: {  	s31 =	simm.s32 $0x3900  }
0x574: {  	[hbm4b:s9+s3] =	stream.indirect_vreg.scatter [tilespmem:s31], [sflag:$0x3], $0x80, v57, vm0, $0xb8;
	[tilespmem:$0x10900] =	vst v63  }
0x575: {  	s19 =	simm.s32 $0x4100  }
0x576: {  	[hbm4b:s10+s3] =	stream.indirect_vreg.scatter [tilespmem:s19], [sflag:$0x3], $0x80, v57, vm0, $0xb8;
	[tilespmem:$0x10900] =	vst v63  }
0x577: {  	v57 =	vld [tilespmem:$0x810];
	_ =	sdelay $0x4  }
0x578: {  	v60 =	vshll.u32 v57, $0x3  }
0x579: {  	v57 =	vand.u32 $0x7, v57;
	v58 =	vand.u32 $0xFFFFFFC0, v60  }
0x57a: {  	v57 =	vor.u32 v57, v58  }
0x57b: {  	v58 =	vperm.xlane v57, v41;
	_ =	sdelay $0x1  }
0x57c: {  	v58 =	vadd.s32 v42, v58;
	_ =	sdelay $0x3  }
0x57d: {  	s31 =	simm.s32 $0x4900  }
0x57e: {  	[hbm4b:s20+s3] =	stream.indirect_vreg.scatter [tilespmem:s31], [sflag:$0x3], $0x80, v58, vm0, $0xb8;
	[tilespmem:$0x10900] =	vst v63  }
0x57f: {  	s19 =	simm.s32 $0x5100;
	v57 =	vperm.xlane v57, v43  }
0x580: {  	[hbm4b:s8+s3] =	stream.indirect_vreg.scatter [tilespmem:s19], [sflag:$0x3], $0x80, v58, vm0, $0xb8;
	[tilespmem:$0x10900] =	vst v63  }
0x581: {  	v57 =	vadd.s32 v42, v57;
	s31 =	simm.s32 $0x5900  }
0x582: {  	[hbm4b:s9+s3] =	stream.indirect_vreg.scatter [tilespmem:s31], [sflag:$0x3], $0x80, v58, vm0, $0xb8;
	[tilespmem:$0x10900] =	vst v63  }
0x583: {  	s19 =	simm.s32 $0x6100  }
0x584: {  	[hbm4b:s10+s3] =	stream.indirect_vreg.scatter [tilespmem:s19], [sflag:$0x3], $0x80, v58, vm0, $0xb8;
	[tilespmem:$0x10900] =	vst v63  }
0x585: {  	s31 =	simm.s32 $0x6900  }
0x586: {  	[hbm4b:s20+s3] =	stream.indirect_vreg.scatter [tilespmem:s31], [sflag:$0x3], $0x80, v57, vm0, $0xb8;
	[tilespmem:$0x10900] =	vst v63  }
0x587: {  	s19 =	simm.s32 $0x7100  }
0x588: {  	[hbm4b:s8+s3] =	stream.indirect_vreg.scatter [tilespmem:s19], [sflag:$0x3], $0x80, v57, vm0, $0xb8;
	[tilespmem:$0x10900] =	vst v63  }
0x589: {  	s31 =	simm.s32 $0x7900  }
0x58a: {  	[hbm4b:s9+s3] =	stream.indirect_vreg.scatter [tilespmem:s31], [sflag:$0x3], $0x80, v57, vm0, $0xb8;
	[tilespmem:$0x10900] =	vst v63  }
0x58b: {  	s19 =	simm.s32 $0x8100  }
0x58c: {  	[hbm4b:s10+s3] =	stream.indirect_vreg.scatter [tilespmem:s19], [sflag:$0x3], $0x80, v57, vm0, $0xb8;
	[tilespmem:$0x10900] =	vst v63  }
0x58d: {  	_ =	swait.ge [sflag:s29], $0x8000  }
0x58e: {  	[sflag:s29] =	ssyncset.done $0x0  }
0x58f: {  	[sflag:s29] =	ssyncadd.s32 $0xFFFF8000  }
0x590: {  	v61 =	vld [tilespmem:$0x880];
	_ =	sdelay $0x4  }
0x591: {  	v62 =	vshll.u32 v61, $0x3  }
0x592: {  	v57 =	vand.u32 $0x7, v61;
	v58 =	vand.u32 $0xFFFFFFC0, v62  }
0x593: {  	v57 =	vor.u32 v57, v58  }
0x594: {  	v58 =	vperm.xlane v57, v41;
	_ =	sdelay $0x1  }
0x595: {  	v58 =	vadd.s32 v42, v58;
	_ =	sdelay $0x3  }
0x596: {  	s12 =	simm.s32 $0x8900  }
0x597: {  	[hbm4b:s20+s3] =	stream.indirect_vreg.scatter [tilespmem:s12], [sflag:$0x4], $0x80, v58, vm0, $0xb8;
	[tilespmem:$0x10900] =	vst v63  }
0x598: {  	s11 =	simm.s32 $0x9100;
	v57 =	vperm.xlane v57, v43  }
0x599: {  	[hbm4b:s8+s3] =	stream.indirect_vreg.scatter [tilespmem:s11], [sflag:$0x4], $0x80, v58, vm0, $0xb8;
	[tilespmem:$0x10900] =	vst v63  }
0x59a: {  	v57 =	vadd.s32 v42, v57  }
0x59b: {  	[hbm4b:s9+s3] =	stream.indirect_vreg.scatter [tilespmem:s26], [sflag:$0x4], $0x80, v58, vm0, $0xb8;
	[tilespmem:$0x10900] =	vst v63  }
0x59c: {  	s21 =	simm.s32 $0xA100  }
0x59d: {  	[hbm4b:s10+s3] =	stream.indirect_vreg.scatter [tilespmem:s21], [sflag:$0x4], $0x80, v58, vm0, $0xb8;
	[tilespmem:$0x10900] =	vst v63  }
0x59e: {  	s0 =	simm.s32 $0xA900  }
0x59f: {  	[hbm4b:s20+s3] =	stream.indirect_vreg.scatter [tilespmem:s0], [sflag:$0x4], $0x80, v57, vm0, $0xb8;
	[tilespmem:$0x10900] =	vst v63  }
0x5a0: {  	s2 =	simm.s32 $0xB100  }
0x5a1: {  	[hbm4b:s8+s3] =	stream.indirect_vreg.scatter [tilespmem:s2], [sflag:$0x4], $0x80, v57, vm0, $0xb8;
	[tilespmem:$0x10900] =	vst v63  }
0x5a2: {  	s15 =	simm.s32 $0xB900  }
0x5a3: {  	[hbm4b:s9+s3] =	stream.indirect_vreg.scatter [tilespmem:s15], [sflag:$0x4], $0x80, v57, vm0, $0xb8;
	[tilespmem:$0x10900] =	vst v63  }
0x5a4: {  	s22 =	simm.s32 $0xC100  }
0x5a5: {  	[hbm4b:s10+s3] =	stream.indirect_vreg.scatter [tilespmem:s22], [sflag:$0x4], $0x80, v57, vm0, $0xb8;
	[tilespmem:$0x10900] =	vst v63  }
0x5a6: {  	v57 =	vld [tilespmem:$0x890];
	_ =	sdelay $0x4  }
0x5a7: {  	v63 =	vshll.u32 v57, $0x3  }
0x5a8: {  	v57 =	vand.u32 $0x7, v57;
	v58 =	vand.u32 $0xFFFFFFC0, v63  }
0x5a9: {  	v57 =	vor.u32 v57, v58  }
0x5aa: {  	v58 =	vperm.xlane v57, v41;
	_ =	sdelay $0x1  }
0x5ab: {  	v58 =	vadd.s32 v42, v58;
	_ =	sdelay $0x4  }
0x5ac: {  	[hbm4b:s20+s3] =	stream.indirect_vreg.scatter [tilespmem:s30], [sflag:$0x4], $0x80, v58, vm0, $0xb8;
	[tilespmem:$0x10900] =	vst v63  }
0x5ad: {  	s23 =	simm.s32 $0xD100;
	v57 =	vperm.xlane v57, v43  }
0x5ae: {  	[hbm4b:s8+s3] =	stream.indirect_vreg.scatter [tilespmem:s23], [sflag:$0x4], $0x80, v58, vm0, $0xb8;
	[tilespmem:$0x10900] =	vst v63  }
0x5af: {  	s14 =	simm.s32 $0xD900;
	v57 =	vadd.s32 v42, v57  }
0x5b0: {  	[hbm4b:s9+s3] =	stream.indirect_vreg.scatter [tilespmem:s14], [sflag:$0x4], $0x80, v58, vm0, $0xb8;
	[tilespmem:$0x10900] =	vst v63  }
0x5b1: {  	s1 =	simm.s32 $0xE100  }
0x5b2: {  	[hbm4b:s10+s3] =	stream.indirect_vreg.scatter [tilespmem:s1], [sflag:$0x4], $0x80, v58, vm0, $0xb8;
	[tilespmem:$0x10900] =	vst v63  }
0x5b3: {  	s13 =	simm.s32 $0xE900  }
0x5b4: {  	[hbm4b:s20+s3] =	stream.indirect_vreg.scatter [tilespmem:s13], [sflag:$0x4], $0x80, v57, vm0, $0xb8;
	[tilespmem:$0x10900] =	vst v63  }
0x5b5: {  	s17 =	simm.s32 $0xF100  }
0x5b6: {  	[hbm4b:s8+s3] =	stream.indirect_vreg.scatter [tilespmem:s17], [sflag:$0x4], $0x80, v57, vm0, $0xb8;
	[tilespmem:$0x10900] =	vst v63  }
0x5b7: {  	s16 =	simm.s32 $0xF900  }
0x5b8: {  	[hbm4b:s9+s3] =	stream.indirect_vreg.scatter [tilespmem:s16], [sflag:$0x4], $0x80, v57, vm0, $0xb8;
	[tilespmem:$0x10900] =	vst v63  }
0x5b9: {  	s24 =	simm.s32 $0x10100  }
0x5ba: {  	[hbm4b:s10+s3] =	stream.indirect_vreg.scatter [tilespmem:s24], [sflag:$0x4], $0x80, v57, vm0, $0xb8;
	[tilespmem:$0x10900] =	vst v63  }
0x5bb: {  	_ =	swait.ge [sflag:s28], $0x8000  }
0x5bc: {  	[sflag:s28] =	ssyncset.done $0x0  }
0x5bd: {  	[sflag:s28] =	ssyncadd.s32 $0xFFFF8000  }
0x5be: {  	_ =	swait.ge [sflag:s25], $0x8000  }
0x5bf: {  	s31 =	rddreg [dreg:$0x5]  }
0x5c0: {  	p0 =	sne.s32 s31, $0x1  }
.Ltmp0:
0x5c1: {  	_ = 	snop;
	(pc) =	sbr.rel @p0 .LBB2_1-.Ltmp0, $3  }
0x5c2: {  	_ =	sdelay $0x1  }
0x5c3: {  	[sflag:s25] =	ssyncset.done $0x0  }
0x5c4: {  	[sflag:s25] =	ssyncadd.s32 $0xFFFF8000;
	s1 =	sadd.s32 $0xFFFFFFFF, s31  }
0x5c5: {  	_ =	sfence.sel $0x180000  }
0x5c6: {  	[bflag:$0x0] =	sbarrier.arrive $0xFFFF  }
0x5c7: {  	_ =	strace $0x90000047  }
0x5c8: {  	s0 =	stileid.u32;
	[bflag:$0x2] =	sbarrier.arrive $0xFFFF  }
0x5c9: {  	p0 =	sne.s32 s0, $0x0;
	s0 =	rddreg [dreg:$0x2]  }
0x5ca: {  	s0 =	sadd.s32 @!p0 $0x100000, s0  }
0x5cb: {  	[sflag:s0] =	ssyncadd.tile.s32 @!p0 $0x1;
	_ =	shalt  }
.Lfunc_end2:
_tile_overlayer_lowered:
.L_overlay_start_2:
0x5cc: {  	(tag) =	ssettag $0x2  }
0x5cd: {  	s0 =	rddreg [dreg:$0x0];
	s2 =	stileid.u32  }
0x5ce: {  	s1 =	rddreg [dreg:$0x1];
	p0 =	sne.s32 s2, $0x0  }
0x5cf: {  	s3 =	rddreg [dreg:$0x2];
	[bflag:$0x3] =	sbarrier.arrive $0xFFFF;
	s2 =	simm.s32 @!p0 $0x1C05  }
0x5d0: {  	[timem:s3], [sflag:s2] =	dma.local @!p0 [hbm:s0], s1  }
0x5d1: {  	s0 =	simm.s32 @!p0 $0x5  }
0x5d2: {  	_ =	swait.ge @!p0 [sflag:s0], s1  }
0x5d3: {  	s1 =	ssub.s32 @!p0 $0x0, s1;
	[sflag:s0] =	ssyncset.done @!p0 $0x0  }
0x5d4: {  	[sflag:s0] =	ssyncadd.s32 @!p0 s1  }
0x5d5: {  	[bflag:$0x3] =	sbarrier.arrive $0xFFFF  }
0x5d6: {  	_ =	shalt  }

</sc_bundles>
